<compile_context>
chip_gen: v7x
topology: tpu7x:2x2x1
jax: 0.10.2.dev20260603
libtpu: 0.0.44.dev20260713+nightly
codegen_flags: <defaults>
</compile_context>

<pallas_src>
import jax
import jax.numpy as jnp
from jax import lax
from jax.experimental import pallas as pl
from jax.experimental.pallas import tpu as pltpu
from jax.experimental.pallas import tpu_sc as plsc

Z = 64
BAND = 8
NQ = 4
C = 2048
L = 16
DEPTH = 3


def _splat(vm, j):
    return plsc.load_gather(vm, [jnp.full((L,), j, jnp.int32)])


def _body(mu1d, lv1d, comp_hbm, eps_hbm, out_hbm,
          mu_vm, lv_vm, sig_vm,
          comp_vm0, comp_vm1, comp_vm2,
          eps_vm0, eps_vm1, eps_vm2,
          out_vm0, out_vm1, out_vm2,
          sin0, sin1, sin2, sout0, sout1, sout2):
    nc = 2
    wid = lax.axis_index("s") * nc + lax.axis_index("c")
    a = wid // NQ
    q = wid % NQ
    n = comp_hbm.shape[0]
    qcols = n // NQ
    nchunks = qcols // C

    pltpu.sync_copy(mu1d, mu_vm)
    pltpu.sync_copy(lv1d, lv_vm)
    for t in range(Z * 2 // L):
        sig_vm[pl.ds(t * L, L)] = jnp.exp(0.5 * lv_vm[pl.ds(t * L, L)])

    m0 = [_splat(mu_vm, BAND * a + k) for k in range(BAND)]
    m1 = [_splat(mu_vm, Z + BAND * a + k) for k in range(BAND)]
    s0 = [_splat(sig_vm, BAND * a + k) for k in range(BAND)]
    s1 = [_splat(sig_vm, Z + BAND * a + k) for k in range(BAND)]

    bufs = ((comp_vm0, eps_vm0, out_vm0, sin0, sout0),
            (comp_vm1, eps_vm1, out_vm1, sin1, sout1),
            (comp_vm2, eps_vm2, out_vm2, sin2, sout2))

    def start_in(t, b):
        cb = q * qcols + t * C
        pltpu.async_copy(comp_hbm.at[pl.ds(cb, C)], b[0], b[3])
        pltpu.async_copy(
            eps_hbm.at[pl.ds(BAND * a, BAND), pl.ds(cb, C)], b[1], b[3])

    def wait_in(b):
        pltpu.make_async_copy(comp_hbm.at[pl.ds(0, C)], b[0], b[3]).wait()
        pltpu.make_async_copy(
            eps_hbm.at[pl.ds(0, BAND), pl.ds(0, C)], b[1], b[3]).wait()

    def start_out(t, b):
        cb = q * qcols + t * C
        pltpu.async_copy(
            b[2], out_hbm.at[pl.ds(BAND * a, BAND), pl.ds(cb, C)], b[4])

    def wait_out(b):
        pltpu.make_async_copy(
            b[2], out_hbm.at[pl.ds(0, BAND), pl.ds(0, C)], b[4]).wait()

    def compute(b):
        comp_vm, eps_vm, out_vm = b[0], b[1], b[2]

        @plsc.parallel_loop(0, C // L, unroll=2)
        def _(g):
            cm = comp_vm[pl.ds(g * L, L)] == 1
            for k in range(BAND):
                ev = eps_vm[k, pl.ds(g * L, L)]
                out_vm[k, pl.ds(g * L, L)] = (
                    jnp.where(cm, m1[k], m0[k])
                    + ev * jnp.where(cm, s1[k], s0[k]))

    for j in range(DEPTH):
        start_in(j, bufs[j])

    ntrip = nchunks // DEPTH
    if ntrip * DEPTH + DEPTH - 1 >= nchunks:
        ntrip -= 1
    tail0 = ntrip * DEPTH

    def trip(i, _):
        t0 = DEPTH * i
        for j in range(DEPTH):
            b = bufs[j]

            @pl.when(i > 0)
            def _():
                wait_out(b)

            wait_in(b)
            compute(b)
            start_out(t0 + j, b)
            start_in(t0 + j + DEPTH, b)
        return 0

    lax.fori_loop(0, ntrip, trip, 0)

    for t in range(tail0, nchunks):
        b = bufs[t % DEPTH]
        wait_out(b)
        wait_in(b)
        compute(b)
        start_out(t, b)
        if t + DEPTH < nchunks:
            start_in(t + DEPTH, b)

    for j in range(DEPTH):
        wait_out(bufs[j])


@jax.jit
def kernel(mu, logvar, eps, comp):
    n = eps.shape[0]
    mesh = plsc.VectorSubcoreMesh(core_axis_name="c", subcore_axis_name="s")
    kfn = pl.kernel(
        _body,
        out_type=jax.ShapeDtypeStruct((Z, n), jnp.float32),
        mesh=mesh,
        scratch_types=[
            pltpu.VMEM((2 * Z,), jnp.float32),
            pltpu.VMEM((2 * Z,), jnp.float32),
            pltpu.VMEM((2 * Z,), jnp.float32),
            pltpu.VMEM((C,), jnp.int32),
            pltpu.VMEM((C,), jnp.int32),
            pltpu.VMEM((C,), jnp.int32),
            pltpu.VMEM((BAND, C), jnp.float32),
            pltpu.VMEM((BAND, C), jnp.float32),
            pltpu.VMEM((BAND, C), jnp.float32),
            pltpu.VMEM((BAND, C), jnp.float32),
            pltpu.VMEM((BAND, C), jnp.float32),
            pltpu.VMEM((BAND, C), jnp.float32),
            pltpu.SemaphoreType.DMA,
            pltpu.SemaphoreType.DMA,
            pltpu.SemaphoreType.DMA,
            pltpu.SemaphoreType.DMA,
            pltpu.SemaphoreType.DMA,
            pltpu.SemaphoreType.DMA,
        ],
        compiler_params=pltpu.CompilerParams(
            use_tc_tiling_on_sc=True, needs_layout_passes=False),
    )
    out_t = kfn(mu.reshape(-1), logvar.reshape(-1), comp, eps.T)
    return out_t.T

# --- scband reference (transcript-rebuilt; emitter-appended) ---
"""Pipeline reference for scband-gmmprior-90366111908320 (READ-ONLY COPY).

The authoritative reference and input builder live on the scoring server;
editing this copy changes nothing except your own understanding.
"""

import jax, jax.numpy as jnp
import numpy as np

Z_DIM = 64
N = 1048576
INIT = 0.5


def setup_inputs(seed: int = 0) -> dict:
    key = jax.random.key(seed)
    k1, k2 = jax.random.split(key)
    # learnable GMM parameters (2 components)
    mu = jnp.stack([
        jnp.full((Z_DIM,), INIT, dtype=jnp.float32),
        jnp.full((Z_DIM,), -INIT, dtype=jnp.float32),
    ])  # [2, Z_DIM]
    logvar = jnp.zeros((2, Z_DIM), dtype=jnp.float32)  # [2, Z_DIM]
    w = jnp.array([0.5, 0.5], dtype=jnp.float32)
    # torch.multinomial(w, n, replacement=True) == categorical sampling over log(w)
    comp = jax.random.categorical(k1, jnp.log(w), shape=(N,)).astype(jnp.int32)  # [N]
    eps = jax.random.normal(k2, (N, Z_DIM), dtype=jnp.float32)  # [N, Z_DIM]
    return {"mu": mu, "logvar": logvar, "eps": eps, "comp": comp}


def reference(mu, logvar, eps, comp):
    # sample(n): mu[comp] + eps * exp(0.5 * logvar[comp])
    mu_g = jnp.take(mu, comp, axis=0)          # gather [N, Z_DIM]
    logvar_g = jnp.take(logvar, comp, axis=0)  # gather [N, Z_DIM]
    return mu_g + eps * jnp.exp(0.5 * logvar_g)

if __name__ == "__main__":
    import jax
    _d = setup_inputs()
    print(jax.jit(kernel)(*tuple(_d.values())))

</pallas_src>

<mosaic_0001>
#map = affine_map<(d0, d1) -> (0)>
#map1 = affine_map<(d0, d1) -> (0, 0)>
module attributes {stable_mosaic.version = 14 : i64} {
  func.func @_body(%arg0: i32, %arg1: i32, %arg2: memref<128xf32, #tpu.memory_space<hbm>>, %arg3: memref<128xf32, #tpu.memory_space<hbm>>, %arg4: memref<1048576xi32, #tpu.memory_space<hbm>>, %arg5: memref<64x1048576xf32, #tpu.memory_space<hbm>>, %arg6: memref<64x1048576xf32, #tpu.memory_space<hbm>>, %arg7: memref<128xf32, #tpu.memory_space<vmem>>, %arg8: memref<128xf32, #tpu.memory_space<vmem>>, %arg9: memref<128xf32, #tpu.memory_space<vmem>>, %arg10: memref<2048xi32, #tpu.memory_space<vmem>>, %arg11: memref<2048xi32, #tpu.memory_space<vmem>>, %arg12: memref<2048xi32, #tpu.memory_space<vmem>>, %arg13: memref<8x2048xf32, #tpu.memory_space<vmem>>, %arg14: memref<8x2048xf32, #tpu.memory_space<vmem>>, %arg15: memref<8x2048xf32, #tpu.memory_space<vmem>>, %arg16: memref<8x2048xf32, #tpu.memory_space<vmem>>, %arg17: memref<8x2048xf32, #tpu.memory_space<vmem>>, %arg18: memref<8x2048xf32, #tpu.memory_space<vmem>>, %arg19: memref<!tpu.dma_semaphore, #tpu.memory_space<semaphore_mem>>, %arg20: memref<!tpu.dma_semaphore, #tpu.memory_space<semaphore_mem>>, %arg21: memref<!tpu.dma_semaphore, #tpu.memory_space<semaphore_mem>>, %arg22: memref<!tpu.dma_semaphore, #tpu.memory_space<semaphore_mem>>, %arg23: memref<!tpu.dma_semaphore, #tpu.memory_space<semaphore_mem>>, %arg24: memref<!tpu.dma_semaphore, #tpu.memory_space<semaphore_mem>>) attributes {dimension_semantics = [#tpu.dimension_semantics<core_parallel>, #tpu.dimension_semantics<subcore_parallel>], iteration_bounds = array<i64: 2, 16>, scalar_prefetch = 0 : i64, scratch_operands = 18 : i64, tpu.core_type = #tpu.core_type<sc_vector_subcore>, window_params = [{transform_indices = #map}, {transform_indices = #map}, {transform_indices = #map}, {transform_indices = #map1}, {transform_indices = #map1}]} {
    %mul3A = arith.constant 2 : i32
    %mul3A_0 = arith.muli %arg1, %mul3A : i32
    %add3A = arith.addi %mul3A_0, %arg0 : i32
    %jit3A = arith.constant 4 : i32
    %div3A = arith.divsi %add3A, %jit3A : i32
    %sign3A = arith.constant 0 : i32
    %sign3A_1 = arith.cmpi sgt, %add3A, %sign3A : i32
    %sign3A_2 = arith.extui %sign3A_1 : i1 to i32
    %sign3A_3 = arith.constant 0 : i32
    %sign3A_4 = arith.cmpi slt, %add3A, %sign3A_3 : i32
    %sign3A_5 = arith.extui %sign3A_4 : i1 to i32
    %sign3A_6 = arith.subi %sign3A_2, %sign3A_5 : i32
    %sign3A_7 = arith.constant 0 : i32
    %sign3A_8 = arith.cmpi sgt, %jit3A, %sign3A_7 : i32
    %sign3A_9 = arith.extui %sign3A_8 : i1 to i32
    %sign3A_10 = arith.constant 0 : i32
    %sign3A_11 = arith.cmpi slt, %jit3A, %sign3A_10 : i32
    %sign3A_12 = arith.extui %sign3A_11 : i1 to i32
    %sign3A_13 = arith.subi %sign3A_9, %sign3A_12 : i32
    %ne3A = arith.cmpi ne, %sign3A_6, %sign3A_13 : i32
    %rem3A = arith.remsi %add3A, %jit3A : i32
    %ne3A_14 = arith.constant 0 : i32
    %ne3A_15 = arith.cmpi ne, %rem3A, %ne3A_14 : i32
    %and3A = arith.andi %ne3A, %ne3A_15 : i1
    %sub3A = arith.constant 1 : i32
    %sub3A_16 = arith.subi %div3A, %sub3A : i32
    %select_n3A = arith.select %and3A, %sub3A_16, %div3A : i32
    %jit3A_17 = arith.constant 4 : i32
    %eq3A = arith.constant 0 : i32
    %eq3A_18 = arith.cmpi eq, %jit3A_17, %eq3A : i32
    %jit3A_19 = arith.constant 1 : i32
    %select_n3A_20 = arith.select %eq3A_18, %jit3A_19, %jit3A_17 : i32
    %rem3A_21 = arith.remsi %add3A, %select_n3A_20 : i32
    %ne3A_22 = arith.constant 0 : i32
    %ne3A_23 = arith.cmpi ne, %rem3A_21, %ne3A_22 : i32
    %lt3A = arith.constant 0 : i32
    %lt3A_24 = arith.cmpi slt, %rem3A_21, %lt3A : i32
    %lt3A_25 = arith.constant 0 : i32
    %lt3A_26 = arith.cmpi slt, %select_n3A_20, %lt3A_25 : i32
    %ne3A_27 = arith.xori %lt3A_24, %lt3A_26 : i1
    %and3A_28 = arith.andi %ne3A_27, %ne3A_23 : i1
    %add3A_29 = arith.addi %rem3A_21, %select_n3A_20 : i32
    %select_n3A_30 = arith.select %and3A_28, %add3A_29, %rem3A_21 : i32
    "tpu.region"() ({
      %run_scoped3A = tpu.sem_alloc : memref<!tpu.dma_semaphore, #tpu.memory_space<semaphore_mem>>
      tpu.enqueue_dma source(%arg2 : memref<128xf32, #tpu.memory_space<hbm>>) target(%arg7 : memref<128xf32, #tpu.memory_space<vmem>>) target_semaphore(%run_scoped3A : memref<!tpu.dma_semaphore, #tpu.memory_space<semaphore_mem>>)
      tpu.wait_dma2 semaphore(%run_scoped3A : memref<!tpu.dma_semaphore, #tpu.memory_space<semaphore_mem>>) src(%arg2 : memref<128xf32, #tpu.memory_space<hbm>>) dst(%arg7 : memref<128xf32, #tpu.memory_space<vmem>>)
      tpu.yield
    }) : () -> ()
    "tpu.region"() ({
      %run_scoped3A = tpu.sem_alloc : memref<!tpu.dma_semaphore, #tpu.memory_space<semaphore_mem>>
      tpu.enqueue_dma source(%arg3 : memref<128xf32, #tpu.memory_space<hbm>>) target(%arg8 : memref<128xf32, #tpu.memory_space<vmem>>) target_semaphore(%run_scoped3A : memref<!tpu.dma_semaphore, #tpu.memory_space<semaphore_mem>>)
      tpu.wait_dma2 semaphore(%run_scoped3A : memref<!tpu.dma_semaphore, #tpu.memory_space<semaphore_mem>>) src(%arg3 : memref<128xf32, #tpu.memory_space<hbm>>) dst(%arg8 : memref<128xf32, #tpu.memory_space<vmem>>)
      tpu.yield
    }) : () -> ()
    %get3A = arith.constant 0 : index
    %get3A_31 = tpu.vector_load %arg8[%get3A] {strides = array<i32>} : memref<128xf32, #tpu.memory_space<vmem>>, vector<16xf32>,
    %mul3A_32 = arith.constant 5.000000e-01 : f32
    %mul3A_33 = vector.broadcast %mul3A_32 : f32 to vector<16xf32>
    %mul3A_34 = arith.mulf %mul3A_33, %get3A_31 : vector<16xf32>
    %exp3A = math.exp %mul3A_34 : vector<16xf32>
    %swap3A = arith.constant 0 : index
    %swap3A_35 = tpu.vector_load %arg9[%swap3A] {strides = array<i32>} : memref<128xf32, #tpu.memory_space<vmem>>, vector<16xf32>,
    tpu.vector_store %arg9[%swap3A], %exp3A {strides = array<i32>} : memref<128xf32, #tpu.memory_space<vmem>>, vector<16xf32>,
    %get3A_36 = arith.constant 16 : index
    %get3A_37 = tpu.vector_load %arg8[%get3A_36] {strides = array<i32>} : memref<128xf32, #tpu.memory_space<vmem>>, vector<16xf32>,
    %mul3A_38 = arith.constant 5.000000e-01 : f32
    %mul3A_39 = vector.broadcast %mul3A_38 : f32 to vector<16xf32>
    %mul3A_40 = arith.mulf %mul3A_39, %get3A_37 : vector<16xf32>
    %exp3A_41 = math.exp %mul3A_40 : vector<16xf32>
    %swap3A_42 = arith.constant 16 : index
    %swap3A_43 = tpu.vector_load %arg9[%swap3A_42] {strides = array<i32>} : memref<128xf32, #tpu.memory_space<vmem>>, vector<16xf32>,
    tpu.vector_store %arg9[%swap3A_42], %exp3A_41 {strides = array<i32>} : memref<128xf32, #tpu.memory_space<vmem>>, vector<16xf32>,
    %get3A_44 = arith.constant 32 : index
    %get3A_45 = tpu.vector_load %arg8[%get3A_44] {strides = array<i32>} : memref<128xf32, #tpu.memory_space<vmem>>, vector<16xf32>,
    %mul3A_46 = arith.constant 5.000000e-01 : f32
    %mul3A_47 = vector.broadcast %mul3A_46 : f32 to vector<16xf32>
    %mul3A_48 = arith.mulf %mul3A_47, %get3A_45 : vector<16xf32>
    %exp3A_49 = math.exp %mul3A_48 : vector<16xf32>
    %swap3A_50 = arith.constant 32 : index
    %swap3A_51 = tpu.vector_load %arg9[%swap3A_50] {strides = array<i32>} : memref<128xf32, #tpu.memory_space<vmem>>, vector<16xf32>,
    tpu.vector_store %arg9[%swap3A_50], %exp3A_49 {strides = array<i32>} : memref<128xf32, #tpu.memory_space<vmem>>, vector<16xf32>,
    %get3A_52 = arith.constant 48 : index
    %get3A_53 = tpu.vector_load %arg8[%get3A_52] {strides = array<i32>} : memref<128xf32, #tpu.memory_space<vmem>>, vector<16xf32>,
    %mul3A_54 = arith.constant 5.000000e-01 : f32
    %mul3A_55 = vector.broadcast %mul3A_54 : f32 to vector<16xf32>
    %mul3A_56 = arith.mulf %mul3A_55, %get3A_53 : vector<16xf32>
    %exp3A_57 = math.exp %mul3A_56 : vector<16xf32>
    %swap3A_58 = arith.constant 48 : index
    %swap3A_59 = tpu.vector_load %arg9[%swap3A_58] {strides = array<i32>} : memref<128xf32, #tpu.memory_space<vmem>>, vector<16xf32>,
    tpu.vector_store %arg9[%swap3A_58], %exp3A_57 {strides = array<i32>} : memref<128xf32, #tpu.memory_space<vmem>>, vector<16xf32>,
    %get3A_60 = arith.constant 64 : index
    %get3A_61 = tpu.vector_load %arg8[%get3A_60] {strides = array<i32>} : memref<128xf32, #tpu.memory_space<vmem>>, vector<16xf32>,
    %mul3A_62 = arith.constant 5.000000e-01 : f32
    %mul3A_63 = vector.broadcast %mul3A_62 : f32 to vector<16xf32>
    %mul3A_64 = arith.mulf %mul3A_63, %get3A_61 : vector<16xf32>
    %exp3A_65 = math.exp %mul3A_64 : vector<16xf32>
    %swap3A_66 = arith.constant 64 : index
    %swap3A_67 = tpu.vector_load %arg9[%swap3A_66] {strides = array<i32>} : memref<128xf32, #tpu.memory_space<vmem>>, vector<16xf32>,
    tpu.vector_store %arg9[%swap3A_66], %exp3A_65 {strides = array<i32>} : memref<128xf32, #tpu.memory_space<vmem>>, vector<16xf32>,
    %get3A_68 = arith.constant 80 : index
    %get3A_69 = tpu.vector_load %arg8[%get3A_68] {strides = array<i32>} : memref<128xf32, #tpu.memory_space<vmem>>, vector<16xf32>,
    %mul3A_70 = arith.constant 5.000000e-01 : f32
    %mul3A_71 = vector.broadcast %mul3A_70 : f32 to vector<16xf32>
    %mul3A_72 = arith.mulf %mul3A_71, %get3A_69 : vector<16xf32>
    %exp3A_73 = math.exp %mul3A_72 : vector<16xf32>
    %swap3A_74 = arith.constant 80 : index
    %swap3A_75 = tpu.vector_load %arg9[%swap3A_74] {strides = array<i32>} : memref<128xf32, #tpu.memory_space<vmem>>, vector<16xf32>,
    tpu.vector_store %arg9[%swap3A_74], %exp3A_73 {strides = array<i32>} : memref<128xf32, #tpu.memory_space<vmem>>, vector<16xf32>,
    %get3A_76 = arith.constant 96 : index
    %get3A_77 = tpu.vector_load %arg8[%get3A_76] {strides = array<i32>} : memref<128xf32, #tpu.memory_space<vmem>>, vector<16xf32>,
    %mul3A_78 = arith.constant 5.000000e-01 : f32
    %mul3A_79 = vector.broadcast %mul3A_78 : f32 to vector<16xf32>
    %mul3A_80 = arith.mulf %mul3A_79, %get3A_77 : vector<16xf32>
    %exp3A_81 = math.exp %mul3A_80 : vector<16xf32>
    %swap3A_82 = arith.constant 96 : index
    %swap3A_83 = tpu.vector_load %arg9[%swap3A_82] {strides = array<i32>} : memref<128xf32, #tpu.memory_space<vmem>>, vector<16xf32>,
    tpu.vector_store %arg9[%swap3A_82], %exp3A_81 {strides = array<i32>} : memref<128xf32, #tpu.memory_space<vmem>>, vector<16xf32>,
    %get3A_84 = arith.constant 112 : index
    %get3A_85 = tpu.vector_load %arg8[%get3A_84] {strides = array<i32>} : memref<128xf32, #tpu.memory_space<vmem>>, vector<16xf32>,
    %mul3A_86 = arith.constant 5.000000e-01 : f32
    %mul3A_87 = vector.broadcast %mul3A_86 : f32 to vector<16xf32>
    %mul3A_88 = arith.mulf %mul3A_87, %get3A_85 : vector<16xf32>
    %exp3A_89 = math.exp %mul3A_88 : vector<16xf32>
    %swap3A_90 = arith.constant 112 : index
    %swap3A_91 = tpu.vector_load %arg9[%swap3A_90] {strides = array<i32>} : memref<128xf32, #tpu.memory_space<vmem>>, vector<16xf32>,
    tpu.vector_store %arg9[%swap3A_90], %exp3A_89 {strides = array<i32>} : memref<128xf32, #tpu.memory_space<vmem>>, vector<16xf32>,
    %mul3A_92 = arith.constant 8 : i32
    %mul3A_93 = arith.muli %mul3A_92, %select_n3A : i32
    %add3A_94 = arith.constant 0 : i32
    %add3A_95 = arith.addi %mul3A_93, %add3A_94 : i32
    %broadcast_in_dim3A = vector.broadcast %add3A_95 : i32 to vector<16xi32>
    %gather3A = tpu.vector_load_idx %arg7[%broadcast_in_dim3A] : memref<128xf32, #tpu.memory_space<vmem>>[vector<16xi32>], vector<16xf32>,
    %mul3A_96 = arith.constant 8 : i32
    %mul3A_97 = arith.muli %mul3A_96, %select_n3A : i32
    %add3A_98 = arith.constant 1 : i32
    %add3A_99 = arith.addi %mul3A_97, %add3A_98 : i32
    %broadcast_in_dim3A_100 = vector.broadcast %add3A_99 : i32 to vector<16xi32>
    %gather3A_101 = tpu.vector_load_idx %arg7[%broadcast_in_dim3A_100] : memref<128xf32, #tpu.memory_space<vmem>>[vector<16xi32>], vector<16xf32>,
    %mul3A_102 = arith.constant 8 : i32
    %mul3A_103 = arith.muli %mul3A_102, %select_n3A : i32
    %add3A_104 = arith.constant 2 : i32
    %add3A_105 = arith.addi %mul3A_103, %add3A_104 : i32
    %broadcast_in_dim3A_106 = vector.broadcast %add3A_105 : i32 to vector<16xi32>
    %gather3A_107 = tpu.vector_load_idx %arg7[%broadcast_in_dim3A_106] : memref<128xf32, #tpu.memory_space<vmem>>[vector<16xi32>], vector<16xf32>,
    %mul3A_108 = arith.constant 8 : i32
    %mul3A_109 = arith.muli %mul3A_108, %select_n3A : i32
    %add3A_110 = arith.constant 3 : i32
    %add3A_111 = arith.addi %mul3A_109, %add3A_110 : i32
    %broadcast_in_dim3A_112 = vector.broadcast %add3A_111 : i32 to vector<16xi32>
    %gather3A_113 = tpu.vector_load_idx %arg7[%broadcast_in_dim3A_112] : memref<128xf32, #tpu.memory_space<vmem>>[vector<16xi32>], vector<16xf32>,
    %mul3A_114 = arith.constant 8 : i32
    %mul3A_115 = arith.muli %mul3A_114, %select_n3A : i32
    %add3A_116 = arith.constant 4 : i32
    %add3A_117 = arith.addi %mul3A_115, %add3A_116 : i32
    %broadcast_in_dim3A_118 = vector.broadcast %add3A_117 : i32 to vector<16xi32>
    %gather3A_119 = tpu.vector_load_idx %arg7[%broadcast_in_dim3A_118] : memref<128xf32, #tpu.memory_space<vmem>>[vector<16xi32>], vector<16xf32>,
    %mul3A_120 = arith.constant 8 : i32
    %mul3A_121 = arith.muli %mul3A_120, %select_n3A : i32
    %add3A_122 = arith.constant 5 : i32
    %add3A_123 = arith.addi %mul3A_121, %add3A_122 : i32
    %broadcast_in_dim3A_124 = vector.broadcast %add3A_123 : i32 to vector<16xi32>
    %gather3A_125 = tpu.vector_load_idx %arg7[%broadcast_in_dim3A_124] : memref<128xf32, #tpu.memory_space<vmem>>[vector<16xi32>], vector<16xf32>,
    %mul3A_126 = arith.constant 8 : i32
    %mul3A_127 = arith.muli %mul3A_126, %select_n3A : i32
    %add3A_128 = arith.constant 6 : i32
    %add3A_129 = arith.addi %mul3A_127, %add3A_128 : i32
    %broadcast_in_dim3A_130 = vector.broadcast %add3A_129 : i32 to vector<16xi32>
    %gather3A_131 = tpu.vector_load_idx %arg7[%broadcast_in_dim3A_130] : memref<128xf32, #tpu.memory_space<vmem>>[vector<16xi32>], vector<16xf32>,
    %mul3A_132 = arith.constant 8 : i32
    %mul3A_133 = arith.muli %mul3A_132, %select_n3A : i32
    %add3A_134 = arith.constant 7 : i32
    %add3A_135 = arith.addi %mul3A_133, %add3A_134 : i32
    %broadcast_in_dim3A_136 = vector.broadcast %add3A_135 : i32 to vector<16xi32>
    %gather3A_137 = tpu.vector_load_idx %arg7[%broadcast_in_dim3A_136] : memref<128xf32, #tpu.memory_space<vmem>>[vector<16xi32>], vector<16xf32>,
    %mul3A_138 = arith.constant 8 : i32
    %mul3A_139 = arith.muli %mul3A_138, %select_n3A : i32
    %add3A_140 = arith.constant 64 : i32
    %add3A_141 = arith.addi %add3A_140, %mul3A_139 : i32
    %add3A_142 = arith.constant 0 : i32
    %add3A_143 = arith.addi %add3A_141, %add3A_142 : i32
    %broadcast_in_dim3A_144 = vector.broadcast %add3A_143 : i32 to vector<16xi32>
    %gather3A_145 = tpu.vector_load_idx %arg7[%broadcast_in_dim3A_144] : memref<128xf32, #tpu.memory_space<vmem>>[vector<16xi32>], vector<16xf32>,
    %mul3A_146 = arith.constant 8 : i32
    %mul3A_147 = arith.muli %mul3A_146, %select_n3A : i32
    %add3A_148 = arith.constant 64 : i32
    %add3A_149 = arith.addi %add3A_148, %mul3A_147 : i32
    %add3A_150 = arith.constant 1 : i32
    %add3A_151 = arith.addi %add3A_149, %add3A_150 : i32
    %broadcast_in_dim3A_152 = vector.broadcast %add3A_151 : i32 to vector<16xi32>
    %gather3A_153 = tpu.vector_load_idx %arg7[%broadcast_in_dim3A_152] : memref<128xf32, #tpu.memory_space<vmem>>[vector<16xi32>], vector<16xf32>,
    %mul3A_154 = arith.constant 8 : i32
    %mul3A_155 = arith.muli %mul3A_154, %select_n3A : i32
    %add3A_156 = arith.constant 64 : i32
    %add3A_157 = arith.addi %add3A_156, %mul3A_155 : i32
    %add3A_158 = arith.constant 2 : i32
    %add3A_159 = arith.addi %add3A_157, %add3A_158 : i32
    %broadcast_in_dim3A_160 = vector.broadcast %add3A_159 : i32 to vector<16xi32>
    %gather3A_161 = tpu.vector_load_idx %arg7[%broadcast_in_dim3A_160] : memref<128xf32, #tpu.memory_space<vmem>>[vector<16xi32>], vector<16xf32>,
    %mul3A_162 = arith.constant 8 : i32
    %mul3A_163 = arith.muli %mul3A_162, %select_n3A : i32
    %add3A_164 = arith.constant 64 : i32
    %add3A_165 = arith.addi %add3A_164, %mul3A_163 : i32
    %add3A_166 = arith.constant 3 : i32
    %add3A_167 = arith.addi %add3A_165, %add3A_166 : i32
    %broadcast_in_dim3A_168 = vector.broadcast %add3A_167 : i32 to vector<16xi32>
    %gather3A_169 = tpu.vector_load_idx %arg7[%broadcast_in_dim3A_168] : memref<128xf32, #tpu.memory_space<vmem>>[vector<16xi32>], vector<16xf32>,
    %mul3A_170 = arith.constant 8 : i32
    %mul3A_171 = arith.muli %mul3A_170, %select_n3A : i32
    %add3A_172 = arith.constant 64 : i32
    %add3A_173 = arith.addi %add3A_172, %mul3A_171 : i32
    %add3A_174 = arith.constant 4 : i32
    %add3A_175 = arith.addi %add3A_173, %add3A_174 : i32
    %broadcast_in_dim3A_176 = vector.broadcast %add3A_175 : i32 to vector<16xi32>
    %gather3A_177 = tpu.vector_load_idx %arg7[%broadcast_in_dim3A_176] : memref<128xf32, #tpu.memory_space<vmem>>[vector<16xi32>], vector<16xf32>,
    %mul3A_178 = arith.constant 8 : i32
    %mul3A_179 = arith.muli %mul3A_178, %select_n3A : i32
    %add3A_180 = arith.constant 64 : i32
    %add3A_181 = arith.addi %add3A_180, %mul3A_179 : i32
    %add3A_182 = arith.constant 5 : i32
    %add3A_183 = arith.addi %add3A_181, %add3A_182 : i32
    %broadcast_in_dim3A_184 = vector.broadcast %add3A_183 : i32 to vector<16xi32>
    %gather3A_185 = tpu.vector_load_idx %arg7[%broadcast_in_dim3A_184] : memref<128xf32, #tpu.memory_space<vmem>>[vector<16xi32>], vector<16xf32>,
    %mul3A_186 = arith.constant 8 : i32
    %mul3A_187 = arith.muli %mul3A_186, %select_n3A : i32
    %add3A_188 = arith.constant 64 : i32
    %add3A_189 = arith.addi %add3A_188, %mul3A_187 : i32
    %add3A_190 = arith.constant 6 : i32
    %add3A_191 = arith.addi %add3A_189, %add3A_190 : i32
    %broadcast_in_dim3A_192 = vector.broadcast %add3A_191 : i32 to vector<16xi32>
    %gather3A_193 = tpu.vector_load_idx %arg7[%broadcast_in_dim3A_192] : memref<128xf32, #tpu.memory_space<vmem>>[vector<16xi32>], vector<16xf32>,
    %mul3A_194 = arith.constant 8 : i32
    %mul3A_195 = arith.muli %mul3A_194, %select_n3A : i32
    %add3A_196 = arith.constant 64 : i32
    %add3A_197 = arith.addi %add3A_196, %mul3A_195 : i32
    %add3A_198 = arith.constant 7 : i32
    %add3A_199 = arith.addi %add3A_197, %add3A_198 : i32
    %broadcast_in_dim3A_200 = vector.broadcast %add3A_199 : i32 to vector<16xi32>
    %gather3A_201 = tpu.vector_load_idx %arg7[%broadcast_in_dim3A_200] : memref<128xf32, #tpu.memory_space<vmem>>[vector<16xi32>], vector<16xf32>,
    %mul3A_202 = arith.constant 8 : i32
    %mul3A_203 = arith.muli %mul3A_202, %select_n3A : i32
    %add3A_204 = arith.constant 0 : i32
    %add3A_205 = arith.addi %mul3A_203, %add3A_204 : i32
    %broadcast_in_dim3A_206 = vector.broadcast %add3A_205 : i32 to vector<16xi32>
    %gather3A_207 = tpu.vector_load_idx %arg9[%broadcast_in_dim3A_206] : memref<128xf32, #tpu.memory_space<vmem>>[vector<16xi32>], vector<16xf32>,
    %mul3A_208 = arith.constant 8 : i32
    %mul3A_209 = arith.muli %mul3A_208, %select_n3A : i32
    %add3A_210 = arith.constant 1 : i32
    %add3A_211 = arith.addi %mul3A_209, %add3A_210 : i32
    %broadcast_in_dim3A_212 = vector.broadcast %add3A_211 : i32 to vector<16xi32>
    %gather3A_213 = tpu.vector_load_idx %arg9[%broadcast_in_dim3A_212] : memref<128xf32, #tpu.memory_space<vmem>>[vector<16xi32>], vector<16xf32>,
    %mul3A_214 = arith.constant 8 : i32
    %mul3A_215 = arith.muli %mul3A_214, %select_n3A : i32
    %add3A_216 = arith.constant 2 : i32
    %add3A_217 = arith.addi %mul3A_215, %add3A_216 : i32
    %broadcast_in_dim3A_218 = vector.broadcast %add3A_217 : i32 to vector<16xi32>
    %gather3A_219 = tpu.vector_load_idx %arg9[%broadcast_in_dim3A_218] : memref<128xf32, #tpu.memory_space<vmem>>[vector<16xi32>], vector<16xf32>,
    %mul3A_220 = arith.constant 8 : i32
    %mul3A_221 = arith.muli %mul3A_220, %select_n3A : i32
    %add3A_222 = arith.constant 3 : i32
    %add3A_223 = arith.addi %mul3A_221, %add3A_222 : i32
    %broadcast_in_dim3A_224 = vector.broadcast %add3A_223 : i32 to vector<16xi32>
    %gather3A_225 = tpu.vector_load_idx %arg9[%broadcast_in_dim3A_224] : memref<128xf32, #tpu.memory_space<vmem>>[vector<16xi32>], vector<16xf32>,
    %mul3A_226 = arith.constant 8 : i32
    %mul3A_227 = arith.muli %mul3A_226, %select_n3A : i32
    %add3A_228 = arith.constant 4 : i32
    %add3A_229 = arith.addi %mul3A_227, %add3A_228 : i32
    %broadcast_in_dim3A_230 = vector.broadcast %add3A_229 : i32 to vector<16xi32>
    %gather3A_231 = tpu.vector_load_idx %arg9[%broadcast_in_dim3A_230] : memref<128xf32, #tpu.memory_space<vmem>>[vector<16xi32>], vector<16xf32>,
    %mul3A_232 = arith.constant 8 : i32
    %mul3A_233 = arith.muli %mul3A_232, %select_n3A : i32
    %add3A_234 = arith.constant 5 : i32
    %add3A_235 = arith.addi %mul3A_233, %add3A_234 : i32
    %broadcast_in_dim3A_236 = vector.broadcast %add3A_235 : i32 to vector<16xi32>
    %gather3A_237 = tpu.vector_load_idx %arg9[%broadcast_in_dim3A_236] : memref<128xf32, #tpu.memory_space<vmem>>[vector<16xi32>], vector<16xf32>,
    %mul3A_238 = arith.constant 8 : i32
    %mul3A_239 = arith.muli %mul3A_238, %select_n3A : i32
    %add3A_240 = arith.constant 6 : i32
    %add3A_241 = arith.addi %mul3A_239, %add3A_240 : i32
    %broadcast_in_dim3A_242 = vector.broadcast %add3A_241 : i32 to vector<16xi32>
    %gather3A_243 = tpu.vector_load_idx %arg9[%broadcast_in_dim3A_242] : memref<128xf32, #tpu.memory_space<vmem>>[vector<16xi32>], vector<16xf32>,
    %mul3A_244 = arith.constant 8 : i32
    %mul3A_245 = arith.muli %mul3A_244, %select_n3A : i32
    %add3A_246 = arith.constant 7 : i32
    %add3A_247 = arith.addi %mul3A_245, %add3A_246 : i32
    %broadcast_in_dim3A_248 = vector.broadcast %add3A_247 : i32 to vector<16xi32>
    %gather3A_249 = tpu.vector_load_idx %arg9[%broadcast_in_dim3A_248] : memref<128xf32, #tpu.memory_space<vmem>>[vector<16xi32>], vector<16xf32>,
    %mul3A_250 = arith.constant 8 : i32
    %mul3A_251 = arith.muli %mul3A_250, %select_n3A : i32
    %add3A_252 = arith.constant 64 : i32
    %add3A_253 = arith.addi %add3A_252, %mul3A_251 : i32
    %add3A_254 = arith.constant 0 : i32
    %add3A_255 = arith.addi %add3A_253, %add3A_254 : i32
    %broadcast_in_dim3A_256 = vector.broadcast %add3A_255 : i32 to vector<16xi32>
    %gather3A_257 = tpu.vector_load_idx %arg9[%broadcast_in_dim3A_256] : memref<128xf32, #tpu.memory_space<vmem>>[vector<16xi32>], vector<16xf32>,
    %mul3A_258 = arith.constant 8 : i32
    %mul3A_259 = arith.muli %mul3A_258, %select_n3A : i32
    %add3A_260 = arith.constant 64 : i32
    %add3A_261 = arith.addi %add3A_260, %mul3A_259 : i32
    %add3A_262 = arith.constant 1 : i32
    %add3A_263 = arith.addi %add3A_261, %add3A_262 : i32
    %broadcast_in_dim3A_264 = vector.broadcast %add3A_263 : i32 to vector<16xi32>
    %gather3A_265 = tpu.vector_load_idx %arg9[%broadcast_in_dim3A_264] : memref<128xf32, #tpu.memory_space<vmem>>[vector<16xi32>], vector<16xf32>,
    %mul3A_266 = arith.constant 8 : i32
    %mul3A_267 = arith.muli %mul3A_266, %select_n3A : i32
    %add3A_268 = arith.constant 64 : i32
    %add3A_269 = arith.addi %add3A_268, %mul3A_267 : i32
    %add3A_270 = arith.constant 2 : i32
    %add3A_271 = arith.addi %add3A_269, %add3A_270 : i32
    %broadcast_in_dim3A_272 = vector.broadcast %add3A_271 : i32 to vector<16xi32>
    %gather3A_273 = tpu.vector_load_idx %arg9[%broadcast_in_dim3A_272] : memref<128xf32, #tpu.memory_space<vmem>>[vector<16xi32>], vector<16xf32>,
    %mul3A_274 = arith.constant 8 : i32
    %mul3A_275 = arith.muli %mul3A_274, %select_n3A : i32
    %add3A_276 = arith.constant 64 : i32
    %add3A_277 = arith.addi %add3A_276, %mul3A_275 : i32
    %add3A_278 = arith.constant 3 : i32
    %add3A_279 = arith.addi %add3A_277, %add3A_278 : i32
    %broadcast_in_dim3A_280 = vector.broadcast %add3A_279 : i32 to vector<16xi32>
    %gather3A_281 = tpu.vector_load_idx %arg9[%broadcast_in_dim3A_280] : memref<128xf32, #tpu.memory_space<vmem>>[vector<16xi32>], vector<16xf32>,
    %mul3A_282 = arith.constant 8 : i32
    %mul3A_283 = arith.muli %mul3A_282, %select_n3A : i32
    %add3A_284 = arith.constant 64 : i32
    %add3A_285 = arith.addi %add3A_284, %mul3A_283 : i32
    %add3A_286 = arith.constant 4 : i32
    %add3A_287 = arith.addi %add3A_285, %add3A_286 : i32
    %broadcast_in_dim3A_288 = vector.broadcast %add3A_287 : i32 to vector<16xi32>
    %gather3A_289 = tpu.vector_load_idx %arg9[%broadcast_in_dim3A_288] : memref<128xf32, #tpu.memory_space<vmem>>[vector<16xi32>], vector<16xf32>,
    %mul3A_290 = arith.constant 8 : i32
    %mul3A_291 = arith.muli %mul3A_290, %select_n3A : i32
    %add3A_292 = arith.constant 64 : i32
    %add3A_293 = arith.addi %add3A_292, %mul3A_291 : i32
    %add3A_294 = arith.constant 5 : i32
    %add3A_295 = arith.addi %add3A_293, %add3A_294 : i32
    %broadcast_in_dim3A_296 = vector.broadcast %add3A_295 : i32 to vector<16xi32>
    %gather3A_297 = tpu.vector_load_idx %arg9[%broadcast_in_dim3A_296] : memref<128xf32, #tpu.memory_space<vmem>>[vector<16xi32>], vector<16xf32>,
    %mul3A_298 = arith.constant 8 : i32
    %mul3A_299 = arith.muli %mul3A_298, %select_n3A : i32
    %add3A_300 = arith.constant 64 : i32
    %add3A_301 = arith.addi %add3A_300, %mul3A_299 : i32
    %add3A_302 = arith.constant 6 : i32
    %add3A_303 = arith.addi %add3A_301, %add3A_302 : i32
    %broadcast_in_dim3A_304 = vector.broadcast %add3A_303 : i32 to vector<16xi32>
    %gather3A_305 = tpu.vector_load_idx %arg9[%broadcast_in_dim3A_304] : memref<128xf32, #tpu.memory_space<vmem>>[vector<16xi32>], vector<16xf32>,
    %mul3A_306 = arith.constant 8 : i32
    %mul3A_307 = arith.muli %mul3A_306, %select_n3A : i32
    %add3A_308 = arith.constant 64 : i32
    %add3A_309 = arith.addi %add3A_308, %mul3A_307 : i32
    %add3A_310 = arith.constant 7 : i32
    %add3A_311 = arith.addi %add3A_309, %add3A_310 : i32
    %broadcast_in_dim3A_312 = vector.broadcast %add3A_311 : i32 to vector<16xi32>
    %gather3A_313 = tpu.vector_load_idx %arg9[%broadcast_in_dim3A_312] : memref<128xf32, #tpu.memory_space<vmem>>[vector<16xi32>], vector<16xf32>,
    %mul3A_314 = arith.constant 262144 : i32
    %mul3A_315 = arith.muli %select_n3A_30, %mul3A_314 : i32
    %add3A_316 = arith.constant 0 : i32
    %add3A_317 = arith.addi %mul3A_315, %add3A_316 : i32
    %dma_start3A = tpu.memref_slice %arg4[%add3A_317] : memref<1048576xi32, #tpu.memory_space<hbm>> -> memref<2048xi32, #tpu.memory_space<hbm>>
    %dma_start3A_318 = tpu.memref_slice %arg4[%add3A_317] : memref<1048576xi32, #tpu.memory_space<hbm>> -> memref<2048xi32, #tpu.memory_space<hbm>>
    tpu.enqueue_dma source(%dma_start3A_318 : memref<2048xi32, #tpu.memory_space<hbm>>) target(%arg10 : memref<2048xi32, #tpu.memory_space<vmem>>) target_semaphore(%arg19 : memref<!tpu.dma_semaphore, #tpu.memory_space<semaphore_mem>>)
    %mul3A_319 = arith.constant 8 : i32
    %mul3A_320 = arith.muli %mul3A_319, %select_n3A : i32
    %dma_start3A_321 = tpu.memref_slice %arg5[%mul3A_320, %add3A_317] : memref<64x1048576xf32, #tpu.memory_space<hbm>> -> memref<8x2048xf32, #tpu.memory_space<hbm>>
    %dma_start3A_322 = tpu.memref_slice %arg5[%mul3A_320, %add3A_317] : memref<64x1048576xf32, #tpu.memory_space<hbm>> -> memref<8x2048xf32, #tpu.memory_space<hbm>>
    tpu.enqueue_dma source(%dma_start3A_322 : memref<8x2048xf32, #tpu.memory_space<hbm>>) target(%arg13 : memref<8x2048xf32, #tpu.memory_space<vmem>>) target_semaphore(%arg19 : memref<!tpu.dma_semaphore, #tpu.memory_space<semaphore_mem>>)
    %mul3A_323 = arith.constant 262144 : i32
    %mul3A_324 = arith.muli %select_n3A_30, %mul3A_323 : i32
    %add3A_325 = arith.constant 2048 : i32
    %add3A_326 = arith.addi %mul3A_324, %add3A_325 : i32
    %dma_start3A_327 = tpu.memref_slice %arg4[%add3A_326] : memref<1048576xi32, #tpu.memory_space<hbm>> -> memref<2048xi32, #tpu.memory_space<hbm>>
    %dma_start3A_328 = tpu.memref_slice %arg4[%add3A_326] : memref<1048576xi32, #tpu.memory_space<hbm>> -> memref<2048xi32, #tpu.memory_space<hbm>>
    tpu.enqueue_dma source(%dma_start3A_328 : memref<2048xi32, #tpu.memory_space<hbm>>) target(%arg11 : memref<2048xi32, #tpu.memory_space<vmem>>) target_semaphore(%arg20 : memref<!tpu.dma_semaphore, #tpu.memory_space<semaphore_mem>>)
    %mul3A_329 = arith.constant 8 : i32
    %mul3A_330 = arith.muli %mul3A_329, %select_n3A : i32
    %dma_start3A_331 = tpu.memref_slice %arg5[%mul3A_330, %add3A_326] : memref<64x1048576xf32, #tpu.memory_space<hbm>> -> memref<8x2048xf32, #tpu.memory_space<hbm>>
    %dma_start3A_332 = tpu.memref_slice %arg5[%mul3A_330, %add3A_326] : memref<64x1048576xf32, #tpu.memory_space<hbm>> -> memref<8x2048xf32, #tpu.memory_space<hbm>>
    tpu.enqueue_dma source(%dma_start3A_332 : memref<8x2048xf32, #tpu.memory_space<hbm>>) target(%arg14 : memref<8x2048xf32, #tpu.memory_space<vmem>>) target_semaphore(%arg20 : memref<!tpu.dma_semaphore, #tpu.memory_space<semaphore_mem>>)
    %mul3A_333 = arith.constant 262144 : i32
    %mul3A_334 = arith.muli %select_n3A_30, %mul3A_333 : i32
    %add3A_335 = arith.constant 4096 : i32
    %add3A_336 = arith.addi %mul3A_334, %add3A_335 : i32
    %dma_start3A_337 = tpu.memref_slice %arg4[%add3A_336] : memref<1048576xi32, #tpu.memory_space<hbm>> -> memref<2048xi32, #tpu.memory_space<hbm>>
    %dma_start3A_338 = tpu.memref_slice %arg4[%add3A_336] : memref<1048576xi32, #tpu.memory_space<hbm>> -> memref<2048xi32, #tpu.memory_space<hbm>>
    tpu.enqueue_dma source(%dma_start3A_338 : memref<2048xi32, #tpu.memory_space<hbm>>) target(%arg12 : memref<2048xi32, #tpu.memory_space<vmem>>) target_semaphore(%arg21 : memref<!tpu.dma_semaphore, #tpu.memory_space<semaphore_mem>>)
    %mul3A_339 = arith.constant 8 : i32
    %mul3A_340 = arith.muli %mul3A_339, %select_n3A : i32
    %dma_start3A_341 = tpu.memref_slice %arg5[%mul3A_340, %add3A_336] : memref<64x1048576xf32, #tpu.memory_space<hbm>> -> memref<8x2048xf32, #tpu.memory_space<hbm>>
    %dma_start3A_342 = tpu.memref_slice %arg5[%mul3A_340, %add3A_336] : memref<64x1048576xf32, #tpu.memory_space<hbm>> -> memref<8x2048xf32, #tpu.memory_space<hbm>>
    tpu.enqueue_dma source(%dma_start3A_342 : memref<8x2048xf32, #tpu.memory_space<hbm>>) target(%arg15 : memref<8x2048xf32, #tpu.memory_space<vmem>>) target_semaphore(%arg21 : memref<!tpu.dma_semaphore, #tpu.memory_space<semaphore_mem>>)
    %scan3A = arith.constant 0 : i32
    %scan3A_343 = arith.constant 0 : i32
    %scan3A_344 = arith.constant 41 : i32
    %scan3A_345 = arith.addi %scan3A_343, %scan3A_344 : i32
    %scan3A_346 = arith.constant 1 : i32
    %scan3A_347 = scf.for %scan3A_520 = %scan3A_343 to %scan3A_345 step %scan3A_346 iter_args(%scan3A_521 = %scan3A) -> (i32)  : i32 {
      %mul3A_522 = arith.constant 3 : i32
      %mul3A_523 = arith.muli %mul3A_522, %scan3A_520 : i32
      %gt3A = arith.constant 0 : i32
      %gt3A_524 = arith.cmpi sgt, %scan3A_520, %gt3A : i32
      %convert_element_type3A = arith.extui %gt3A_524 : i1 to i32
      %cond3A = arith.constant 0 : i32
      %cond3A_525 = arith.cmpi ne, %convert_element_type3A, %cond3A : i32
      scf.if %cond3A_525 {
        %dma_wait3A_654 = arith.constant 0 : i32
        %dma_wait3A_655 = arith.constant 0 : i32
        %dma_wait3A_656 = tpu.memref_slice %arg6[%dma_wait3A_654, %dma_wait3A_655] : memref<64x1048576xf32, #tpu.memory_space<hbm>> -> memref<8x2048xf32, #tpu.memory_space<hbm>>
        %dma_wait3A_657 = arith.constant 0 : i32
        %dma_wait3A_658 = arith.constant 0 : i32
        %dma_wait3A_659 = tpu.memref_slice %arg6[%dma_wait3A_657, %dma_wait3A_658] : memref<64x1048576xf32, #tpu.memory_space<hbm>> -> memref<8x2048xf32, #tpu.memory_space<hbm>>
        tpu.wait_dma2 semaphore(%arg22 : memref<!tpu.dma_semaphore, #tpu.memory_space<semaphore_mem>>) src(%arg16 : memref<8x2048xf32, #tpu.memory_space<vmem>>) dst(%dma_wait3A_659 : memref<8x2048xf32, #tpu.memory_space<hbm>>)
      } else {
      }
      %dma_wait3A_526 = arith.constant 0 : i32
      %dma_wait3A_527 = tpu.memref_slice %arg4[%dma_wait3A_526] : memref<1048576xi32, #tpu.memory_space<hbm>> -> memref<2048xi32, #tpu.memory_space<hbm>>
      %dma_wait3A_528 = arith.constant 0 : i32
      %dma_wait3A_529 = tpu.memref_slice %arg4[%dma_wait3A_528] : memref<1048576xi32, #tpu.memory_space<hbm>> -> memref<2048xi32, #tpu.memory_space<hbm>>
      tpu.wait_dma2 semaphore(%arg19 : memref<!tpu.dma_semaphore, #tpu.memory_space<semaphore_mem>>) src(%dma_wait3A_529 : memref<2048xi32, #tpu.memory_space<hbm>>) dst(%arg10 : memref<2048xi32, #tpu.memory_space<vmem>>)
      %dma_wait3A_530 = arith.constant 0 : i32
      %dma_wait3A_531 = arith.constant 0 : i32
      %dma_wait3A_532 = tpu.memref_slice %arg5[%dma_wait3A_530, %dma_wait3A_531] : memref<64x1048576xf32, #tpu.memory_space<hbm>> -> memref<8x2048xf32, #tpu.memory_space<hbm>>
      %dma_wait3A_533 = arith.constant 0 : i32
      %dma_wait3A_534 = arith.constant 0 : i32
      %dma_wait3A_535 = tpu.memref_slice %arg5[%dma_wait3A_533, %dma_wait3A_534] : memref<64x1048576xf32, #tpu.memory_space<hbm>> -> memref<8x2048xf32, #tpu.memory_space<hbm>>
      tpu.wait_dma2 semaphore(%arg19 : memref<!tpu.dma_semaphore, #tpu.memory_space<semaphore_mem>>) src(%dma_wait3A_535 : memref<8x2048xf32, #tpu.memory_space<hbm>>) dst(%arg13 : memref<8x2048xf32, #tpu.memory_space<vmem>>)
      %parallel_loop3A_536 = arith.constant 0 : i32
      %parallel_loop3A_537 = arith.constant 128 : i32
      %parallel_loop3A_538 = arith.constant 1 : i32
      scf.for %parallel_loop3A_654 = %parallel_loop3A_536 to %parallel_loop3A_537 step %parallel_loop3A_538  : i32 {
        %parallel_loop3A_655 = arith.constant 16 : i32
        %parallel_loop3A_656 = arith.muli %parallel_loop3A_654, %parallel_loop3A_655 : i32
        %parallel_loop3A_657 = arith.index_cast %parallel_loop3A_656 : i32 to index
        %parallel_loop3A_658 = tpu.vector_load %arg10[%parallel_loop3A_657] {strides = array<i32>} : memref<2048xi32, #tpu.memory_space<vmem>>, vector<16xi32>,
        %parallel_loop3A_659 = arith.constant 1 : i32
        %parallel_loop3A_660 = vector.broadcast %parallel_loop3A_659 : i32 to vector<16xi32>
        %parallel_loop3A_661 = arith.cmpi eq, %parallel_loop3A_658, %parallel_loop3A_660 : vector<16xi32>
        %parallel_loop3A_662 = arith.constant 16 : i32
        %parallel_loop3A_663 = arith.muli %parallel_loop3A_654, %parallel_loop3A_662 : i32
        %parallel_loop3A_664 = arith.constant 0 : i32
        %parallel_loop3A_665 = arith.index_cast %parallel_loop3A_664 : i32 to index
        %parallel_loop3A_666 = arith.index_cast %parallel_loop3A_663 : i32 to index
        %parallel_loop3A_667 = tpu.vector_load %arg13[%parallel_loop3A_665, %parallel_loop3A_666] {strides = array<i32>} : memref<8x2048xf32, #tpu.memory_space<vmem>>, vector<16xf32>,
        %parallel_loop3A_668 = arith.select %parallel_loop3A_661, %gather3A_145, %gather3A : vector<16xi1>, vector<16xf32>
        %parallel_loop3A_669 = arith.select %parallel_loop3A_661, %gather3A_257, %gather3A_207 : vector<16xi1>, vector<16xf32>
        %parallel_loop3A_670 = arith.mulf %parallel_loop3A_667, %parallel_loop3A_669 : vector<16xf32>
        %parallel_loop3A_671 = arith.addf %parallel_loop3A_668, %parallel_loop3A_670 : vector<16xf32>
        %parallel_loop3A_672 = arith.constant 16 : i32
        %parallel_loop3A_673 = arith.muli %parallel_loop3A_654, %parallel_loop3A_672 : i32
        %parallel_loop3A_674 = arith.constant 0 : i32
        %parallel_loop3A_675 = arith.index_cast %parallel_loop3A_674 : i32 to index
        %parallel_loop3A_676 = arith.index_cast %parallel_loop3A_673 : i32 to index
        %parallel_loop3A_677 = tpu.vector_load %arg16[%parallel_loop3A_675, %parallel_loop3A_676] {strides = array<i32>} : memref<8x2048xf32, #tpu.memory_space<vmem>>, vector<16xf32>,
        tpu.vector_store %arg16[%parallel_loop3A_675, %parallel_loop3A_676], %parallel_loop3A_671 {strides = array<i32>} : memref<8x2048xf32, #tpu.memory_space<vmem>>, vector<16xf32>,
        %parallel_loop3A_678 = arith.constant 16 : i32
        %parallel_loop3A_679 = arith.muli %parallel_loop3A_654, %parallel_loop3A_678 : i32
        %parallel_loop3A_680 = arith.constant 1 : i32
        %parallel_loop3A_681 = arith.index_cast %parallel_loop3A_680 : i32 to index
        %parallel_loop3A_682 = arith.index_cast %parallel_loop3A_679 : i32 to index
        %parallel_loop3A_683 = tpu.vector_load %arg13[%parallel_loop3A_681, %parallel_loop3A_682] {strides = array<i32>} : memref<8x2048xf32, #tpu.memory_space<vmem>>, vector<16xf32>,
        %parallel_loop3A_684 = arith.select %parallel_loop3A_661, %gather3A_153, %gather3A_101 : vector<16xi1>, vector<16xf32>
        %parallel_loop3A_685 = arith.select %parallel_loop3A_661, %gather3A_265, %gather3A_213 : vector<16xi1>, vector<16xf32>
        %parallel_loop3A_686 = arith.mulf %parallel_loop3A_683, %parallel_loop3A_685 : vector<16xf32>
        %parallel_loop3A_687 = arith.addf %parallel_loop3A_684, %parallel_loop3A_686 : vector<16xf32>
        %parallel_loop3A_688 = arith.constant 16 : i32
        %parallel_loop3A_689 = arith.muli %parallel_loop3A_654, %parallel_loop3A_688 : i32
        %parallel_loop3A_690 = arith.constant 1 : i32
        %parallel_loop3A_691 = arith.index_cast %parallel_loop3A_690 : i32 to index
        %parallel_loop3A_692 = arith.index_cast %parallel_loop3A_689 : i32 to index
        %parallel_loop3A_693 = tpu.vector_load %arg16[%parallel_loop3A_691, %parallel_loop3A_692] {strides = array<i32>} : memref<8x2048xf32, #tpu.memory_space<vmem>>, vector<16xf32>,
        tpu.vector_store %arg16[%parallel_loop3A_691, %parallel_loop3A_692], %parallel_loop3A_687 {strides = array<i32>} : memref<8x2048xf32, #tpu.memory_space<vmem>>, vector<16xf32>,
        %parallel_loop3A_694 = arith.constant 16 : i32
        %parallel_loop3A_695 = arith.muli %parallel_loop3A_654, %parallel_loop3A_694 : i32
        %parallel_loop3A_696 = arith.constant 2 : i32
        %parallel_loop3A_697 = arith.index_cast %parallel_loop3A_696 : i32 to index
        %parallel_loop3A_698 = arith.index_cast %parallel_loop3A_695 : i32 to index
        %parallel_loop3A_699 = tpu.vector_load %arg13[%parallel_loop3A_697, %parallel_loop3A_698] {strides = array<i32>} : memref<8x2048xf32, #tpu.memory_space<vmem>>, vector<16xf32>,
        %parallel_loop3A_700 = arith.select %parallel_loop3A_661, %gather3A_161, %gather3A_107 : vector<16xi1>, vector<16xf32>
        %parallel_loop3A_701 = arith.select %parallel_loop3A_661, %gather3A_273, %gather3A_219 : vector<16xi1>, vector<16xf32>
        %parallel_loop3A_702 = arith.mulf %parallel_loop3A_699, %parallel_loop3A_701 : vector<16xf32>
        %parallel_loop3A_703 = arith.addf %parallel_loop3A_700, %parallel_loop3A_702 : vector<16xf32>
        %parallel_loop3A_704 = arith.constant 16 : i32
        %parallel_loop3A_705 = arith.muli %parallel_loop3A_654, %parallel_loop3A_704 : i32
        %parallel_loop3A_706 = arith.constant 2 : i32
        %parallel_loop3A_707 = arith.index_cast %parallel_loop3A_706 : i32 to index
        %parallel_loop3A_708 = arith.index_cast %parallel_loop3A_705 : i32 to index
        %parallel_loop3A_709 = tpu.vector_load %arg16[%parallel_loop3A_707, %parallel_loop3A_708] {strides = array<i32>} : memref<8x2048xf32, #tpu.memory_space<vmem>>, vector<16xf32>,
        tpu.vector_store %arg16[%parallel_loop3A_707, %parallel_loop3A_708], %parallel_loop3A_703 {strides = array<i32>} : memref<8x2048xf32, #tpu.memory_space<vmem>>, vector<16xf32>,
        %parallel_loop3A_710 = arith.constant 16 : i32
        %parallel_loop3A_711 = arith.muli %parallel_loop3A_654, %parallel_loop3A_710 : i32
        %parallel_loop3A_712 = arith.constant 3 : i32
        %parallel_loop3A_713 = arith.index_cast %parallel_loop3A_712 : i32 to index
        %parallel_loop3A_714 = arith.index_cast %parallel_loop3A_711 : i32 to index
        %parallel_loop3A_715 = tpu.vector_load %arg13[%parallel_loop3A_713, %parallel_loop3A_714] {strides = array<i32>} : memref<8x2048xf32, #tpu.memory_space<vmem>>, vector<16xf32>,
        %parallel_loop3A_716 = arith.select %parallel_loop3A_661, %gather3A_169, %gather3A_113 : vector<16xi1>, vector<16xf32>
        %parallel_loop3A_717 = arith.select %parallel_loop3A_661, %gather3A_281, %gather3A_225 : vector<16xi1>, vector<16xf32>
        %parallel_loop3A_718 = arith.mulf %parallel_loop3A_715, %parallel_loop3A_717 : vector<16xf32>
        %parallel_loop3A_719 = arith.addf %parallel_loop3A_716, %parallel_loop3A_718 : vector<16xf32>
        %parallel_loop3A_720 = arith.constant 16 : i32
        %parallel_loop3A_721 = arith.muli %parallel_loop3A_654, %parallel_loop3A_720 : i32
        %parallel_loop3A_722 = arith.constant 3 : i32
        %parallel_loop3A_723 = arith.index_cast %parallel_loop3A_722 : i32 to index
        %parallel_loop3A_724 = arith.index_cast %parallel_loop3A_721 : i32 to index
        %parallel_loop3A_725 = tpu.vector_load %arg16[%parallel_loop3A_723, %parallel_loop3A_724] {strides = array<i32>} : memref<8x2048xf32, #tpu.memory_space<vmem>>, vector<16xf32>,
        tpu.vector_store %arg16[%parallel_loop3A_723, %parallel_loop3A_724], %parallel_loop3A_719 {strides = array<i32>} : memref<8x2048xf32, #tpu.memory_space<vmem>>, vector<16xf32>,
        %parallel_loop3A_726 = arith.constant 16 : i32
        %parallel_loop3A_727 = arith.muli %parallel_loop3A_654, %parallel_loop3A_726 : i32
        %parallel_loop3A_728 = arith.constant 4 : i32
        %parallel_loop3A_729 = arith.index_cast %parallel_loop3A_728 : i32 to index
        %parallel_loop3A_730 = arith.index_cast %parallel_loop3A_727 : i32 to index
        %parallel_loop3A_731 = tpu.vector_load %arg13[%parallel_loop3A_729, %parallel_loop3A_730] {strides = array<i32>} : memref<8x2048xf32, #tpu.memory_space<vmem>>, vector<16xf32>,
        %parallel_loop3A_732 = arith.select %parallel_loop3A_661, %gather3A_177, %gather3A_119 : vector<16xi1>, vector<16xf32>
        %parallel_loop3A_733 = arith.select %parallel_loop3A_661, %gather3A_289, %gather3A_231 : vector<16xi1>, vector<16xf32>
        %parallel_loop3A_734 = arith.mulf %parallel_loop3A_731, %parallel_loop3A_733 : vector<16xf32>
        %parallel_loop3A_735 = arith.addf %parallel_loop3A_732, %parallel_loop3A_734 : vector<16xf32>
        %parallel_loop3A_736 = arith.constant 16 : i32
        %parallel_loop3A_737 = arith.muli %parallel_loop3A_654, %parallel_loop3A_736 : i32
        %parallel_loop3A_738 = arith.constant 4 : i32
        %parallel_loop3A_739 = arith.index_cast %parallel_loop3A_738 : i32 to index
        %parallel_loop3A_740 = arith.index_cast %parallel_loop3A_737 : i32 to index
        %parallel_loop3A_741 = tpu.vector_load %arg16[%parallel_loop3A_739, %parallel_loop3A_740] {strides = array<i32>} : memref<8x2048xf32, #tpu.memory_space<vmem>>, vector<16xf32>,
        tpu.vector_store %arg16[%parallel_loop3A_739, %parallel_loop3A_740], %parallel_loop3A_735 {strides = array<i32>} : memref<8x2048xf32, #tpu.memory_space<vmem>>, vector<16xf32>,
        %parallel_loop3A_742 = arith.constant 16 : i32
        %parallel_loop3A_743 = arith.muli %parallel_loop3A_654, %parallel_loop3A_742 : i32
        %parallel_loop3A_744 = arith.constant 5 : i32
        %parallel_loop3A_745 = arith.index_cast %parallel_loop3A_744 : i32 to index
        %parallel_loop3A_746 = arith.index_cast %parallel_loop3A_743 : i32 to index
        %parallel_loop3A_747 = tpu.vector_load %arg13[%parallel_loop3A_745, %parallel_loop3A_746] {strides = array<i32>} : memref<8x2048xf32, #tpu.memory_space<vmem>>, vector<16xf32>,
        %parallel_loop3A_748 = arith.select %parallel_loop3A_661, %gather3A_185, %gather3A_125 : vector<16xi1>, vector<16xf32>
        %parallel_loop3A_749 = arith.select %parallel_loop3A_661, %gather3A_297, %gather3A_237 : vector<16xi1>, vector<16xf32>
        %parallel_loop3A_750 = arith.mulf %parallel_loop3A_747, %parallel_loop3A_749 : vector<16xf32>
        %parallel_loop3A_751 = arith.addf %parallel_loop3A_748, %parallel_loop3A_750 : vector<16xf32>
        %parallel_loop3A_752 = arith.constant 16 : i32
        %parallel_loop3A_753 = arith.muli %parallel_loop3A_654, %parallel_loop3A_752 : i32
        %parallel_loop3A_754 = arith.constant 5 : i32
        %parallel_loop3A_755 = arith.index_cast %parallel_loop3A_754 : i32 to index
        %parallel_loop3A_756 = arith.index_cast %parallel_loop3A_753 : i32 to index
        %parallel_loop3A_757 = tpu.vector_load %arg16[%parallel_loop3A_755, %parallel_loop3A_756] {strides = array<i32>} : memref<8x2048xf32, #tpu.memory_space<vmem>>, vector<16xf32>,
        tpu.vector_store %arg16[%parallel_loop3A_755, %parallel_loop3A_756], %parallel_loop3A_751 {strides = array<i32>} : memref<8x2048xf32, #tpu.memory_space<vmem>>, vector<16xf32>,
        %parallel_loop3A_758 = arith.constant 16 : i32
        %parallel_loop3A_759 = arith.muli %parallel_loop3A_654, %parallel_loop3A_758 : i32
        %parallel_loop3A_760 = arith.constant 6 : i32
        %parallel_loop3A_761 = arith.index_cast %parallel_loop3A_760 : i32 to index
        %parallel_loop3A_762 = arith.index_cast %parallel_loop3A_759 : i32 to index
        %parallel_loop3A_763 = tpu.vector_load %arg13[%parallel_loop3A_761, %parallel_loop3A_762] {strides = array<i32>} : memref<8x2048xf32, #tpu.memory_space<vmem>>, vector<16xf32>,
        %parallel_loop3A_764 = arith.select %parallel_loop3A_661, %gather3A_193, %gather3A_131 : vector<16xi1>, vector<16xf32>
        %parallel_loop3A_765 = arith.select %parallel_loop3A_661, %gather3A_305, %gather3A_243 : vector<16xi1>, vector<16xf32>
        %parallel_loop3A_766 = arith.mulf %parallel_loop3A_763, %parallel_loop3A_765 : vector<16xf32>
        %parallel_loop3A_767 = arith.addf %parallel_loop3A_764, %parallel_loop3A_766 : vector<16xf32>
        %parallel_loop3A_768 = arith.constant 16 : i32
        %parallel_loop3A_769 = arith.muli %parallel_loop3A_654, %parallel_loop3A_768 : i32
        %parallel_loop3A_770 = arith.constant 6 : i32
        %parallel_loop3A_771 = arith.index_cast %parallel_loop3A_770 : i32 to index
        %parallel_loop3A_772 = arith.index_cast %parallel_loop3A_769 : i32 to index
        %parallel_loop3A_773 = tpu.vector_load %arg16[%parallel_loop3A_771, %parallel_loop3A_772] {strides = array<i32>} : memref<8x2048xf32, #tpu.memory_space<vmem>>, vector<16xf32>,
        tpu.vector_store %arg16[%parallel_loop3A_771, %parallel_loop3A_772], %parallel_loop3A_767 {strides = array<i32>} : memref<8x2048xf32, #tpu.memory_space<vmem>>, vector<16xf32>,
        %parallel_loop3A_774 = arith.constant 16 : i32
        %parallel_loop3A_775 = arith.muli %parallel_loop3A_654, %parallel_loop3A_774 : i32
        %parallel_loop3A_776 = arith.constant 7 : i32
        %parallel_loop3A_777 = arith.index_cast %parallel_loop3A_776 : i32 to index
        %parallel_loop3A_778 = arith.index_cast %parallel_loop3A_775 : i32 to index
        %parallel_loop3A_779 = tpu.vector_load %arg13[%parallel_loop3A_777, %parallel_loop3A_778] {strides = array<i32>} : memref<8x2048xf32, #tpu.memory_space<vmem>>, vector<16xf32>,
        %parallel_loop3A_780 = arith.select %parallel_loop3A_661, %gather3A_201, %gather3A_137 : vector<16xi1>, vector<16xf32>
        %parallel_loop3A_781 = arith.select %parallel_loop3A_661, %gather3A_313, %gather3A_249 : vector<16xi1>, vector<16xf32>
        %parallel_loop3A_782 = arith.mulf %parallel_loop3A_779, %parallel_loop3A_781 : vector<16xf32>
        %parallel_loop3A_783 = arith.addf %parallel_loop3A_780, %parallel_loop3A_782 : vector<16xf32>
        %parallel_loop3A_784 = arith.constant 16 : i32
        %parallel_loop3A_785 = arith.muli %parallel_loop3A_654, %parallel_loop3A_784 : i32
        %parallel_loop3A_786 = arith.constant 7 : i32
        %parallel_loop3A_787 = arith.index_cast %parallel_loop3A_786 : i32 to index
        %parallel_loop3A_788 = arith.index_cast %parallel_loop3A_785 : i32 to index
        %parallel_loop3A_789 = tpu.vector_load %arg16[%parallel_loop3A_787, %parallel_loop3A_788] {strides = array<i32>} : memref<8x2048xf32, #tpu.memory_space<vmem>>, vector<16xf32>,
        tpu.vector_store %arg16[%parallel_loop3A_787, %parallel_loop3A_788], %parallel_loop3A_783 {strides = array<i32>} : memref<8x2048xf32, #tpu.memory_space<vmem>>, vector<16xf32>,
      } {sc.loop_unroll_factor = 2 : i64, sc.parallel_access}
      %add3A_539 = arith.constant 0 : i32
      %add3A_540 = arith.addi %mul3A_523, %add3A_539 : i32
      %mul3A_541 = arith.constant 262144 : i32
      %mul3A_542 = arith.muli %select_n3A_30, %mul3A_541 : i32
      %mul3A_543 = arith.constant 2048 : i32
      %mul3A_544 = arith.muli %add3A_540, %mul3A_543 : i32
      %add3A_545 = arith.addi %mul3A_542, %mul3A_544 : i32
      %mul3A_546 = arith.constant 8 : i32
      %mul3A_547 = arith.muli %mul3A_546, %select_n3A : i32
      %dma_start3A_548 = tpu.memref_slice %arg6[%mul3A_547, %add3A_545] : memref<64x1048576xf32, #tpu.memory_space<hbm>> -> memref<8x2048xf32, #tpu.memory_space<hbm>>
      %dma_start3A_549 = tpu.memref_slice %arg6[%mul3A_547, %add3A_545] : memref<64x1048576xf32, #tpu.memory_space<hbm>> -> memref<8x2048xf32, #tpu.memory_space<hbm>>
      tpu.enqueue_dma source(%arg16 : memref<8x2048xf32, #tpu.memory_space<vmem>>) target(%dma_start3A_549 : memref<8x2048xf32, #tpu.memory_space<hbm>>) target_semaphore(%arg22 : memref<!tpu.dma_semaphore, #tpu.memory_space<semaphore_mem>>)
      %add3A_550 = arith.constant 0 : i32
      %add3A_551 = arith.addi %mul3A_523, %add3A_550 : i32
      %add3A_552 = arith.constant 3 : i32
      %add3A_553 = arith.addi %add3A_551, %add3A_552 : i32
      %mul3A_554 = arith.constant 262144 : i32
      %mul3A_555 = arith.muli %select_n3A_30, %mul3A_554 : i32
      %mul3A_556 = arith.constant 2048 : i32
      %mul3A_557 = arith.muli %add3A_553, %mul3A_556 : i32
      %add3A_558 = arith.addi %mul3A_555, %mul3A_557 : i32
      %dma_start3A_559 = tpu.memref_slice %arg4[%add3A_558] : memref<1048576xi32, #tpu.memory_space<hbm>> -> memref<2048xi32, #tpu.memory_space<hbm>>
      %dma_start3A_560 = tpu.memref_slice %arg4[%add3A_558] : memref<1048576xi32, #tpu.memory_space<hbm>> -> memref<2048xi32, #tpu.memory_space<hbm>>
      tpu.enqueue_dma source(%dma_start3A_560 : memref<2048xi32, #tpu.memory_space<hbm>>) target(%arg10 : memref<2048xi32, #tpu.memory_space<vmem>>) target_semaphore(%arg19 : memref<!tpu.dma_semaphore, #tpu.memory_space<semaphore_mem>>)
      %mul3A_561 = arith.constant 8 : i32
      %mul3A_562 = arith.muli %mul3A_561, %select_n3A : i32
      %dma_start3A_563 = tpu.memref_slice %arg5[%mul3A_562, %add3A_558] : memref<64x1048576xf32, #tpu.memory_space<hbm>> -> memref<8x2048xf32, #tpu.memory_space<hbm>>
      %dma_start3A_564 = tpu.memref_slice %arg5[%mul3A_562, %add3A_558] : memref<64x1048576xf32, #tpu.memory_space<hbm>> -> memref<8x2048xf32, #tpu.memory_space<hbm>>
      tpu.enqueue_dma source(%dma_start3A_564 : memref<8x2048xf32, #tpu.memory_space<hbm>>) target(%arg13 : memref<8x2048xf32, #tpu.memory_space<vmem>>) target_semaphore(%arg19 : memref<!tpu.dma_semaphore, #tpu.memory_space<semaphore_mem>>)
      %gt3A_565 = arith.constant 0 : i32
      %gt3A_566 = arith.cmpi sgt, %scan3A_520, %gt3A_565 : i32
      %convert_element_type3A_567 = arith.extui %gt3A_566 : i1 to i32
      %cond3A_568 = arith.constant 0 : i32
      %cond3A_569 = arith.cmpi ne, %convert_element_type3A_567, %cond3A_568 : i32
      scf.if %cond3A_569 {
        %dma_wait3A_654 = arith.constant 0 : i32
        %dma_wait3A_655 = arith.constant 0 : i32
        %dma_wait3A_656 = tpu.memref_slice %arg6[%dma_wait3A_654, %dma_wait3A_655] : memref<64x1048576xf32, #tpu.memory_space<hbm>> -> memref<8x2048xf32, #tpu.memory_space<hbm>>
        %dma_wait3A_657 = arith.constant 0 : i32
        %dma_wait3A_658 = arith.constant 0 : i32
        %dma_wait3A_659 = tpu.memref_slice %arg6[%dma_wait3A_657, %dma_wait3A_658] : memref<64x1048576xf32, #tpu.memory_space<hbm>> -> memref<8x2048xf32, #tpu.memory_space<hbm>>
        tpu.wait_dma2 semaphore(%arg23 : memref<!tpu.dma_semaphore, #tpu.memory_space<semaphore_mem>>) src(%arg17 : memref<8x2048xf32, #tpu.memory_space<vmem>>) dst(%dma_wait3A_659 : memref<8x2048xf32, #tpu.memory_space<hbm>>)
      } else {
      }
      %dma_wait3A_570 = arith.constant 0 : i32
      %dma_wait3A_571 = tpu.memref_slice %arg4[%dma_wait3A_570] : memref<1048576xi32, #tpu.memory_space<hbm>> -> memref<2048xi32, #tpu.memory_space<hbm>>
      %dma_wait3A_572 = arith.constant 0 : i32
      %dma_wait3A_573 = tpu.memref_slice %arg4[%dma_wait3A_572] : memref<1048576xi32, #tpu.memory_space<hbm>> -> memref<2048xi32, #tpu.memory_space<hbm>>
      tpu.wait_dma2 semaphore(%arg20 : memref<!tpu.dma_semaphore, #tpu.memory_space<semaphore_mem>>) src(%dma_wait3A_573 : memref<2048xi32, #tpu.memory_space<hbm>>) dst(%arg11 : memref<2048xi32, #tpu.memory_space<vmem>>)
      %dma_wait3A_574 = arith.constant 0 : i32
      %dma_wait3A_575 = arith.constant 0 : i32
      %dma_wait3A_576 = tpu.memref_slice %arg5[%dma_wait3A_574, %dma_wait3A_575] : memref<64x1048576xf32, #tpu.memory_space<hbm>> -> memref<8x2048xf32, #tpu.memory_space<hbm>>
      %dma_wait3A_577 = arith.constant 0 : i32
      %dma_wait3A_578 = arith.constant 0 : i32
      %dma_wait3A_579 = tpu.memref_slice %arg5[%dma_wait3A_577, %dma_wait3A_578] : memref<64x1048576xf32, #tpu.memory_space<hbm>> -> memref<8x2048xf32, #tpu.memory_space<hbm>>
      tpu.wait_dma2 semaphore(%arg20 : memref<!tpu.dma_semaphore, #tpu.memory_space<semaphore_mem>>) src(%dma_wait3A_579 : memref<8x2048xf32, #tpu.memory_space<hbm>>) dst(%arg14 : memref<8x2048xf32, #tpu.memory_space<vmem>>)
      %parallel_loop3A_580 = arith.constant 0 : i32
      %parallel_loop3A_581 = arith.constant 128 : i32
      %parallel_loop3A_582 = arith.constant 1 : i32
      scf.for %parallel_loop3A_654 = %parallel_loop3A_580 to %parallel_loop3A_581 step %parallel_loop3A_582  : i32 {
        %parallel_loop3A_655 = arith.constant 16 : i32
        %parallel_loop3A_656 = arith.muli %parallel_loop3A_654, %parallel_loop3A_655 : i32
        %parallel_loop3A_657 = arith.index_cast %parallel_loop3A_656 : i32 to index
        %parallel_loop3A_658 = tpu.vector_load %arg11[%parallel_loop3A_657] {strides = array<i32>} : memref<2048xi32, #tpu.memory_space<vmem>>, vector<16xi32>,
        %parallel_loop3A_659 = arith.constant 1 : i32
        %parallel_loop3A_660 = vector.broadcast %parallel_loop3A_659 : i32 to vector<16xi32>
        %parallel_loop3A_661 = arith.cmpi eq, %parallel_loop3A_658, %parallel_loop3A_660 : vector<16xi32>
        %parallel_loop3A_662 = arith.constant 16 : i32
        %parallel_loop3A_663 = arith.muli %parallel_loop3A_654, %parallel_loop3A_662 : i32
        %parallel_loop3A_664 = arith.constant 0 : i32
        %parallel_loop3A_665 = arith.index_cast %parallel_loop3A_664 : i32 to index
        %parallel_loop3A_666 = arith.index_cast %parallel_loop3A_663 : i32 to index
        %parallel_loop3A_667 = tpu.vector_load %arg14[%parallel_loop3A_665, %parallel_loop3A_666] {strides = array<i32>} : memref<8x2048xf32, #tpu.memory_space<vmem>>, vector<16xf32>,
        %parallel_loop3A_668 = arith.select %parallel_loop3A_661, %gather3A_145, %gather3A : vector<16xi1>, vector<16xf32>
        %parallel_loop3A_669 = arith.select %parallel_loop3A_661, %gather3A_257, %gather3A_207 : vector<16xi1>, vector<16xf32>
        %parallel_loop3A_670 = arith.mulf %parallel_loop3A_667, %parallel_loop3A_669 : vector<16xf32>
        %parallel_loop3A_671 = arith.addf %parallel_loop3A_668, %parallel_loop3A_670 : vector<16xf32>
        %parallel_loop3A_672 = arith.constant 16 : i32
        %parallel_loop3A_673 = arith.muli %parallel_loop3A_654, %parallel_loop3A_672 : i32
        %parallel_loop3A_674 = arith.constant 0 : i32
        %parallel_loop3A_675 = arith.index_cast %parallel_loop3A_674 : i32 to index
        %parallel_loop3A_676 = arith.index_cast %parallel_loop3A_673 : i32 to index
        %parallel_loop3A_677 = tpu.vector_load %arg17[%parallel_loop3A_675, %parallel_loop3A_676] {strides = array<i32>} : memref<8x2048xf32, #tpu.memory_space<vmem>>, vector<16xf32>,
        tpu.vector_store %arg17[%parallel_loop3A_675, %parallel_loop3A_676], %parallel_loop3A_671 {strides = array<i32>} : memref<8x2048xf32, #tpu.memory_space<vmem>>, vector<16xf32>,
        %parallel_loop3A_678 = arith.constant 16 : i32
        %parallel_loop3A_679 = arith.muli %parallel_loop3A_654, %parallel_loop3A_678 : i32
        %parallel_loop3A_680 = arith.constant 1 : i32
        %parallel_loop3A_681 = arith.index_cast %parallel_loop3A_680 : i32 to index
        %parallel_loop3A_682 = arith.index_cast %parallel_loop3A_679 : i32 to index
        %parallel_loop3A_683 = tpu.vector_load %arg14[%parallel_loop3A_681, %parallel_loop3A_682] {strides = array<i32>} : memref<8x2048xf32, #tpu.memory_space<vmem>>, vector<16xf32>,
        %parallel_loop3A_684 = arith.select %parallel_loop3A_661, %gather3A_153, %gather3A_101 : vector<16xi1>, vector<16xf32>
        %parallel_loop3A_685 = arith.select %parallel_loop3A_661, %gather3A_265, %gather3A_213 : vector<16xi1>, vector<16xf32>
        %parallel_loop3A_686 = arith.mulf %parallel_loop3A_683, %parallel_loop3A_685 : vector<16xf32>
        %parallel_loop3A_687 = arith.addf %parallel_loop3A_684, %parallel_loop3A_686 : vector<16xf32>
        %parallel_loop3A_688 = arith.constant 16 : i32
        %parallel_loop3A_689 = arith.muli %parallel_loop3A_654, %parallel_loop3A_688 : i32
        %parallel_loop3A_690 = arith.constant 1 : i32
        %parallel_loop3A_691 = arith.index_cast %parallel_loop3A_690 : i32 to index
        %parallel_loop3A_692 = arith.index_cast %parallel_loop3A_689 : i32 to index
        %parallel_loop3A_693 = tpu.vector_load %arg17[%parallel_loop3A_691, %parallel_loop3A_692] {strides = array<i32>} : memref<8x2048xf32, #tpu.memory_space<vmem>>, vector<16xf32>,
        tpu.vector_store %arg17[%parallel_loop3A_691, %parallel_loop3A_692], %parallel_loop3A_687 {strides = array<i32>} : memref<8x2048xf32, #tpu.memory_space<vmem>>, vector<16xf32>,
        %parallel_loop3A_694 = arith.constant 16 : i32
        %parallel_loop3A_695 = arith.muli %parallel_loop3A_654, %parallel_loop3A_694 : i32
        %parallel_loop3A_696 = arith.constant 2 : i32
        %parallel_loop3A_697 = arith.index_cast %parallel_loop3A_696 : i32 to index
        %parallel_loop3A_698 = arith.index_cast %parallel_loop3A_695 : i32 to index
        %parallel_loop3A_699 = tpu.vector_load %arg14[%parallel_loop3A_697, %parallel_loop3A_698] {strides = array<i32>} : memref<8x2048xf32, #tpu.memory_space<vmem>>, vector<16xf32>,
        %parallel_loop3A_700 = arith.select %parallel_loop3A_661, %gather3A_161, %gather3A_107 : vector<16xi1>, vector<16xf32>
        %parallel_loop3A_701 = arith.select %parallel_loop3A_661, %gather3A_273, %gather3A_219 : vector<16xi1>, vector<16xf32>
        %parallel_loop3A_702 = arith.mulf %parallel_loop3A_699, %parallel_loop3A_701 : vector<16xf32>
        %parallel_loop3A_703 = arith.addf %parallel_loop3A_700, %parallel_loop3A_702 : vector<16xf32>
        %parallel_loop3A_704 = arith.constant 16 : i32
        %parallel_loop3A_705 = arith.muli %parallel_loop3A_654, %parallel_loop3A_704 : i32
        %parallel_loop3A_706 = arith.constant 2 : i32
        %parallel_loop3A_707 = arith.index_cast %parallel_loop3A_706 : i32 to index
        %parallel_loop3A_708 = arith.index_cast %parallel_loop3A_705 : i32 to index
        %parallel_loop3A_709 = tpu.vector_load %arg17[%parallel_loop3A_707, %parallel_loop3A_708] {strides = array<i32>} : memref<8x2048xf32, #tpu.memory_space<vmem>>, vector<16xf32>,
        tpu.vector_store %arg17[%parallel_loop3A_707, %parallel_loop3A_708], %parallel_loop3A_703 {strides = array<i32>} : memref<8x2048xf32, #tpu.memory_space<vmem>>, vector<16xf32>,
        %parallel_loop3A_710 = arith.constant 16 : i32
        %parallel_loop3A_711 = arith.muli %parallel_loop3A_654, %parallel_loop3A_710 : i32
        %parallel_loop3A_712 = arith.constant 3 : i32
        %parallel_loop3A_713 = arith.index_cast %parallel_loop3A_712 : i32 to index
        %parallel_loop3A_714 = arith.index_cast %parallel_loop3A_711 : i32 to index
        %parallel_loop3A_715 = tpu.vector_load %arg14[%parallel_loop3A_713, %parallel_loop3A_714] {strides = array<i32>} : memref<8x2048xf32, #tpu.memory_space<vmem>>, vector<16xf32>,
        %parallel_loop3A_716 = arith.select %parallel_loop3A_661, %gather3A_169, %gather3A_113 : vector<16xi1>, vector<16xf32>
        %parallel_loop3A_717 = arith.select %parallel_loop3A_661, %gather3A_281, %gather3A_225 : vector<16xi1>, vector<16xf32>
        %parallel_loop3A_718 = arith.mulf %parallel_loop3A_715, %parallel_loop3A_717 : vector<16xf32>
        %parallel_loop3A_719 = arith.addf %parallel_loop3A_716, %parallel_loop3A_718 : vector<16xf32>
        %parallel_loop3A_720 = arith.constant 16 : i32
        %parallel_loop3A_721 = arith.muli %parallel_loop3A_654, %parallel_loop3A_720 : i32
        %parallel_loop3A_722 = arith.constant 3 : i32
        %parallel_loop3A_723 = arith.index_cast %parallel_loop3A_722 : i32 to index
        %parallel_loop3A_724 = arith.index_cast %parallel_loop3A_721 : i32 to index
        %parallel_loop3A_725 = tpu.vector_load %arg17[%parallel_loop3A_723, %parallel_loop3A_724] {strides = array<i32>} : memref<8x2048xf32, #tpu.memory_space<vmem>>, vector<16xf32>,
        tpu.vector_store %arg17[%parallel_loop3A_723, %parallel_loop3A_724], %parallel_loop3A_719 {strides = array<i32>} : memref<8x2048xf32, #tpu.memory_space<vmem>>, vector<16xf32>,
        %parallel_loop3A_726 = arith.constant 16 : i32
        %parallel_loop3A_727 = arith.muli %parallel_loop3A_654, %parallel_loop3A_726 : i32
        %parallel_loop3A_728 = arith.constant 4 : i32
        %parallel_loop3A_729 = arith.index_cast %parallel_loop3A_728 : i32 to index
        %parallel_loop3A_730 = arith.index_cast %parallel_loop3A_727 : i32 to index
        %parallel_loop3A_731 = tpu.vector_load %arg14[%parallel_loop3A_729, %parallel_loop3A_730] {strides = array<i32>} : memref<8x2048xf32, #tpu.memory_space<vmem>>, vector<16xf32>,
        %parallel_loop3A_732 = arith.select %parallel_loop3A_661, %gather3A_177, %gather3A_119 : vector<16xi1>, vector<16xf32>
        %parallel_loop3A_733 = arith.select %parallel_loop3A_661, %gather3A_289, %gather3A_231 : vector<16xi1>, vector<16xf32>
        %parallel_loop3A_734 = arith.mulf %parallel_loop3A_731, %parallel_loop3A_733 : vector<16xf32>
        %parallel_loop3A_735 = arith.addf %parallel_loop3A_732, %parallel_loop3A_734 : vector<16xf32>
        %parallel_loop3A_736 = arith.constant 16 : i32
        %parallel_loop3A_737 = arith.muli %parallel_loop3A_654, %parallel_loop3A_736 : i32
        %parallel_loop3A_738 = arith.constant 4 : i32
        %parallel_loop3A_739 = arith.index_cast %parallel_loop3A_738 : i32 to index
        %parallel_loop3A_740 = arith.index_cast %parallel_loop3A_737 : i32 to index
        %parallel_loop3A_741 = tpu.vector_load %arg17[%parallel_loop3A_739, %parallel_loop3A_740] {strides = array<i32>} : memref<8x2048xf32, #tpu.memory_space<vmem>>, vector<16xf32>,
        tpu.vector_store %arg17[%parallel_loop3A_739, %parallel_loop3A_740], %parallel_loop3A_735 {strides = array<i32>} : memref<8x2048xf32, #tpu.memory_space<vmem>>, vector<16xf32>,
        %parallel_loop3A_742 = arith.constant 16 : i32
        %parallel_loop3A_743 = arith.muli %parallel_loop3A_654, %parallel_loop3A_742 : i32
        %parallel_loop3A_744 = arith.constant 5 : i32
        %parallel_loop3A_745 = arith.index_cast %parallel_loop3A_744 : i32 to index
        %parallel_loop3A_746 = arith.index_cast %parallel_loop3A_743 : i32 to index
        %parallel_loop3A_747 = tpu.vector_load %arg14[%parallel_loop3A_745, %parallel_loop3A_746] {strides = array<i32>} : memref<8x2048xf32, #tpu.memory_space<vmem>>, vector<16xf32>,
        %parallel_loop3A_748 = arith.select %parallel_loop3A_661, %gather3A_185, %gather3A_125 : vector<16xi1>, vector<16xf32>
        %parallel_loop3A_749 = arith.select %parallel_loop3A_661, %gather3A_297, %gather3A_237 : vector<16xi1>, vector<16xf32>
        %parallel_loop3A_750 = arith.mulf %parallel_loop3A_747, %parallel_loop3A_749 : vector<16xf32>
        %parallel_loop3A_751 = arith.addf %parallel_loop3A_748, %parallel_loop3A_750 : vector<16xf32>
        %parallel_loop3A_752 = arith.constant 16 : i32
        %parallel_loop3A_753 = arith.muli %parallel_loop3A_654, %parallel_loop3A_752 : i32
        %parallel_loop3A_754 = arith.constant 5 : i32
        %parallel_loop3A_755 = arith.index_cast %parallel_loop3A_754 : i32 to index
        %parallel_loop3A_756 = arith.index_cast %parallel_loop3A_753 : i32 to index
        %parallel_loop3A_757 = tpu.vector_load %arg17[%parallel_loop3A_755, %parallel_loop3A_756] {strides = array<i32>} : memref<8x2048xf32, #tpu.memory_space<vmem>>, vector<16xf32>,
        tpu.vector_store %arg17[%parallel_loop3A_755, %parallel_loop3A_756], %parallel_loop3A_751 {strides = array<i32>} : memref<8x2048xf32, #tpu.memory_space<vmem>>, vector<16xf32>,
        %parallel_loop3A_758 = arith.constant 16 : i32
        %parallel_loop3A_759 = arith.muli %parallel_loop3A_654, %parallel_loop3A_758 : i32
        %parallel_loop3A_760 = arith.constant 6 : i32
        %parallel_loop3A_761 = arith.index_cast %parallel_loop3A_760 : i32 to index
        %parallel_loop3A_762 = arith.index_cast %parallel_loop3A_759 : i32 to index
        %parallel_loop3A_763 = tpu.vector_load %arg14[%parallel_loop3A_761, %parallel_loop3A_762] {strides = array<i32>} : memref<8x2048xf32, #tpu.memory_space<vmem>>, vector<16xf32>,
        %parallel_loop3A_764 = arith.select %parallel_loop3A_661, %gather3A_193, %gather3A_131 : vector<16xi1>, vector<16xf32>
        %parallel_loop3A_765 = arith.select %parallel_loop3A_661, %gather3A_305, %gather3A_243 : vector<16xi1>, vector<16xf32>
        %parallel_loop3A_766 = arith.mulf %parallel_loop3A_763, %parallel_loop3A_765 : vector<16xf32>
        %parallel_loop3A_767 = arith.addf %parallel_loop3A_764, %parallel_loop3A_766 : vector<16xf32>
        %parallel_loop3A_768 = arith.constant 16 : i32
        %parallel_loop3A_769 = arith.muli %parallel_loop3A_654, %parallel_loop3A_768 : i32
        %parallel_loop3A_770 = arith.constant 6 : i32
        %parallel_loop3A_771 = arith.index_cast %parallel_loop3A_770 : i32 to index
        %parallel_loop3A_772 = arith.index_cast %parallel_loop3A_769 : i32 to index
        %parallel_loop3A_773 = tpu.vector_load %arg17[%parallel_loop3A_771, %parallel_loop3A_772] {strides = array<i32>} : memref<8x2048xf32, #tpu.memory_space<vmem>>, vector<16xf32>,
        tpu.vector_store %arg17[%parallel_loop3A_771, %parallel_loop3A_772], %parallel_loop3A_767 {strides = array<i32>} : memref<8x2048xf32, #tpu.memory_space<vmem>>, vector<16xf32>,
        %parallel_loop3A_774 = arith.constant 16 : i32
        %parallel_loop3A_775 = arith.muli %parallel_loop3A_654, %parallel_loop3A_774 : i32
        %parallel_loop3A_776 = arith.constant 7 : i32
        %parallel_loop3A_777 = arith.index_cast %parallel_loop3A_776 : i32 to index
        %parallel_loop3A_778 = arith.index_cast %parallel_loop3A_775 : i32 to index
        %parallel_loop3A_779 = tpu.vector_load %arg14[%parallel_loop3A_777, %parallel_loop3A_778] {strides = array<i32>} : memref<8x2048xf32, #tpu.memory_space<vmem>>, vector<16xf32>,
        %parallel_loop3A_780 = arith.select %parallel_loop3A_661, %gather3A_201, %gather3A_137 : vector<16xi1>, vector<16xf32>
        %parallel_loop3A_781 = arith.select %parallel_loop3A_661, %gather3A_313, %gather3A_249 : vector<16xi1>, vector<16xf32>
        %parallel_loop3A_782 = arith.mulf %parallel_loop3A_779, %parallel_loop3A_781 : vector<16xf32>
        %parallel_loop3A_783 = arith.addf %parallel_loop3A_780, %parallel_loop3A_782 : vector<16xf32>
        %parallel_loop3A_784 = arith.constant 16 : i32
        %parallel_loop3A_785 = arith.muli %parallel_loop3A_654, %parallel_loop3A_784 : i32
        %parallel_loop3A_786 = arith.constant 7 : i32
        %parallel_loop3A_787 = arith.index_cast %parallel_loop3A_786 : i32 to index
        %parallel_loop3A_788 = arith.index_cast %parallel_loop3A_785 : i32 to index
        %parallel_loop3A_789 = tpu.vector_load %arg17[%parallel_loop3A_787, %parallel_loop3A_788] {strides = array<i32>} : memref<8x2048xf32, #tpu.memory_space<vmem>>, vector<16xf32>,
        tpu.vector_store %arg17[%parallel_loop3A_787, %parallel_loop3A_788], %parallel_loop3A_783 {strides = array<i32>} : memref<8x2048xf32, #tpu.memory_space<vmem>>, vector<16xf32>,
      } {sc.loop_unroll_factor = 2 : i64, sc.parallel_access}
      %add3A_583 = arith.constant 1 : i32
      %add3A_584 = arith.addi %mul3A_523, %add3A_583 : i32
      %mul3A_585 = arith.constant 262144 : i32
      %mul3A_586 = arith.muli %select_n3A_30, %mul3A_585 : i32
      %mul3A_587 = arith.constant 2048 : i32
      %mul3A_588 = arith.muli %add3A_584, %mul3A_587 : i32
      %add3A_589 = arith.addi %mul3A_586, %mul3A_588 : i32
      %mul3A_590 = arith.constant 8 : i32
      %mul3A_591 = arith.muli %mul3A_590, %select_n3A : i32
      %dma_start3A_592 = tpu.memref_slice %arg6[%mul3A_591, %add3A_589] : memref<64x1048576xf32, #tpu.memory_space<hbm>> -> memref<8x2048xf32, #tpu.memory_space<hbm>>
      %dma_start3A_593 = tpu.memref_slice %arg6[%mul3A_591, %add3A_589] : memref<64x1048576xf32, #tpu.memory_space<hbm>> -> memref<8x2048xf32, #tpu.memory_space<hbm>>
      tpu.enqueue_dma source(%arg17 : memref<8x2048xf32, #tpu.memory_space<vmem>>) target(%dma_start3A_593 : memref<8x2048xf32, #tpu.memory_space<hbm>>) target_semaphore(%arg23 : memref<!tpu.dma_semaphore, #tpu.memory_space<semaphore_mem>>)
      %add3A_594 = arith.constant 1 : i32
      %add3A_595 = arith.addi %mul3A_523, %add3A_594 : i32
      %add3A_596 = arith.constant 3 : i32
      %add3A_597 = arith.addi %add3A_595, %add3A_596 : i32
      %mul3A_598 = arith.constant 262144 : i32
      %mul3A_599 = arith.muli %select_n3A_30, %mul3A_598 : i32
      %mul3A_600 = arith.constant 2048 : i32
      %mul3A_601 = arith.muli %add3A_597, %mul3A_600 : i32
      %add3A_602 = arith.addi %mul3A_599, %mul3A_601 : i32
      %dma_start3A_603 = tpu.memref_slice %arg4[%add3A_602] : memref<1048576xi32, #tpu.memory_space<hbm>> -> memref<2048xi32, #tpu.memory_space<hbm>>
      %dma_start3A_604 = tpu.memref_slice %arg4[%add3A_602] : memref<1048576xi32, #tpu.memory_space<hbm>> -> memref<2048xi32, #tpu.memory_space<hbm>>
      tpu.enqueue_dma source(%dma_start3A_604 : memref<2048xi32, #tpu.memory_space<hbm>>) target(%arg11 : memref<2048xi32, #tpu.memory_space<vmem>>) target_semaphore(%arg20 : memref<!tpu.dma_semaphore, #tpu.memory_space<semaphore_mem>>)
      %mul3A_605 = arith.constant 8 : i32
      %mul3A_606 = arith.muli %mul3A_605, %select_n3A : i32
      %dma_start3A_607 = tpu.memref_slice %arg5[%mul3A_606, %add3A_602] : memref<64x1048576xf32, #tpu.memory_space<hbm>> -> memref<8x2048xf32, #tpu.memory_space<hbm>>
      %dma_start3A_608 = tpu.memref_slice %arg5[%mul3A_606, %add3A_602] : memref<64x1048576xf32, #tpu.memory_space<hbm>> -> memref<8x2048xf32, #tpu.memory_space<hbm>>
      tpu.enqueue_dma source(%dma_start3A_608 : memref<8x2048xf32, #tpu.memory_space<hbm>>) target(%arg14 : memref<8x2048xf32, #tpu.memory_space<vmem>>) target_semaphore(%arg20 : memref<!tpu.dma_semaphore, #tpu.memory_space<semaphore_mem>>)
      %gt3A_609 = arith.constant 0 : i32
      %gt3A_610 = arith.cmpi sgt, %scan3A_520, %gt3A_609 : i32
      %convert_element_type3A_611 = arith.extui %gt3A_610 : i1 to i32
      %cond3A_612 = arith.constant 0 : i32
      %cond3A_613 = arith.cmpi ne, %convert_element_type3A_611, %cond3A_612 : i32
      scf.if %cond3A_613 {
        %dma_wait3A_654 = arith.constant 0 : i32
        %dma_wait3A_655 = arith.constant 0 : i32
        %dma_wait3A_656 = tpu.memref_slice %arg6[%dma_wait3A_654, %dma_wait3A_655] : memref<64x1048576xf32, #tpu.memory_space<hbm>> -> memref<8x2048xf32, #tpu.memory_space<hbm>>
        %dma_wait3A_657 = arith.constant 0 : i32
        %dma_wait3A_658 = arith.constant 0 : i32
        %dma_wait3A_659 = tpu.memref_slice %arg6[%dma_wait3A_657, %dma_wait3A_658] : memref<64x1048576xf32, #tpu.memory_space<hbm>> -> memref<8x2048xf32, #tpu.memory_space<hbm>>
        tpu.wait_dma2 semaphore(%arg24 : memref<!tpu.dma_semaphore, #tpu.memory_space<semaphore_mem>>) src(%arg18 : memref<8x2048xf32, #tpu.memory_space<vmem>>) dst(%dma_wait3A_659 : memref<8x2048xf32, #tpu.memory_space<hbm>>)
      } else {
      }
      %dma_wait3A_614 = arith.constant 0 : i32
      %dma_wait3A_615 = tpu.memref_slice %arg4[%dma_wait3A_614] : memref<1048576xi32, #tpu.memory_space<hbm>> -> memref<2048xi32, #tpu.memory_space<hbm>>
      %dma_wait3A_616 = arith.constant 0 : i32
      %dma_wait3A_617 = tpu.memref_slice %arg4[%dma_wait3A_616] : memref<1048576xi32, #tpu.memory_space<hbm>> -> memref<2048xi32, #tpu.memory_space<hbm>>
      tpu.wait_dma2 semaphore(%arg21 : memref<!tpu.dma_semaphore, #tpu.memory_space<semaphore_mem>>) src(%dma_wait3A_617 : memref<2048xi32, #tpu.memory_space<hbm>>) dst(%arg12 : memref<2048xi32, #tpu.memory_space<vmem>>)
      %dma_wait3A_618 = arith.constant 0 : i32
      %dma_wait3A_619 = arith.constant 0 : i32
      %dma_wait3A_620 = tpu.memref_slice %arg5[%dma_wait3A_618, %dma_wait3A_619] : memref<64x1048576xf32, #tpu.memory_space<hbm>> -> memref<8x2048xf32, #tpu.memory_space<hbm>>
      %dma_wait3A_621 = arith.constant 0 : i32
      %dma_wait3A_622 = arith.constant 0 : i32
      %dma_wait3A_623 = tpu.memref_slice %arg5[%dma_wait3A_621, %dma_wait3A_622] : memref<64x1048576xf32, #tpu.memory_space<hbm>> -> memref<8x2048xf32, #tpu.memory_space<hbm>>
      tpu.wait_dma2 semaphore(%arg21 : memref<!tpu.dma_semaphore, #tpu.memory_space<semaphore_mem>>) src(%dma_wait3A_623 : memref<8x2048xf32, #tpu.memory_space<hbm>>) dst(%arg15 : memref<8x2048xf32, #tpu.memory_space<vmem>>)
      %parallel_loop3A_624 = arith.constant 0 : i32
      %parallel_loop3A_625 = arith.constant 128 : i32
      %parallel_loop3A_626 = arith.constant 1 : i32
      scf.for %parallel_loop3A_654 = %parallel_loop3A_624 to %parallel_loop3A_625 step %parallel_loop3A_626  : i32 {
        %parallel_loop3A_655 = arith.constant 16 : i32
        %parallel_loop3A_656 = arith.muli %parallel_loop3A_654, %parallel_loop3A_655 : i32
        %parallel_loop3A_657 = arith.index_cast %parallel_loop3A_656 : i32 to index
        %parallel_loop3A_658 = tpu.vector_load %arg12[%parallel_loop3A_657] {strides = array<i32>} : memref<2048xi32, #tpu.memory_space<vmem>>, vector<16xi32>,
        %parallel_loop3A_659 = arith.constant 1 : i32
        %parallel_loop3A_660 = vector.broadcast %parallel_loop3A_659 : i32 to vector<16xi32>
        %parallel_loop3A_661 = arith.cmpi eq, %parallel_loop3A_658, %parallel_loop3A_660 : vector<16xi32>
        %parallel_loop3A_662 = arith.constant 16 : i32
        %parallel_loop3A_663 = arith.muli %parallel_loop3A_654, %parallel_loop3A_662 : i32
        %parallel_loop3A_664 = arith.constant 0 : i32
        %parallel_loop3A_665 = arith.index_cast %parallel_loop3A_664 : i32 to index
        %parallel_loop3A_666 = arith.index_cast %parallel_loop3A_663 : i32 to index
        %parallel_loop3A_667 = tpu.vector_load %arg15[%parallel_loop3A_665, %parallel_loop3A_666] {strides = array<i32>} : memref<8x2048xf32, #tpu.memory_space<vmem>>, vector<16xf32>,
        %parallel_loop3A_668 = arith.select %parallel_loop3A_661, %gather3A_145, %gather3A : vector<16xi1>, vector<16xf32>
        %parallel_loop3A_669 = arith.select %parallel_loop3A_661, %gather3A_257, %gather3A_207 : vector<16xi1>, vector<16xf32>
        %parallel_loop3A_670 = arith.mulf %parallel_loop3A_667, %parallel_loop3A_669 : vector<16xf32>
        %parallel_loop3A_671 = arith.addf %parallel_loop3A_668, %parallel_loop3A_670 : vector<16xf32>
        %parallel_loop3A_672 = arith.constant 16 : i32
        %parallel_loop3A_673 = arith.muli %parallel_loop3A_654, %parallel_loop3A_672 : i32
        %parallel_loop3A_674 = arith.constant 0 : i32
        %parallel_loop3A_675 = arith.index_cast %parallel_loop3A_674 : i32 to index
        %parallel_loop3A_676 = arith.index_cast %parallel_loop3A_673 : i32 to index
        %parallel_loop3A_677 = tpu.vector_load %arg18[%parallel_loop3A_675, %parallel_loop3A_676] {strides = array<i32>} : memref<8x2048xf32, #tpu.memory_space<vmem>>, vector<16xf32>,
        tpu.vector_store %arg18[%parallel_loop3A_675, %parallel_loop3A_676], %parallel_loop3A_671 {strides = array<i32>} : memref<8x2048xf32, #tpu.memory_space<vmem>>, vector<16xf32>,
        %parallel_loop3A_678 = arith.constant 16 : i32
        %parallel_loop3A_679 = arith.muli %parallel_loop3A_654, %parallel_loop3A_678 : i32
        %parallel_loop3A_680 = arith.constant 1 : i32
        %parallel_loop3A_681 = arith.index_cast %parallel_loop3A_680 : i32 to index
        %parallel_loop3A_682 = arith.index_cast %parallel_loop3A_679 : i32 to index
        %parallel_loop3A_683 = tpu.vector_load %arg15[%parallel_loop3A_681, %parallel_loop3A_682] {strides = array<i32>} : memref<8x2048xf32, #tpu.memory_space<vmem>>, vector<16xf32>,
        %parallel_loop3A_684 = arith.select %parallel_loop3A_661, %gather3A_153, %gather3A_101 : vector<16xi1>, vector<16xf32>
        %parallel_loop3A_685 = arith.select %parallel_loop3A_661, %gather3A_265, %gather3A_213 : vector<16xi1>, vector<16xf32>
        %parallel_loop3A_686 = arith.mulf %parallel_loop3A_683, %parallel_loop3A_685 : vector<16xf32>
        %parallel_loop3A_687 = arith.addf %parallel_loop3A_684, %parallel_loop3A_686 : vector<16xf32>
        %parallel_loop3A_688 = arith.constant 16 : i32
        %parallel_loop3A_689 = arith.muli %parallel_loop3A_654, %parallel_loop3A_688 : i32
        %parallel_loop3A_690 = arith.constant 1 : i32
        %parallel_loop3A_691 = arith.index_cast %parallel_loop3A_690 : i32 to index
        %parallel_loop3A_692 = arith.index_cast %parallel_loop3A_689 : i32 to index
        %parallel_loop3A_693 = tpu.vector_load %arg18[%parallel_loop3A_691, %parallel_loop3A_692] {strides = array<i32>} : memref<8x2048xf32, #tpu.memory_space<vmem>>, vector<16xf32>,
        tpu.vector_store %arg18[%parallel_loop3A_691, %parallel_loop3A_692], %parallel_loop3A_687 {strides = array<i32>} : memref<8x2048xf32, #tpu.memory_space<vmem>>, vector<16xf32>,
        %parallel_loop3A_694 = arith.constant 16 : i32
        %parallel_loop3A_695 = arith.muli %parallel_loop3A_654, %parallel_loop3A_694 : i32
        %parallel_loop3A_696 = arith.constant 2 : i32
        %parallel_loop3A_697 = arith.index_cast %parallel_loop3A_696 : i32 to index
        %parallel_loop3A_698 = arith.index_cast %parallel_loop3A_695 : i32 to index
        %parallel_loop3A_699 = tpu.vector_load %arg15[%parallel_loop3A_697, %parallel_loop3A_698] {strides = array<i32>} : memref<8x2048xf32, #tpu.memory_space<vmem>>, vector<16xf32>,
        %parallel_loop3A_700 = arith.select %parallel_loop3A_661, %gather3A_161, %gather3A_107 : vector<16xi1>, vector<16xf32>
        %parallel_loop3A_701 = arith.select %parallel_loop3A_661, %gather3A_273, %gather3A_219 : vector<16xi1>, vector<16xf32>
        %parallel_loop3A_702 = arith.mulf %parallel_loop3A_699, %parallel_loop3A_701 : vector<16xf32>
        %parallel_loop3A_703 = arith.addf %parallel_loop3A_700, %parallel_loop3A_702 : vector<16xf32>
        %parallel_loop3A_704 = arith.constant 16 : i32
        %parallel_loop3A_705 = arith.muli %parallel_loop3A_654, %parallel_loop3A_704 : i32
        %parallel_loop3A_706 = arith.constant 2 : i32
        %parallel_loop3A_707 = arith.index_cast %parallel_loop3A_706 : i32 to index
        %parallel_loop3A_708 = arith.index_cast %parallel_loop3A_705 : i32 to index
        %parallel_loop3A_709 = tpu.vector_load %arg18[%parallel_loop3A_707, %parallel_loop3A_708] {strides = array<i32>} : memref<8x2048xf32, #tpu.memory_space<vmem>>, vector<16xf32>,
        tpu.vector_store %arg18[%parallel_loop3A_707, %parallel_loop3A_708], %parallel_loop3A_703 {strides = array<i32>} : memref<8x2048xf32, #tpu.memory_space<vmem>>, vector<16xf32>,
        %parallel_loop3A_710 = arith.constant 16 : i32
        %parallel_loop3A_711 = arith.muli %parallel_loop3A_654, %parallel_loop3A_710 : i32
        %parallel_loop3A_712 = arith.constant 3 : i32
        %parallel_loop3A_713 = arith.index_cast %parallel_loop3A_712 : i32 to index
        %parallel_loop3A_714 = arith.index_cast %parallel_loop3A_711 : i32 to index
        %parallel_loop3A_715 = tpu.vector_load %arg15[%parallel_loop3A_713, %parallel_loop3A_714] {strides = array<i32>} : memref<8x2048xf32, #tpu.memory_space<vmem>>, vector<16xf32>,
        %parallel_loop3A_716 = arith.select %parallel_loop3A_661, %gather3A_169, %gather3A_113 : vector<16xi1>, vector<16xf32>
        %parallel_loop3A_717 = arith.select %parallel_loop3A_661, %gather3A_281, %gather3A_225 : vector<16xi1>, vector<16xf32>
        %parallel_loop3A_718 = arith.mulf %parallel_loop3A_715, %parallel_loop3A_717 : vector<16xf32>
        %parallel_loop3A_719 = arith.addf %parallel_loop3A_716, %parallel_loop3A_718 : vector<16xf32>
        %parallel_loop3A_720 = arith.constant 16 : i32
        %parallel_loop3A_721 = arith.muli %parallel_loop3A_654, %parallel_loop3A_720 : i32
        %parallel_loop3A_722 = arith.constant 3 : i32
        %parallel_loop3A_723 = arith.index_cast %parallel_loop3A_722 : i32 to index
        %parallel_loop3A_724 = arith.index_cast %parallel_loop3A_721 : i32 to index
        %parallel_loop3A_725 = tpu.vector_load %arg18[%parallel_loop3A_723, %parallel_loop3A_724] {strides = array<i32>} : memref<8x2048xf32, #tpu.memory_space<vmem>>, vector<16xf32>,
        tpu.vector_store %arg18[%parallel_loop3A_723, %parallel_loop3A_724], %parallel_loop3A_719 {strides = array<i32>} : memref<8x2048xf32, #tpu.memory_space<vmem>>, vector<16xf32>,
        %parallel_loop3A_726 = arith.constant 16 : i32
        %parallel_loop3A_727 = arith.muli %parallel_loop3A_654, %parallel_loop3A_726 : i32
        %parallel_loop3A_728 = arith.constant 4 : i32
        %parallel_loop3A_729 = arith.index_cast %parallel_loop3A_728 : i32 to index
        %parallel_loop3A_730 = arith.index_cast %parallel_loop3A_727 : i32 to index
        %parallel_loop3A_731 = tpu.vector_load %arg15[%parallel_loop3A_729, %parallel_loop3A_730] {strides = array<i32>} : memref<8x2048xf32, #tpu.memory_space<vmem>>, vector<16xf32>,
        %parallel_loop3A_732 = arith.select %parallel_loop3A_661, %gather3A_177, %gather3A_119 : vector<16xi1>, vector<16xf32>
        %parallel_loop3A_733 = arith.select %parallel_loop3A_661, %gather3A_289, %gather3A_231 : vector<16xi1>, vector<16xf32>
        %parallel_loop3A_734 = arith.mulf %parallel_loop3A_731, %parallel_loop3A_733 : vector<16xf32>
        %parallel_loop3A_735 = arith.addf %parallel_loop3A_732, %parallel_loop3A_734 : vector<16xf32>
        %parallel_loop3A_736 = arith.constant 16 : i32
        %parallel_loop3A_737 = arith.muli %parallel_loop3A_654, %parallel_loop3A_736 : i32
        %parallel_loop3A_738 = arith.constant 4 : i32
        %parallel_loop3A_739 = arith.index_cast %parallel_loop3A_738 : i32 to index
        %parallel_loop3A_740 = arith.index_cast %parallel_loop3A_737 : i32 to index
        %parallel_loop3A_741 = tpu.vector_load %arg18[%parallel_loop3A_739, %parallel_loop3A_740] {strides = array<i32>} : memref<8x2048xf32, #tpu.memory_space<vmem>>, vector<16xf32>,
        tpu.vector_store %arg18[%parallel_loop3A_739, %parallel_loop3A_740], %parallel_loop3A_735 {strides = array<i32>} : memref<8x2048xf32, #tpu.memory_space<vmem>>, vector<16xf32>,
        %parallel_loop3A_742 = arith.constant 16 : i32
        %parallel_loop3A_743 = arith.muli %parallel_loop3A_654, %parallel_loop3A_742 : i32
        %parallel_loop3A_744 = arith.constant 5 : i32
        %parallel_loop3A_745 = arith.index_cast %parallel_loop3A_744 : i32 to index
        %parallel_loop3A_746 = arith.index_cast %parallel_loop3A_743 : i32 to index
        %parallel_loop3A_747 = tpu.vector_load %arg15[%parallel_loop3A_745, %parallel_loop3A_746] {strides = array<i32>} : memref<8x2048xf32, #tpu.memory_space<vmem>>, vector<16xf32>,
        %parallel_loop3A_748 = arith.select %parallel_loop3A_661, %gather3A_185, %gather3A_125 : vector<16xi1>, vector<16xf32>
        %parallel_loop3A_749 = arith.select %parallel_loop3A_661, %gather3A_297, %gather3A_237 : vector<16xi1>, vector<16xf32>
        %parallel_loop3A_750 = arith.mulf %parallel_loop3A_747, %parallel_loop3A_749 : vector<16xf32>
        %parallel_loop3A_751 = arith.addf %parallel_loop3A_748, %parallel_loop3A_750 : vector<16xf32>
        %parallel_loop3A_752 = arith.constant 16 : i32
        %parallel_loop3A_753 = arith.muli %parallel_loop3A_654, %parallel_loop3A_752 : i32
        %parallel_loop3A_754 = arith.constant 5 : i32
        %parallel_loop3A_755 = arith.index_cast %parallel_loop3A_754 : i32 to index
        %parallel_loop3A_756 = arith.index_cast %parallel_loop3A_753 : i32 to index
        %parallel_loop3A_757 = tpu.vector_load %arg18[%parallel_loop3A_755, %parallel_loop3A_756] {strides = array<i32>} : memref<8x2048xf32, #tpu.memory_space<vmem>>, vector<16xf32>,
        tpu.vector_store %arg18[%parallel_loop3A_755, %parallel_loop3A_756], %parallel_loop3A_751 {strides = array<i32>} : memref<8x2048xf32, #tpu.memory_space<vmem>>, vector<16xf32>,
        %parallel_loop3A_758 = arith.constant 16 : i32
        %parallel_loop3A_759 = arith.muli %parallel_loop3A_654, %parallel_loop3A_758 : i32
        %parallel_loop3A_760 = arith.constant 6 : i32
        %parallel_loop3A_761 = arith.index_cast %parallel_loop3A_760 : i32 to index
        %parallel_loop3A_762 = arith.index_cast %parallel_loop3A_759 : i32 to index
        %parallel_loop3A_763 = tpu.vector_load %arg15[%parallel_loop3A_761, %parallel_loop3A_762] {strides = array<i32>} : memref<8x2048xf32, #tpu.memory_space<vmem>>, vector<16xf32>,
        %parallel_loop3A_764 = arith.select %parallel_loop3A_661, %gather3A_193, %gather3A_131 : vector<16xi1>, vector<16xf32>
        %parallel_loop3A_765 = arith.select %parallel_loop3A_661, %gather3A_305, %gather3A_243 : vector<16xi1>, vector<16xf32>
        %parallel_loop3A_766 = arith.mulf %parallel_loop3A_763, %parallel_loop3A_765 : vector<16xf32>
        %parallel_loop3A_767 = arith.addf %parallel_loop3A_764, %parallel_loop3A_766 : vector<16xf32>
        %parallel_loop3A_768 = arith.constant 16 : i32
        %parallel_loop3A_769 = arith.muli %parallel_loop3A_654, %parallel_loop3A_768 : i32
        %parallel_loop3A_770 = arith.constant 6 : i32
        %parallel_loop3A_771 = arith.index_cast %parallel_loop3A_770 : i32 to index
        %parallel_loop3A_772 = arith.index_cast %parallel_loop3A_769 : i32 to index
        %parallel_loop3A_773 = tpu.vector_load %arg18[%parallel_loop3A_771, %parallel_loop3A_772] {strides = array<i32>} : memref<8x2048xf32, #tpu.memory_space<vmem>>, vector<16xf32>,
        tpu.vector_store %arg18[%parallel_loop3A_771, %parallel_loop3A_772], %parallel_loop3A_767 {strides = array<i32>} : memref<8x2048xf32, #tpu.memory_space<vmem>>, vector<16xf32>,
        %parallel_loop3A_774 = arith.constant 16 : i32
        %parallel_loop3A_775 = arith.muli %parallel_loop3A_654, %parallel_loop3A_774 : i32
        %parallel_loop3A_776 = arith.constant 7 : i32
        %parallel_loop3A_777 = arith.index_cast %parallel_loop3A_776 : i32 to index
        %parallel_loop3A_778 = arith.index_cast %parallel_loop3A_775 : i32 to index
        %parallel_loop3A_779 = tpu.vector_load %arg15[%parallel_loop3A_777, %parallel_loop3A_778] {strides = array<i32>} : memref<8x2048xf32, #tpu.memory_space<vmem>>, vector<16xf32>,
        %parallel_loop3A_780 = arith.select %parallel_loop3A_661, %gather3A_201, %gather3A_137 : vector<16xi1>, vector<16xf32>
        %parallel_loop3A_781 = arith.select %parallel_loop3A_661, %gather3A_313, %gather3A_249 : vector<16xi1>, vector<16xf32>
        %parallel_loop3A_782 = arith.mulf %parallel_loop3A_779, %parallel_loop3A_781 : vector<16xf32>
        %parallel_loop3A_783 = arith.addf %parallel_loop3A_780, %parallel_loop3A_782 : vector<16xf32>
        %parallel_loop3A_784 = arith.constant 16 : i32
        %parallel_loop3A_785 = arith.muli %parallel_loop3A_654, %parallel_loop3A_784 : i32
        %parallel_loop3A_786 = arith.constant 7 : i32
        %parallel_loop3A_787 = arith.index_cast %parallel_loop3A_786 : i32 to index
        %parallel_loop3A_788 = arith.index_cast %parallel_loop3A_785 : i32 to index
        %parallel_loop3A_789 = tpu.vector_load %arg18[%parallel_loop3A_787, %parallel_loop3A_788] {strides = array<i32>} : memref<8x2048xf32, #tpu.memory_space<vmem>>, vector<16xf32>,
        tpu.vector_store %arg18[%parallel_loop3A_787, %parallel_loop3A_788], %parallel_loop3A_783 {strides = array<i32>} : memref<8x2048xf32, #tpu.memory_space<vmem>>, vector<16xf32>,
      } {sc.loop_unroll_factor = 2 : i64, sc.parallel_access}
      %add3A_627 = arith.constant 2 : i32
      %add3A_628 = arith.addi %mul3A_523, %add3A_627 : i32
      %mul3A_629 = arith.constant 262144 : i32
      %mul3A_630 = arith.muli %select_n3A_30, %mul3A_629 : i32
      %mul3A_631 = arith.constant 2048 : i32
      %mul3A_632 = arith.muli %add3A_628, %mul3A_631 : i32
      %add3A_633 = arith.addi %mul3A_630, %mul3A_632 : i32
      %mul3A_634 = arith.constant 8 : i32
      %mul3A_635 = arith.muli %mul3A_634, %select_n3A : i32
      %dma_start3A_636 = tpu.memref_slice %arg6[%mul3A_635, %add3A_633] : memref<64x1048576xf32, #tpu.memory_space<hbm>> -> memref<8x2048xf32, #tpu.memory_space<hbm>>
      %dma_start3A_637 = tpu.memref_slice %arg6[%mul3A_635, %add3A_633] : memref<64x1048576xf32, #tpu.memory_space<hbm>> -> memref<8x2048xf32, #tpu.memory_space<hbm>>
      tpu.enqueue_dma source(%arg18 : memref<8x2048xf32, #tpu.memory_space<vmem>>) target(%dma_start3A_637 : memref<8x2048xf32, #tpu.memory_space<hbm>>) target_semaphore(%arg24 : memref<!tpu.dma_semaphore, #tpu.memory_space<semaphore_mem>>)
      %add3A_638 = arith.constant 2 : i32
      %add3A_639 = arith.addi %mul3A_523, %add3A_638 : i32
      %add3A_640 = arith.constant 3 : i32
      %add3A_641 = arith.addi %add3A_639, %add3A_640 : i32
      %mul3A_642 = arith.constant 262144 : i32
      %mul3A_643 = arith.muli %select_n3A_30, %mul3A_642 : i32
      %mul3A_644 = arith.constant 2048 : i32
      %mul3A_645 = arith.muli %add3A_641, %mul3A_644 : i32
      %add3A_646 = arith.addi %mul3A_643, %mul3A_645 : i32
      %dma_start3A_647 = tpu.memref_slice %arg4[%add3A_646] : memref<1048576xi32, #tpu.memory_space<hbm>> -> memref<2048xi32, #tpu.memory_space<hbm>>
      %dma_start3A_648 = tpu.memref_slice %arg4[%add3A_646] : memref<1048576xi32, #tpu.memory_space<hbm>> -> memref<2048xi32, #tpu.memory_space<hbm>>
      tpu.enqueue_dma source(%dma_start3A_648 : memref<2048xi32, #tpu.memory_space<hbm>>) target(%arg12 : memref<2048xi32, #tpu.memory_space<vmem>>) target_semaphore(%arg21 : memref<!tpu.dma_semaphore, #tpu.memory_space<semaphore_mem>>)
      %mul3A_649 = arith.constant 8 : i32
      %mul3A_650 = arith.muli %mul3A_649, %select_n3A : i32
      %dma_start3A_651 = tpu.memref_slice %arg5[%mul3A_650, %add3A_646] : memref<64x1048576xf32, #tpu.memory_space<hbm>> -> memref<8x2048xf32, #tpu.memory_space<hbm>>
      %dma_start3A_652 = tpu.memref_slice %arg5[%mul3A_650, %add3A_646] : memref<64x1048576xf32, #tpu.memory_space<hbm>> -> memref<8x2048xf32, #tpu.memory_space<hbm>>
      tpu.enqueue_dma source(%dma_start3A_652 : memref<8x2048xf32, #tpu.memory_space<hbm>>) target(%arg15 : memref<8x2048xf32, #tpu.memory_space<vmem>>) target_semaphore(%arg21 : memref<!tpu.dma_semaphore, #tpu.memory_space<semaphore_mem>>)
      %scan3A_653 = arith.constant 0 : i32
      scf.yield %scan3A_653 : i32
    }
    %scan3A_348 = arith.constant 41 : i32
    %dma_wait3A = arith.constant 0 : i32
    %dma_wait3A_349 = arith.constant 0 : i32
    %dma_wait3A_350 = tpu.memref_slice %arg6[%dma_wait3A, %dma_wait3A_349] : memref<64x1048576xf32, #tpu.memory_space<hbm>> -> memref<8x2048xf32, #tpu.memory_space<hbm>>
    %dma_wait3A_351 = arith.constant 0 : i32
    %dma_wait3A_352 = arith.constant 0 : i32
    %dma_wait3A_353 = tpu.memref_slice %arg6[%dma_wait3A_351, %dma_wait3A_352] : memref<64x1048576xf32, #tpu.memory_space<hbm>> -> memref<8x2048xf32, #tpu.memory_space<hbm>>
    tpu.wait_dma2 semaphore(%arg22 : memref<!tpu.dma_semaphore, #tpu.memory_space<semaphore_mem>>) src(%arg16 : memref<8x2048xf32, #tpu.memory_space<vmem>>) dst(%dma_wait3A_353 : memref<8x2048xf32, #tpu.memory_space<hbm>>)
    %dma_wait3A_354 = arith.constant 0 : i32
    %dma_wait3A_355 = tpu.memref_slice %arg4[%dma_wait3A_354] : memref<1048576xi32, #tpu.memory_space<hbm>> -> memref<2048xi32, #tpu.memory_space<hbm>>
    %dma_wait3A_356 = arith.constant 0 : i32
    %dma_wait3A_357 = tpu.memref_slice %arg4[%dma_wait3A_356] : memref<1048576xi32, #tpu.memory_space<hbm>> -> memref<2048xi32, #tpu.memory_space<hbm>>
    tpu.wait_dma2 semaphore(%arg19 : memref<!tpu.dma_semaphore, #tpu.memory_space<semaphore_mem>>) src(%dma_wait3A_357 : memref<2048xi32, #tpu.memory_space<hbm>>) dst(%arg10 : memref<2048xi32, #tpu.memory_space<vmem>>)
    %dma_wait3A_358 = arith.constant 0 : i32
    %dma_wait3A_359 = arith.constant 0 : i32
    %dma_wait3A_360 = tpu.memref_slice %arg5[%dma_wait3A_358, %dma_wait3A_359] : memref<64x1048576xf32, #tpu.memory_space<hbm>> -> memref<8x2048xf32, #tpu.memory_space<hbm>>
    %dma_wait3A_361 = arith.constant 0 : i32
    %dma_wait3A_362 = arith.constant 0 : i32
    %dma_wait3A_363 = tpu.memref_slice %arg5[%dma_wait3A_361, %dma_wait3A_362] : memref<64x1048576xf32, #tpu.memory_space<hbm>> -> memref<8x2048xf32, #tpu.memory_space<hbm>>
    tpu.wait_dma2 semaphore(%arg19 : memref<!tpu.dma_semaphore, #tpu.memory_space<semaphore_mem>>) src(%dma_wait3A_363 : memref<8x2048xf32, #tpu.memory_space<hbm>>) dst(%arg13 : memref<8x2048xf32, #tpu.memory_space<vmem>>)
    %parallel_loop3A = arith.constant 0 : i32
    %parallel_loop3A_364 = arith.constant 128 : i32
    %parallel_loop3A_365 = arith.constant 1 : i32
    scf.for %parallel_loop3A_520 = %parallel_loop3A to %parallel_loop3A_364 step %parallel_loop3A_365  : i32 {
      %parallel_loop3A_521 = arith.constant 16 : i32
      %parallel_loop3A_522 = arith.muli %parallel_loop3A_520, %parallel_loop3A_521 : i32
      %parallel_loop3A_523 = arith.index_cast %parallel_loop3A_522 : i32 to index
      %parallel_loop3A_524 = tpu.vector_load %arg10[%parallel_loop3A_523] {strides = array<i32>} : memref<2048xi32, #tpu.memory_space<vmem>>, vector<16xi32>,
      %parallel_loop3A_525 = arith.constant 1 : i32
      %parallel_loop3A_526 = vector.broadcast %parallel_loop3A_525 : i32 to vector<16xi32>
      %parallel_loop3A_527 = arith.cmpi eq, %parallel_loop3A_524, %parallel_loop3A_526 : vector<16xi32>
      %parallel_loop3A_528 = arith.constant 16 : i32
      %parallel_loop3A_529 = arith.muli %parallel_loop3A_520, %parallel_loop3A_528 : i32
      %parallel_loop3A_530 = arith.constant 0 : i32
      %parallel_loop3A_531 = arith.index_cast %parallel_loop3A_530 : i32 to index
      %parallel_loop3A_532 = arith.index_cast %parallel_loop3A_529 : i32 to index
      %parallel_loop3A_533 = tpu.vector_load %arg13[%parallel_loop3A_531, %parallel_loop3A_532] {strides = array<i32>} : memref<8x2048xf32, #tpu.memory_space<vmem>>, vector<16xf32>,
      %parallel_loop3A_534 = arith.select %parallel_loop3A_527, %gather3A_145, %gather3A : vector<16xi1>, vector<16xf32>
      %parallel_loop3A_535 = arith.select %parallel_loop3A_527, %gather3A_257, %gather3A_207 : vector<16xi1>, vector<16xf32>
      %parallel_loop3A_536 = arith.mulf %parallel_loop3A_533, %parallel_loop3A_535 : vector<16xf32>
      %parallel_loop3A_537 = arith.addf %parallel_loop3A_534, %parallel_loop3A_536 : vector<16xf32>
      %parallel_loop3A_538 = arith.constant 16 : i32
      %parallel_loop3A_539 = arith.muli %parallel_loop3A_520, %parallel_loop3A_538 : i32
      %parallel_loop3A_540 = arith.constant 0 : i32
      %parallel_loop3A_541 = arith.index_cast %parallel_loop3A_540 : i32 to index
      %parallel_loop3A_542 = arith.index_cast %parallel_loop3A_539 : i32 to index
      %parallel_loop3A_543 = tpu.vector_load %arg16[%parallel_loop3A_541, %parallel_loop3A_542] {strides = array<i32>} : memref<8x2048xf32, #tpu.memory_space<vmem>>, vector<16xf32>,
      tpu.vector_store %arg16[%parallel_loop3A_541, %parallel_loop3A_542], %parallel_loop3A_537 {strides = array<i32>} : memref<8x2048xf32, #tpu.memory_space<vmem>>, vector<16xf32>,
      %parallel_loop3A_544 = arith.constant 16 : i32
      %parallel_loop3A_545 = arith.muli %parallel_loop3A_520, %parallel_loop3A_544 : i32
      %parallel_loop3A_546 = arith.constant 1 : i32
      %parallel_loop3A_547 = arith.index_cast %parallel_loop3A_546 : i32 to index
      %parallel_loop3A_548 = arith.index_cast %parallel_loop3A_545 : i32 to index
      %parallel_loop3A_549 = tpu.vector_load %arg13[%parallel_loop3A_547, %parallel_loop3A_548] {strides = array<i32>} : memref<8x2048xf32, #tpu.memory_space<vmem>>, vector<16xf32>,
      %parallel_loop3A_550 = arith.select %parallel_loop3A_527, %gather3A_153, %gather3A_101 : vector<16xi1>, vector<16xf32>
      %parallel_loop3A_551 = arith.select %parallel_loop3A_527, %gather3A_265, %gather3A_213 : vector<16xi1>, vector<16xf32>
      %parallel_loop3A_552 = arith.mulf %parallel_loop3A_549, %parallel_loop3A_551 : vector<16xf32>
      %parallel_loop3A_553 = arith.addf %parallel_loop3A_550, %parallel_loop3A_552 : vector<16xf32>
      %parallel_loop3A_554 = arith.constant 16 : i32
      %parallel_loop3A_555 = arith.muli %parallel_loop3A_520, %parallel_loop3A_554 : i32
      %parallel_loop3A_556 = arith.constant 1 : i32
      %parallel_loop3A_557 = arith.index_cast %parallel_loop3A_556 : i32 to index
      %parallel_loop3A_558 = arith.index_cast %parallel_loop3A_555 : i32 to index
      %parallel_loop3A_559 = tpu.vector_load %arg16[%parallel_loop3A_557, %parallel_loop3A_558] {strides = array<i32>} : memref<8x2048xf32, #tpu.memory_space<vmem>>, vector<16xf32>,
      tpu.vector_store %arg16[%parallel_loop3A_557, %parallel_loop3A_558], %parallel_loop3A_553 {strides = array<i32>} : memref<8x2048xf32, #tpu.memory_space<vmem>>, vector<16xf32>,
      %parallel_loop3A_560 = arith.constant 16 : i32
      %parallel_loop3A_561 = arith.muli %parallel_loop3A_520, %parallel_loop3A_560 : i32
      %parallel_loop3A_562 = arith.constant 2 : i32
      %parallel_loop3A_563 = arith.index_cast %parallel_loop3A_562 : i32 to index
      %parallel_loop3A_564 = arith.index_cast %parallel_loop3A_561 : i32 to index
      %parallel_loop3A_565 = tpu.vector_load %arg13[%parallel_loop3A_563, %parallel_loop3A_564] {strides = array<i32>} : memref<8x2048xf32, #tpu.memory_space<vmem>>, vector<16xf32>,
      %parallel_loop3A_566 = arith.select %parallel_loop3A_527, %gather3A_161, %gather3A_107 : vector<16xi1>, vector<16xf32>
      %parallel_loop3A_567 = arith.select %parallel_loop3A_527, %gather3A_273, %gather3A_219 : vector<16xi1>, vector<16xf32>
      %parallel_loop3A_568 = arith.mulf %parallel_loop3A_565, %parallel_loop3A_567 : vector<16xf32>
      %parallel_loop3A_569 = arith.addf %parallel_loop3A_566, %parallel_loop3A_568 : vector<16xf32>
      %parallel_loop3A_570 = arith.constant 16 : i32
      %parallel_loop3A_571 = arith.muli %parallel_loop3A_520, %parallel_loop3A_570 : i32
      %parallel_loop3A_572 = arith.constant 2 : i32
      %parallel_loop3A_573 = arith.index_cast %parallel_loop3A_572 : i32 to index
      %parallel_loop3A_574 = arith.index_cast %parallel_loop3A_571 : i32 to index
      %parallel_loop3A_575 = tpu.vector_load %arg16[%parallel_loop3A_573, %parallel_loop3A_574] {strides = array<i32>} : memref<8x2048xf32, #tpu.memory_space<vmem>>, vector<16xf32>,
      tpu.vector_store %arg16[%parallel_loop3A_573, %parallel_loop3A_574], %parallel_loop3A_569 {strides = array<i32>} : memref<8x2048xf32, #tpu.memory_space<vmem>>, vector<16xf32>,
      %parallel_loop3A_576 = arith.constant 16 : i32
      %parallel_loop3A_577 = arith.muli %parallel_loop3A_520, %parallel_loop3A_576 : i32
      %parallel_loop3A_578 = arith.constant 3 : i32
      %parallel_loop3A_579 = arith.index_cast %parallel_loop3A_578 : i32 to index
      %parallel_loop3A_580 = arith.index_cast %parallel_loop3A_577 : i32 to index
      %parallel_loop3A_581 = tpu.vector_load %arg13[%parallel_loop3A_579, %parallel_loop3A_580] {strides = array<i32>} : memref<8x2048xf32, #tpu.memory_space<vmem>>, vector<16xf32>,
      %parallel_loop3A_582 = arith.select %parallel_loop3A_527, %gather3A_169, %gather3A_113 : vector<16xi1>, vector<16xf32>
      %parallel_loop3A_583 = arith.select %parallel_loop3A_527, %gather3A_281, %gather3A_225 : vector<16xi1>, vector<16xf32>
      %parallel_loop3A_584 = arith.mulf %parallel_loop3A_581, %parallel_loop3A_583 : vector<16xf32>
      %parallel_loop3A_585 = arith.addf %parallel_loop3A_582, %parallel_loop3A_584 : vector<16xf32>
      %parallel_loop3A_586 = arith.constant 16 : i32
      %parallel_loop3A_587 = arith.muli %parallel_loop3A_520, %parallel_loop3A_586 : i32
      %parallel_loop3A_588 = arith.constant 3 : i32
      %parallel_loop3A_589 = arith.index_cast %parallel_loop3A_588 : i32 to index
      %parallel_loop3A_590 = arith.index_cast %parallel_loop3A_587 : i32 to index
      %parallel_loop3A_591 = tpu.vector_load %arg16[%parallel_loop3A_589, %parallel_loop3A_590] {strides = array<i32>} : memref<8x2048xf32, #tpu.memory_space<vmem>>, vector<16xf32>,
      tpu.vector_store %arg16[%parallel_loop3A_589, %parallel_loop3A_590], %parallel_loop3A_585 {strides = array<i32>} : memref<8x2048xf32, #tpu.memory_space<vmem>>, vector<16xf32>,
      %parallel_loop3A_592 = arith.constant 16 : i32
      %parallel_loop3A_593 = arith.muli %parallel_loop3A_520, %parallel_loop3A_592 : i32
      %parallel_loop3A_594 = arith.constant 4 : i32
      %parallel_loop3A_595 = arith.index_cast %parallel_loop3A_594 : i32 to index
      %parallel_loop3A_596 = arith.index_cast %parallel_loop3A_593 : i32 to index
      %parallel_loop3A_597 = tpu.vector_load %arg13[%parallel_loop3A_595, %parallel_loop3A_596] {strides = array<i32>} : memref<8x2048xf32, #tpu.memory_space<vmem>>, vector<16xf32>,
      %parallel_loop3A_598 = arith.select %parallel_loop3A_527, %gather3A_177, %gather3A_119 : vector<16xi1>, vector<16xf32>
      %parallel_loop3A_599 = arith.select %parallel_loop3A_527, %gather3A_289, %gather3A_231 : vector<16xi1>, vector<16xf32>
      %parallel_loop3A_600 = arith.mulf %parallel_loop3A_597, %parallel_loop3A_599 : vector<16xf32>
      %parallel_loop3A_601 = arith.addf %parallel_loop3A_598, %parallel_loop3A_600 : vector<16xf32>
      %parallel_loop3A_602 = arith.constant 16 : i32
      %parallel_loop3A_603 = arith.muli %parallel_loop3A_520, %parallel_loop3A_602 : i32
      %parallel_loop3A_604 = arith.constant 4 : i32
      %parallel_loop3A_605 = arith.index_cast %parallel_loop3A_604 : i32 to index
      %parallel_loop3A_606 = arith.index_cast %parallel_loop3A_603 : i32 to index
      %parallel_loop3A_607 = tpu.vector_load %arg16[%parallel_loop3A_605, %parallel_loop3A_606] {strides = array<i32>} : memref<8x2048xf32, #tpu.memory_space<vmem>>, vector<16xf32>,
      tpu.vector_store %arg16[%parallel_loop3A_605, %parallel_loop3A_606], %parallel_loop3A_601 {strides = array<i32>} : memref<8x2048xf32, #tpu.memory_space<vmem>>, vector<16xf32>,
      %parallel_loop3A_608 = arith.constant 16 : i32
      %parallel_loop3A_609 = arith.muli %parallel_loop3A_520, %parallel_loop3A_608 : i32
      %parallel_loop3A_610 = arith.constant 5 : i32
      %parallel_loop3A_611 = arith.index_cast %parallel_loop3A_610 : i32 to index
      %parallel_loop3A_612 = arith.index_cast %parallel_loop3A_609 : i32 to index
      %parallel_loop3A_613 = tpu.vector_load %arg13[%parallel_loop3A_611, %parallel_loop3A_612] {strides = array<i32>} : memref<8x2048xf32, #tpu.memory_space<vmem>>, vector<16xf32>,
      %parallel_loop3A_614 = arith.select %parallel_loop3A_527, %gather3A_185, %gather3A_125 : vector<16xi1>, vector<16xf32>
      %parallel_loop3A_615 = arith.select %parallel_loop3A_527, %gather3A_297, %gather3A_237 : vector<16xi1>, vector<16xf32>
      %parallel_loop3A_616 = arith.mulf %parallel_loop3A_613, %parallel_loop3A_615 : vector<16xf32>
      %parallel_loop3A_617 = arith.addf %parallel_loop3A_614, %parallel_loop3A_616 : vector<16xf32>
      %parallel_loop3A_618 = arith.constant 16 : i32
      %parallel_loop3A_619 = arith.muli %parallel_loop3A_520, %parallel_loop3A_618 : i32
      %parallel_loop3A_620 = arith.constant 5 : i32
      %parallel_loop3A_621 = arith.index_cast %parallel_loop3A_620 : i32 to index
      %parallel_loop3A_622 = arith.index_cast %parallel_loop3A_619 : i32 to index
      %parallel_loop3A_623 = tpu.vector_load %arg16[%parallel_loop3A_621, %parallel_loop3A_622] {strides = array<i32>} : memref<8x2048xf32, #tpu.memory_space<vmem>>, vector<16xf32>,
      tpu.vector_store %arg16[%parallel_loop3A_621, %parallel_loop3A_622], %parallel_loop3A_617 {strides = array<i32>} : memref<8x2048xf32, #tpu.memory_space<vmem>>, vector<16xf32>,
      %parallel_loop3A_624 = arith.constant 16 : i32
      %parallel_loop3A_625 = arith.muli %parallel_loop3A_520, %parallel_loop3A_624 : i32
      %parallel_loop3A_626 = arith.constant 6 : i32
      %parallel_loop3A_627 = arith.index_cast %parallel_loop3A_626 : i32 to index
      %parallel_loop3A_628 = arith.index_cast %parallel_loop3A_625 : i32 to index
      %parallel_loop3A_629 = tpu.vector_load %arg13[%parallel_loop3A_627, %parallel_loop3A_628] {strides = array<i32>} : memref<8x2048xf32, #tpu.memory_space<vmem>>, vector<16xf32>,
      %parallel_loop3A_630 = arith.select %parallel_loop3A_527, %gather3A_193, %gather3A_131 : vector<16xi1>, vector<16xf32>
      %parallel_loop3A_631 = arith.select %parallel_loop3A_527, %gather3A_305, %gather3A_243 : vector<16xi1>, vector<16xf32>
      %parallel_loop3A_632 = arith.mulf %parallel_loop3A_629, %parallel_loop3A_631 : vector<16xf32>
      %parallel_loop3A_633 = arith.addf %parallel_loop3A_630, %parallel_loop3A_632 : vector<16xf32>
      %parallel_loop3A_634 = arith.constant 16 : i32
      %parallel_loop3A_635 = arith.muli %parallel_loop3A_520, %parallel_loop3A_634 : i32
      %parallel_loop3A_636 = arith.constant 6 : i32
      %parallel_loop3A_637 = arith.index_cast %parallel_loop3A_636 : i32 to index
      %parallel_loop3A_638 = arith.index_cast %parallel_loop3A_635 : i32 to index
      %parallel_loop3A_639 = tpu.vector_load %arg16[%parallel_loop3A_637, %parallel_loop3A_638] {strides = array<i32>} : memref<8x2048xf32, #tpu.memory_space<vmem>>, vector<16xf32>,
      tpu.vector_store %arg16[%parallel_loop3A_637, %parallel_loop3A_638], %parallel_loop3A_633 {strides = array<i32>} : memref<8x2048xf32, #tpu.memory_space<vmem>>, vector<16xf32>,
      %parallel_loop3A_640 = arith.constant 16 : i32
      %parallel_loop3A_641 = arith.muli %parallel_loop3A_520, %parallel_loop3A_640 : i32
      %parallel_loop3A_642 = arith.constant 7 : i32
      %parallel_loop3A_643 = arith.index_cast %parallel_loop3A_642 : i32 to index
      %parallel_loop3A_644 = arith.index_cast %parallel_loop3A_641 : i32 to index
      %parallel_loop3A_645 = tpu.vector_load %arg13[%parallel_loop3A_643, %parallel_loop3A_644] {strides = array<i32>} : memref<8x2048xf32, #tpu.memory_space<vmem>>, vector<16xf32>,
      %parallel_loop3A_646 = arith.select %parallel_loop3A_527, %gather3A_201, %gather3A_137 : vector<16xi1>, vector<16xf32>
      %parallel_loop3A_647 = arith.select %parallel_loop3A_527, %gather3A_313, %gather3A_249 : vector<16xi1>, vector<16xf32>
      %parallel_loop3A_648 = arith.mulf %parallel_loop3A_645, %parallel_loop3A_647 : vector<16xf32>
      %parallel_loop3A_649 = arith.addf %parallel_loop3A_646, %parallel_loop3A_648 : vector<16xf32>
      %parallel_loop3A_650 = arith.constant 16 : i32
      %parallel_loop3A_651 = arith.muli %parallel_loop3A_520, %parallel_loop3A_650 : i32
      %parallel_loop3A_652 = arith.constant 7 : i32
      %parallel_loop3A_653 = arith.index_cast %parallel_loop3A_652 : i32 to index
      %parallel_loop3A_654 = arith.index_cast %parallel_loop3A_651 : i32 to index
      %parallel_loop3A_655 = tpu.vector_load %arg16[%parallel_loop3A_653, %parallel_loop3A_654] {strides = array<i32>} : memref<8x2048xf32, #tpu.memory_space<vmem>>, vector<16xf32>,
      tpu.vector_store %arg16[%parallel_loop3A_653, %parallel_loop3A_654], %parallel_loop3A_649 {strides = array<i32>} : memref<8x2048xf32, #tpu.memory_space<vmem>>, vector<16xf32>,
    } {sc.loop_unroll_factor = 2 : i64, sc.parallel_access}
    %mul3A_366 = arith.constant 262144 : i32
    %mul3A_367 = arith.muli %select_n3A_30, %mul3A_366 : i32
    %add3A_368 = arith.constant 251904 : i32
    %add3A_369 = arith.addi %mul3A_367, %add3A_368 : i32
    %mul3A_370 = arith.constant 8 : i32
    %mul3A_371 = arith.muli %mul3A_370, %select_n3A : i32
    %dma_start3A_372 = tpu.memref_slice %arg6[%mul3A_371, %add3A_369] : memref<64x1048576xf32, #tpu.memory_space<hbm>> -> memref<8x2048xf32, #tpu.memory_space<hbm>>
    %dma_start3A_373 = tpu.memref_slice %arg6[%mul3A_371, %add3A_369] : memref<64x1048576xf32, #tpu.memory_space<hbm>> -> memref<8x2048xf32, #tpu.memory_space<hbm>>
    tpu.enqueue_dma source(%arg16 : memref<8x2048xf32, #tpu.memory_space<vmem>>) target(%dma_start3A_373 : memref<8x2048xf32, #tpu.memory_space<hbm>>) target_semaphore(%arg22 : memref<!tpu.dma_semaphore, #tpu.memory_space<semaphore_mem>>)
    %mul3A_374 = arith.constant 262144 : i32
    %mul3A_375 = arith.muli %select_n3A_30, %mul3A_374 : i32
    %add3A_376 = arith.constant 258048 : i32
    %add3A_377 = arith.addi %mul3A_375, %add3A_376 : i32
    %dma_start3A_378 = tpu.memref_slice %arg4[%add3A_377] : memref<1048576xi32, #tpu.memory_space<hbm>> -> memref<2048xi32, #tpu.memory_space<hbm>>
    %dma_start3A_379 = tpu.memref_slice %arg4[%add3A_377] : memref<1048576xi32, #tpu.memory_space<hbm>> -> memref<2048xi32, #tpu.memory_space<hbm>>
    tpu.enqueue_dma source(%dma_start3A_379 : memref<2048xi32, #tpu.memory_space<hbm>>) target(%arg10 : memref<2048xi32, #tpu.memory_space<vmem>>) target_semaphore(%arg19 : memref<!tpu.dma_semaphore, #tpu.memory_space<semaphore_mem>>)
    %mul3A_380 = arith.constant 8 : i32
    %mul3A_381 = arith.muli %mul3A_380, %select_n3A : i32
    %dma_start3A_382 = tpu.memref_slice %arg5[%mul3A_381, %add3A_377] : memref<64x1048576xf32, #tpu.memory_space<hbm>> -> memref<8x2048xf32, #tpu.memory_space<hbm>>
    %dma_start3A_383 = tpu.memref_slice %arg5[%mul3A_381, %add3A_377] : memref<64x1048576xf32, #tpu.memory_space<hbm>> -> memref<8x2048xf32, #tpu.memory_space<hbm>>
    tpu.enqueue_dma source(%dma_start3A_383 : memref<8x2048xf32, #tpu.memory_space<hbm>>) target(%arg13 : memref<8x2048xf32, #tpu.memory_space<vmem>>) target_semaphore(%arg19 : memref<!tpu.dma_semaphore, #tpu.memory_space<semaphore_mem>>)
    %dma_wait3A_384 = arith.constant 0 : i32
    %dma_wait3A_385 = arith.constant 0 : i32
    %dma_wait3A_386 = tpu.memref_slice %arg6[%dma_wait3A_384, %dma_wait3A_385] : memref<64x1048576xf32, #tpu.memory_space<hbm>> -> memref<8x2048xf32, #tpu.memory_space<hbm>>
    %dma_wait3A_387 = arith.constant 0 : i32
    %dma_wait3A_388 = arith.constant 0 : i32
    %dma_wait3A_389 = tpu.memref_slice %arg6[%dma_wait3A_387, %dma_wait3A_388] : memref<64x1048576xf32, #tpu.memory_space<hbm>> -> memref<8x2048xf32, #tpu.memory_space<hbm>>
    tpu.wait_dma2 semaphore(%arg23 : memref<!tpu.dma_semaphore, #tpu.memory_space<semaphore_mem>>) src(%arg17 : memref<8x2048xf32, #tpu.memory_space<vmem>>) dst(%dma_wait3A_389 : memref<8x2048xf32, #tpu.memory_space<hbm>>)
    %dma_wait3A_390 = arith.constant 0 : i32
    %dma_wait3A_391 = tpu.memref_slice %arg4[%dma_wait3A_390] : memref<1048576xi32, #tpu.memory_space<hbm>> -> memref<2048xi32, #tpu.memory_space<hbm>>
    %dma_wait3A_392 = arith.constant 0 : i32
    %dma_wait3A_393 = tpu.memref_slice %arg4[%dma_wait3A_392] : memref<1048576xi32, #tpu.memory_space<hbm>> -> memref<2048xi32, #tpu.memory_space<hbm>>
    tpu.wait_dma2 semaphore(%arg20 : memref<!tpu.dma_semaphore, #tpu.memory_space<semaphore_mem>>) src(%dma_wait3A_393 : memref<2048xi32, #tpu.memory_space<hbm>>) dst(%arg11 : memref<2048xi32, #tpu.memory_space<vmem>>)
    %dma_wait3A_394 = arith.constant 0 : i32
    %dma_wait3A_395 = arith.constant 0 : i32
    %dma_wait3A_396 = tpu.memref_slice %arg5[%dma_wait3A_394, %dma_wait3A_395] : memref<64x1048576xf32, #tpu.memory_space<hbm>> -> memref<8x2048xf32, #tpu.memory_space<hbm>>
    %dma_wait3A_397 = arith.constant 0 : i32
    %dma_wait3A_398 = arith.constant 0 : i32
    %dma_wait3A_399 = tpu.memref_slice %arg5[%dma_wait3A_397, %dma_wait3A_398] : memref<64x1048576xf32, #tpu.memory_space<hbm>> -> memref<8x2048xf32, #tpu.memory_space<hbm>>
    tpu.wait_dma2 semaphore(%arg20 : memref<!tpu.dma_semaphore, #tpu.memory_space<semaphore_mem>>) src(%dma_wait3A_399 : memref<8x2048xf32, #tpu.memory_space<hbm>>) dst(%arg14 : memref<8x2048xf32, #tpu.memory_space<vmem>>)
    %parallel_loop3A_400 = arith.constant 0 : i32
    %parallel_loop3A_401 = arith.constant 128 : i32
    %parallel_loop3A_402 = arith.constant 1 : i32
    scf.for %parallel_loop3A_520 = %parallel_loop3A_400 to %parallel_loop3A_401 step %parallel_loop3A_402  : i32 {
      %parallel_loop3A_521 = arith.constant 16 : i32
      %parallel_loop3A_522 = arith.muli %parallel_loop3A_520, %parallel_loop3A_521 : i32
      %parallel_loop3A_523 = arith.index_cast %parallel_loop3A_522 : i32 to index
      %parallel_loop3A_524 = tpu.vector_load %arg11[%parallel_loop3A_523] {strides = array<i32>} : memref<2048xi32, #tpu.memory_space<vmem>>, vector<16xi32>,
      %parallel_loop3A_525 = arith.constant 1 : i32
      %parallel_loop3A_526 = vector.broadcast %parallel_loop3A_525 : i32 to vector<16xi32>
      %parallel_loop3A_527 = arith.cmpi eq, %parallel_loop3A_524, %parallel_loop3A_526 : vector<16xi32>
      %parallel_loop3A_528 = arith.constant 16 : i32
      %parallel_loop3A_529 = arith.muli %parallel_loop3A_520, %parallel_loop3A_528 : i32
      %parallel_loop3A_530 = arith.constant 0 : i32
      %parallel_loop3A_531 = arith.index_cast %parallel_loop3A_530 : i32 to index
      %parallel_loop3A_532 = arith.index_cast %parallel_loop3A_529 : i32 to index
      %parallel_loop3A_533 = tpu.vector_load %arg14[%parallel_loop3A_531, %parallel_loop3A_532] {strides = array<i32>} : memref<8x2048xf32, #tpu.memory_space<vmem>>, vector<16xf32>,
      %parallel_loop3A_534 = arith.select %parallel_loop3A_527, %gather3A_145, %gather3A : vector<16xi1>, vector<16xf32>
      %parallel_loop3A_535 = arith.select %parallel_loop3A_527, %gather3A_257, %gather3A_207 : vector<16xi1>, vector<16xf32>
      %parallel_loop3A_536 = arith.mulf %parallel_loop3A_533, %parallel_loop3A_535 : vector<16xf32>
      %parallel_loop3A_537 = arith.addf %parallel_loop3A_534, %parallel_loop3A_536 : vector<16xf32>
      %parallel_loop3A_538 = arith.constant 16 : i32
      %parallel_loop3A_539 = arith.muli %parallel_loop3A_520, %parallel_loop3A_538 : i32
      %parallel_loop3A_540 = arith.constant 0 : i32
      %parallel_loop3A_541 = arith.index_cast %parallel_loop3A_540 : i32 to index
      %parallel_loop3A_542 = arith.index_cast %parallel_loop3A_539 : i32 to index
      %parallel_loop3A_543 = tpu.vector_load %arg17[%parallel_loop3A_541, %parallel_loop3A_542] {strides = array<i32>} : memref<8x2048xf32, #tpu.memory_space<vmem>>, vector<16xf32>,
      tpu.vector_store %arg17[%parallel_loop3A_541, %parallel_loop3A_542], %parallel_loop3A_537 {strides = array<i32>} : memref<8x2048xf32, #tpu.memory_space<vmem>>, vector<16xf32>,
      %parallel_loop3A_544 = arith.constant 16 : i32
      %parallel_loop3A_545 = arith.muli %parallel_loop3A_520, %parallel_loop3A_544 : i32
      %parallel_loop3A_546 = arith.constant 1 : i32
      %parallel_loop3A_547 = arith.index_cast %parallel_loop3A_546 : i32 to index
      %parallel_loop3A_548 = arith.index_cast %parallel_loop3A_545 : i32 to index
      %parallel_loop3A_549 = tpu.vector_load %arg14[%parallel_loop3A_547, %parallel_loop3A_548] {strides = array<i32>} : memref<8x2048xf32, #tpu.memory_space<vmem>>, vector<16xf32>,
      %parallel_loop3A_550 = arith.select %parallel_loop3A_527, %gather3A_153, %gather3A_101 : vector<16xi1>, vector<16xf32>
      %parallel_loop3A_551 = arith.select %parallel_loop3A_527, %gather3A_265, %gather3A_213 : vector<16xi1>, vector<16xf32>
      %parallel_loop3A_552 = arith.mulf %parallel_loop3A_549, %parallel_loop3A_551 : vector<16xf32>
      %parallel_loop3A_553 = arith.addf %parallel_loop3A_550, %parallel_loop3A_552 : vector<16xf32>
      %parallel_loop3A_554 = arith.constant 16 : i32
      %parallel_loop3A_555 = arith.muli %parallel_loop3A_520, %parallel_loop3A_554 : i32
      %parallel_loop3A_556 = arith.constant 1 : i32
      %parallel_loop3A_557 = arith.index_cast %parallel_loop3A_556 : i32 to index
      %parallel_loop3A_558 = arith.index_cast %parallel_loop3A_555 : i32 to index
      %parallel_loop3A_559 = tpu.vector_load %arg17[%parallel_loop3A_557, %parallel_loop3A_558] {strides = array<i32>} : memref<8x2048xf32, #tpu.memory_space<vmem>>, vector<16xf32>,
      tpu.vector_store %arg17[%parallel_loop3A_557, %parallel_loop3A_558], %parallel_loop3A_553 {strides = array<i32>} : memref<8x2048xf32, #tpu.memory_space<vmem>>, vector<16xf32>,
      %parallel_loop3A_560 = arith.constant 16 : i32
      %parallel_loop3A_561 = arith.muli %parallel_loop3A_520, %parallel_loop3A_560 : i32
      %parallel_loop3A_562 = arith.constant 2 : i32
      %parallel_loop3A_563 = arith.index_cast %parallel_loop3A_562 : i32 to index
      %parallel_loop3A_564 = arith.index_cast %parallel_loop3A_561 : i32 to index
      %parallel_loop3A_565 = tpu.vector_load %arg14[%parallel_loop3A_563, %parallel_loop3A_564] {strides = array<i32>} : memref<8x2048xf32, #tpu.memory_space<vmem>>, vector<16xf32>,
      %parallel_loop3A_566 = arith.select %parallel_loop3A_527, %gather3A_161, %gather3A_107 : vector<16xi1>, vector<16xf32>
      %parallel_loop3A_567 = arith.select %parallel_loop3A_527, %gather3A_273, %gather3A_219 : vector<16xi1>, vector<16xf32>
      %parallel_loop3A_568 = arith.mulf %parallel_loop3A_565, %parallel_loop3A_567 : vector<16xf32>
      %parallel_loop3A_569 = arith.addf %parallel_loop3A_566, %parallel_loop3A_568 : vector<16xf32>
      %parallel_loop3A_570 = arith.constant 16 : i32
      %parallel_loop3A_571 = arith.muli %parallel_loop3A_520, %parallel_loop3A_570 : i32
      %parallel_loop3A_572 = arith.constant 2 : i32
      %parallel_loop3A_573 = arith.index_cast %parallel_loop3A_572 : i32 to index
      %parallel_loop3A_574 = arith.index_cast %parallel_loop3A_571 : i32 to index
      %parallel_loop3A_575 = tpu.vector_load %arg17[%parallel_loop3A_573, %parallel_loop3A_574] {strides = array<i32>} : memref<8x2048xf32, #tpu.memory_space<vmem>>, vector<16xf32>,
      tpu.vector_store %arg17[%parallel_loop3A_573, %parallel_loop3A_574], %parallel_loop3A_569 {strides = array<i32>} : memref<8x2048xf32, #tpu.memory_space<vmem>>, vector<16xf32>,
      %parallel_loop3A_576 = arith.constant 16 : i32
      %parallel_loop3A_577 = arith.muli %parallel_loop3A_520, %parallel_loop3A_576 : i32
      %parallel_loop3A_578 = arith.constant 3 : i32
      %parallel_loop3A_579 = arith.index_cast %parallel_loop3A_578 : i32 to index
      %parallel_loop3A_580 = arith.index_cast %parallel_loop3A_577 : i32 to index
      %parallel_loop3A_581 = tpu.vector_load %arg14[%parallel_loop3A_579, %parallel_loop3A_580] {strides = array<i32>} : memref<8x2048xf32, #tpu.memory_space<vmem>>, vector<16xf32>,
      %parallel_loop3A_582 = arith.select %parallel_loop3A_527, %gather3A_169, %gather3A_113 : vector<16xi1>, vector<16xf32>
      %parallel_loop3A_583 = arith.select %parallel_loop3A_527, %gather3A_281, %gather3A_225 : vector<16xi1>, vector<16xf32>
      %parallel_loop3A_584 = arith.mulf %parallel_loop3A_581, %parallel_loop3A_583 : vector<16xf32>
      %parallel_loop3A_585 = arith.addf %parallel_loop3A_582, %parallel_loop3A_584 : vector<16xf32>
      %parallel_loop3A_586 = arith.constant 16 : i32
      %parallel_loop3A_587 = arith.muli %parallel_loop3A_520, %parallel_loop3A_586 : i32
      %parallel_loop3A_588 = arith.constant 3 : i32
      %parallel_loop3A_589 = arith.index_cast %parallel_loop3A_588 : i32 to index
      %parallel_loop3A_590 = arith.index_cast %parallel_loop3A_587 : i32 to index
      %parallel_loop3A_591 = tpu.vector_load %arg17[%parallel_loop3A_589, %parallel_loop3A_590] {strides = array<i32>} : memref<8x2048xf32, #tpu.memory_space<vmem>>, vector<16xf32>,
      tpu.vector_store %arg17[%parallel_loop3A_589, %parallel_loop3A_590], %parallel_loop3A_585 {strides = array<i32>} : memref<8x2048xf32, #tpu.memory_space<vmem>>, vector<16xf32>,
      %parallel_loop3A_592 = arith.constant 16 : i32
      %parallel_loop3A_593 = arith.muli %parallel_loop3A_520, %parallel_loop3A_592 : i32
      %parallel_loop3A_594 = arith.constant 4 : i32
      %parallel_loop3A_595 = arith.index_cast %parallel_loop3A_594 : i32 to index
      %parallel_loop3A_596 = arith.index_cast %parallel_loop3A_593 : i32 to index
      %parallel_loop3A_597 = tpu.vector_load %arg14[%parallel_loop3A_595, %parallel_loop3A_596] {strides = array<i32>} : memref<8x2048xf32, #tpu.memory_space<vmem>>, vector<16xf32>,
      %parallel_loop3A_598 = arith.select %parallel_loop3A_527, %gather3A_177, %gather3A_119 : vector<16xi1>, vector<16xf32>
      %parallel_loop3A_599 = arith.select %parallel_loop3A_527, %gather3A_289, %gather3A_231 : vector<16xi1>, vector<16xf32>
      %parallel_loop3A_600 = arith.mulf %parallel_loop3A_597, %parallel_loop3A_599 : vector<16xf32>
      %parallel_loop3A_601 = arith.addf %parallel_loop3A_598, %parallel_loop3A_600 : vector<16xf32>
      %parallel_loop3A_602 = arith.constant 16 : i32
      %parallel_loop3A_603 = arith.muli %parallel_loop3A_520, %parallel_loop3A_602 : i32
      %parallel_loop3A_604 = arith.constant 4 : i32
      %parallel_loop3A_605 = arith.index_cast %parallel_loop3A_604 : i32 to index
      %parallel_loop3A_606 = arith.index_cast %parallel_loop3A_603 : i32 to index
      %parallel_loop3A_607 = tpu.vector_load %arg17[%parallel_loop3A_605, %parallel_loop3A_606] {strides = array<i32>} : memref<8x2048xf32, #tpu.memory_space<vmem>>, vector<16xf32>,
      tpu.vector_store %arg17[%parallel_loop3A_605, %parallel_loop3A_606], %parallel_loop3A_601 {strides = array<i32>} : memref<8x2048xf32, #tpu.memory_space<vmem>>, vector<16xf32>,
      %parallel_loop3A_608 = arith.constant 16 : i32
      %parallel_loop3A_609 = arith.muli %parallel_loop3A_520, %parallel_loop3A_608 : i32
      %parallel_loop3A_610 = arith.constant 5 : i32
      %parallel_loop3A_611 = arith.index_cast %parallel_loop3A_610 : i32 to index
      %parallel_loop3A_612 = arith.index_cast %parallel_loop3A_609 : i32 to index
      %parallel_loop3A_613 = tpu.vector_load %arg14[%parallel_loop3A_611, %parallel_loop3A_612] {strides = array<i32>} : memref<8x2048xf32, #tpu.memory_space<vmem>>, vector<16xf32>,
      %parallel_loop3A_614 = arith.select %parallel_loop3A_527, %gather3A_185, %gather3A_125 : vector<16xi1>, vector<16xf32>
      %parallel_loop3A_615 = arith.select %parallel_loop3A_527, %gather3A_297, %gather3A_237 : vector<16xi1>, vector<16xf32>
      %parallel_loop3A_616 = arith.mulf %parallel_loop3A_613, %parallel_loop3A_615 : vector<16xf32>
      %parallel_loop3A_617 = arith.addf %parallel_loop3A_614, %parallel_loop3A_616 : vector<16xf32>
      %parallel_loop3A_618 = arith.constant 16 : i32
      %parallel_loop3A_619 = arith.muli %parallel_loop3A_520, %parallel_loop3A_618 : i32
      %parallel_loop3A_620 = arith.constant 5 : i32
      %parallel_loop3A_621 = arith.index_cast %parallel_loop3A_620 : i32 to index
      %parallel_loop3A_622 = arith.index_cast %parallel_loop3A_619 : i32 to index
      %parallel_loop3A_623 = tpu.vector_load %arg17[%parallel_loop3A_621, %parallel_loop3A_622] {strides = array<i32>} : memref<8x2048xf32, #tpu.memory_space<vmem>>, vector<16xf32>,
      tpu.vector_store %arg17[%parallel_loop3A_621, %parallel_loop3A_622], %parallel_loop3A_617 {strides = array<i32>} : memref<8x2048xf32, #tpu.memory_space<vmem>>, vector<16xf32>,
      %parallel_loop3A_624 = arith.constant 16 : i32
      %parallel_loop3A_625 = arith.muli %parallel_loop3A_520, %parallel_loop3A_624 : i32
      %parallel_loop3A_626 = arith.constant 6 : i32
      %parallel_loop3A_627 = arith.index_cast %parallel_loop3A_626 : i32 to index
      %parallel_loop3A_628 = arith.index_cast %parallel_loop3A_625 : i32 to index
      %parallel_loop3A_629 = tpu.vector_load %arg14[%parallel_loop3A_627, %parallel_loop3A_628] {strides = array<i32>} : memref<8x2048xf32, #tpu.memory_space<vmem>>, vector<16xf32>,
      %parallel_loop3A_630 = arith.select %parallel_loop3A_527, %gather3A_193, %gather3A_131 : vector<16xi1>, vector<16xf32>
      %parallel_loop3A_631 = arith.select %parallel_loop3A_527, %gather3A_305, %gather3A_243 : vector<16xi1>, vector<16xf32>
      %parallel_loop3A_632 = arith.mulf %parallel_loop3A_629, %parallel_loop3A_631 : vector<16xf32>
      %parallel_loop3A_633 = arith.addf %parallel_loop3A_630, %parallel_loop3A_632 : vector<16xf32>
      %parallel_loop3A_634 = arith.constant 16 : i32
      %parallel_loop3A_635 = arith.muli %parallel_loop3A_520, %parallel_loop3A_634 : i32
      %parallel_loop3A_636 = arith.constant 6 : i32
      %parallel_loop3A_637 = arith.index_cast %parallel_loop3A_636 : i32 to index
      %parallel_loop3A_638 = arith.index_cast %parallel_loop3A_635 : i32 to index
      %parallel_loop3A_639 = tpu.vector_load %arg17[%parallel_loop3A_637, %parallel_loop3A_638] {strides = array<i32>} : memref<8x2048xf32, #tpu.memory_space<vmem>>, vector<16xf32>,
      tpu.vector_store %arg17[%parallel_loop3A_637, %parallel_loop3A_638], %parallel_loop3A_633 {strides = array<i32>} : memref<8x2048xf32, #tpu.memory_space<vmem>>, vector<16xf32>,
      %parallel_loop3A_640 = arith.constant 16 : i32
      %parallel_loop3A_641 = arith.muli %parallel_loop3A_520, %parallel_loop3A_640 : i32
      %parallel_loop3A_642 = arith.constant 7 : i32
      %parallel_loop3A_643 = arith.index_cast %parallel_loop3A_642 : i32 to index
      %parallel_loop3A_644 = arith.index_cast %parallel_loop3A_641 : i32 to index
      %parallel_loop3A_645 = tpu.vector_load %arg14[%parallel_loop3A_643, %parallel_loop3A_644] {strides = array<i32>} : memref<8x2048xf32, #tpu.memory_space<vmem>>, vector<16xf32>,
      %parallel_loop3A_646 = arith.select %parallel_loop3A_527, %gather3A_201, %gather3A_137 : vector<16xi1>, vector<16xf32>
      %parallel_loop3A_647 = arith.select %parallel_loop3A_527, %gather3A_313, %gather3A_249 : vector<16xi1>, vector<16xf32>
      %parallel_loop3A_648 = arith.mulf %parallel_loop3A_645, %parallel_loop3A_647 : vector<16xf32>
      %parallel_loop3A_649 = arith.addf %parallel_loop3A_646, %parallel_loop3A_648 : vector<16xf32>
      %parallel_loop3A_650 = arith.constant 16 : i32
      %parallel_loop3A_651 = arith.muli %parallel_loop3A_520, %parallel_loop3A_650 : i32
      %parallel_loop3A_652 = arith.constant 7 : i32
      %parallel_loop3A_653 = arith.index_cast %parallel_loop3A_652 : i32 to index
      %parallel_loop3A_654 = arith.index_cast %parallel_loop3A_651 : i32 to index
      %parallel_loop3A_655 = tpu.vector_load %arg17[%parallel_loop3A_653, %parallel_loop3A_654] {strides = array<i32>} : memref<8x2048xf32, #tpu.memory_space<vmem>>, vector<16xf32>,
      tpu.vector_store %arg17[%parallel_loop3A_653, %parallel_loop3A_654], %parallel_loop3A_649 {strides = array<i32>} : memref<8x2048xf32, #tpu.memory_space<vmem>>, vector<16xf32>,
    } {sc.loop_unroll_factor = 2 : i64, sc.parallel_access}
    %mul3A_403 = arith.constant 262144 : i32
    %mul3A_404 = arith.muli %select_n3A_30, %mul3A_403 : i32
    %add3A_405 = arith.constant 253952 : i32
    %add3A_406 = arith.addi %mul3A_404, %add3A_405 : i32
    %mul3A_407 = arith.constant 8 : i32
    %mul3A_408 = arith.muli %mul3A_407, %select_n3A : i32
    %dma_start3A_409 = tpu.memref_slice %arg6[%mul3A_408, %add3A_406] : memref<64x1048576xf32, #tpu.memory_space<hbm>> -> memref<8x2048xf32, #tpu.memory_space<hbm>>
    %dma_start3A_410 = tpu.memref_slice %arg6[%mul3A_408, %add3A_406] : memref<64x1048576xf32, #tpu.memory_space<hbm>> -> memref<8x2048xf32, #tpu.memory_space<hbm>>
    tpu.enqueue_dma source(%arg17 : memref<8x2048xf32, #tpu.memory_space<vmem>>) target(%dma_start3A_410 : memref<8x2048xf32, #tpu.memory_space<hbm>>) target_semaphore(%arg23 : memref<!tpu.dma_semaphore, #tpu.memory_space<semaphore_mem>>)
    %mul3A_411 = arith.constant 262144 : i32
    %mul3A_412 = arith.muli %select_n3A_30, %mul3A_411 : i32
    %add3A_413 = arith.constant 260096 : i32
    %add3A_414 = arith.addi %mul3A_412, %add3A_413 : i32
    %dma_start3A_415 = tpu.memref_slice %arg4[%add3A_414] : memref<1048576xi32, #tpu.memory_space<hbm>> -> memref<2048xi32, #tpu.memory_space<hbm>>
    %dma_start3A_416 = tpu.memref_slice %arg4[%add3A_414] : memref<1048576xi32, #tpu.memory_space<hbm>> -> memref<2048xi32, #tpu.memory_space<hbm>>
    tpu.enqueue_dma source(%dma_start3A_416 : memref<2048xi32, #tpu.memory_space<hbm>>) target(%arg11 : memref<2048xi32, #tpu.memory_space<vmem>>) target_semaphore(%arg20 : memref<!tpu.dma_semaphore, #tpu.memory_space<semaphore_mem>>)
    %mul3A_417 = arith.constant 8 : i32
    %mul3A_418 = arith.muli %mul3A_417, %select_n3A : i32
    %dma_start3A_419 = tpu.memref_slice %arg5[%mul3A_418, %add3A_414] : memref<64x1048576xf32, #tpu.memory_space<hbm>> -> memref<8x2048xf32, #tpu.memory_space<hbm>>
    %dma_start3A_420 = tpu.memref_slice %arg5[%mul3A_418, %add3A_414] : memref<64x1048576xf32, #tpu.memory_space<hbm>> -> memref<8x2048xf32, #tpu.memory_space<hbm>>
    tpu.enqueue_dma source(%dma_start3A_420 : memref<8x2048xf32, #tpu.memory_space<hbm>>) target(%arg14 : memref<8x2048xf32, #tpu.memory_space<vmem>>) target_semaphore(%arg20 : memref<!tpu.dma_semaphore, #tpu.memory_space<semaphore_mem>>)
    %dma_wait3A_421 = arith.constant 0 : i32
    %dma_wait3A_422 = arith.constant 0 : i32
    %dma_wait3A_423 = tpu.memref_slice %arg6[%dma_wait3A_421, %dma_wait3A_422] : memref<64x1048576xf32, #tpu.memory_space<hbm>> -> memref<8x2048xf32, #tpu.memory_space<hbm>>
    %dma_wait3A_424 = arith.constant 0 : i32
    %dma_wait3A_425 = arith.constant 0 : i32
    %dma_wait3A_426 = tpu.memref_slice %arg6[%dma_wait3A_424, %dma_wait3A_425] : memref<64x1048576xf32, #tpu.memory_space<hbm>> -> memref<8x2048xf32, #tpu.memory_space<hbm>>
    tpu.wait_dma2 semaphore(%arg24 : memref<!tpu.dma_semaphore, #tpu.memory_space<semaphore_mem>>) src(%arg18 : memref<8x2048xf32, #tpu.memory_space<vmem>>) dst(%dma_wait3A_426 : memref<8x2048xf32, #tpu.memory_space<hbm>>)
    %dma_wait3A_427 = arith.constant 0 : i32
    %dma_wait3A_428 = tpu.memref_slice %arg4[%dma_wait3A_427] : memref<1048576xi32, #tpu.memory_space<hbm>> -> memref<2048xi32, #tpu.memory_space<hbm>>
    %dma_wait3A_429 = arith.constant 0 : i32
    %dma_wait3A_430 = tpu.memref_slice %arg4[%dma_wait3A_429] : memref<1048576xi32, #tpu.memory_space<hbm>> -> memref<2048xi32, #tpu.memory_space<hbm>>
    tpu.wait_dma2 semaphore(%arg21 : memref<!tpu.dma_semaphore, #tpu.memory_space<semaphore_mem>>) src(%dma_wait3A_430 : memref<2048xi32, #tpu.memory_space<hbm>>) dst(%arg12 : memref<2048xi32, #tpu.memory_space<vmem>>)
    %dma_wait3A_431 = arith.constant 0 : i32
    %dma_wait3A_432 = arith.constant 0 : i32
    %dma_wait3A_433 = tpu.memref_slice %arg5[%dma_wait3A_431, %dma_wait3A_432] : memref<64x1048576xf32, #tpu.memory_space<hbm>> -> memref<8x2048xf32, #tpu.memory_space<hbm>>
    %dma_wait3A_434 = arith.constant 0 : i32
    %dma_wait3A_435 = arith.constant 0 : i32
    %dma_wait3A_436 = tpu.memref_slice %arg5[%dma_wait3A_434, %dma_wait3A_435] : memref<64x1048576xf32, #tpu.memory_space<hbm>> -> memref<8x2048xf32, #tpu.memory_space<hbm>>
    tpu.wait_dma2 semaphore(%arg21 : memref<!tpu.dma_semaphore, #tpu.memory_space<semaphore_mem>>) src(%dma_wait3A_436 : memref<8x2048xf32, #tpu.memory_space<hbm>>) dst(%arg15 : memref<8x2048xf32, #tpu.memory_space<vmem>>)
    %parallel_loop3A_437 = arith.constant 0 : i32
    %parallel_loop3A_438 = arith.constant 128 : i32
    %parallel_loop3A_439 = arith.constant 1 : i32
    scf.for %parallel_loop3A_520 = %parallel_loop3A_437 to %parallel_loop3A_438 step %parallel_loop3A_439  : i32 {
      %parallel_loop3A_521 = arith.constant 16 : i32
      %parallel_loop3A_522 = arith.muli %parallel_loop3A_520, %parallel_loop3A_521 : i32
      %parallel_loop3A_523 = arith.index_cast %parallel_loop3A_522 : i32 to index
      %parallel_loop3A_524 = tpu.vector_load %arg12[%parallel_loop3A_523] {strides = array<i32>} : memref<2048xi32, #tpu.memory_space<vmem>>, vector<16xi32>,
      %parallel_loop3A_525 = arith.constant 1 : i32
      %parallel_loop3A_526 = vector.broadcast %parallel_loop3A_525 : i32 to vector<16xi32>
      %parallel_loop3A_527 = arith.cmpi eq, %parallel_loop3A_524, %parallel_loop3A_526 : vector<16xi32>
      %parallel_loop3A_528 = arith.constant 16 : i32
      %parallel_loop3A_529 = arith.muli %parallel_loop3A_520, %parallel_loop3A_528 : i32
      %parallel_loop3A_530 = arith.constant 0 : i32
      %parallel_loop3A_531 = arith.index_cast %parallel_loop3A_530 : i32 to index
      %parallel_loop3A_532 = arith.index_cast %parallel_loop3A_529 : i32 to index
      %parallel_loop3A_533 = tpu.vector_load %arg15[%parallel_loop3A_531, %parallel_loop3A_532] {strides = array<i32>} : memref<8x2048xf32, #tpu.memory_space<vmem>>, vector<16xf32>,
      %parallel_loop3A_534 = arith.select %parallel_loop3A_527, %gather3A_145, %gather3A : vector<16xi1>, vector<16xf32>
      %parallel_loop3A_535 = arith.select %parallel_loop3A_527, %gather3A_257, %gather3A_207 : vector<16xi1>, vector<16xf32>
      %parallel_loop3A_536 = arith.mulf %parallel_loop3A_533, %parallel_loop3A_535 : vector<16xf32>
      %parallel_loop3A_537 = arith.addf %parallel_loop3A_534, %parallel_loop3A_536 : vector<16xf32>
      %parallel_loop3A_538 = arith.constant 16 : i32
      %parallel_loop3A_539 = arith.muli %parallel_loop3A_520, %parallel_loop3A_538 : i32
      %parallel_loop3A_540 = arith.constant 0 : i32
      %parallel_loop3A_541 = arith.index_cast %parallel_loop3A_540 : i32 to index
      %parallel_loop3A_542 = arith.index_cast %parallel_loop3A_539 : i32 to index
      %parallel_loop3A_543 = tpu.vector_load %arg18[%parallel_loop3A_541, %parallel_loop3A_542] {strides = array<i32>} : memref<8x2048xf32, #tpu.memory_space<vmem>>, vector<16xf32>,
      tpu.vector_store %arg18[%parallel_loop3A_541, %parallel_loop3A_542], %parallel_loop3A_537 {strides = array<i32>} : memref<8x2048xf32, #tpu.memory_space<vmem>>, vector<16xf32>,
      %parallel_loop3A_544 = arith.constant 16 : i32
      %parallel_loop3A_545 = arith.muli %parallel_loop3A_520, %parallel_loop3A_544 : i32
      %parallel_loop3A_546 = arith.constant 1 : i32
      %parallel_loop3A_547 = arith.index_cast %parallel_loop3A_546 : i32 to index
      %parallel_loop3A_548 = arith.index_cast %parallel_loop3A_545 : i32 to index
      %parallel_loop3A_549 = tpu.vector_load %arg15[%parallel_loop3A_547, %parallel_loop3A_548] {strides = array<i32>} : memref<8x2048xf32, #tpu.memory_space<vmem>>, vector<16xf32>,
      %parallel_loop3A_550 = arith.select %parallel_loop3A_527, %gather3A_153, %gather3A_101 : vector<16xi1>, vector<16xf32>
      %parallel_loop3A_551 = arith.select %parallel_loop3A_527, %gather3A_265, %gather3A_213 : vector<16xi1>, vector<16xf32>
      %parallel_loop3A_552 = arith.mulf %parallel_loop3A_549, %parallel_loop3A_551 : vector<16xf32>
      %parallel_loop3A_553 = arith.addf %parallel_loop3A_550, %parallel_loop3A_552 : vector<16xf32>
      %parallel_loop3A_554 = arith.constant 16 : i32
      %parallel_loop3A_555 = arith.muli %parallel_loop3A_520, %parallel_loop3A_554 : i32
      %parallel_loop3A_556 = arith.constant 1 : i32
      %parallel_loop3A_557 = arith.index_cast %parallel_loop3A_556 : i32 to index
      %parallel_loop3A_558 = arith.index_cast %parallel_loop3A_555 : i32 to index
      %parallel_loop3A_559 = tpu.vector_load %arg18[%parallel_loop3A_557, %parallel_loop3A_558] {strides = array<i32>} : memref<8x2048xf32, #tpu.memory_space<vmem>>, vector<16xf32>,
      tpu.vector_store %arg18[%parallel_loop3A_557, %parallel_loop3A_558], %parallel_loop3A_553 {strides = array<i32>} : memref<8x2048xf32, #tpu.memory_space<vmem>>, vector<16xf32>,
      %parallel_loop3A_560 = arith.constant 16 : i32
      %parallel_loop3A_561 = arith.muli %parallel_loop3A_520, %parallel_loop3A_560 : i32
      %parallel_loop3A_562 = arith.constant 2 : i32
      %parallel_loop3A_563 = arith.index_cast %parallel_loop3A_562 : i32 to index
      %parallel_loop3A_564 = arith.index_cast %parallel_loop3A_561 : i32 to index
      %parallel_loop3A_565 = tpu.vector_load %arg15[%parallel_loop3A_563, %parallel_loop3A_564] {strides = array<i32>} : memref<8x2048xf32, #tpu.memory_space<vmem>>, vector<16xf32>,
      %parallel_loop3A_566 = arith.select %parallel_loop3A_527, %gather3A_161, %gather3A_107 : vector<16xi1>, vector<16xf32>
      %parallel_loop3A_567 = arith.select %parallel_loop3A_527, %gather3A_273, %gather3A_219 : vector<16xi1>, vector<16xf32>
      %parallel_loop3A_568 = arith.mulf %parallel_loop3A_565, %parallel_loop3A_567 : vector<16xf32>
      %parallel_loop3A_569 = arith.addf %parallel_loop3A_566, %parallel_loop3A_568 : vector<16xf32>
      %parallel_loop3A_570 = arith.constant 16 : i32
      %parallel_loop3A_571 = arith.muli %parallel_loop3A_520, %parallel_loop3A_570 : i32
      %parallel_loop3A_572 = arith.constant 2 : i32
      %parallel_loop3A_573 = arith.index_cast %parallel_loop3A_572 : i32 to index
      %parallel_loop3A_574 = arith.index_cast %parallel_loop3A_571 : i32 to index
      %parallel_loop3A_575 = tpu.vector_load %arg18[%parallel_loop3A_573, %parallel_loop3A_574] {strides = array<i32>} : memref<8x2048xf32, #tpu.memory_space<vmem>>, vector<16xf32>,
      tpu.vector_store %arg18[%parallel_loop3A_573, %parallel_loop3A_574], %parallel_loop3A_569 {strides = array<i32>} : memref<8x2048xf32, #tpu.memory_space<vmem>>, vector<16xf32>,
      %parallel_loop3A_576 = arith.constant 16 : i32
      %parallel_loop3A_577 = arith.muli %parallel_loop3A_520, %parallel_loop3A_576 : i32
      %parallel_loop3A_578 = arith.constant 3 : i32
      %parallel_loop3A_579 = arith.index_cast %parallel_loop3A_578 : i32 to index
      %parallel_loop3A_580 = arith.index_cast %parallel_loop3A_577 : i32 to index
      %parallel_loop3A_581 = tpu.vector_load %arg15[%parallel_loop3A_579, %parallel_loop3A_580] {strides = array<i32>} : memref<8x2048xf32, #tpu.memory_space<vmem>>, vector<16xf32>,
      %parallel_loop3A_582 = arith.select %parallel_loop3A_527, %gather3A_169, %gather3A_113 : vector<16xi1>, vector<16xf32>
      %parallel_loop3A_583 = arith.select %parallel_loop3A_527, %gather3A_281, %gather3A_225 : vector<16xi1>, vector<16xf32>
      %parallel_loop3A_584 = arith.mulf %parallel_loop3A_581, %parallel_loop3A_583 : vector<16xf32>
      %parallel_loop3A_585 = arith.addf %parallel_loop3A_582, %parallel_loop3A_584 : vector<16xf32>
      %parallel_loop3A_586 = arith.constant 16 : i32
      %parallel_loop3A_587 = arith.muli %parallel_loop3A_520, %parallel_loop3A_586 : i32
      %parallel_loop3A_588 = arith.constant 3 : i32
      %parallel_loop3A_589 = arith.index_cast %parallel_loop3A_588 : i32 to index
      %parallel_loop3A_590 = arith.index_cast %parallel_loop3A_587 : i32 to index
      %parallel_loop3A_591 = tpu.vector_load %arg18[%parallel_loop3A_589, %parallel_loop3A_590] {strides = array<i32>} : memref<8x2048xf32, #tpu.memory_space<vmem>>, vector<16xf32>,
      tpu.vector_store %arg18[%parallel_loop3A_589, %parallel_loop3A_590], %parallel_loop3A_585 {strides = array<i32>} : memref<8x2048xf32, #tpu.memory_space<vmem>>, vector<16xf32>,
      %parallel_loop3A_592 = arith.constant 16 : i32
      %parallel_loop3A_593 = arith.muli %parallel_loop3A_520, %parallel_loop3A_592 : i32
      %parallel_loop3A_594 = arith.constant 4 : i32
      %parallel_loop3A_595 = arith.index_cast %parallel_loop3A_594 : i32 to index
      %parallel_loop3A_596 = arith.index_cast %parallel_loop3A_593 : i32 to index
      %parallel_loop3A_597 = tpu.vector_load %arg15[%parallel_loop3A_595, %parallel_loop3A_596] {strides = array<i32>} : memref<8x2048xf32, #tpu.memory_space<vmem>>, vector<16xf32>,
      %parallel_loop3A_598 = arith.select %parallel_loop3A_527, %gather3A_177, %gather3A_119 : vector<16xi1>, vector<16xf32>
      %parallel_loop3A_599 = arith.select %parallel_loop3A_527, %gather3A_289, %gather3A_231 : vector<16xi1>, vector<16xf32>
      %parallel_loop3A_600 = arith.mulf %parallel_loop3A_597, %parallel_loop3A_599 : vector<16xf32>
      %parallel_loop3A_601 = arith.addf %parallel_loop3A_598, %parallel_loop3A_600 : vector<16xf32>
      %parallel_loop3A_602 = arith.constant 16 : i32
      %parallel_loop3A_603 = arith.muli %parallel_loop3A_520, %parallel_loop3A_602 : i32
      %parallel_loop3A_604 = arith.constant 4 : i32
      %parallel_loop3A_605 = arith.index_cast %parallel_loop3A_604 : i32 to index
      %parallel_loop3A_606 = arith.index_cast %parallel_loop3A_603 : i32 to index
      %parallel_loop3A_607 = tpu.vector_load %arg18[%parallel_loop3A_605, %parallel_loop3A_606] {strides = array<i32>} : memref<8x2048xf32, #tpu.memory_space<vmem>>, vector<16xf32>,
      tpu.vector_store %arg18[%parallel_loop3A_605, %parallel_loop3A_606], %parallel_loop3A_601 {strides = array<i32>} : memref<8x2048xf32, #tpu.memory_space<vmem>>, vector<16xf32>,
      %parallel_loop3A_608 = arith.constant 16 : i32
      %parallel_loop3A_609 = arith.muli %parallel_loop3A_520, %parallel_loop3A_608 : i32
      %parallel_loop3A_610 = arith.constant 5 : i32
      %parallel_loop3A_611 = arith.index_cast %parallel_loop3A_610 : i32 to index
      %parallel_loop3A_612 = arith.index_cast %parallel_loop3A_609 : i32 to index
      %parallel_loop3A_613 = tpu.vector_load %arg15[%parallel_loop3A_611, %parallel_loop3A_612] {strides = array<i32>} : memref<8x2048xf32, #tpu.memory_space<vmem>>, vector<16xf32>,
      %parallel_loop3A_614 = arith.select %parallel_loop3A_527, %gather3A_185, %gather3A_125 : vector<16xi1>, vector<16xf32>
      %parallel_loop3A_615 = arith.select %parallel_loop3A_527, %gather3A_297, %gather3A_237 : vector<16xi1>, vector<16xf32>
      %parallel_loop3A_616 = arith.mulf %parallel_loop3A_613, %parallel_loop3A_615 : vector<16xf32>
      %parallel_loop3A_617 = arith.addf %parallel_loop3A_614, %parallel_loop3A_616 : vector<16xf32>
      %parallel_loop3A_618 = arith.constant 16 : i32
      %parallel_loop3A_619 = arith.muli %parallel_loop3A_520, %parallel_loop3A_618 : i32
      %parallel_loop3A_620 = arith.constant 5 : i32
      %parallel_loop3A_621 = arith.index_cast %parallel_loop3A_620 : i32 to index
      %parallel_loop3A_622 = arith.index_cast %parallel_loop3A_619 : i32 to index
      %parallel_loop3A_623 = tpu.vector_load %arg18[%parallel_loop3A_621, %parallel_loop3A_622] {strides = array<i32>} : memref<8x2048xf32, #tpu.memory_space<vmem>>, vector<16xf32>,
      tpu.vector_store %arg18[%parallel_loop3A_621, %parallel_loop3A_622], %parallel_loop3A_617 {strides = array<i32>} : memref<8x2048xf32, #tpu.memory_space<vmem>>, vector<16xf32>,
      %parallel_loop3A_624 = arith.constant 16 : i32
      %parallel_loop3A_625 = arith.muli %parallel_loop3A_520, %parallel_loop3A_624 : i32
      %parallel_loop3A_626 = arith.constant 6 : i32
      %parallel_loop3A_627 = arith.index_cast %parallel_loop3A_626 : i32 to index
      %parallel_loop3A_628 = arith.index_cast %parallel_loop3A_625 : i32 to index
      %parallel_loop3A_629 = tpu.vector_load %arg15[%parallel_loop3A_627, %parallel_loop3A_628] {strides = array<i32>} : memref<8x2048xf32, #tpu.memory_space<vmem>>, vector<16xf32>,
      %parallel_loop3A_630 = arith.select %parallel_loop3A_527, %gather3A_193, %gather3A_131 : vector<16xi1>, vector<16xf32>
      %parallel_loop3A_631 = arith.select %parallel_loop3A_527, %gather3A_305, %gather3A_243 : vector<16xi1>, vector<16xf32>
      %parallel_loop3A_632 = arith.mulf %parallel_loop3A_629, %parallel_loop3A_631 : vector<16xf32>
      %parallel_loop3A_633 = arith.addf %parallel_loop3A_630, %parallel_loop3A_632 : vector<16xf32>
      %parallel_loop3A_634 = arith.constant 16 : i32
      %parallel_loop3A_635 = arith.muli %parallel_loop3A_520, %parallel_loop3A_634 : i32
      %parallel_loop3A_636 = arith.constant 6 : i32
      %parallel_loop3A_637 = arith.index_cast %parallel_loop3A_636 : i32 to index
      %parallel_loop3A_638 = arith.index_cast %parallel_loop3A_635 : i32 to index
      %parallel_loop3A_639 = tpu.vector_load %arg18[%parallel_loop3A_637, %parallel_loop3A_638] {strides = array<i32>} : memref<8x2048xf32, #tpu.memory_space<vmem>>, vector<16xf32>,
      tpu.vector_store %arg18[%parallel_loop3A_637, %parallel_loop3A_638], %parallel_loop3A_633 {strides = array<i32>} : memref<8x2048xf32, #tpu.memory_space<vmem>>, vector<16xf32>,
      %parallel_loop3A_640 = arith.constant 16 : i32
      %parallel_loop3A_641 = arith.muli %parallel_loop3A_520, %parallel_loop3A_640 : i32
      %parallel_loop3A_642 = arith.constant 7 : i32
      %parallel_loop3A_643 = arith.index_cast %parallel_loop3A_642 : i32 to index
      %parallel_loop3A_644 = arith.index_cast %parallel_loop3A_641 : i32 to index
      %parallel_loop3A_645 = tpu.vector_load %arg15[%parallel_loop3A_643, %parallel_loop3A_644] {strides = array<i32>} : memref<8x2048xf32, #tpu.memory_space<vmem>>, vector<16xf32>,
      %parallel_loop3A_646 = arith.select %parallel_loop3A_527, %gather3A_201, %gather3A_137 : vector<16xi1>, vector<16xf32>
      %parallel_loop3A_647 = arith.select %parallel_loop3A_527, %gather3A_313, %gather3A_249 : vector<16xi1>, vector<16xf32>
      %parallel_loop3A_648 = arith.mulf %parallel_loop3A_645, %parallel_loop3A_647 : vector<16xf32>
      %parallel_loop3A_649 = arith.addf %parallel_loop3A_646, %parallel_loop3A_648 : vector<16xf32>
      %parallel_loop3A_650 = arith.constant 16 : i32
      %parallel_loop3A_651 = arith.muli %parallel_loop3A_520, %parallel_loop3A_650 : i32
      %parallel_loop3A_652 = arith.constant 7 : i32
      %parallel_loop3A_653 = arith.index_cast %parallel_loop3A_652 : i32 to index
      %parallel_loop3A_654 = arith.index_cast %parallel_loop3A_651 : i32 to index
      %parallel_loop3A_655 = tpu.vector_load %arg18[%parallel_loop3A_653, %parallel_loop3A_654] {strides = array<i32>} : memref<8x2048xf32, #tpu.memory_space<vmem>>, vector<16xf32>,
      tpu.vector_store %arg18[%parallel_loop3A_653, %parallel_loop3A_654], %parallel_loop3A_649 {strides = array<i32>} : memref<8x2048xf32, #tpu.memory_space<vmem>>, vector<16xf32>,
    } {sc.loop_unroll_factor = 2 : i64, sc.parallel_access}
    %mul3A_440 = arith.constant 262144 : i32
    %mul3A_441 = arith.muli %select_n3A_30, %mul3A_440 : i32
    %add3A_442 = arith.constant 256000 : i32
    %add3A_443 = arith.addi %mul3A_441, %add3A_442 : i32
    %mul3A_444 = arith.constant 8 : i32
    %mul3A_445 = arith.muli %mul3A_444, %select_n3A : i32
    %dma_start3A_446 = tpu.memref_slice %arg6[%mul3A_445, %add3A_443] : memref<64x1048576xf32, #tpu.memory_space<hbm>> -> memref<8x2048xf32, #tpu.memory_space<hbm>>
    %dma_start3A_447 = tpu.memref_slice %arg6[%mul3A_445, %add3A_443] : memref<64x1048576xf32, #tpu.memory_space<hbm>> -> memref<8x2048xf32, #tpu.memory_space<hbm>>
    tpu.enqueue_dma source(%arg18 : memref<8x2048xf32, #tpu.memory_space<vmem>>) target(%dma_start3A_447 : memref<8x2048xf32, #tpu.memory_space<hbm>>) target_semaphore(%arg24 : memref<!tpu.dma_semaphore, #tpu.memory_space<semaphore_mem>>)
    %dma_wait3A_448 = arith.constant 0 : i32
    %dma_wait3A_449 = arith.constant 0 : i32
    %dma_wait3A_450 = tpu.memref_slice %arg6[%dma_wait3A_448, %dma_wait3A_449] : memref<64x1048576xf32, #tpu.memory_space<hbm>> -> memref<8x2048xf32, #tpu.memory_space<hbm>>
    %dma_wait3A_451 = arith.constant 0 : i32
    %dma_wait3A_452 = arith.constant 0 : i32
    %dma_wait3A_453 = tpu.memref_slice %arg6[%dma_wait3A_451, %dma_wait3A_452] : memref<64x1048576xf32, #tpu.memory_space<hbm>> -> memref<8x2048xf32, #tpu.memory_space<hbm>>
    tpu.wait_dma2 semaphore(%arg22 : memref<!tpu.dma_semaphore, #tpu.memory_space<semaphore_mem>>) src(%arg16 : memref<8x2048xf32, #tpu.memory_space<vmem>>) dst(%dma_wait3A_453 : memref<8x2048xf32, #tpu.memory_space<hbm>>)
    %dma_wait3A_454 = arith.constant 0 : i32
    %dma_wait3A_455 = tpu.memref_slice %arg4[%dma_wait3A_454] : memref<1048576xi32, #tpu.memory_space<hbm>> -> memref<2048xi32, #tpu.memory_space<hbm>>
    %dma_wait3A_456 = arith.constant 0 : i32
    %dma_wait3A_457 = tpu.memref_slice %arg4[%dma_wait3A_456] : memref<1048576xi32, #tpu.memory_space<hbm>> -> memref<2048xi32, #tpu.memory_space<hbm>>
    tpu.wait_dma2 semaphore(%arg19 : memref<!tpu.dma_semaphore, #tpu.memory_space<semaphore_mem>>) src(%dma_wait3A_457 : memref<2048xi32, #tpu.memory_space<hbm>>) dst(%arg10 : memref<2048xi32, #tpu.memory_space<vmem>>)
    %dma_wait3A_458 = arith.constant 0 : i32
    %dma_wait3A_459 = arith.constant 0 : i32
    %dma_wait3A_460 = tpu.memref_slice %arg5[%dma_wait3A_458, %dma_wait3A_459] : memref<64x1048576xf32, #tpu.memory_space<hbm>> -> memref<8x2048xf32, #tpu.memory_space<hbm>>
    %dma_wait3A_461 = arith.constant 0 : i32
    %dma_wait3A_462 = arith.constant 0 : i32
    %dma_wait3A_463 = tpu.memref_slice %arg5[%dma_wait3A_461, %dma_wait3A_462] : memref<64x1048576xf32, #tpu.memory_space<hbm>> -> memref<8x2048xf32, #tpu.memory_space<hbm>>
    tpu.wait_dma2 semaphore(%arg19 : memref<!tpu.dma_semaphore, #tpu.memory_space<semaphore_mem>>) src(%dma_wait3A_463 : memref<8x2048xf32, #tpu.memory_space<hbm>>) dst(%arg13 : memref<8x2048xf32, #tpu.memory_space<vmem>>)
    %parallel_loop3A_464 = arith.constant 0 : i32
    %parallel_loop3A_465 = arith.constant 128 : i32
    %parallel_loop3A_466 = arith.constant 1 : i32
    scf.for %parallel_loop3A_520 = %parallel_loop3A_464 to %parallel_loop3A_465 step %parallel_loop3A_466  : i32 {
      %parallel_loop3A_521 = arith.constant 16 : i32
      %parallel_loop3A_522 = arith.muli %parallel_loop3A_520, %parallel_loop3A_521 : i32
      %parallel_loop3A_523 = arith.index_cast %parallel_loop3A_522 : i32 to index
      %parallel_loop3A_524 = tpu.vector_load %arg10[%parallel_loop3A_523] {strides = array<i32>} : memref<2048xi32, #tpu.memory_space<vmem>>, vector<16xi32>,
      %parallel_loop3A_525 = arith.constant 1 : i32
      %parallel_loop3A_526 = vector.broadcast %parallel_loop3A_525 : i32 to vector<16xi32>
      %parallel_loop3A_527 = arith.cmpi eq, %parallel_loop3A_524, %parallel_loop3A_526 : vector<16xi32>
      %parallel_loop3A_528 = arith.constant 16 : i32
      %parallel_loop3A_529 = arith.muli %parallel_loop3A_520, %parallel_loop3A_528 : i32
      %parallel_loop3A_530 = arith.constant 0 : i32
      %parallel_loop3A_531 = arith.index_cast %parallel_loop3A_530 : i32 to index
      %parallel_loop3A_532 = arith.index_cast %parallel_loop3A_529 : i32 to index
      %parallel_loop3A_533 = tpu.vector_load %arg13[%parallel_loop3A_531, %parallel_loop3A_532] {strides = array<i32>} : memref<8x2048xf32, #tpu.memory_space<vmem>>, vector<16xf32>,
      %parallel_loop3A_534 = arith.select %parallel_loop3A_527, %gather3A_145, %gather3A : vector<16xi1>, vector<16xf32>
      %parallel_loop3A_535 = arith.select %parallel_loop3A_527, %gather3A_257, %gather3A_207 : vector<16xi1>, vector<16xf32>
      %parallel_loop3A_536 = arith.mulf %parallel_loop3A_533, %parallel_loop3A_535 : vector<16xf32>
      %parallel_loop3A_537 = arith.addf %parallel_loop3A_534, %parallel_loop3A_536 : vector<16xf32>
      %parallel_loop3A_538 = arith.constant 16 : i32
      %parallel_loop3A_539 = arith.muli %parallel_loop3A_520, %parallel_loop3A_538 : i32
      %parallel_loop3A_540 = arith.constant 0 : i32
      %parallel_loop3A_541 = arith.index_cast %parallel_loop3A_540 : i32 to index
      %parallel_loop3A_542 = arith.index_cast %parallel_loop3A_539 : i32 to index
      %parallel_loop3A_543 = tpu.vector_load %arg16[%parallel_loop3A_541, %parallel_loop3A_542] {strides = array<i32>} : memref<8x2048xf32, #tpu.memory_space<vmem>>, vector<16xf32>,
      tpu.vector_store %arg16[%parallel_loop3A_541, %parallel_loop3A_542], %parallel_loop3A_537 {strides = array<i32>} : memref<8x2048xf32, #tpu.memory_space<vmem>>, vector<16xf32>,
      %parallel_loop3A_544 = arith.constant 16 : i32
      %parallel_loop3A_545 = arith.muli %parallel_loop3A_520, %parallel_loop3A_544 : i32
      %parallel_loop3A_546 = arith.constant 1 : i32
      %parallel_loop3A_547 = arith.index_cast %parallel_loop3A_546 : i32 to index
      %parallel_loop3A_548 = arith.index_cast %parallel_loop3A_545 : i32 to index
      %parallel_loop3A_549 = tpu.vector_load %arg13[%parallel_loop3A_547, %parallel_loop3A_548] {strides = array<i32>} : memref<8x2048xf32, #tpu.memory_space<vmem>>, vector<16xf32>,
      %parallel_loop3A_550 = arith.select %parallel_loop3A_527, %gather3A_153, %gather3A_101 : vector<16xi1>, vector<16xf32>
      %parallel_loop3A_551 = arith.select %parallel_loop3A_527, %gather3A_265, %gather3A_213 : vector<16xi1>, vector<16xf32>
      %parallel_loop3A_552 = arith.mulf %parallel_loop3A_549, %parallel_loop3A_551 : vector<16xf32>
      %parallel_loop3A_553 = arith.addf %parallel_loop3A_550, %parallel_loop3A_552 : vector<16xf32>
      %parallel_loop3A_554 = arith.constant 16 : i32
      %parallel_loop3A_555 = arith.muli %parallel_loop3A_520, %parallel_loop3A_554 : i32
      %parallel_loop3A_556 = arith.constant 1 : i32
      %parallel_loop3A_557 = arith.index_cast %parallel_loop3A_556 : i32 to index
      %parallel_loop3A_558 = arith.index_cast %parallel_loop3A_555 : i32 to index
      %parallel_loop3A_559 = tpu.vector_load %arg16[%parallel_loop3A_557, %parallel_loop3A_558] {strides = array<i32>} : memref<8x2048xf32, #tpu.memory_space<vmem>>, vector<16xf32>,
      tpu.vector_store %arg16[%parallel_loop3A_557, %parallel_loop3A_558], %parallel_loop3A_553 {strides = array<i32>} : memref<8x2048xf32, #tpu.memory_space<vmem>>, vector<16xf32>,
      %parallel_loop3A_560 = arith.constant 16 : i32
      %parallel_loop3A_561 = arith.muli %parallel_loop3A_520, %parallel_loop3A_560 : i32
      %parallel_loop3A_562 = arith.constant 2 : i32
      %parallel_loop3A_563 = arith.index_cast %parallel_loop3A_562 : i32 to index
      %parallel_loop3A_564 = arith.index_cast %parallel_loop3A_561 : i32 to index
      %parallel_loop3A_565 = tpu.vector_load %arg13[%parallel_loop3A_563, %parallel_loop3A_564] {strides = array<i32>} : memref<8x2048xf32, #tpu.memory_space<vmem>>, vector<16xf32>,
      %parallel_loop3A_566 = arith.select %parallel_loop3A_527, %gather3A_161, %gather3A_107 : vector<16xi1>, vector<16xf32>
      %parallel_loop3A_567 = arith.select %parallel_loop3A_527, %gather3A_273, %gather3A_219 : vector<16xi1>, vector<16xf32>
      %parallel_loop3A_568 = arith.mulf %parallel_loop3A_565, %parallel_loop3A_567 : vector<16xf32>
      %parallel_loop3A_569 = arith.addf %parallel_loop3A_566, %parallel_loop3A_568 : vector<16xf32>
      %parallel_loop3A_570 = arith.constant 16 : i32
      %parallel_loop3A_571 = arith.muli %parallel_loop3A_520, %parallel_loop3A_570 : i32
      %parallel_loop3A_572 = arith.constant 2 : i32
      %parallel_loop3A_573 = arith.index_cast %parallel_loop3A_572 : i32 to index
      %parallel_loop3A_574 = arith.index_cast %parallel_loop3A_571 : i32 to index
      %parallel_loop3A_575 = tpu.vector_load %arg16[%parallel_loop3A_573, %parallel_loop3A_574] {strides = array<i32>} : memref<8x2048xf32, #tpu.memory_space<vmem>>, vector<16xf32>,
      tpu.vector_store %arg16[%parallel_loop3A_573, %parallel_loop3A_574], %parallel_loop3A_569 {strides = array<i32>} : memref<8x2048xf32, #tpu.memory_space<vmem>>, vector<16xf32>,
      %parallel_loop3A_576 = arith.constant 16 : i32
      %parallel_loop3A_577 = arith.muli %parallel_loop3A_520, %parallel_loop3A_576 : i32
      %parallel_loop3A_578 = arith.constant 3 : i32
      %parallel_loop3A_579 = arith.index_cast %parallel_loop3A_578 : i32 to index
      %parallel_loop3A_580 = arith.index_cast %parallel_loop3A_577 : i32 to index
      %parallel_loop3A_581 = tpu.vector_load %arg13[%parallel_loop3A_579, %parallel_loop3A_580] {strides = array<i32>} : memref<8x2048xf32, #tpu.memory_space<vmem>>, vector<16xf32>,
      %parallel_loop3A_582 = arith.select %parallel_loop3A_527, %gather3A_169, %gather3A_113 : vector<16xi1>, vector<16xf32>
      %parallel_loop3A_583 = arith.select %parallel_loop3A_527, %gather3A_281, %gather3A_225 : vector<16xi1>, vector<16xf32>
      %parallel_loop3A_584 = arith.mulf %parallel_loop3A_581, %parallel_loop3A_583 : vector<16xf32>
      %parallel_loop3A_585 = arith.addf %parallel_loop3A_582, %parallel_loop3A_584 : vector<16xf32>
      %parallel_loop3A_586 = arith.constant 16 : i32
      %parallel_loop3A_587 = arith.muli %parallel_loop3A_520, %parallel_loop3A_586 : i32
      %parallel_loop3A_588 = arith.constant 3 : i32
      %parallel_loop3A_589 = arith.index_cast %parallel_loop3A_588 : i32 to index
      %parallel_loop3A_590 = arith.index_cast %parallel_loop3A_587 : i32 to index
      %parallel_loop3A_591 = tpu.vector_load %arg16[%parallel_loop3A_589, %parallel_loop3A_590] {strides = array<i32>} : memref<8x2048xf32, #tpu.memory_space<vmem>>, vector<16xf32>,
      tpu.vector_store %arg16[%parallel_loop3A_589, %parallel_loop3A_590], %parallel_loop3A_585 {strides = array<i32>} : memref<8x2048xf32, #tpu.memory_space<vmem>>, vector<16xf32>,
      %parallel_loop3A_592 = arith.constant 16 : i32
      %parallel_loop3A_593 = arith.muli %parallel_loop3A_520, %parallel_loop3A_592 : i32
      %parallel_loop3A_594 = arith.constant 4 : i32
      %parallel_loop3A_595 = arith.index_cast %parallel_loop3A_594 : i32 to index
      %parallel_loop3A_596 = arith.index_cast %parallel_loop3A_593 : i32 to index
      %parallel_loop3A_597 = tpu.vector_load %arg13[%parallel_loop3A_595, %parallel_loop3A_596] {strides = array<i32>} : memref<8x2048xf32, #tpu.memory_space<vmem>>, vector<16xf32>,
      %parallel_loop3A_598 = arith.select %parallel_loop3A_527, %gather3A_177, %gather3A_119 : vector<16xi1>, vector<16xf32>
      %parallel_loop3A_599 = arith.select %parallel_loop3A_527, %gather3A_289, %gather3A_231 : vector<16xi1>, vector<16xf32>
      %parallel_loop3A_600 = arith.mulf %parallel_loop3A_597, %parallel_loop3A_599 : vector<16xf32>
      %parallel_loop3A_601 = arith.addf %parallel_loop3A_598, %parallel_loop3A_600 : vector<16xf32>
      %parallel_loop3A_602 = arith.constant 16 : i32
      %parallel_loop3A_603 = arith.muli %parallel_loop3A_520, %parallel_loop3A_602 : i32
      %parallel_loop3A_604 = arith.constant 4 : i32
      %parallel_loop3A_605 = arith.index_cast %parallel_loop3A_604 : i32 to index
      %parallel_loop3A_606 = arith.index_cast %parallel_loop3A_603 : i32 to index
      %parallel_loop3A_607 = tpu.vector_load %arg16[%parallel_loop3A_605, %parallel_loop3A_606] {strides = array<i32>} : memref<8x2048xf32, #tpu.memory_space<vmem>>, vector<16xf32>,
      tpu.vector_store %arg16[%parallel_loop3A_605, %parallel_loop3A_606], %parallel_loop3A_601 {strides = array<i32>} : memref<8x2048xf32, #tpu.memory_space<vmem>>, vector<16xf32>,
      %parallel_loop3A_608 = arith.constant 16 : i32
      %parallel_loop3A_609 = arith.muli %parallel_loop3A_520, %parallel_loop3A_608 : i32
      %parallel_loop3A_610 = arith.constant 5 : i32
      %parallel_loop3A_611 = arith.index_cast %parallel_loop3A_610 : i32 to index
      %parallel_loop3A_612 = arith.index_cast %parallel_loop3A_609 : i32 to index
      %parallel_loop3A_613 = tpu.vector_load %arg13[%parallel_loop3A_611, %parallel_loop3A_612] {strides = array<i32>} : memref<8x2048xf32, #tpu.memory_space<vmem>>, vector<16xf32>,
      %parallel_loop3A_614 = arith.select %parallel_loop3A_527, %gather3A_185, %gather3A_125 : vector<16xi1>, vector<16xf32>
      %parallel_loop3A_615 = arith.select %parallel_loop3A_527, %gather3A_297, %gather3A_237 : vector<16xi1>, vector<16xf32>
      %parallel_loop3A_616 = arith.mulf %parallel_loop3A_613, %parallel_loop3A_615 : vector<16xf32>
      %parallel_loop3A_617 = arith.addf %parallel_loop3A_614, %parallel_loop3A_616 : vector<16xf32>
      %parallel_loop3A_618 = arith.constant 16 : i32
      %parallel_loop3A_619 = arith.muli %parallel_loop3A_520, %parallel_loop3A_618 : i32
      %parallel_loop3A_620 = arith.constant 5 : i32
      %parallel_loop3A_621 = arith.index_cast %parallel_loop3A_620 : i32 to index
      %parallel_loop3A_622 = arith.index_cast %parallel_loop3A_619 : i32 to index
      %parallel_loop3A_623 = tpu.vector_load %arg16[%parallel_loop3A_621, %parallel_loop3A_622] {strides = array<i32>} : memref<8x2048xf32, #tpu.memory_space<vmem>>, vector<16xf32>,
      tpu.vector_store %arg16[%parallel_loop3A_621, %parallel_loop3A_622], %parallel_loop3A_617 {strides = array<i32>} : memref<8x2048xf32, #tpu.memory_space<vmem>>, vector<16xf32>,
      %parallel_loop3A_624 = arith.constant 16 : i32
      %parallel_loop3A_625 = arith.muli %parallel_loop3A_520, %parallel_loop3A_624 : i32
      %parallel_loop3A_626 = arith.constant 6 : i32
      %parallel_loop3A_627 = arith.index_cast %parallel_loop3A_626 : i32 to index
      %parallel_loop3A_628 = arith.index_cast %parallel_loop3A_625 : i32 to index
      %parallel_loop3A_629 = tpu.vector_load %arg13[%parallel_loop3A_627, %parallel_loop3A_628] {strides = array<i32>} : memref<8x2048xf32, #tpu.memory_space<vmem>>, vector<16xf32>,
      %parallel_loop3A_630 = arith.select %parallel_loop3A_527, %gather3A_193, %gather3A_131 : vector<16xi1>, vector<16xf32>
      %parallel_loop3A_631 = arith.select %parallel_loop3A_527, %gather3A_305, %gather3A_243 : vector<16xi1>, vector<16xf32>
      %parallel_loop3A_632 = arith.mulf %parallel_loop3A_629, %parallel_loop3A_631 : vector<16xf32>
      %parallel_loop3A_633 = arith.addf %parallel_loop3A_630, %parallel_loop3A_632 : vector<16xf32>
      %parallel_loop3A_634 = arith.constant 16 : i32
      %parallel_loop3A_635 = arith.muli %parallel_loop3A_520, %parallel_loop3A_634 : i32
      %parallel_loop3A_636 = arith.constant 6 : i32
      %parallel_loop3A_637 = arith.index_cast %parallel_loop3A_636 : i32 to index
      %parallel_loop3A_638 = arith.index_cast %parallel_loop3A_635 : i32 to index
      %parallel_loop3A_639 = tpu.vector_load %arg16[%parallel_loop3A_637, %parallel_loop3A_638] {strides = array<i32>} : memref<8x2048xf32, #tpu.memory_space<vmem>>, vector<16xf32>,
      tpu.vector_store %arg16[%parallel_loop3A_637, %parallel_loop3A_638], %parallel_loop3A_633 {strides = array<i32>} : memref<8x2048xf32, #tpu.memory_space<vmem>>, vector<16xf32>,
      %parallel_loop3A_640 = arith.constant 16 : i32
      %parallel_loop3A_641 = arith.muli %parallel_loop3A_520, %parallel_loop3A_640 : i32
      %parallel_loop3A_642 = arith.constant 7 : i32
      %parallel_loop3A_643 = arith.index_cast %parallel_loop3A_642 : i32 to index
      %parallel_loop3A_644 = arith.index_cast %parallel_loop3A_641 : i32 to index
      %parallel_loop3A_645 = tpu.vector_load %arg13[%parallel_loop3A_643, %parallel_loop3A_644] {strides = array<i32>} : memref<8x2048xf32, #tpu.memory_space<vmem>>, vector<16xf32>,
      %parallel_loop3A_646 = arith.select %parallel_loop3A_527, %gather3A_201, %gather3A_137 : vector<16xi1>, vector<16xf32>
      %parallel_loop3A_647 = arith.select %parallel_loop3A_527, %gather3A_313, %gather3A_249 : vector<16xi1>, vector<16xf32>
      %parallel_loop3A_648 = arith.mulf %parallel_loop3A_645, %parallel_loop3A_647 : vector<16xf32>
      %parallel_loop3A_649 = arith.addf %parallel_loop3A_646, %parallel_loop3A_648 : vector<16xf32>
      %parallel_loop3A_650 = arith.constant 16 : i32
      %parallel_loop3A_651 = arith.muli %parallel_loop3A_520, %parallel_loop3A_650 : i32
      %parallel_loop3A_652 = arith.constant 7 : i32
      %parallel_loop3A_653 = arith.index_cast %parallel_loop3A_652 : i32 to index
      %parallel_loop3A_654 = arith.index_cast %parallel_loop3A_651 : i32 to index
      %parallel_loop3A_655 = tpu.vector_load %arg16[%parallel_loop3A_653, %parallel_loop3A_654] {strides = array<i32>} : memref<8x2048xf32, #tpu.memory_space<vmem>>, vector<16xf32>,
      tpu.vector_store %arg16[%parallel_loop3A_653, %parallel_loop3A_654], %parallel_loop3A_649 {strides = array<i32>} : memref<8x2048xf32, #tpu.memory_space<vmem>>, vector<16xf32>,
    } {sc.loop_unroll_factor = 2 : i64, sc.parallel_access}
    %mul3A_467 = arith.constant 262144 : i32
    %mul3A_468 = arith.muli %select_n3A_30, %mul3A_467 : i32
    %add3A_469 = arith.constant 258048 : i32
    %add3A_470 = arith.addi %mul3A_468, %add3A_469 : i32
    %mul3A_471 = arith.constant 8 : i32
    %mul3A_472 = arith.muli %mul3A_471, %select_n3A : i32
    %dma_start3A_473 = tpu.memref_slice %arg6[%mul3A_472, %add3A_470] : memref<64x1048576xf32, #tpu.memory_space<hbm>> -> memref<8x2048xf32, #tpu.memory_space<hbm>>
    %dma_start3A_474 = tpu.memref_slice %arg6[%mul3A_472, %add3A_470] : memref<64x1048576xf32, #tpu.memory_space<hbm>> -> memref<8x2048xf32, #tpu.memory_space<hbm>>
    tpu.enqueue_dma source(%arg16 : memref<8x2048xf32, #tpu.memory_space<vmem>>) target(%dma_start3A_474 : memref<8x2048xf32, #tpu.memory_space<hbm>>) target_semaphore(%arg22 : memref<!tpu.dma_semaphore, #tpu.memory_space<semaphore_mem>>)
    %dma_wait3A_475 = arith.constant 0 : i32
    %dma_wait3A_476 = arith.constant 0 : i32
    %dma_wait3A_477 = tpu.memref_slice %arg6[%dma_wait3A_475, %dma_wait3A_476] : memref<64x1048576xf32, #tpu.memory_space<hbm>> -> memref<8x2048xf32, #tpu.memory_space<hbm>>
    %dma_wait3A_478 = arith.constant 0 : i32
    %dma_wait3A_479 = arith.constant 0 : i32
    %dma_wait3A_480 = tpu.memref_slice %arg6[%dma_wait3A_478, %dma_wait3A_479] : memref<64x1048576xf32, #tpu.memory_space<hbm>> -> memref<8x2048xf32, #tpu.memory_space<hbm>>
    tpu.wait_dma2 semaphore(%arg23 : memref<!tpu.dma_semaphore, #tpu.memory_space<semaphore_mem>>) src(%arg17 : memref<8x2048xf32, #tpu.memory_space<vmem>>) dst(%dma_wait3A_480 : memref<8x2048xf32, #tpu.memory_space<hbm>>)
    %dma_wait3A_481 = arith.constant 0 : i32
    %dma_wait3A_482 = tpu.memref_slice %arg4[%dma_wait3A_481] : memref<1048576xi32, #tpu.memory_space<hbm>> -> memref<2048xi32, #tpu.memory_space<hbm>>
    %dma_wait3A_483 = arith.constant 0 : i32
    %dma_wait3A_484 = tpu.memref_slice %arg4[%dma_wait3A_483] : memref<1048576xi32, #tpu.memory_space<hbm>> -> memref<2048xi32, #tpu.memory_space<hbm>>
    tpu.wait_dma2 semaphore(%arg20 : memref<!tpu.dma_semaphore, #tpu.memory_space<semaphore_mem>>) src(%dma_wait3A_484 : memref<2048xi32, #tpu.memory_space<hbm>>) dst(%arg11 : memref<2048xi32, #tpu.memory_space<vmem>>)
    %dma_wait3A_485 = arith.constant 0 : i32
    %dma_wait3A_486 = arith.constant 0 : i32
    %dma_wait3A_487 = tpu.memref_slice %arg5[%dma_wait3A_485, %dma_wait3A_486] : memref<64x1048576xf32, #tpu.memory_space<hbm>> -> memref<8x2048xf32, #tpu.memory_space<hbm>>
    %dma_wait3A_488 = arith.constant 0 : i32
    %dma_wait3A_489 = arith.constant 0 : i32
    %dma_wait3A_490 = tpu.memref_slice %arg5[%dma_wait3A_488, %dma_wait3A_489] : memref<64x1048576xf32, #tpu.memory_space<hbm>> -> memref<8x2048xf32, #tpu.memory_space<hbm>>
    tpu.wait_dma2 semaphore(%arg20 : memref<!tpu.dma_semaphore, #tpu.memory_space<semaphore_mem>>) src(%dma_wait3A_490 : memref<8x2048xf32, #tpu.memory_space<hbm>>) dst(%arg14 : memref<8x2048xf32, #tpu.memory_space<vmem>>)
    %parallel_loop3A_491 = arith.constant 0 : i32
    %parallel_loop3A_492 = arith.constant 128 : i32
    %parallel_loop3A_493 = arith.constant 1 : i32
    scf.for %parallel_loop3A_520 = %parallel_loop3A_491 to %parallel_loop3A_492 step %parallel_loop3A_493  : i32 {
      %parallel_loop3A_521 = arith.constant 16 : i32
      %parallel_loop3A_522 = arith.muli %parallel_loop3A_520, %parallel_loop3A_521 : i32
      %parallel_loop3A_523 = arith.index_cast %parallel_loop3A_522 : i32 to index
      %parallel_loop3A_524 = tpu.vector_load %arg11[%parallel_loop3A_523] {strides = array<i32>} : memref<2048xi32, #tpu.memory_space<vmem>>, vector<16xi32>,
      %parallel_loop3A_525 = arith.constant 1 : i32
      %parallel_loop3A_526 = vector.broadcast %parallel_loop3A_525 : i32 to vector<16xi32>
      %parallel_loop3A_527 = arith.cmpi eq, %parallel_loop3A_524, %parallel_loop3A_526 : vector<16xi32>
      %parallel_loop3A_528 = arith.constant 16 : i32
      %parallel_loop3A_529 = arith.muli %parallel_loop3A_520, %parallel_loop3A_528 : i32
      %parallel_loop3A_530 = arith.constant 0 : i32
      %parallel_loop3A_531 = arith.index_cast %parallel_loop3A_530 : i32 to index
      %parallel_loop3A_532 = arith.index_cast %parallel_loop3A_529 : i32 to index
      %parallel_loop3A_533 = tpu.vector_load %arg14[%parallel_loop3A_531, %parallel_loop3A_532] {strides = array<i32>} : memref<8x2048xf32, #tpu.memory_space<vmem>>, vector<16xf32>,
      %parallel_loop3A_534 = arith.select %parallel_loop3A_527, %gather3A_145, %gather3A : vector<16xi1>, vector<16xf32>
      %parallel_loop3A_535 = arith.select %parallel_loop3A_527, %gather3A_257, %gather3A_207 : vector<16xi1>, vector<16xf32>
      %parallel_loop3A_536 = arith.mulf %parallel_loop3A_533, %parallel_loop3A_535 : vector<16xf32>
      %parallel_loop3A_537 = arith.addf %parallel_loop3A_534, %parallel_loop3A_536 : vector<16xf32>
      %parallel_loop3A_538 = arith.constant 16 : i32
      %parallel_loop3A_539 = arith.muli %parallel_loop3A_520, %parallel_loop3A_538 : i32
      %parallel_loop3A_540 = arith.constant 0 : i32
      %parallel_loop3A_541 = arith.index_cast %parallel_loop3A_540 : i32 to index
      %parallel_loop3A_542 = arith.index_cast %parallel_loop3A_539 : i32 to index
      %parallel_loop3A_543 = tpu.vector_load %arg17[%parallel_loop3A_541, %parallel_loop3A_542] {strides = array<i32>} : memref<8x2048xf32, #tpu.memory_space<vmem>>, vector<16xf32>,
      tpu.vector_store %arg17[%parallel_loop3A_541, %parallel_loop3A_542], %parallel_loop3A_537 {strides = array<i32>} : memref<8x2048xf32, #tpu.memory_space<vmem>>, vector<16xf32>,
      %parallel_loop3A_544 = arith.constant 16 : i32
      %parallel_loop3A_545 = arith.muli %parallel_loop3A_520, %parallel_loop3A_544 : i32
      %parallel_loop3A_546 = arith.constant 1 : i32
      %parallel_loop3A_547 = arith.index_cast %parallel_loop3A_546 : i32 to index
      %parallel_loop3A_548 = arith.index_cast %parallel_loop3A_545 : i32 to index
      %parallel_loop3A_549 = tpu.vector_load %arg14[%parallel_loop3A_547, %parallel_loop3A_548] {strides = array<i32>} : memref<8x2048xf32, #tpu.memory_space<vmem>>, vector<16xf32>,
      %parallel_loop3A_550 = arith.select %parallel_loop3A_527, %gather3A_153, %gather3A_101 : vector<16xi1>, vector<16xf32>
      %parallel_loop3A_551 = arith.select %parallel_loop3A_527, %gather3A_265, %gather3A_213 : vector<16xi1>, vector<16xf32>
      %parallel_loop3A_552 = arith.mulf %parallel_loop3A_549, %parallel_loop3A_551 : vector<16xf32>
      %parallel_loop3A_553 = arith.addf %parallel_loop3A_550, %parallel_loop3A_552 : vector<16xf32>
      %parallel_loop3A_554 = arith.constant 16 : i32
      %parallel_loop3A_555 = arith.muli %parallel_loop3A_520, %parallel_loop3A_554 : i32
      %parallel_loop3A_556 = arith.constant 1 : i32
      %parallel_loop3A_557 = arith.index_cast %parallel_loop3A_556 : i32 to index
      %parallel_loop3A_558 = arith.index_cast %parallel_loop3A_555 : i32 to index
      %parallel_loop3A_559 = tpu.vector_load %arg17[%parallel_loop3A_557, %parallel_loop3A_558] {strides = array<i32>} : memref<8x2048xf32, #tpu.memory_space<vmem>>, vector<16xf32>,
      tpu.vector_store %arg17[%parallel_loop3A_557, %parallel_loop3A_558], %parallel_loop3A_553 {strides = array<i32>} : memref<8x2048xf32, #tpu.memory_space<vmem>>, vector<16xf32>,
      %parallel_loop3A_560 = arith.constant 16 : i32
      %parallel_loop3A_561 = arith.muli %parallel_loop3A_520, %parallel_loop3A_560 : i32
      %parallel_loop3A_562 = arith.constant 2 : i32
      %parallel_loop3A_563 = arith.index_cast %parallel_loop3A_562 : i32 to index
      %parallel_loop3A_564 = arith.index_cast %parallel_loop3A_561 : i32 to index
      %parallel_loop3A_565 = tpu.vector_load %arg14[%parallel_loop3A_563, %parallel_loop3A_564] {strides = array<i32>} : memref<8x2048xf32, #tpu.memory_space<vmem>>, vector<16xf32>,
      %parallel_loop3A_566 = arith.select %parallel_loop3A_527, %gather3A_161, %gather3A_107 : vector<16xi1>, vector<16xf32>
      %parallel_loop3A_567 = arith.select %parallel_loop3A_527, %gather3A_273, %gather3A_219 : vector<16xi1>, vector<16xf32>
      %parallel_loop3A_568 = arith.mulf %parallel_loop3A_565, %parallel_loop3A_567 : vector<16xf32>
      %parallel_loop3A_569 = arith.addf %parallel_loop3A_566, %parallel_loop3A_568 : vector<16xf32>
      %parallel_loop3A_570 = arith.constant 16 : i32
      %parallel_loop3A_571 = arith.muli %parallel_loop3A_520, %parallel_loop3A_570 : i32
      %parallel_loop3A_572 = arith.constant 2 : i32
      %parallel_loop3A_573 = arith.index_cast %parallel_loop3A_572 : i32 to index
      %parallel_loop3A_574 = arith.index_cast %parallel_loop3A_571 : i32 to index
      %parallel_loop3A_575 = tpu.vector_load %arg17[%parallel_loop3A_573, %parallel_loop3A_574] {strides = array<i32>} : memref<8x2048xf32, #tpu.memory_space<vmem>>, vector<16xf32>,
      tpu.vector_store %arg17[%parallel_loop3A_573, %parallel_loop3A_574], %parallel_loop3A_569 {strides = array<i32>} : memref<8x2048xf32, #tpu.memory_space<vmem>>, vector<16xf32>,
      %parallel_loop3A_576 = arith.constant 16 : i32
      %parallel_loop3A_577 = arith.muli %parallel_loop3A_520, %parallel_loop3A_576 : i32
      %parallel_loop3A_578 = arith.constant 3 : i32
      %parallel_loop3A_579 = arith.index_cast %parallel_loop3A_578 : i32 to index
      %parallel_loop3A_580 = arith.index_cast %parallel_loop3A_577 : i32 to index
      %parallel_loop3A_581 = tpu.vector_load %arg14[%parallel_loop3A_579, %parallel_loop3A_580] {strides = array<i32>} : memref<8x2048xf32, #tpu.memory_space<vmem>>, vector<16xf32>,
      %parallel_loop3A_582 = arith.select %parallel_loop3A_527, %gather3A_169, %gather3A_113 : vector<16xi1>, vector<16xf32>
      %parallel_loop3A_583 = arith.select %parallel_loop3A_527, %gather3A_281, %gather3A_225 : vector<16xi1>, vector<16xf32>
      %parallel_loop3A_584 = arith.mulf %parallel_loop3A_581, %parallel_loop3A_583 : vector<16xf32>
      %parallel_loop3A_585 = arith.addf %parallel_loop3A_582, %parallel_loop3A_584 : vector<16xf32>
      %parallel_loop3A_586 = arith.constant 16 : i32
      %parallel_loop3A_587 = arith.muli %parallel_loop3A_520, %parallel_loop3A_586 : i32
      %parallel_loop3A_588 = arith.constant 3 : i32
      %parallel_loop3A_589 = arith.index_cast %parallel_loop3A_588 : i32 to index
      %parallel_loop3A_590 = arith.index_cast %parallel_loop3A_587 : i32 to index
      %parallel_loop3A_591 = tpu.vector_load %arg17[%parallel_loop3A_589, %parallel_loop3A_590] {strides = array<i32>} : memref<8x2048xf32, #tpu.memory_space<vmem>>, vector<16xf32>,
      tpu.vector_store %arg17[%parallel_loop3A_589, %parallel_loop3A_590], %parallel_loop3A_585 {strides = array<i32>} : memref<8x2048xf32, #tpu.memory_space<vmem>>, vector<16xf32>,
      %parallel_loop3A_592 = arith.constant 16 : i32
      %parallel_loop3A_593 = arith.muli %parallel_loop3A_520, %parallel_loop3A_592 : i32
      %parallel_loop3A_594 = arith.constant 4 : i32
      %parallel_loop3A_595 = arith.index_cast %parallel_loop3A_594 : i32 to index
      %parallel_loop3A_596 = arith.index_cast %parallel_loop3A_593 : i32 to index
      %parallel_loop3A_597 = tpu.vector_load %arg14[%parallel_loop3A_595, %parallel_loop3A_596] {strides = array<i32>} : memref<8x2048xf32, #tpu.memory_space<vmem>>, vector<16xf32>,
      %parallel_loop3A_598 = arith.select %parallel_loop3A_527, %gather3A_177, %gather3A_119 : vector<16xi1>, vector<16xf32>
      %parallel_loop3A_599 = arith.select %parallel_loop3A_527, %gather3A_289, %gather3A_231 : vector<16xi1>, vector<16xf32>
      %parallel_loop3A_600 = arith.mulf %parallel_loop3A_597, %parallel_loop3A_599 : vector<16xf32>
      %parallel_loop3A_601 = arith.addf %parallel_loop3A_598, %parallel_loop3A_600 : vector<16xf32>
      %parallel_loop3A_602 = arith.constant 16 : i32
      %parallel_loop3A_603 = arith.muli %parallel_loop3A_520, %parallel_loop3A_602 : i32
      %parallel_loop3A_604 = arith.constant 4 : i32
      %parallel_loop3A_605 = arith.index_cast %parallel_loop3A_604 : i32 to index
      %parallel_loop3A_606 = arith.index_cast %parallel_loop3A_603 : i32 to index
      %parallel_loop3A_607 = tpu.vector_load %arg17[%parallel_loop3A_605, %parallel_loop3A_606] {strides = array<i32>} : memref<8x2048xf32, #tpu.memory_space<vmem>>, vector<16xf32>,
      tpu.vector_store %arg17[%parallel_loop3A_605, %parallel_loop3A_606], %parallel_loop3A_601 {strides = array<i32>} : memref<8x2048xf32, #tpu.memory_space<vmem>>, vector<16xf32>,
      %parallel_loop3A_608 = arith.constant 16 : i32
      %parallel_loop3A_609 = arith.muli %parallel_loop3A_520, %parallel_loop3A_608 : i32
      %parallel_loop3A_610 = arith.constant 5 : i32
      %parallel_loop3A_611 = arith.index_cast %parallel_loop3A_610 : i32 to index
      %parallel_loop3A_612 = arith.index_cast %parallel_loop3A_609 : i32 to index
      %parallel_loop3A_613 = tpu.vector_load %arg14[%parallel_loop3A_611, %parallel_loop3A_612] {strides = array<i32>} : memref<8x2048xf32, #tpu.memory_space<vmem>>, vector<16xf32>,
      %parallel_loop3A_614 = arith.select %parallel_loop3A_527, %gather3A_185, %gather3A_125 : vector<16xi1>, vector<16xf32>
      %parallel_loop3A_615 = arith.select %parallel_loop3A_527, %gather3A_297, %gather3A_237 : vector<16xi1>, vector<16xf32>
      %parallel_loop3A_616 = arith.mulf %parallel_loop3A_613, %parallel_loop3A_615 : vector<16xf32>
      %parallel_loop3A_617 = arith.addf %parallel_loop3A_614, %parallel_loop3A_616 : vector<16xf32>
      %parallel_loop3A_618 = arith.constant 16 : i32
      %parallel_loop3A_619 = arith.muli %parallel_loop3A_520, %parallel_loop3A_618 : i32
      %parallel_loop3A_620 = arith.constant 5 : i32
      %parallel_loop3A_621 = arith.index_cast %parallel_loop3A_620 : i32 to index
      %parallel_loop3A_622 = arith.index_cast %parallel_loop3A_619 : i32 to index
      %parallel_loop3A_623 = tpu.vector_load %arg17[%parallel_loop3A_621, %parallel_loop3A_622] {strides = array<i32>} : memref<8x2048xf32, #tpu.memory_space<vmem>>, vector<16xf32>,
      tpu.vector_store %arg17[%parallel_loop3A_621, %parallel_loop3A_622], %parallel_loop3A_617 {strides = array<i32>} : memref<8x2048xf32, #tpu.memory_space<vmem>>, vector<16xf32>,
      %parallel_loop3A_624 = arith.constant 16 : i32
      %parallel_loop3A_625 = arith.muli %parallel_loop3A_520, %parallel_loop3A_624 : i32
      %parallel_loop3A_626 = arith.constant 6 : i32
      %parallel_loop3A_627 = arith.index_cast %parallel_loop3A_626 : i32 to index
      %parallel_loop3A_628 = arith.index_cast %parallel_loop3A_625 : i32 to index
      %parallel_loop3A_629 = tpu.vector_load %arg14[%parallel_loop3A_627, %parallel_loop3A_628] {strides = array<i32>} : memref<8x2048xf32, #tpu.memory_space<vmem>>, vector<16xf32>,
      %parallel_loop3A_630 = arith.select %parallel_loop3A_527, %gather3A_193, %gather3A_131 : vector<16xi1>, vector<16xf32>
      %parallel_loop3A_631 = arith.select %parallel_loop3A_527, %gather3A_305, %gather3A_243 : vector<16xi1>, vector<16xf32>
      %parallel_loop3A_632 = arith.mulf %parallel_loop3A_629, %parallel_loop3A_631 : vector<16xf32>
      %parallel_loop3A_633 = arith.addf %parallel_loop3A_630, %parallel_loop3A_632 : vector<16xf32>
      %parallel_loop3A_634 = arith.constant 16 : i32
      %parallel_loop3A_635 = arith.muli %parallel_loop3A_520, %parallel_loop3A_634 : i32
      %parallel_loop3A_636 = arith.constant 6 : i32
      %parallel_loop3A_637 = arith.index_cast %parallel_loop3A_636 : i32 to index
      %parallel_loop3A_638 = arith.index_cast %parallel_loop3A_635 : i32 to index
      %parallel_loop3A_639 = tpu.vector_load %arg17[%parallel_loop3A_637, %parallel_loop3A_638] {strides = array<i32>} : memref<8x2048xf32, #tpu.memory_space<vmem>>, vector<16xf32>,
      tpu.vector_store %arg17[%parallel_loop3A_637, %parallel_loop3A_638], %parallel_loop3A_633 {strides = array<i32>} : memref<8x2048xf32, #tpu.memory_space<vmem>>, vector<16xf32>,
      %parallel_loop3A_640 = arith.constant 16 : i32
      %parallel_loop3A_641 = arith.muli %parallel_loop3A_520, %parallel_loop3A_640 : i32
      %parallel_loop3A_642 = arith.constant 7 : i32
      %parallel_loop3A_643 = arith.index_cast %parallel_loop3A_642 : i32 to index
      %parallel_loop3A_644 = arith.index_cast %parallel_loop3A_641 : i32 to index
      %parallel_loop3A_645 = tpu.vector_load %arg14[%parallel_loop3A_643, %parallel_loop3A_644] {strides = array<i32>} : memref<8x2048xf32, #tpu.memory_space<vmem>>, vector<16xf32>,
      %parallel_loop3A_646 = arith.select %parallel_loop3A_527, %gather3A_201, %gather3A_137 : vector<16xi1>, vector<16xf32>
      %parallel_loop3A_647 = arith.select %parallel_loop3A_527, %gather3A_313, %gather3A_249 : vector<16xi1>, vector<16xf32>
      %parallel_loop3A_648 = arith.mulf %parallel_loop3A_645, %parallel_loop3A_647 : vector<16xf32>
      %parallel_loop3A_649 = arith.addf %parallel_loop3A_646, %parallel_loop3A_648 : vector<16xf32>
      %parallel_loop3A_650 = arith.constant 16 : i32
      %parallel_loop3A_651 = arith.muli %parallel_loop3A_520, %parallel_loop3A_650 : i32
      %parallel_loop3A_652 = arith.constant 7 : i32
      %parallel_loop3A_653 = arith.index_cast %parallel_loop3A_652 : i32 to index
      %parallel_loop3A_654 = arith.index_cast %parallel_loop3A_651 : i32 to index
      %parallel_loop3A_655 = tpu.vector_load %arg17[%parallel_loop3A_653, %parallel_loop3A_654] {strides = array<i32>} : memref<8x2048xf32, #tpu.memory_space<vmem>>, vector<16xf32>,
      tpu.vector_store %arg17[%parallel_loop3A_653, %parallel_loop3A_654], %parallel_loop3A_649 {strides = array<i32>} : memref<8x2048xf32, #tpu.memory_space<vmem>>, vector<16xf32>,
    } {sc.loop_unroll_factor = 2 : i64, sc.parallel_access}
    %mul3A_494 = arith.constant 262144 : i32
    %mul3A_495 = arith.muli %select_n3A_30, %mul3A_494 : i32
    %add3A_496 = arith.constant 260096 : i32
    %add3A_497 = arith.addi %mul3A_495, %add3A_496 : i32
    %mul3A_498 = arith.constant 8 : i32
    %mul3A_499 = arith.muli %mul3A_498, %select_n3A : i32
    %dma_start3A_500 = tpu.memref_slice %arg6[%mul3A_499, %add3A_497] : memref<64x1048576xf32, #tpu.memory_space<hbm>> -> memref<8x2048xf32, #tpu.memory_space<hbm>>
    %dma_start3A_501 = tpu.memref_slice %arg6[%mul3A_499, %add3A_497] : memref<64x1048576xf32, #tpu.memory_space<hbm>> -> memref<8x2048xf32, #tpu.memory_space<hbm>>
    tpu.enqueue_dma source(%arg17 : memref<8x2048xf32, #tpu.memory_space<vmem>>) target(%dma_start3A_501 : memref<8x2048xf32, #tpu.memory_space<hbm>>) target_semaphore(%arg23 : memref<!tpu.dma_semaphore, #tpu.memory_space<semaphore_mem>>)
    %dma_wait3A_502 = arith.constant 0 : i32
    %dma_wait3A_503 = arith.constant 0 : i32
    %dma_wait3A_504 = tpu.memref_slice %arg6[%dma_wait3A_502, %dma_wait3A_503] : memref<64x1048576xf32, #tpu.memory_space<hbm>> -> memref<8x2048xf32, #tpu.memory_space<hbm>>
    %dma_wait3A_505 = arith.constant 0 : i32
    %dma_wait3A_506 = arith.constant 0 : i32
    %dma_wait3A_507 = tpu.memref_slice %arg6[%dma_wait3A_505, %dma_wait3A_506] : memref<64x1048576xf32, #tpu.memory_space<hbm>> -> memref<8x2048xf32, #tpu.memory_space<hbm>>
    tpu.wait_dma2 semaphore(%arg22 : memref<!tpu.dma_semaphore, #tpu.memory_space<semaphore_mem>>) src(%arg16 : memref<8x2048xf32, #tpu.memory_space<vmem>>) dst(%dma_wait3A_507 : memref<8x2048xf32, #tpu.memory_space<hbm>>)
    %dma_wait3A_508 = arith.constant 0 : i32
    %dma_wait3A_509 = arith.constant 0 : i32
    %dma_wait3A_510 = tpu.memref_slice %arg6[%dma_wait3A_508, %dma_wait3A_509] : memref<64x1048576xf32, #tpu.memory_space<hbm>> -> memref<8x2048xf32, #tpu.memory_space<hbm>>
    %dma_wait3A_511 = arith.constant 0 : i32
    %dma_wait3A_512 = arith.constant 0 : i32
    %dma_wait3A_513 = tpu.memref_slice %arg6[%dma_wait3A_511, %dma_wait3A_512] : memref<64x1048576xf32, #tpu.memory_space<hbm>> -> memref<8x2048xf32, #tpu.memory_space<hbm>>
    tpu.wait_dma2 semaphore(%arg23 : memref<!tpu.dma_semaphore, #tpu.memory_space<semaphore_mem>>) src(%arg17 : memref<8x2048xf32, #tpu.memory_space<vmem>>) dst(%dma_wait3A_513 : memref<8x2048xf32, #tpu.memory_space<hbm>>)
    %dma_wait3A_514 = arith.constant 0 : i32
    %dma_wait3A_515 = arith.constant 0 : i32
    %dma_wait3A_516 = tpu.memref_slice %arg6[%dma_wait3A_514, %dma_wait3A_515] : memref<64x1048576xf32, #tpu.memory_space<hbm>> -> memref<8x2048xf32, #tpu.memory_space<hbm>>
    %dma_wait3A_517 = arith.constant 0 : i32
    %dma_wait3A_518 = arith.constant 0 : i32
    %dma_wait3A_519 = tpu.memref_slice %arg6[%dma_wait3A_517, %dma_wait3A_518] : memref<64x1048576xf32, #tpu.memory_space<hbm>> -> memref<8x2048xf32, #tpu.memory_space<hbm>>
    tpu.wait_dma2 semaphore(%arg24 : memref<!tpu.dma_semaphore, #tpu.memory_space<semaphore_mem>>) src(%arg18 : memref<8x2048xf32, #tpu.memory_space<vmem>>) dst(%dma_wait3A_519 : memref<8x2048xf32, #tpu.memory_space<hbm>>)
    return
  }
}

</mosaic_0001>

<sc_bundles>
// kernel: kernel.3.cloned.1.call-start
scs
__scs_entry_jumppad:
0x0: {  	(pc) =	sbr.rel $0x88, $3  }
0x1: {  	(tag) =	ssettag $0x0;
	lr =	simm.s32 $0x1  }
0x2: {  	[smem:$0x3F9D] =	sst lr;
	_ =	strace $0xD0000000  }
0x3: {  	_ = 	snop  }
0x4: {  	_ = 	snop  }
0x5: {  	_ = 	snop  }
0x6: {  	_ = 	snop  }
0x7: {  	_ = 	snop  }
__scs_overlays_trampoline_lowered:
0x8: {  	[smem:$0x3FAC] =	sst s0  }
0x9: {  	[smem:$0x3FAD] =	sst s1  }
0xa: {  	[smem:$0x3FAE] =	sst s2  }
0xb: {  	[smem:$0x3FAF] =	sst s3  }
0xc: {  	[smem:$0x3FB0] =	sst s4  }
0xd: {  	[smem:$0x3FB1] =	sst s5  }
0xe: {  	[smem:$0x3FB2] =	sst s6  }
0xf: {  	[smem:$0x3FB3] =	sst s7  }
0x10: {  	[smem:$0x3FB4] =	sst s8  }
0x11: {  	[smem:$0x3FB5] =	sst s9;
	s0 =	simm.s32 @!p0 $0x0  }
0x12: {  	s1 =	sld [smem:$0x3F9B];
	s0 =	simm.s32 @p0 $0x1  }
0x13: {  	[smem:$0x3FB6] =	sst s0;
	s0 =	simm.s32 @!p1 $0x0  }
0x14: {  	s2 =	sld [smem:$0x3F9A];
	s0 =	simm.s32 @p1 $0x1  }
0x15: {  	[smem:$0x3FB7] =	sst s0;
	s0 =	simm.s32 @!p2 $0x0  }
0x16: {  	s3 =	sld [smem:$0x3FDB];
	s0 =	simm.s32 @p2 $0x1  }
0x17: {  	s4 =	simm.s32 $0x1BF5;
	[smem:$0x3FB9] =	sst s0  }
0x18: {  	s0 =	sld [smem:$0x3F9C];
	_ =	swait.ge [sflag:s4], $0x0  }
0x19: {  	s7 =	sld [smem:$0x3F9D]  }
0x1a: {  	s8 =	sadd.s32 $0xFFFFE003, lr  }
0x1b: {  	s9 =	sadd.s32 $0xFFFFFEF7, lr;
	s5 =	simm.s32 $0xFFFFFFFF;
	p2 =	slt.u32 s8, $0xFFFFF086  }
0x1c: {  	p1 =	slt.u32 s9, $0xF7A;
	s5 =	simm.s32 @!p2 $0x0  }
0x1d: {  	s5 =	simm.s32 @p1 $0x1;
	p0 =	seq.s32 s7, s2  }
0x1e: {  	s7 =	smul.u32 @!p0 $0xF7A, s2;
	p2 =	seq.s32 @!p0 s5, $0x0  }
0x1f: {  	s9 =	smul.u32 $0xF7A, s1;
	s8 =	simm.s32 @!p0 $0x1BF5;
	p2 =	por !p2, p0  }
0x20: {  	[sflag:s8] =	ssyncset.s32 @!p0 $0xFFFFF086;
	s6 =	sadd.s32 @!p0 s3, s7;
	s7 =	simm.s32 @!p0 $0x108  }
0x21: {  	s3 =	sadd.s32 s3, s9;
	s6 =	sadd.s32 @!p0 $0x88, s6;
	s7 =	simm.s32 @p2 $0x1082  }
0x22: {  	[simem:s7], [sflag:s8] =	dma.local @!p0 [hbm:s6], $0xF7A  }
0x23: {  	s9 =	sor.u32 $0xD0000000, s2;
	s6 =	simm.s32 $0x108;
	_ =	swait.ge @!p0 [sflag:s8], $0x0  }
0x24: {  	s3 =	sadd.s32 $0x88, s3;
	s6 =	simm.s32 @!p1 $0x1082;
	[sflag:s4] =	ssyncset.s32 $0xFFFFF086  }
0x25: {  	[simem:s6], [sflag:s4] =	dma.local [hbm:s3], $0xF7A  }
0x26: {  	[smem:$0x3F9D] =	sst s1;
	(tag) =	ssettag s2;
	_ =	strace s9  }
0x27: {  	s1 =	sld [smem:$0x3FAD]  }
0x28: {  	s2 =	sld [smem:$0x3FAE]  }
0x29: {  	s4 =	sld [smem:$0x3FB0]  }
0x2a: {  	p0 =	seq.s32 s5, $0x0;
	s5 =	sld [smem:$0x3FB1]  }
0x2b: {  	s6 =	sld [smem:$0x3FB2]  }
0x2c: {  	s7 =	sld [smem:$0x3FB3]  }
0x2d: {  	s3 =	simm.s32 $0x108;
	s8 =	sld [smem:$0x3FB4]  }
0x2e: {  	s3 =	simm.s32 @!p0 $0x1082;
	s9 =	sld [smem:$0x3FB5]  }
0x2f: {  	lr =	sadd.s32 s0, s3;
	s0 =	sld [smem:$0x3FAC]  }
0x30: {  	s3 =	sld [smem:$0x3FAF]  }
0x31: {  	[smem:$0x3FB8] =	sst s10  }
0x32: {  	s10 =	sld [smem:$0x3FB6];
	_ =	sdelay $0x3  }
0x33: {  	p0 =	seq.s32 s10, $0x1;
	s10 =	sld [smem:$0x3FB8];
	_ =	sdelay $0x3  }
0x34: {  	[smem:$0x3FB8] =	sst s10  }
0x35: {  	s10 =	sld [smem:$0x3FB7];
	_ =	sdelay $0x3  }
0x36: {  	p1 =	seq.s32 s10, $0x1;
	s10 =	sld [smem:$0x3FB8];
	_ =	sdelay $0x3  }
0x37: {  	[smem:$0x3FB8] =	sst s10  }
0x38: {  	s10 =	sld [smem:$0x3FB9]  }
0x39: {  	_ = 	snop;
	(pc) =	sbr.ind lr, $3  }
0x3a: {  	_ = 	snop  }
0x3b: {  	_ = 	snop  }
0x3c: {  	p2 =	seq.s32 s10, $0x1;
	s10 =	sld [smem:$0x3FB8]  }
0x3d: {  	_ =	shalt  }
0x3e: {  	_ =	shalt  }
0x3f: {  	_ =	shalt  }
0x40: {  	_ =	shalt  }
0x41: {  	_ =	shalt  }
0x42: {  	_ =	shalt  }
0x43: {  	_ =	shalt  }
0x44: {  	_ =	shalt  }
0x45: {  	_ =	shalt  }
0x46: {  	_ =	shalt  }
0x47: {  	_ =	shalt  }
0x48: {  	_ =	shalt  }
0x49: {  	_ =	shalt  }
0x4a: {  	_ =	shalt  }
0x4b: {  	_ =	shalt  }
0x4c: {  	_ =	shalt  }
0x4d: {  	_ =	shalt  }
0x4e: {  	_ =	shalt  }
0x4f: {  	_ =	shalt  }
0x50: {  	_ =	shalt  }
0x51: {  	_ =	shalt  }
0x52: {  	_ =	shalt  }
0x53: {  	_ =	shalt  }
0x54: {  	_ =	shalt  }
0x55: {  	_ =	shalt  }
0x56: {  	_ =	shalt  }
0x57: {  	_ =	shalt  }
0x58: {  	_ =	shalt  }
0x59: {  	_ =	shalt  }
0x5a: {  	_ =	shalt  }
0x5b: {  	_ =	shalt  }
0x5c: {  	_ =	shalt  }
0x5d: {  	_ =	shalt  }
0x5e: {  	_ =	shalt  }
0x5f: {  	_ =	shalt  }
0x60: {  	_ =	shalt  }
0x61: {  	_ =	shalt  }
0x62: {  	_ =	shalt  }
0x63: {  	_ =	shalt  }
0x64: {  	_ =	shalt  }
0x65: {  	_ =	shalt  }
0x66: {  	_ =	shalt  }
0x67: {  	_ =	shalt  }
0x68: {  	_ =	shalt  }
0x69: {  	_ =	shalt  }
0x6a: {  	_ =	shalt  }
0x6b: {  	_ =	shalt  }
0x6c: {  	_ =	shalt  }
0x6d: {  	_ =	shalt  }
0x6e: {  	_ =	shalt  }
0x6f: {  	_ =	shalt  }
0x70: {  	_ =	shalt  }
0x71: {  	_ =	shalt  }
0x72: {  	_ =	shalt  }
0x73: {  	_ =	shalt  }
0x74: {  	_ =	shalt  }
0x75: {  	_ =	shalt  }
0x76: {  	_ =	shalt  }
0x77: {  	_ =	shalt  }
0x78: {  	_ =	shalt  }
0x79: {  	_ =	shalt  }
0x7a: {  	_ =	shalt  }
0x7b: {  	_ =	shalt  }
0x7c: {  	_ =	shalt  }
0x7d: {  	_ =	shalt  }
0x7e: {  	_ =	shalt  }
0x7f: {  	_ =	shalt  }
0x80: {  	_ =	shalt  }
0x81: {  	_ =	shalt  }
0x82: {  	_ =	shalt  }
0x83: {  	_ =	shalt  }
0x84: {  	_ =	shalt  }
0x85: {  	_ =	shalt  }
0x86: {  	_ =	shalt  }
0x87: {  	_ =	shalt  }
.Lfunc_end0:
.L_simem_size_0:
called_computation_lowered:
.L_overlay_start_0:
0x88: {  	s2 =	sld [smem:$0x3FD9]  }
0x89: {  	s3 =	sld [smem:$0x3FFE];
	_ =	sdelay $0x1  }
0x8a: {  	s1 =	srdreg.scid  }
0x8b: {  	s0 =	sand.u32 $0x1, s1  }
0x8c: {  	s17 =	sshll.u32 s0, $0xA;
	s2 =	sadd.s32 s3, s2  }
0x8d: {  	s2 =	sadd.s32 s2, s17  }
0x8e: {  	[smem:$0x3FC4] =	sst s2  }
0x8f: {  	_ = 	snop  }
0x90: {  	s2 =	sld [smem:$0x3FC7]  }
0x91: {  	s18 =	sld [smem:$0x3FC6]  }
0x92: {  	s4 =	sld [smem:$0x3FD0];
	(tm) =	ssettm $0x1  }
0x93: {  	s5 =	sld [smem:$0x3FFB];
	_ =	sdelay $0x3  }
0x94: {  	_ =	strace s5  }
0x95: {  	s5 =	sld [smem:$0x3FFC];
	_ =	sdelay $0x3  }
0x96: {  	_ =	strace s5  }
0x97: {  	s5 =	sld [smem:$0x3FFD];
	_ =	sdelay $0x3  }
0x98: {  	_ =	strace s5  }
0x99: {  	_ =	strace $0x8FFFFFFF  }
0x9a: {  	s19 =	sld [smem:$0x3FDB];
	_ =	sdelay $0x1  }
0x9b: {  	s6 =	simm.s32 $_scs_section_size  }
0x9c: {  	s7 =	simm.s32 $_size__tile_overlayer_lowered;
	s8 =	simm.s32 $_tile_overlayer_lowered  }
0x9d: {  	s22 =	simm.s32 $0x1BFF;
	s21 =	sshll.u32 s8, $0x1;
	s5 =	sadd.s32 s6, s19  }
0x9e: {  	s9 =	simm.s32 $0x0;
	s20 =	sshll.u32 s7, $0x1;
	s7 =	sadd.s32 s21, s5  }
0x9f: {  	[timem:s9], [sflag:s22] =	dma.local [hbm:s7], s20  }
0xa0: {  	_ =	swait.ge [sflag:s22], s20  }
0xa1: {  	s6 =	ssub.s32 $0x0, s20;
	[sflag:s22] =	ssyncset.done $0x0  }
0xa2: {  	[sflag:s22] =	ssyncadd.s32 s6;
	_ =	sdelay $0x1  }
0xa3: {  	s23 =	simm.s32 $0x1B8B  }
0xa4: {  	_ =	swait.ge [sflag:s23], $0x1  }
0xa5: {  	[sflag:s23] =	ssyncset.done $0x0  }
0xa6: {  	s25 =	simm.s32 $0x1B8E;
	s24 =	sld [smem:$0x3FFE];
	[sflag:s23] =	ssyncadd.s32 $0xFFFFFFFF  }
0xa7: {  	s26 =	simm.s32 $execute0_lowered;
	[smem:$0x3FD2] =	sst s25  }
0xa8: {  	s7 =	sshll.u32 s26, $0x1;
	_ =	strace $0x80000046;
	[dreg:$0x1] =	wrdreg $0xFFFFFFFF  }
0xa9: {  	s28 =	simm.s32 $_size_execute0_lowered;
	s5 =	sadd.s32 s5, s7;
	[dreg:$0x0] =	wrdreg $0x0  }
0xaa: {  	s7 =	sshll.u32 s28, $0x1;
	[dreg:$0x2] =	wrdreg s5  }
0xab: {  	[dreg:$0x3] =	wrdreg s7  }
0xac: {  	[dreg:$0x4] =	wrdreg $0xC0  }
0xad: {  	_ =	task [dreg:s9], $0x5FFFF  }
0xae: {  	[dreg:$0x1] =	wrdreg $0xFFFFFFFF  }
0xaf: {  	[dreg:$0x0] =	wrdreg $0x60  }
0xb0: {  	[dreg:$0x2] =	wrdreg s24  }
0xb1: {  	[dreg:$0x3] =	wrdreg s18  }
0xb2: {  	[dreg:$0x4] =	wrdreg s2  }
0xb3: {  	[dreg:$0x5] =	wrdreg s4  }
0xb4: {  	[dreg:$0x6] =	wrdreg $0x9  }
0xb5: {  	_ =	task.clear_ibuf [dreg:s9], $0x7FFFF;
	_ =	strace $0x90000046  }
0xb6: {  	s29 =	simm.s32 $0x9;
	_ =	strace $0x80000048  }
0xb7: {  	_ =	swait.ge [sflag:s29], $0x1  }
0xb8: {  	[sflag:s29] =	ssyncadd.s32 $0xFFFFFFFF  }
0xb9: {  	_ =	strace $0x90000048  }
0xba: {  	_ =	sfence  }
0xbb: {  	s30 =	sld [smem:$0x0];
	_ =	sdelay $0x2  }
0xbc: {  	s31 =	sshll.u32 s1, $0xD;
	s1 =	sshrl.u32 s1, $0x2  }
0xbd: {  	s3 =	sand.u32 $0x4000, s31;
	s1 =	sadd.s32 s1, s30  }
0xbe: {  	s0 =	sor.u32 s3, s0;
	s1 =	sshll.u32 s1, $0x11  }
0xbf: {  	s0 =	sor.u32 s1, s0  }
0xc0: {  	s0 =	sadd.s32 $0x8F2B, s0  }
0xc1: {  	[sflag:s0] =	ssyncadd.remote.s32 $0x1  }
0xc2: {  	_ =	sfence.sel $0xFFFF  }
0xc3: {  	[dreg:$0x0] =	wrdreg $0xFFFFFFFF;
	(pc) =	sbr.abs _section_cstart, $3  }
0xc4: {  	[dreg:$0x1] =	wrdreg $0xFFFFFFFF  }
0xc5: {  	_ =	task.clear_ibuf [dreg:s9], $0x2FFFF;
	_ =	strace $0x9FFFFFFF  }
0xc6: {  	(tm) =	ssettm $0x7FFFFFFF  }
0xc7: {  	_ =	shalt  }
tec
execute0_lowered:
.L_overlay_start_1:
0x0: {  	(tag) =	ssettag $0x1  }
0x1: {  	s0 =	rddreg [dreg:$0x0]  }
0x2: {  	s1 =	rddreg [dreg:$0x1]  }
0x3: {  	s5 =	rddreg [dreg:$0x2]  }
0x4: {  	s6 =	rddreg [dreg:$0x3]  }
0x5: {  	s3 =	simm.s32 $0x0;
	s2 =	srdreg.scid;
	s8 =	stileid.u32  }
0x6: {  	[smem:$0x7FF] =	sst s3;
	s2 =	sand.u32 $0x1, s2;
	s4 =	sadd.s32 $0x400, s0  }
0x7: {  	s7 =	sshll.u32 s8, $0x1;
	s0 =	sadd.s32 $0x600, s0;
	s8 =	sshrl.u32 s8, $0x1  }
0x8: {  	_ =	strace $0x80000047;
	[dreg:$0x5] =	wrdreg s4;
	s20 =	ssub.s32 $0x2, s2  }
0x9: {  	[dreg:$0x6] =	wrdreg s0;
	s7 =	sand.u32 $0x2, s7;
	s10 =	sshll.u32 s8, $0x3  }
0xa: {  	s13 =	sshll.u32 s8, $0x17;
	s21 =	sshrl.u32 s20, $0x1;
	s9 =	sor.u32 s2, s7  }
0xb: {  	s2 =	sshllo.u32 s8, $0x3;
	s8 =	sshll.u32 s8, $0x14;
	s19 =	sor.u32 $0x40, s10  }
0xc: {  	s0 =	ssub.s32 s20, s21;
	s7 =	sshll.u32 s9, $0xF;
	s4 =	sshll.u32 s9, $0x12  }
0xd: {  	s11 =	sshll.u32 s9, $0xB;
	s9 =	sshll.u32 s9, $0x15;
	s7 =	sadd.s32 s1, s7  }
0xe: {  	s12 =	sor.u32 $0x10, s11;
	s22 =	sor.u32 $0x20, s11;
	s25 =	sor.u32 s4, s8  }
0xf: {  	s28 =	sor.u32 $0x7E0, s11;
	s11 =	sor.u32 $0x7F0, s11;
	s9 =	sor.u32 s9, s13  }
0x10: {  	s20 =	sor.u32 $0x1800, s4;
	s21 =	sor.u32 $0x2000, s4;
	s0 =	smax.u32 s0, $0x1  }
0x11: {  	[dreg:$0x7] =	wrdreg s7;
	s7 =	sadd.s32 s5, s8;
	s14 =	sshll.u32 s12, $0x4  }
0x12: {  	s12 =	sshll.u32 s12, $0xA;
	s15 =	sshll.u32 s22, $0x4;
	s8 =	sadd.s32 s6, s8  }
0x13: {  	s26 =	sadd.s32 s25, s6;
	s29 =	sshll.u32 s28, $0xA;
	s16 =	sshll.u32 s11, $0xA  }
0x14: {  	s9 =	sshrl.u32 s9, $0x3;
	s25 =	sor.u32 $0x43, s10;
	[dreg:$0x16] =	wrdreg s0  }
0x15: {  	s14 =	sadd.s32 s1, s14;
	s12 =	sor.u32 s13, s12;
	s23 =	sadd.s32 s1, s15  }
0x16: {  	s15 =	sor.u32 s13, s29;
	s9 =	sadd.s32 s9, s6;
	s17 =	sadd.s32 $0x800, s26  }
0x17: {  	s18 =	sadd.s32 $0x1000, s26;
	s26 =	sor.u32 $0x44, s10;
	s29 =	sor.u32 $0x46, s10  }
0x18: {  	[dreg:$0x8] =	wrdreg s14;
	s12 =	sshrl.u32 s12, $0x3;
	s14 =	sshll.u32 s22, $0xA  }
0x19: {  	[dreg:$0xa] =	wrdreg s23;
	s15 =	sshrl.u32 s15, $0x3;
	s22 =	sor.u32 $0x5, s10  }
0x1a: {  	v8 =	vmov s19;
	s23 =	sor.u32 $0x41, s10;
	s19 =	sadd.s32 $0x3E000, s9;
	s12 =	sadd.s32 s5, s12  }
0x1b: {  	v1 =	vmov s10;
	s24 =	sor.u32 s13, s14;
	s13 =	sor.u32 s13, s16;
	s30 =	sadd.s32 s5, s15  }
0x1c: {  	v0 =	vmov s2;
	v53 =	vbroadcast v1, $0x0;
	s31 =	sadd.s32 s6, s15;
	s14 =	sor.u32 $0x2, s10;
	[dreg:$0x14] =	wrdreg s19  }
0x1d: {  	[tilespmem:$0x1FF40] =	vst v0;
	v60 =	vbroadcast v8, $0x0;
	v11 =	vmov s25;
	s15 =	sor.u32 $0x3, s10;
	s16 =	sor.u32 $0x4, s10;
	[dreg:$0x9] =	wrdreg s12  }
0x1e: {  	[tilespmem:$0x1FF50] =	vst v53;
	v63 =	vbroadcast v11, $0x0;
	v6 =	vmov s22;
	s22 =	sor.u32 $0x2800, s4;
	s12 =	sshrl.u32 s24, $0x3;
	[dreg:$0xc] =	wrdreg s30  }
0x1f: {  	[tilespmem:$0x1FFC0] =	vst v60;
	v9 =	vmov s23;
	s13 =	sshrl.u32 s13, $0x3;
	[dreg:$0xe] =	wrdreg s31;
	s31 =	sor.u32 $0x6, s10;
	v58 =	vbroadcast v6, $0x0  }
0x20: {  	s24 =	sor.u32 $0x42, s10;
	s30 =	sor.u32 $0x47, s10;
	v3 =	vmov s14;
	v5 =	vmov s16;
	s16 =	sadd.s32 $0x3D800, s9;
	v61 =	vbroadcast v9, $0x0;
	[tilespmem:$0x1FFF0] =	vst v63  }
0x21: {  	v4 =	vmov s15;
	s14 =	sshll.u32 s11, $0x4;
	s12 =	sadd.s32 s5, s12;
	[dreg:$0x13] =	wrdreg s16;
	v55 =	vbroadcast v3, $0x0;
	[tilespmem:$0x1FFA0] =	vst v58  }
0x22: {  	s11 =	simm.s32 $0x2;
	s5 =	sadd.s32 s5, s13;
	v56 =	vbroadcast v4, $0x0;
	[dreg:$0xb] =	wrdreg s12;
	[tilespmem:$0x1FFD0] =	vst v61  }
0x23: {  	s6 =	sadd.s32 s6, s13;
	s13 =	sor.u32 $0x1, s10;
	v7 =	vmov s31;
	v57 =	vbroadcast v5, $0x0;
	[dreg:$0xd] =	wrdreg s5;
	[tilespmem:$0x1FF70] =	vst v55  }
0x24: {  	s15 =	sadd.s32 s1, s14;
	s31 =	sadd.s32 $0x3E800, s9;
	v10 =	vmov s24;
	[dreg:$0xf] =	wrdreg s6;
	v59 =	vbroadcast v7, $0x0;
	[tilespmem:$0x1FF80] =	vst v56  }
0x25: {  	s9 =	simm.s32 $0x1;
	s5 =	sshll.u32 s28, $0x4;
	v2 =	vmov s13;
	[dreg:$0x12] =	wrdreg s15;
	v62 =	vbroadcast v10, $0x0;
	[tilespmem:$0x1FF90] =	vst v57  }
0x26: {  	v12 =	vmov s26;
	s28 =	sor.u32 $0x45, s10;
	s10 =	sadd.s32 s4, s7;
	[dreg:$0x15] =	wrdreg s31;
	v54 =	vbroadcast v2, $0x0;
	[tilespmem:$0x1FFB0] =	vst v59  }
0x27: {  	v15 =	vmov s29;
	v12 =	vbroadcast v12, $0x0;
	s14 =	simm.s32 $0x3;
	[dreg:$0x10] =	wrdreg s10;
	s13 =	sadd.s32 s1, s5;
	v14 =	vmov s28;
	[tilespmem:$0x1FFE0] =	vst v62  }
0x28: {  	v15 =	vbroadcast v15, $0x0;
	v13 =	vmov s30;
	s12 =	sadd.s32 s4, s8;
	s4 =	simm.s32 $0x0;
	[dreg:$0x11] =	wrdreg s13;
	v14 =	vbroadcast v14, $0x0;
	[tilespmem:$0x1FF60] =	vst v54  }
.LBB2_1:
0x29: {  	[dreg:$0x17] =	wrdreg s4  }
0x2a: {  	s0 =	rddreg [dreg:$0x5];
	s2 =	simm.s32 $0x7  }
0x2b: {  	[tilespmem:s3], [sflag:$0x7] =	stream.linear.gather [hbm4b:s0+s3], $0x80, $0x38;
	[tilespmem:$0x19980] =	vst v63  }
0x2c: {  	_ =	swait.ge [sflag:s2], $0x80  }
0x2d: {  	[sflag:s2] =	ssyncset.done $0x0  }
0x2e: {  	s8 =	simm.s32 $0x80;
	s6 =	rddreg [dreg:$0x6];
	[sflag:s2] =	ssyncadd.s32 $0xFFFFFF80  }
0x2f: {  	[tilespmem:s8], [sflag:$0x7] =	stream.linear.gather [hbm4b:s6+s3], $0x80, $0x38;
	[tilespmem:$0x19980] =	vst v63  }
0x30: {  	_ =	swait.ge [sflag:s2], $0x80  }
0x31: {  	[sflag:s2] =	ssyncset.done $0x0  }
0x32: {  	[sflag:s2] =	ssyncadd.s32 $0xFFFFFF80  }
0x33: {  	v16 =	vld [tilespmem:$0x80]  }
0x34: {  	v17 =	vld [tilespmem:$0x90]  }
0x35: {  	v18 =	vld [tilespmem:$0xA0]  }
0x36: {  	v19 =	vld [tilespmem:$0xB0];
	_ =	sdelay $0x1  }
0x37: {  	v16 =	vmul.f32 $5.000000000e-01, v16  }
0x38: {  	v20 =	vld [tilespmem:$0xC0];
	v17 =	vmul.f32 $5.000000000e-01, v17  }
0x39: {  	v21 =	vld [tilespmem:$0xD0];
	v18 =	vmul.f32 $5.000000000e-01, v18;
	v16 =	vmul.f32 $1.442695020e+00, v16  }
0x3a: {  	v22 =	vld [tilespmem:$0xE0];
	v19 =	vmul.f32 $5.000000000e-01, v19;
	v17 =	vmul.f32 $1.442695020e+00, v17  }
0x3b: {  	(erf) = vpow2.f32 v16;
	v16 =	vmul.f32 $1.442695020e+00, v18;
	v18 =	vld [tilespmem:$0xF0]  }
0x3c: {  	(erf) = vpow2.f32 v17;
	v17 =	vmul.f32 $1.442695020e+00, v19  }
0x3d: {  	(erf) = vpow2.f32 v16;
	v16 =	vmul.f32 $5.000000000e-01, v20  }
0x3e: {  	(erf) = vpow2.f32 v17;
	v17 =	vmul.f32 $5.000000000e-01, v21  }
0x3f: {  	v19 =	vmul.f32 $5.000000000e-01, v22;
	v16 =	vmul.f32 $1.442695020e+00, v16  }
0x40: {  	v17 =	vmul.f32 $1.442695020e+00, v17;
	v18 =	vmul.f32 $5.000000000e-01, v18  }
0x41: {  	(erf) = vpow2.f32 v16;
	v16 =	vmul.f32 $1.442695020e+00, v19  }
0x42: {  	(erf) = vpow2.f32 v17;
	v17 =	vmul.f32 $1.442695020e+00, v18  }
0x43: {  	v1 =	vld [tilespmem:$0x1FF50];
	(erf) = vpow2.f32 v16  }
0x44: {  	v2 =	vld [tilespmem:$0x1FF60];
	(erf) = vpow2.f32 v17  }
0x45: {  	v3 =	vld [tilespmem:$0x1FF70]  }
0x46: {  	v4 =	vld [tilespmem:$0x1FF80];
	v16 =	vpop (erf)  }
0x47: {  	v5 =	vld [tilespmem:$0x1FF90];
	v17 =	vpop (erf);
	[tilespmem:$0x100] =	vst v16  }
0x48: {  	v6 =	vld [tilespmem:$0x1FFA0];
	v16 =	vpop (erf);
	[tilespmem:$0x110] =	vst v17  }
0x49: {  	v7 =	vld [tilespmem:$0x1FFB0];
	v17 =	vpop (erf);
	[tilespmem:$0x120] =	vst v16  }
0x4a: {  	v0 =	vld [tilespmem:$0x1FF40];
	[tilespmem:$0x130] =	vst v17;
	v16 =	vpop (erf)  }
0x4b: {  	v8 =	vld [tilespmem:$0x1FFC0];
	v17 =	vpop (erf);
	[tilespmem:$0x140] =	vst v16  }
0x4c: {  	v9 =	vld [tilespmem:$0x1FFD0];
	v16 =	vpop (erf);
	[tilespmem:$0x150] =	vst v17  }
0x4d: {  	v10 =	vld [tilespmem:$0x1FFE0];
	[tilespmem:$0x160] =	vst v16;
	v16 =	vpop (erf)  }
0x4e: {  	v11 =	vld [tilespmem:$0x1FFF0];
	[tilespmem:$0x170] =	vst v16  }
0x4f: {  	v26 =	vld.idx.msk [tilespmem:v1+s3+$0x0], $0xffff  }
0x50: {  	v27 =	vld.idx.msk [tilespmem:v2+s3+$0x0], $0xffff  }
0x51: {  	v29 =	vld.idx.msk [tilespmem:v3+s3+$0x0], $0xffff  }
0x52: {  	v31 =	vld.idx.msk [tilespmem:v4+s3+$0x0], $0xffff  }
0x53: {  	v23 =	vld.idx.msk [tilespmem:v5+s3+$0x0], $0xffff  }
0x54: {  	v22 =	vld.idx.msk [tilespmem:v6+s3+$0x0], $0xffff  }
0x55: {  	v19 =	vld.idx.msk [tilespmem:v7+s3+$0x0], $0xffff  }
0x56: {  	v16 =	vld.idx.msk [tilespmem:v0+s3+$0x0], $0xffff  }
0x57: {  	v32 =	vld.idx.msk [tilespmem:v8+s3+$0x0], $0xffff  }
0x58: {  	v33 =	vld.idx.msk [tilespmem:v9+s3+$0x0], $0xffff  }
0x59: {  	v34 =	vld.idx.msk [tilespmem:v10+s3+$0x0], $0xffff  }
0x5a: {  	v35 =	vld.idx.msk [tilespmem:v11+s3+$0x0], $0xffff  }
0x5b: {  	v28 =	vld.idx.msk [tilespmem:v12+s3+$0x0], $0xffff  }
0x5c: {  	v25 =	vld.idx.msk [tilespmem:v14+s3+$0x0], $0xffff  }
0x5d: {  	v21 =	vld.idx.msk [tilespmem:v15+s3+$0x0], $0xffff  }
0x5e: {  	s10 =	simm.s32 $0x100;
	v17 =	vld.idx.msk [tilespmem:v13+s3+$0x0], $0xffff  }
0x5f: {  	v37 =	vld.idx.msk [tilespmem:v1+s10+$0x0], $0xffff  }
0x60: {  	v38 =	vld.idx.msk [tilespmem:v2+s10+$0x0], $0xffff  }
0x61: {  	v39 =	vld.idx.msk [tilespmem:v3+s10+$0x0], $0xffff  }
0x62: {  	v40 =	vld.idx.msk [tilespmem:v4+s10+$0x0], $0xffff  }
0x63: {  	v41 =	vld.idx.msk [tilespmem:v5+s10+$0x0], $0xffff  }
0x64: {  	v36 =	vld.idx.msk [tilespmem:v6+s10+$0x0], $0xffff  }
0x65: {  	v24 =	vld.idx.msk [tilespmem:v7+s10+$0x0], $0xffff  }
0x66: {  	v18 =	vld.idx.msk [tilespmem:v0+s10+$0x0], $0xffff  }
0x67: {  	v43 =	vld.idx.msk [tilespmem:v8+s10+$0x0], $0xffff  }
0x68: {  	v44 =	vld.idx.msk [tilespmem:v9+s10+$0x0], $0xffff  }
0x69: {  	v45 =	vld.idx.msk [tilespmem:v10+s10+$0x0], $0xffff  }
0x6a: {  	v46 =	vld.idx.msk [tilespmem:v11+s10+$0x0], $0xffff  }
0x6b: {  	v47 =	vld.idx.msk [tilespmem:v12+s10+$0x0], $0xffff  }
0x6c: {  	v42 =	vld.idx.msk [tilespmem:v14+s10+$0x0], $0xffff  }
0x6d: {  	s15 =	simm.s32 $0x180;
	s13 =	rddreg [dreg:$0x7];
	v30 =	vld.idx.msk [tilespmem:v15+s10+$0x0], $0xffff  }
0x6e: {  	v20 =	vld.idx.msk [tilespmem:v13+s10+$0x0], $0xffff;
	[tilespmem:s15], [sflag:$0x1] =	stream.linear.gather [hbm4b:s13+s3], $0x800, $0x38  }
0x6f: {  	s19 =	simm.s32 $0x1980;
	s16 =	rddreg [dreg:$0x10]  }
0x70: {  	[tilespmem:s19], [sflag:$0x1] =	stream.linear.gather [hbm4b:s16+s3], $0x4000, $0x38;
	[tilespmem:$0x19980] =	vst v63  }
0x71: {  	s24 =	simm.s32 $0x980;
	s23 =	rddreg [dreg:$0x8]  }
0x72: {  	[tilespmem:s24], [sflag:$0x2] =	stream.linear.gather [hbm4b:s23+s3], $0x800, $0x38;
	[tilespmem:$0x19980] =	vst v63  }
0x73: {  	s26 =	simm.s32 $0x5980;
	s25 =	rddreg [dreg:$0x9]  }
0x74: {  	[tilespmem:s26], [sflag:$0x2] =	stream.linear.gather [hbm4b:s25+s3], $0x4000, $0x38;
	[tilespmem:$0x19980] =	vst v63  }
0x75: {  	s29 =	simm.s32 $0x1180;
	s28 =	rddreg [dreg:$0xa]  }
0x76: {  	[tilespmem:s29], [sflag:$0x3] =	stream.linear.gather [hbm4b:s28+s3], $0x800, $0x38;
	[tilespmem:$0x19980] =	vst v63  }
0x77: {  	s31 =	simm.s32 $0x9980;
	s30 =	rddreg [dreg:$0xb];
	s25 =	simm.s32 $0x0  }
0x78: {  	[tilespmem:s31], [sflag:$0x3] =	stream.linear.gather [hbm4b:s30+s3], $0x4000, $0x38;
	[tilespmem:$0x19980] =	vst v63  }
.LBB2_2:
0x79: {  	p0 =	seq.s32 s25, $0x0  }
0x7a: {  	s0 =	simm.s32 @!p0 $0x4  }
0x7b: {  	_ =	swait.ge @!p0 [sflag:s0], $0x4000  }
0x7c: {  	[sflag:s0] =	ssyncset.done @!p0 $0x0  }
0x7d: {  	[sflag:s0] =	ssyncadd.s32 @!p0 $0xFFFFC000  }
0x7e: {  	_ =	swait.ge [sflag:s9], $0x800  }
0x7f: {  	[sflag:s9] =	ssyncset.done $0x0  }
0x80: {  	[sflag:s9] =	ssyncadd.s32 $0xFFFFF800  }
0x81: {  	s4 =	simm.s32 $0x0;
	_ =	swait.ge [sflag:s9], $0x4000  }
0x82: {  	s26 =	simm.s32 $0x180;
	s2 =	sand.u32 $0x60, s4;
	[sflag:s9] =	ssyncset.done $0x0  }
0x83: {  	s6 =	sand.u32 $0x780, s4;
	s31 =	sor.u32 $0x10, s2;
	[sflag:s9] =	ssyncadd.s32 $0xFFFFC000  }
0x84: {  	s6 =	sor.u32 s31, s6;
	v48 =	vld [tilespmem:s26+$0x0]  }
0x85: {  	v49 =	vld [tilespmem:s6+$0x180]  }
0x86: {  	s8 =	sand.u32 $0x3C00, s4  }
0x87: {  	s0 =	sor.u32 s8, s31  }
0x88: {  	v50 =	vld [tilespmem:s0+$0x1980]  }
0x89: {  	v4 =	vld [tilespmem:s0+$0x1A00];
	vm0 =	veq.s32 v48, $0x1  }
0x8a: {  	v54 =	vld [tilespmem:s0+$0x1A80];
	vm1 =	veq.s32 v49, $0x1;
	v51 =	vsel vm0, v32, v26  }
0x8b: {  	v57 =	vld [tilespmem:s0+$0x1B00];
	v52 =	vsel vm0, v33, v27;
	v53 =	vsel vm0, v34, v29;
	v49 =	vsel vm0, v35, v31  }
0x8c: {  	v59 =	vld [tilespmem:s0+$0x1B80];
	v56 =	vsel vm1, v43, v37;
	v5 =	vsel vm1, v44, v38;
	v60 =	vsel vm1, v32, v26  }
0x8d: {  	v6 =	vld [tilespmem:s0+$0x1C00];
	v61 =	vsel vm1, v33, v27;
	v62 =	vsel vm1, v34, v29;
	v50 =	vmul.f32 v56, v50  }
0x8e: {  	s2 =	sor.u32 s2, s8;
	v63 =	vsel vm1, v45, v39;
	v7 =	vsel vm1, v35, v31;
	v48 =	vmul.f32 v4, v5  }
0x8f: {  	v0 =	vld [tilespmem:s2+$0x1980];
	v1 =	vsel vm1, v46, v40;
	v54 =	vmul.f32 v54, v63;
	v50 =	vadd.f32 v50, v60  }
0x90: {  	v8 =	vsel vm1, v47, v41;
	v63 =	vld [tilespmem:s2+$0x1A00];
	v1 =	vmul.f32 v57, v1;
	v48 =	vadd.f32 v48, v61  }
0x91: {  	v10 =	vsel vm1, v42, v36;
	v57 =	vmul.f32 v59, v8;
	v9 =	vadd.f32 v54, v62;
	[tilespmem:s0+$0xD980] =	vst v50  }
0x92: {  	s4 =	sand.u32 $0x3, s4;
	v11 =	vsel vm1, v28, v23;
	v56 =	vmul.f32 v6, v10;
	v61 =	vld [tilespmem:s2+$0x1A80];
	v1 =	vadd.f32 v1, v7;
	[tilespmem:s0+$0xDA00] =	vst v48  }
0x93: {  	s4 =	sshll.u32 s4, $0x5;
	v55 =	vsel vm0, v43, v37;
	v6 =	vsel vm1, v25, v22;
	v54 =	vld [tilespmem:s2+$0x1B00];
	v5 =	vadd.f32 v57, v11;
	[tilespmem:s0+$0xDA80] =	vst v9  }
0x94: {  	s19 =	sadd.s32 $0x0, s4;
	v58 =	vsel vm0, v44, v38;
	vm2 =	vmmov vm1;
	v8 =	vadd.f32 v56, v6;
	[tilespmem:s0+$0xDB00] =	vst v1  }
0x95: {  	s4 =	sadd.s32 $0x10, s19;
	v0 =	vmul.f32 v55, v0;
	v7 =	vsel vm0, v45, v39;
	v48 =	vld [tilespmem:s2+$0x1B80];
	[tilespmem:s0+$0xDB80] =	vst v5;
	v58 =	vmul.f32 v63, v58  }
0x96: {  	s5 =	sor.u32 $0x300, s4;
	v4 =	vld [tilespmem:s2+$0x1C00];
	v11 =	vsel vm0, v47, v41;
	v60 =	vsel vm0, v28, v23;
	v9 =	vsel vm0, v46, v40;
	[tilespmem:s0+$0xDC00] =	vst v8  }
0x97: {  	s10 =	simm.s32 $0x20;
	s8 =	simm.s32 $0x1A0;
	v59 =	vld [tilespmem:s5+$0x1980];
	v63 =	vsel vm0, v25, v22;
	v10 =	vmul.f32 v61, v7;
	v52 =	vadd.f32 v58, v52  }
0x98: {  	s16 =	sand.u32 $0x60, s10;
	v54 =	vmul.f32 v54, v9;
	v58 =	vsel vm0, v42, v36;
	v61 =	vld [tilespmem:s8+$0x0];
	vm0 =	vmmov vm0  }
0x99: {  	s13 =	sand.u32 $0x780, s10;
	s15 =	sor.u32 $0x10, s16;
	v0 =	vadd.f32 v0, v51;
	v6 =	vsel vm2, v21, v19;
	v50 =	vsel vm0, v21, v19  }
0x9a: {  	s23 =	simm.s32 $0x100;
	s8 =	sor.u32 s15, s13;
	v56 =	vadd.f32 v10, v53;
	v57 =	vmul.f32 v48, v11;
	v49 =	vadd.f32 v54, v49  }
0x9b: {  	s23 =	sand.u32 $0x3C00, s23;
	v5 =	vld [tilespmem:s8+$0x180];
	[tilespmem:s2+$0xDA00] =	vst v52;
	v48 =	vmul.f32 v4, v58;
	v4 =	vsel vm1, v30, v24;
	v52 =	vsel vm0, v30, v24  }
0x9c: {  	[tilespmem:s2+$0xD980] =	vst v0;
	s15 =	sor.u32 s23, s15;
	vm0 =	vmmov vm0;
	v0 =	vmul.f32 v59, v4;
	v4 =	vsel vm2, v20, v18  }
0x9d: {  	v7 =	vld [tilespmem:s15+$0x1980];
	v62 =	vadd.f32 v57, v60;
	v1 =	vadd.f32 v48, v63;
	vm1 =	veq.s32 v61, $0x1  }
0x9e: {  	v8 =	vld [tilespmem:s15+$0x1A00];
	[tilespmem:s2+$0xDB00] =	vst v49;
	v0 =	vadd.f32 v0, v6;
	v61 =	vsel vm2, v17, v16;
	v49 =	vsel vm1, v32, v26  }
0x9f: {  	[tilespmem:s2+$0xDA80] =	vst v56;
	v63 =	vld [tilespmem:s15+$0x1B00];
	v53 =	vsel vm1, v33, v27;
	v55 =	vsel vm1, v34, v29;
	v56 =	vsel vm1, v35, v31  }
0xa0: {  	v58 =	vld [tilespmem:s15+$0x1A80];
	v57 =	vsel vm1, v43, v37;
	v59 =	vsel vm1, v45, v39;
	vm3 =	veq.s32 v5, $0x1  }
0xa1: {  	v3 =	vld [tilespmem:s15+$0x1B80];
	[tilespmem:s2+$0xDB80] =	vst v62;
	v9 =	vsel vm3, v43, v37;
	v2 =	vsel vm3, v32, v26;
	v10 =	vsel vm3, v44, v38  }
0xa2: {  	s0 =	sor.u32 $0x300, s19;
	[tilespmem:s2+$0xDC00] =	vst v1;
	v62 =	vld [tilespmem:s15+$0x1C00];
	v5 =	vsel vm3, v33, v27;
	v6 =	vsel vm3, v34, v29;
	v51 =	vmul.f32 v9, v7  }
0xa3: {  	s6 =	sor.u32 $0x380, s4;
	v1 =	vld [tilespmem:s0+$0x1980];
	[tilespmem:s5+$0xD980] =	vst v0;
	v11 =	vsel vm3, v47, v41;
	v54 =	vmul.f32 v8, v10;
	v9 =	vsel vm3, v46, v40  }
0xa4: {  	s23 =	sor.u32 s16, s23;
	v48 =	vld [tilespmem:s6+$0x1980];
	v7 =	vsel vm3, v45, v39;
	v9 =	vmul.f32 v63, v9;
	v2 =	vadd.f32 v51, v2  }
0xa5: {  	s10 =	simm.s32 $0x1C0;
	v8 =	vld [tilespmem:s23+$0x1980];
	v7 =	vmul.f32 v58, v7;
	v51 =	vsel vm3, v35, v31;
	v5 =	vadd.f32 v54, v5  }
0xa6: {  	s5 =	simm.s32 $0x1;
	v3 =	vmul.f32 v3, v11;
	v11 =	vld [tilespmem:s10+$0x0];
	v63 =	vsel vm3, v42, v36;
	v9 =	vadd.f32 v9, v51;
	[tilespmem:s15+$0xD980] =	vst v2  }
0xa7: {  	s2 =	sand.u32 $0x3, s5;
	v58 =	vld [tilespmem:s23+$0x1A00];
	v51 =	vsel vm3, v28, v23;
	v2 =	vadd.f32 v7, v6;
	[tilespmem:s15+$0xDA00] =	vst v5;
	v7 =	vmul.f32 v62, v63  }
0xa8: {  	v60 =	vsel vm1, v46, v40;
	s2 =	sshll.u32 s2, $0x5;
	v54 =	vld [tilespmem:s23+$0x1A80];
	v3 =	vadd.f32 v3, v51;
	v62 =	vsel vm3, v25, v22;
	[tilespmem:s15+$0xDB00] =	vst v9  }
0xa9: {  	v0 =	vsel vm1, v44, v38;
	vm4 =	vmmov vm3;
	s2 =	sadd.s32 $0x100, s2;
	v6 =	vld [tilespmem:s23+$0x1B00];
	[tilespmem:s15+$0xDA80] =	vst v2;
	v7 =	vadd.f32 v7, v62  }
0xaa: {  	v10 =	vsel vm1, v47, v41;
	s13 =	sadd.s32 $0x10, s2;
	v5 =	vld [tilespmem:s23+$0x1B80];
	v1 =	vmul.f32 v1, v52;
	v52 =	vsel vm1, v42, v36;
	[tilespmem:s15+$0xDB80] =	vst v3  }
0xab: {  	v63 =	vmul.f32 v57, v8;
	v57 =	vld [tilespmem:s23+$0x1C00];
	v4 =	vmul.f32 v48, v4;
	vm2 =	veq.s32 v11, $0x1;
	[tilespmem:s15+$0xDC00] =	vst v7;
	s15 =	sor.u32 $0x300, s13  }
0xac: {  	v48 =	vsel vm0, v20, v18;
	v0 =	vmul.f32 v58, v0;
	v1 =	vadd.f32 v1, v50;
	v7 =	vld [tilespmem:s15+$0x1980]  }
0xad: {  	s28 =	simm.s32 $0x40;
	v58 =	vsel vm3, v30, v24;
	v62 =	vsel vm4, v21, v19;
	v50 =	vsel vm2, v35, v31  }
0xae: {  	s31 =	sand.u32 $0x60, s28;
	v2 =	vadd.f32 v63, v49;
	v63 =	vmul.f32 v54, v59;
	v54 =	vsel vm1, v28, v23  }
0xaf: {  	s29 =	simm.s32 $0x200;
	s24 =	sand.u32 $0x780, s28;
	s5 =	sor.u32 $0x10, s31;
	v4 =	vadd.f32 v4, v61;
	v0 =	vadd.f32 v0, v53;
	v6 =	vmul.f32 v6, v60  }
0xb0: {  	s30 =	sand.u32 $0x3C00, s29;
	s24 =	sor.u32 s5, s24;
	v51 =	vadd.f32 v63, v55;
	v3 =	vmul.f32 v5, v10;
	v5 =	vmul.f32 v57, v52  }
0xb1: {  	v59 =	vld [tilespmem:s24+$0x180];
	s24 =	sor.u32 s30, s5;
	v53 =	vadd.f32 v6, v56;
	v56 =	vsel vm1, v25, v22;
	v61 =	vmul.f32 v7, v58  }
0xb2: {  	v9 =	vsel vm2, v43, v37;
	[tilespmem:s23+$0xDA00] =	vst v0;
	v55 =	vadd.f32 v3, v54;
	v57 =	vadd.f32 v5, v56;
	v5 =	vld [tilespmem:s24+$0x1A00]  }
0xb3: {  	v52 =	vsel vm2, v33, v27;
	[tilespmem:s23+$0xDA80] =	vst v51;
	vm1 =	vmmov vm1;
	v7 =	vld [tilespmem:s24+$0x1980];
	v0 =	vadd.f32 v61, v62  }
0xb4: {  	v6 =	vsel vm2, v32, v26;
	v51 =	vsel vm2, v34, v29;
	v54 =	vsel vm2, v44, v38;
	[tilespmem:s23+$0xDB80] =	vst v55;
	v55 =	vld [tilespmem:s24+$0x1A80]  }
0xb5: {  	s10 =	sor.u32 $0x380, s13;
	v3 =	vsel vm4, v17, v16;
	v49 =	vsel vm1, v21, v19;
	v8 =	vsel vm1, v30, v24;
	v58 =	vld [tilespmem:s24+$0x1B00];
	[tilespmem:s15+$0xD980] =	vst v0  }
0xb6: {  	s16 =	sor.u32 s31, s30;
	vm3 =	veq.s32 v59, $0x1;
	v59 =	vsel vm4, v20, v18;
	[tilespmem:s23+$0xDB00] =	vst v53;
	v53 =	vsel vm2, v46, v40;
	v0 =	vld [tilespmem:s10+$0x1980]  }
0xb7: {  	[tilespmem:s0+$0xD980] =	vst v1;
	v1 =	vld [tilespmem:s16+$0x1A00];
	v56 =	vsel vm3, v32, v26;
	v63 =	vsel vm3, v43, v37;
	v10 =	vsel vm3, v44, v38  }
0xb8: {  	[tilespmem:s23+$0xD980] =	vst v2;
	v60 =	vsel vm3, v34, v29;
	v11 =	vsel vm3, v46, v40;
	v61 =	vld [tilespmem:s24+$0x1B80];
	v7 =	vmul.f32 v63, v7  }
0xb9: {  	[tilespmem:s23+$0xDC00] =	vst v57;
	v57 =	vsel vm3, v33, v27;
	v5 =	vmul.f32 v5, v10;
	v10 =	vld [tilespmem:s24+$0x1C00];
	v63 =	vsel vm3, v45, v39  }
0xba: {  	s26 =	sor.u32 $0x300, s2;
	[tilespmem:s6+$0xD980] =	vst v4;
	v62 =	vsel vm2, v45, v39;
	v55 =	vmul.f32 v55, v63;
	v4 =	vadd.f32 v7, v56;
	v7 =	vld [tilespmem:s16+$0x1980]  }
0xbb: {  	v2 =	vld [tilespmem:s26+$0x1980];
	v5 =	vadd.f32 v5, v57;
	v57 =	vmul.f32 v58, v11;
	v0 =	vmul.f32 v0, v59  }
0xbc: {  	v11 =	vsel vm3, v42, v36;
	v63 =	vld [tilespmem:s16+$0x1A80];
	[tilespmem:s24+$0xD980] =	vst v4;
	v4 =	vadd.f32 v55, v60;
	v60 =	vsel vm3, v47, v41  }
0xbd: {  	s0 =	simm.s32 $0x2;
	v56 =	vsel vm3, v35, v31;
	[tilespmem:s24+$0xDA00] =	vst v5;
	v55 =	vld [tilespmem:s16+$0x1B00];
	v61 =	vmul.f32 v61, v60;
	v0 =	vadd.f32 v0, v3  }
0xbe: {  	s13 =	sand.u32 $0x3, s0;
	v10 =	vmul.f32 v10, v11;
	v60 =	vsel vm3, v28, v23;
	[tilespmem:s24+$0xDA80] =	vst v4;
	v3 =	vadd.f32 v57, v56;
	v56 =	vld [tilespmem:s16+$0x1B80]  }
0xbf: {  	s30 =	sor.u32 $0x380, s2;
	s23 =	sor.u32 $0x380, s19;
	s15 =	sshll.u32 s13, $0x5;
	v7 =	vmul.f32 v9, v7;
	v4 =	vadd.f32 v61, v60;
	v61 =	vsel vm3, v25, v22;
	v57 =	vld [tilespmem:s16+$0x1C00];
	[tilespmem:s10+$0xD980] =	vst v0  }
0xc0: {  	s6 =	simm.s32 $0x1E0;
	s19 =	simm.s32 $0x4;
	s31 =	sadd.s32 $0x200, s15;
	v58 =	vmul.f32 v2, v8;
	v59 =	vmul.f32 v1, v54;
	v54 =	vld [tilespmem:s23+$0x1980];
	v60 =	vadd.f32 v10, v61;
	[tilespmem:s24+$0xDB00] =	vst v3  }
0xc1: {  	s2 =	sor.u32 $0x300, s31;
	s8 =	sor.u32 $0x380, s31;
	s15 =	sadd.s32 $0x10, s31;
	v62 =	vmul.f32 v63, v62;
	v63 =	vsel vm2, v47, v41;
	v61 =	vadd.f32 v7, v6;
	[tilespmem:s24+$0xDB80] =	vst v4  }
.LBB2_3:
0xc2: {  	v0 =	vld [tilespmem:s6+$0x0];
	v1 =	vadd.f32 v59, v52;
	v2 =	vmul.f32 v55, v53;
	[tilespmem:s24+$0xDC00] =	vst v60;
	s31 =	sor.u32 $0x300, s15;
	v3 =	vadd.f32 v58, v49  }
0xc3: {  	v6 =	vsel vm2, v42, v36;
	[tilespmem:s16+$0xD980] =	vst v61;
	v4 =	vadd.f32 v62, v51;
	v5 =	vmul.f32 v56, v63;
	v7 =	vld [tilespmem:s31+$0x1980]  }
0xc4: {  	s28 =	sadd.s32 $0x20, s28;
	[tilespmem:s16+$0xDA00] =	vst v1;
	v1 =	vadd.f32 v2, v50;
	v2 =	vsel vm2, v28, v23;
	v6 =	vmul.f32 v57, v6  }
0xc5: {  	s4 =	sand.u32 $0x60, s28;
	[tilespmem:s16+$0xDA80] =	vst v4;
	v2 =	vadd.f32 v5, v2;
	v4 =	vsel vm2, v25, v22;
	v5 =	vmul.f32 v54, v48  }
0xc6: {  	s5 =	sand.u32 $0x780, s28;
	s24 =	sor.u32 $0x10, s4;
	[tilespmem:s16+$0xDB00] =	vst v1;
	v1 =	vadd.f32 v6, v4;
	v4 =	vsel vm0, v17, v16;
	vm0 =	vmmov vm1  }
0xc7: {  	s29 =	sadd.s32 $0x100, s29;
	s5 =	sor.u32 s24, s5;
	vm1 =	vmmov vm2;
	[tilespmem:s16+$0xDB80] =	vst v2;
	v2 =	vsel vm3, v30, v24;
	v4 =	vadd.f32 v5, v4  }
0xc8: {  	vm4 =	vmmov vm3;
	s10 =	sand.u32 $0x3C00, s29;
	vm2 =	veq.s32 v0, $0x1;
	v0 =	vld [tilespmem:s5+$0x180];
	[tilespmem:s16+$0xDC00] =	vst v1;
	v1 =	vmul.f32 v7, v2  }
0xc9: {  	s24 =	sor.u32 s10, s24;
	v49 =	vsel vm1, v21, v19;
	v5 =	vsel vm4, v21, v19;
	v48 =	vsel vm0, v20, v18;
	s16 =	sor.u32 s4, s10;
	v2 =	vld [tilespmem:s2+$0x1980];
	[tilespmem:s26+$0xD980] =	vst v3;
	s26 =	smov.u32 s2  }
0xca: {  	v7 =	vsel vm1, v30, v24;
	v3 =	vsel vm2, v32, v26;
	v6 =	vld [tilespmem:s24+$0x1980];
	v1 =	vadd.f32 v1, v5;
	[tilespmem:s23+$0xD980] =	vst v4;
	s23 =	smov.u32 s30;
	s30 =	smov.u32 s8  }
0xcb: {  	s19 =	sadd.s32 $0x2, s19;
	v52 =	vsel vm2, v33, v27;
	v51 =	vsel vm2, v34, v29;
	v50 =	vsel vm2, v35, v31;
	v4 =	vld [tilespmem:s24+$0x1A00]  }
0xcc: {  	p1 =	slt.u32 s19, $0x7E;
	v8 =	vsel vm2, v44, v38;
	v9 =	vsel vm2, v45, v39;
	s2 =	sor.u32 $0x380, s15;
	v5 =	vsel vm2, v43, v37;
	v10 =	vld [tilespmem:s24+$0x1A80];
	[tilespmem:s31+$0xD980] =	vst v1  }
0xcd: {  	v53 =	vsel vm2, v46, v40;
	v1 =	vsel vm4, v17, v16;
	vm3 =	veq.s32 v0, $0x1;
	v0 =	vld [tilespmem:s2+$0x1980]  }
0xce: {  	v57 =	vsel vm4, v20, v18;
	v54 =	vsel vm3, v32, v26;
	v55 =	vsel vm3, v43, v37;
	v56 =	vld [tilespmem:s24+$0x1B00]  }
0xcf: {  	v58 =	vsel vm3, v44, v38;
	v6 =	vmul.f32 v55, v6;
	v55 =	vsel vm3, v33, v27;
	v59 =	vld [tilespmem:s24+$0x1B80]  }
0xd0: {  	v60 =	vsel vm3, v45, v39;
	v4 =	vmul.f32 v4, v58;
	v58 =	vsel vm3, v34, v29;
	v61 =	vld [tilespmem:s24+$0x1C00]  }
0xd1: {  	v62 =	vld [tilespmem:s16+$0x1980];
	v6 =	vadd.f32 v6, v54;
	v10 =	vmul.f32 v10, v60;
	v54 =	vsel vm3, v35, v31  }
0xd2: {  	v60 =	vld [tilespmem:s16+$0x1A00];
	v4 =	vadd.f32 v4, v55;
	v55 =	vsel vm3, v46, v40;
	v0 =	vmul.f32 v0, v57  }
0xd3: {  	v63 =	vld [tilespmem:s16+$0x1A80];
	[tilespmem:s24+$0xD980] =	vst v6;
	v6 =	vadd.f32 v10, v58;
	v10 =	vmul.f32 v56, v55;
	v56 =	vsel vm3, v47, v41  }
.Ltmp0:
0xd4: {  	s0 =	sadd.s32 $0x1, s0;
	v57 =	vsel vm3, v42, v36;
	v55 =	vld [tilespmem:s16+$0x1B00];
	[tilespmem:s24+$0xDA00] =	vst v4;
	v4 =	vmul.f32 v59, v56;
	v0 =	vadd.f32 v0, v1;
	(pc) =	sbr.rel @p1 .LBB2_3-.Ltmp0, $4  }
0xd5: {  	s4 =	sand.u32 $0x3, s0;
	v56 =	vld [tilespmem:s16+$0x1B80];
	[tilespmem:s24+$0xDA80] =	vst v6;
	v1 =	vadd.f32 v10, v54;
	v6 =	vsel vm3, v28, v23;
	v10 =	vmul.f32 v61, v57  }
0xd6: {  	s4 =	sshll.u32 s4, $0x5;
	v5 =	vmul.f32 v5, v62;
	v57 =	vld [tilespmem:s16+$0x1C00];
	v4 =	vadd.f32 v4, v6;
	v6 =	vsel vm3, v25, v22;
	[tilespmem:s2+$0xD980] =	vst v0  }
0xd7: {  	s6 =	sadd.s32 $0x20, s6;
	s4 =	sadd.s32 s4, s29;
	v58 =	vmul.f32 v2, v7;
	v59 =	vmul.f32 v60, v8;
	[tilespmem:s24+$0xDB00] =	vst v1;
	v60 =	vadd.f32 v10, v6;
	v54 =	vld [tilespmem:s23+$0x1980]  }
0xd8: {  	s8 =	sor.u32 $0x380, s4;
	s15 =	sadd.s32 $0x10, s4;
	s2 =	sor.u32 $0x300, s4;
	v61 =	vadd.f32 v5, v3;
	v62 =	vmul.f32 v63, v9;
	v63 =	vsel vm2, v47, v41;
	[tilespmem:s24+$0xDB80] =	vst v4  }
0xd9: {  	v0 =	vadd.f32 v59, v52;
	v1 =	vmul.f32 v55, v53;
	[tilespmem:s24+$0xDC00] =	vst v60  }
0xda: {  	v4 =	vsel vm2, v42, v36;
	[tilespmem:s16+$0xD980] =	vst v61;
	v2 =	vadd.f32 v62, v51;
	v3 =	vmul.f32 v56, v63  }
0xdb: {  	v62 =	vsel vm2, v28, v23;
	[tilespmem:s16+$0xDA00] =	vst v0;
	v61 =	vadd.f32 v1, v50;
	v4 =	vmul.f32 v57, v4  }
0xdc: {  	v63 =	vsel vm2, v25, v22;
	[tilespmem:s16+$0xDA80] =	vst v2;
	v1 =	vadd.f32 v3, v62  }
0xdd: {  	[tilespmem:s16+$0xDB00] =	vst v61;
	v4 =	vadd.f32 v4, v63  }
0xde: {  	s0 =	sor.u32 $0x300, s15;
	[tilespmem:s16+$0xDB80] =	vst v1  }
0xdf: {  	v5 =	vld [tilespmem:s0+$0x1980];
	[tilespmem:s16+$0xDC00] =	vst v4  }
0xe0: {  	v0 =	vld [tilespmem:s2+$0x1980];
	_ =	sdelay $0x2  }
0xe1: {  	v6 =	vsel vm3, v30, v24;
	vm3 =	vmmov vm3;
	vm2 =	vmmov vm2  }
0xe2: {  	v9 =	vadd.f32 v58, v49;
	v8 =	vsel vm2, v30, v24;
	v1 =	vmul.f32 v5, v6  }
0xe3: {  	v7 =	vsel vm3, v21, v19;
	v0 =	vmul.f32 v0, v8  }
0xe4: {  	v10 =	vsel vm2, v21, v19;
	[tilespmem:s26+$0xD980] =	vst v9;
	v1 =	vadd.f32 v1, v7  }
0xe5: {  	v2 =	vld [tilespmem:s30+$0x1980];
	v0 =	vadd.f32 v0, v10  }
0xe6: {  	s5 =	sor.u32 $0x380, s15;
	[tilespmem:s0+$0xD980] =	vst v1  }
0xe7: {  	v1 =	vld [tilespmem:s5+$0x1980];
	[tilespmem:s2+$0xD980] =	vst v0  }
0xe8: {  	v49 =	vsel vm0, v17, v16;
	vm0 =	vmmov vm1;
	v11 =	vmul.f32 v54, v48;
	v48 =	vld [tilespmem:s8+$0x1980]  }
0xe9: {  	v5 =	vsel vm0, v20, v18  }
0xea: {  	v2 =	vmul.f32 v2, v5  }
0xeb: {  	v53 =	vsel vm0, v17, v16;
	v50 =	vsel vm3, v20, v18;
	vm1 =	vmmov vm2  }
0xec: {  	v52 =	vsel vm1, v20, v18;
	v54 =	vadd.f32 v2, v53;
	v1 =	vmul.f32 v1, v50  }
0xed: {  	v51 =	vsel vm3, v17, v16;
	v0 =	vadd.f32 v11, v49;
	v3 =	vmul.f32 v48, v52  }
0xee: {  	s26 =	smul.u32 $0x1800, s25;
	v55 =	vsel vm1, v17, v16;
	[tilespmem:s30+$0xD980] =	vst v54;
	v1 =	vadd.f32 v1, v51  }
0xef: {  	[tilespmem:s23+$0xD980] =	vst v0;
	v56 =	vadd.f32 v3, v55  }
0xf0: {  	s10 =	sadd.s32 s26, s20;
	[tilespmem:s5+$0xD980] =	vst v1  }
0xf1: {  	s6 =	sadd.s32 s26, s12;
	s13 =	sshrl.u32 s10, $0x3;
	[tilespmem:s8+$0xD980] =	vst v56;
	s8 =	simm.s32 $0xD980  }
0xf2: {  	[hbm4b:s6+s3] =	stream.linear.scatter [tilespmem:s8], [sflag:$0x4], $0x4000, $0x38;
	[tilespmem:$0x19980] =	vst v63  }
0xf3: {  	s4 =	simm.s32 $0x180;
	s2 =	sadd.s32 s1, s13  }
0xf4: {  	[tilespmem:s4], [sflag:$0x1] =	stream.linear.gather [hbm4b:s2+s3], $0x800, $0x38;
	[tilespmem:$0x19980] =	vst v63  }
0xf5: {  	s15 =	simm.s32 $0x1980;
	s0 =	sadd.s32 s10, s7  }
0xf6: {  	[tilespmem:s15], [sflag:$0x1] =	stream.linear.gather [hbm4b:s0+s3], $0x4000, $0x38;
	[tilespmem:$0x19980] =	vst v63  }
0xf7: {  	s0 =	simm.s32 @!p0 $0x5  }
0xf8: {  	_ =	swait.ge @!p0 [sflag:s0], $0x4000  }
0xf9: {  	[sflag:s0] =	ssyncset.done @!p0 $0x0  }
0xfa: {  	[sflag:s0] =	ssyncadd.s32 @!p0 $0xFFFFC000  }
0xfb: {  	_ =	swait.ge [sflag:s11], $0x800  }
0xfc: {  	[sflag:s11] =	ssyncset.done $0x0  }
0xfd: {  	[sflag:s11] =	ssyncadd.s32 $0xFFFFF800  }
0xfe: {  	s16 =	simm.s32 $0x0;
	_ =	swait.ge [sflag:s11], $0x4000  }
0xff: {  	s19 =	simm.s32 $0x980;
	s23 =	sand.u32 $0x60, s16;
	[sflag:s11] =	ssyncset.done $0x0  }
0x100: {  	s24 =	sor.u32 $0x10, s23;
	s5 =	sand.u32 $0x780, s16;
	[sflag:s11] =	ssyncadd.s32 $0xFFFFC000  }
0x101: {  	s5 =	sor.u32 s24, s5;
	v57 =	vld [tilespmem:s19+$0x0]  }
0x102: {  	v58 =	vld [tilespmem:s5+$0x980];
	_ =	sdelay $0x1  }
0x103: {  	s6 =	sand.u32 $0x3C00, s16  }
0x104: {  	s0 =	sor.u32 s6, s24  }
0x105: {  	v59 =	vld [tilespmem:s0+$0x5980];
	vm0 =	veq.s32 v57, $0x1  }
0x106: {  	v60 =	vld [tilespmem:s0+$0x5A00];
	vm1 =	veq.s32 v58, $0x1;
	v3 =	vsel vm0, v32, v26  }
0x107: {  	v6 =	vld [tilespmem:s0+$0x5A80];
	v4 =	vsel vm0, v33, v27;
	v5 =	vsel vm0, v34, v29;
	v1 =	vsel vm0, v35, v31  }
0x108: {  	s2 =	sor.u32 s23, s6;
	v9 =	vld [tilespmem:s0+$0x5B00];
	v7 =	vsel vm0, v43, v37;
	v8 =	vsel vm1, v43, v37;
	v10 =	vsel vm0, v44, v38  }
0x109: {  	v52 =	vld [tilespmem:s2+$0x5A00];
	v61 =	vsel vm1, v44, v38;
	v62 =	vsel vm1, v32, v26;
	v63 =	vsel vm1, v33, v27  }
0x10a: {  	v57 =	vsel vm1, v34, v29;
	v58 =	vsel vm1, v45, v39;
	v55 =	vsel vm1, v42, v36  }
0x10b: {  	v48 =	vld [tilespmem:s0+$0x5B80];
	v11 =	vsel vm0, v47, v41;
	v51 =	vsel vm0, v42, v36;
	v53 =	vsel vm0, v28, v23  }
0x10c: {  	vm2 =	vmmov vm1;
	v2 =	vmul.f32 v8, v59;
	v0 =	vmul.f32 v60, v61;
	v8 =	vld [tilespmem:s0+$0x5C00]  }
0x10d: {  	v50 =	vld [tilespmem:s2+$0x5A80];
	v6 =	vmul.f32 v6, v58;
	v60 =	vsel vm1, v35, v31;
	v61 =	vsel vm1, v46, v40  }
0x10e: {  	v59 =	vld [tilespmem:s2+$0x5980];
	v10 =	vmul.f32 v52, v10;
	v9 =	vmul.f32 v9, v61;
	v2 =	vadd.f32 v2, v62  }
0x10f: {  	v56 =	vld [tilespmem:s2+$0x5B80];
	s19 =	simm.s32 $0x9A0;
	v61 =	vsel vm0, v45, v39;
	v0 =	vadd.f32 v0, v63;
	v62 =	vsel vm1, v47, v41  }
0x110: {  	v54 =	vld [tilespmem:s19+$0x0];
	v63 =	vadd.f32 v6, v57;
	v57 =	vsel vm1, v28, v23;
	v48 =	vmul.f32 v48, v62;
	[tilespmem:s0+$0x11980] =	vst v2  }
0x111: {  	s4 =	sand.u32 $0x3, s16;
	s23 =	simm.s32 $0x20;
	v4 =	vadd.f32 v10, v4;
	v9 =	vadd.f32 v9, v60;
	[tilespmem:s0+$0x11A00] =	vst v0;
	v8 =	vmul.f32 v8, v55  }
0x112: {  	s4 =	sshll.u32 s4, $0x5;
	s24 =	sand.u32 $0x60, s23;
	v6 =	vld [tilespmem:s2+$0x5B00];
	v60 =	vsel vm1, v25, v22;
	v62 =	vsel vm0, v46, v40;
	[tilespmem:s0+$0x11A80] =	vst v63;
	v48 =	vadd.f32 v48, v57  }
0x113: {  	s16 =	sadd.s32 $0x0, s4;
	s6 =	sand.u32 $0x780, s23;
	s10 =	sor.u32 $0x10, s24;
	v63 =	vmul.f32 v50, v61;
	v58 =	vmul.f32 v7, v59;
	[tilespmem:s0+$0x11B00] =	vst v9;
	v8 =	vadd.f32 v8, v60  }
0x114: {  	s4 =	sadd.s32 $0x10, s16;
	s6 =	sor.u32 s10, s6;
	v0 =	vmul.f32 v56, v11;
	v59 =	vld [tilespmem:s2+$0x5C00];
	v55 =	vsel vm0, v25, v22;
	v57 =	vsel vm1, v30, v24;
	[tilespmem:s0+$0x11B80] =	vst v48  }
0x115: {  	s13 =	simm.s32 $0x100;
	s8 =	sor.u32 $0x300, s4;
	vm0 =	vmmov vm0;
	vm1 =	veq.s32 v54, $0x1;
	v2 =	vadd.f32 v58, v3;
	v58 =	vld [tilespmem:s6+$0x980];
	[tilespmem:s0+$0x11C00] =	vst v8  }
0x116: {  	s19 =	sand.u32 $0x3C00, s13;
	[tilespmem:s2+$0x11A00] =	vst v4;
	v50 =	vadd.f32 v63, v5;
	v0 =	vadd.f32 v0, v53;
	v4 =	vsel vm0, v21, v19;
	v52 =	vld [tilespmem:s8+$0x5980]  }
0x117: {  	s15 =	sor.u32 s19, s10;
	v7 =	vsel vm1, v33, v27;
	v9 =	vsel vm1, v34, v29;
	v6 =	vmul.f32 v6, v62  }
0x118: {  	v49 =	vld [tilespmem:s15+$0x5A80];
	v10 =	vsel vm1, v35, v31;
	v48 =	vsel vm1, v43, v37;
	[tilespmem:s2+$0x11A80] =	vst v50;
	v50 =	vsel vm1, v45, v39  }
0x119: {  	v60 =	vld [tilespmem:s15+$0x5980];
	v1 =	vadd.f32 v6, v1;
	v6 =	vsel vm0, v30, v24;
	v3 =	vmul.f32 v59, v51  }
0x11a: {  	v61 =	vld [tilespmem:s15+$0x5A00];
	vm0 =	vmmov vm0;
	v59 =	vsel vm2, v21, v19;
	v51 =	vsel vm1, v46, v40  }
0x11b: {  	[tilespmem:s2+$0x11B80] =	vst v0;
	v56 =	vadd.f32 v3, v55;
	vm3 =	veq.s32 v58, $0x1;
	v0 =	vmul.f32 v52, v57  }
0x11c: {  	v54 =	vld [tilespmem:s15+$0x5B00];
	[tilespmem:s2+$0x11980] =	vst v2;
	v3 =	vsel vm1, v32, v26;
	v62 =	vsel vm3, v43, v37;
	v55 =	vsel vm3, v32, v26  }
0x11d: {  	v53 =	vld [tilespmem:s15+$0x5C00];
	[tilespmem:s2+$0x11B00] =	vst v1;
	v63 =	vsel vm3, v44, v38;
	v58 =	vsel vm3, v33, v27;
	v0 =	vadd.f32 v0, v59  }
0x11e: {  	s0 =	sor.u32 $0x300, s16;
	v11 =	vsel vm3, v45, v39;
	vm4 =	vmmov vm3;
	[tilespmem:s2+$0x11C00] =	vst v56;
	v5 =	vmul.f32 v62, v60;
	v56 =	vld [tilespmem:s15+$0x5B80]  }
0x11f: {  	s6 =	sor.u32 $0x380, s4;
	v8 =	vmul.f32 v61, v63;
	v49 =	vmul.f32 v49, v11;
	v62 =	vsel vm3, v46, v40;
	v1 =	vld [tilespmem:s0+$0x5980];
	[tilespmem:s8+$0x11980] =	vst v0  }
0x120: {  	v11 =	vsel vm3, v47, v41;
	v63 =	vsel vm3, v42, v36;
	v52 =	vsel vm2, v17, v16;
	s8 =	sor.u32 s24, s19;
	v2 =	vld [tilespmem:s6+$0x5980]  }
0x121: {  	v57 =	vsel vm2, v20, v18;
	v54 =	vmul.f32 v54, v62;
	v5 =	vadd.f32 v5, v55;
	v61 =	vld [tilespmem:s8+$0x5980]  }
0x122: {  	v62 =	vsel vm3, v28, v23;
	v55 =	vsel vm3, v35, v31;
	v8 =	vadd.f32 v8, v58;
	v60 =	vld [tilespmem:s8+$0x5A00]  }
0x123: {  	v53 =	vmul.f32 v53, v63;
	v59 =	vsel vm3, v34, v29;
	v54 =	vadd.f32 v54, v55;
	[tilespmem:s15+$0x11980] =	vst v5;
	s19 =	simm.s32 $0x1;
	v58 =	vld [tilespmem:s8+$0x5A80]  }
0x124: {  	v5 =	vadd.f32 v49, v59;
	[tilespmem:s15+$0x11A00] =	vst v8;
	v56 =	vmul.f32 v56, v11;
	v11 =	vsel vm3, v25, v22;
	v49 =	vld [tilespmem:s8+$0x5B00];
	s2 =	sand.u32 $0x3, s19  }
0x125: {  	v59 =	vsel vm1, v47, v41;
	[tilespmem:s15+$0x11B00] =	vst v54;
	v53 =	vadd.f32 v53, v11;
	v1 =	vmul.f32 v1, v6;
	s2 =	sshll.u32 s2, $0x5  }
0x126: {  	v0 =	vsel vm1, v44, v38;
	v54 =	vsel vm1, v28, v23;
	v8 =	vld [tilespmem:s8+$0x5B80];
	[tilespmem:s15+$0x11A80] =	vst v5;
	v55 =	vadd.f32 v56, v62;
	s2 =	sadd.s32 $0x100, s2  }
0x127: {  	s23 =	simm.s32 $0x9C0;
	v56 =	vsel vm1, v25, v22;
	[tilespmem:s15+$0x11C00] =	vst v53;
	v1 =	vadd.f32 v1, v4;
	s5 =	sadd.s32 $0x10, s2;
	v63 =	vmul.f32 v48, v61;
	v48 =	vld [tilespmem:s8+$0x5C00]  }
0x128: {  	s29 =	simm.s32 $0x40;
	v4 =	vsel vm4, v17, v16;
	[tilespmem:s15+$0x11B80] =	vst v55;
	s4 =	sor.u32 $0x300, s5;
	v2 =	vmul.f32 v2, v57;
	v0 =	vmul.f32 v60, v0;
	v60 =	vld [tilespmem:s23+$0x0]  }
0x129: {  	s10 =	sand.u32 $0x60, s29;
	v58 =	vmul.f32 v58, v50;
	v61 =	vmul.f32 v49, v51;
	v49 =	vsel vm1, v42, v36;
	v51 =	vld [tilespmem:s4+$0x5980]  }
0x12a: {  	s13 =	sand.u32 $0x780, s29;
	s24 =	sor.u32 $0x10, s10;
	vm1 =	vmmov vm1;
	v3 =	vadd.f32 v63, v3;
	v0 =	vadd.f32 v0, v7  }
0x12b: {  	s30 =	simm.s32 $0x200;
	s19 =	sor.u32 s24, s13;
	[tilespmem:s0+$0x11980] =	vst v1;
	v62 =	vadd.f32 v58, v9;
	v63 =	vmul.f32 v8, v59;
	v53 =	vadd.f32 v61, v10  }
0x12c: {  	s23 =	sand.u32 $0x3C00, s30;
	v2 =	vadd.f32 v2, v52;
	v58 =	vsel vm3, v30, v24;
	v59 =	vld [tilespmem:s19+$0x980];
	v8 =	vsel vm1, v30, v24;
	[tilespmem:s8+$0x11980] =	vst v3  }
0x12d: {  	s24 =	sor.u32 s23, s24;
	[tilespmem:s8+$0x11A80] =	vst v62;
	v55 =	vadd.f32 v63, v54;
	v62 =	vsel vm4, v21, v19;
	v6 =	vmul.f32 v48, v49  }
0x12e: {  	v7 =	vld [tilespmem:s24+$0x5980];
	[tilespmem:s8+$0x11A00] =	vst v0;
	vm2 =	veq.s32 v60, $0x1;
	v61 =	vmul.f32 v51, v58;
	v49 =	vsel vm1, v21, v19  }
0x12f: {  	v5 =	vld [tilespmem:s24+$0x5A00];
	[tilespmem:s8+$0x11B00] =	vst v53;
	v48 =	vsel vm0, v20, v18;
	v58 =	vsel vm4, v20, v18;
	v57 =	vadd.f32 v6, v56  }
0x130: {  	s19 =	sor.u32 s10, s23;
	v54 =	vld [tilespmem:s24+$0x5A80];
	[tilespmem:s8+$0x11B80] =	vst v55;
	v52 =	vsel vm2, v33, v27;
	v51 =	vsel vm2, v34, v29;
	v0 =	vadd.f32 v61, v62  }
0x131: {  	v1 =	vld [tilespmem:s19+$0x5A00];
	v50 =	vsel vm2, v35, v31;
	v9 =	vsel vm2, v43, v37;
	vm3 =	veq.s32 v59, $0x1;
	[tilespmem:s8+$0x11C00] =	vst v57  }
0x132: {  	v10 =	vsel vm2, v44, v38;
	v53 =	vsel vm2, v46, v40;
	v63 =	vsel vm3, v43, v37;
	[tilespmem:s4+$0x11980] =	vst v0;
	s8 =	sor.u32 $0x380, s5;
	v57 =	vld [tilespmem:s24+$0x5B00]  }
0x133: {  	v6 =	vsel vm2, v32, v26;
	v11 =	vsel vm3, v44, v38;
	v7 =	vmul.f32 v63, v7;
	v0 =	vld [tilespmem:s8+$0x5980]  }
0x134: {  	v60 =	vld [tilespmem:s24+$0x5B80];
	v55 =	vsel vm3, v32, v26;
	v5 =	vmul.f32 v5, v11;
	v11 =	vsel vm3, v45, v39  }
0x135: {  	[tilespmem:s6+$0x11980] =	vst v2;
	v56 =	vsel vm3, v33, v27;
	v63 =	vld [tilespmem:s24+$0x5C00];
	v54 =	vmul.f32 v54, v11;
	v2 =	vadd.f32 v7, v55  }
0x136: {  	s28 =	sor.u32 $0x300, s2;
	v59 =	vsel vm3, v34, v29;
	v7 =	vld [tilespmem:s19+$0x5980];
	v5 =	vadd.f32 v5, v56;
	v55 =	vsel vm3, v46, v40  }
0x137: {  	v62 =	vsel vm2, v45, v39;
	v3 =	vld [tilespmem:s28+$0x5980];
	[tilespmem:s24+$0x11980] =	vst v2;
	v2 =	vadd.f32 v54, v59;
	v54 =	vmul.f32 v57, v55  }
0x138: {  	s0 =	simm.s32 $0x2;
	v61 =	vsel vm3, v35, v31;
	v11 =	vld [tilespmem:s19+$0x5A80];
	v59 =	vsel vm3, v47, v41;
	[tilespmem:s24+$0x11A00] =	vst v5;
	v0 =	vmul.f32 v0, v58  }
0x139: {  	s13 =	sand.u32 $0x3, s0;
	v56 =	vsel vm3, v42, v36;
	v5 =	vmul.f32 v60, v59;
	v55 =	vld [tilespmem:s19+$0x5B00];
	[tilespmem:s24+$0x11A80] =	vst v2;
	v2 =	vadd.f32 v54, v61  }
0x13a: {  	s15 =	sshll.u32 s13, $0x5;
	v60 =	vsel vm3, v28, v23;
	v61 =	vmul.f32 v63, v56;
	v56 =	vld [tilespmem:s19+$0x5B80];
	v0 =	vadd.f32 v0, v4  }
0x13b: {  	s16 =	sor.u32 $0x380, s16;
	s23 =	sor.u32 $0x380, s2;
	s2 =	sadd.s32 $0x200, s15;
	v57 =	vld [tilespmem:s19+$0x5C00];
	v7 =	vmul.f32 v9, v7;
	v63 =	vsel vm3, v25, v22;
	v4 =	vadd.f32 v5, v60;
	[tilespmem:s24+$0x11B00] =	vst v2  }
0x13c: {  	s31 =	sor.u32 $0x300, s2;
	s15 =	sor.u32 $0x380, s2;
	v59 =	vmul.f32 v1, v10;
	v58 =	vmul.f32 v3, v8;
	v54 =	vld [tilespmem:s16+$0x5980];
	v60 =	vadd.f32 v61, v63;
	[tilespmem:s8+$0x11980] =	vst v0  }
0x13d: {  	s2 =	sadd.s32 $0x10, s2;
	s6 =	simm.s32 $0x4;
	v62 =	vmul.f32 v11, v62;
	v61 =	vadd.f32 v7, v6;
	v63 =	vsel vm2, v47, v41;
	s8 =	simm.s32 $0x9E0;
	[tilespmem:s24+$0x11B80] =	vst v4  }
.LBB2_5:
0x13e: {  	v0 =	vld [tilespmem:s8+$0x0];
	v1 =	vadd.f32 v59, v52;
	v2 =	vmul.f32 v55, v53;
	[tilespmem:s24+$0x11C00] =	vst v60;
	s4 =	sor.u32 $0x300, s2;
	v3 =	vadd.f32 v58, v49  }
0x13f: {  	v6 =	vsel vm2, v42, v36;
	[tilespmem:s19+$0x11980] =	vst v61;
	v4 =	vadd.f32 v62, v51;
	v5 =	vmul.f32 v56, v63;
	v7 =	vld [tilespmem:s4+$0x5980]  }
0x140: {  	s29 =	sadd.s32 $0x20, s29;
	[tilespmem:s19+$0x11A00] =	vst v1;
	v1 =	vadd.f32 v2, v50;
	v2 =	vsel vm2, v28, v23;
	v6 =	vmul.f32 v57, v6  }
0x141: {  	s5 =	sand.u32 $0x60, s29;
	[tilespmem:s19+$0x11A80] =	vst v4;
	v2 =	vadd.f32 v5, v2;
	v4 =	vsel vm2, v25, v22;
	v5 =	vmul.f32 v54, v48  }
0x142: {  	s24 =	sand.u32 $0x780, s29;
	s10 =	sor.u32 $0x10, s5;
	[tilespmem:s19+$0x11B00] =	vst v1;
	v1 =	vadd.f32 v6, v4;
	v4 =	vsel vm0, v17, v16;
	vm0 =	vmmov vm1  }
0x143: {  	s30 =	sadd.s32 $0x100, s30;
	s24 =	sor.u32 s10, s24;
	vm1 =	vmmov vm2;
	[tilespmem:s19+$0x11B80] =	vst v2;
	v2 =	vsel vm3, v30, v24;
	v4 =	vadd.f32 v5, v4  }
0x144: {  	vm4 =	vmmov vm3;
	s13 =	sand.u32 $0x3C00, s30;
	vm2 =	veq.s32 v0, $0x1;
	v0 =	vld [tilespmem:s24+$0x980];
	[tilespmem:s19+$0x11C00] =	vst v1;
	v1 =	vmul.f32 v7, v2  }
0x145: {  	v49 =	vsel vm1, v21, v19;
	v5 =	vsel vm4, v21, v19;
	v48 =	vsel vm0, v20, v18;
	s19 =	sor.u32 s5, s13;
	s24 =	sor.u32 s13, s10;
	v2 =	vld [tilespmem:s31+$0x5980];
	[tilespmem:s28+$0x11980] =	vst v3;
	s28 =	smov.u32 s31  }
0x146: {  	v7 =	vsel vm1, v30, v24;
	v3 =	vsel vm2, v32, v26;
	v6 =	vld [tilespmem:s24+$0x5980];
	v1 =	vadd.f32 v1, v5;
	[tilespmem:s16+$0x11980] =	vst v4;
	s16 =	smov.u32 s23;
	s23 =	smov.u32 s15  }
0x147: {  	s6 =	sadd.s32 $0x2, s6;
	v52 =	vsel vm2, v33, v27;
	v51 =	vsel vm2, v34, v29;
	v50 =	vsel vm2, v35, v31;
	v4 =	vld [tilespmem:s24+$0x5A00]  }
0x148: {  	s2 =	sor.u32 $0x380, s2;
	p1 =	slt.u32 s6, $0x7E;
	v8 =	vsel vm2, v44, v38;
	v9 =	vsel vm2, v45, v39;
	v5 =	vsel vm2, v43, v37;
	v10 =	vld [tilespmem:s24+$0x5A80];
	[tilespmem:s4+$0x11980] =	vst v1  }
0x149: {  	v53 =	vsel vm2, v46, v40;
	v1 =	vsel vm4, v17, v16;
	vm3 =	veq.s32 v0, $0x1;
	v0 =	vld [tilespmem:s2+$0x5980]  }
0x14a: {  	v56 =	vsel vm4, v20, v18;
	v11 =	vsel vm3, v32, v26;
	v54 =	vsel vm3, v43, v37;
	v55 =	vld [tilespmem:s24+$0x5B00]  }
0x14b: {  	v57 =	vsel vm3, v44, v38;
	v6 =	vmul.f32 v54, v6;
	v54 =	vsel vm3, v33, v27;
	v58 =	vld [tilespmem:s24+$0x5B80]  }
0x14c: {  	v59 =	vsel vm3, v45, v39;
	v4 =	vmul.f32 v4, v57;
	v57 =	vsel vm3, v34, v29;
	v60 =	vld [tilespmem:s24+$0x5C00]  }
0x14d: {  	v61 =	vld [tilespmem:s19+$0x5980];
	v6 =	vadd.f32 v6, v11;
	v10 =	vmul.f32 v10, v59;
	v11 =	vsel vm3, v35, v31  }
0x14e: {  	v59 =	vld [tilespmem:s19+$0x5A00];
	v4 =	vadd.f32 v4, v54;
	v54 =	vsel vm3, v46, v40;
	v0 =	vmul.f32 v0, v56  }
0x14f: {  	v62 =	vld [tilespmem:s19+$0x5A80];
	[tilespmem:s24+$0x11980] =	vst v6;
	v6 =	vadd.f32 v10, v57;
	v10 =	vmul.f32 v55, v54;
	v54 =	vsel vm3, v47, v41  }
.Ltmp1:
0x150: {  	s0 =	sadd.s32 $0x1, s0;
	v55 =	vld [tilespmem:s19+$0x5B00];
	[tilespmem:s24+$0x11A00] =	vst v4;
	v4 =	vmul.f32 v58, v54;
	v54 =	vsel vm3, v42, v36;
	v0 =	vadd.f32 v0, v1;
	(pc) =	sbr.rel @p1 .LBB2_5-.Ltmp1, $4  }
0x151: {  	s4 =	sand.u32 $0x3, s0;
	v56 =	vld [tilespmem:s19+$0x5B80];
	[tilespmem:s24+$0x11A80] =	vst v6;
	v1 =	vadd.f32 v10, v11;
	v6 =	vsel vm3, v28, v23;
	v10 =	vmul.f32 v60, v54  }
0x152: {  	s4 =	sshll.u32 s4, $0x5;
	v5 =	vmul.f32 v5, v61;
	v57 =	vld [tilespmem:s19+$0x5C00];
	v4 =	vadd.f32 v4, v6;
	v6 =	vsel vm3, v25, v22;
	[tilespmem:s2+$0x11980] =	vst v0  }
0x153: {  	s8 =	sadd.s32 $0x20, s8;
	v58 =	vmul.f32 v2, v7;
	s2 =	sadd.s32 s4, s30;
	v59 =	vmul.f32 v59, v8;
	[tilespmem:s24+$0x11B00] =	vst v1;
	v60 =	vadd.f32 v10, v6;
	v54 =	vld [tilespmem:s16+$0x5980]  }
0x154: {  	v63 =	vsel vm2, v47, v41;
	s31 =	sor.u32 $0x300, s2;
	s15 =	sor.u32 $0x380, s2;
	s2 =	sadd.s32 $0x10, s2;
	v61 =	vadd.f32 v5, v3;
	v62 =	vmul.f32 v62, v9;
	[tilespmem:s24+$0x11B80] =	vst v4  }
0x155: {  	v0 =	vadd.f32 v59, v52;
	v1 =	vmul.f32 v55, v53;
	[tilespmem:s24+$0x11C00] =	vst v60  }
0x156: {  	v4 =	vsel vm2, v42, v36;
	[tilespmem:s19+$0x11980] =	vst v61;
	v2 =	vadd.f32 v62, v51;
	v3 =	vmul.f32 v56, v63  }
0x157: {  	v62 =	vsel vm2, v28, v23;
	[tilespmem:s19+$0x11A00] =	vst v0;
	v61 =	vadd.f32 v1, v50;
	v4 =	vmul.f32 v57, v4  }
0x158: {  	v63 =	vsel vm2, v25, v22;
	[tilespmem:s19+$0x11A80] =	vst v2;
	v1 =	vadd.f32 v3, v62  }
0x159: {  	[tilespmem:s19+$0x11B00] =	vst v61;
	v5 =	vadd.f32 v4, v63  }
0x15a: {  	s0 =	sor.u32 $0x300, s2;
	[tilespmem:s19+$0x11B80] =	vst v1  }
0x15b: {  	v6 =	vld [tilespmem:s0+$0x5980];
	[tilespmem:s19+$0x11C00] =	vst v5  }
0x15c: {  	v0 =	vld [tilespmem:s31+$0x5980];
	_ =	sdelay $0x2  }
0x15d: {  	v7 =	vsel vm3, v30, v24;
	vm3 =	vmmov vm3;
	vm2 =	vmmov vm2  }
0x15e: {  	v10 =	vadd.f32 v58, v49;
	v9 =	vsel vm2, v30, v24;
	v1 =	vmul.f32 v6, v7  }
0x15f: {  	v8 =	vsel vm3, v21, v19;
	v0 =	vmul.f32 v0, v9  }
0x160: {  	v11 =	vsel vm2, v21, v19;
	[tilespmem:s28+$0x11980] =	vst v10;
	v1 =	vadd.f32 v1, v8  }
0x161: {  	v2 =	vld [tilespmem:s23+$0x5980];
	v0 =	vadd.f32 v0, v11  }
0x162: {  	s24 =	sor.u32 $0x380, s2;
	[tilespmem:s0+$0x11980] =	vst v1  }
0x163: {  	v1 =	vld [tilespmem:s24+$0x5980];
	[tilespmem:s31+$0x11980] =	vst v0  }
0x164: {  	v50 =	vsel vm0, v17, v16;
	vm0 =	vmmov vm1;
	v49 =	vld [tilespmem:s15+$0x5980]  }
0x165: {  	v5 =	vsel vm0, v20, v18  }
0x166: {  	v51 =	vsel vm3, v20, v18;
	v2 =	vmul.f32 v2, v5  }
0x167: {  	vm1 =	vmmov vm2;
	v48 =	vmul.f32 v54, v48;
	v54 =	vsel vm0, v17, v16  }
0x168: {  	v53 =	vsel vm1, v20, v18;
	v55 =	vadd.f32 v2, v54;
	v1 =	vmul.f32 v1, v51  }
0x169: {  	v52 =	vsel vm3, v17, v16;
	v0 =	vadd.f32 v48, v50;
	v3 =	vmul.f32 v49, v53  }
0x16a: {  	v56 =	vsel vm1, v17, v16;
	[tilespmem:s23+$0x11980] =	vst v55;
	v1 =	vadd.f32 v1, v52  }
0x16b: {  	[tilespmem:s16+$0x11980] =	vst v0;
	v57 =	vadd.f32 v3, v56  }
0x16c: {  	s5 =	sadd.s32 s26, s21;
	[tilespmem:s24+$0x11980] =	vst v1  }
0x16d: {  	s2 =	sadd.s32 s26, s17;
	s4 =	simm.s32 $0x11980;
	s6 =	sshrl.u32 s5, $0x3;
	[tilespmem:s15+$0x11980] =	vst v57  }
0x16e: {  	[hbm4b:s2+s3] =	stream.linear.scatter [tilespmem:s4], [sflag:$0x5], $0x4000, $0x38;
	[tilespmem:$0x19980] =	vst v63  }
0x16f: {  	s2 =	sadd.s32 s1, s6;
	s4 =	simm.s32 $0x980  }
0x170: {  	[tilespmem:s4], [sflag:$0x2] =	stream.linear.gather [hbm4b:s2+s3], $0x800, $0x38;
	[tilespmem:$0x19980] =	vst v63  }
0x171: {  	s8 =	simm.s32 $0x5980;
	s0 =	sadd.s32 s5, s7  }
0x172: {  	[tilespmem:s8], [sflag:$0x2] =	stream.linear.gather [hbm4b:s0+s3], $0x4000, $0x38;
	[tilespmem:$0x19980] =	vst v63  }
0x173: {  	s0 =	simm.s32 @!p0 $0x6  }
0x174: {  	_ =	swait.ge @!p0 [sflag:s0], $0x4000  }
0x175: {  	[sflag:s0] =	ssyncset.done @!p0 $0x0  }
0x176: {  	[sflag:s0] =	ssyncadd.s32 @!p0 $0xFFFFC000  }
0x177: {  	_ =	swait.ge [sflag:s14], $0x800  }
0x178: {  	[sflag:s14] =	ssyncset.done $0x0  }
0x179: {  	[sflag:s14] =	ssyncadd.s32 $0xFFFFF800  }
0x17a: {  	s10 =	simm.s32 $0x0;
	_ =	swait.ge [sflag:s14], $0x4000  }
0x17b: {  	s13 =	simm.s32 $0x1180;
	s15 =	sand.u32 $0x60, s10;
	[sflag:s14] =	ssyncset.done $0x0  }
0x17c: {  	s5 =	sand.u32 $0x780, s10;
	s16 =	sor.u32 $0x10, s15;
	[sflag:s14] =	ssyncadd.s32 $0xFFFFC000  }
0x17d: {  	s5 =	sor.u32 s16, s5;
	v58 =	vld [tilespmem:s13+$0x0]  }
0x17e: {  	v59 =	vld [tilespmem:s5+$0x1180];
	_ =	sdelay $0x1  }
0x17f: {  	s6 =	sand.u32 $0x3C00, s10  }
0x180: {  	s0 =	sor.u32 s6, s16  }
0x181: {  	v60 =	vld [tilespmem:s0+$0x9980];
	vm0 =	veq.s32 v58, $0x1  }
0x182: {  	v61 =	vld [tilespmem:s0+$0x9A00];
	vm1 =	veq.s32 v59, $0x1;
	v3 =	vsel vm0, v32, v26  }
0x183: {  	v6 =	vld [tilespmem:s0+$0x9A80];
	v4 =	vsel vm0, v33, v27;
	v5 =	vsel vm0, v34, v29;
	v1 =	vsel vm0, v35, v31  }
0x184: {  	s2 =	sor.u32 s15, s6;
	v9 =	vld [tilespmem:s0+$0x9B00];
	v7 =	vsel vm0, v43, v37;
	v8 =	vsel vm1, v43, v37;
	v10 =	vsel vm0, v44, v38  }
0x185: {  	v51 =	vld [tilespmem:s2+$0x9A00];
	v62 =	vsel vm1, v44, v38;
	v63 =	vsel vm1, v32, v26;
	v56 =	vsel vm1, v33, v27  }
0x186: {  	v11 =	vld [tilespmem:s0+$0x9B80];
	v57 =	vsel vm1, v34, v29;
	v58 =	vsel vm1, v45, v39;
	v55 =	vsel vm1, v42, v36  }
0x187: {  	v48 =	vsel vm0, v47, v41;
	v50 =	vsel vm0, v42, v36;
	v52 =	vsel vm0, v28, v23  }
0x188: {  	v54 =	vld [tilespmem:s2+$0x9B00];
	vm2 =	vmmov vm1;
	v2 =	vmul.f32 v8, v60;
	v0 =	vmul.f32 v61, v62  }
0x189: {  	v49 =	vld [tilespmem:s2+$0x9A80];
	v6 =	vmul.f32 v6, v58;
	v60 =	vsel vm1, v35, v31;
	v61 =	vsel vm1, v46, v40  }
0x18a: {  	v59 =	vld [tilespmem:s2+$0x9980];
	v62 =	vsel vm1, v47, v41;
	v10 =	vmul.f32 v51, v10;
	v9 =	vmul.f32 v9, v61  }
0x18b: {  	v8 =	vld [tilespmem:s0+$0x9C00];
	v11 =	vmul.f32 v11, v62;
	v61 =	vsel vm0, v45, v39;
	v2 =	vadd.f32 v2, v63  }
0x18c: {  	s23 =	simm.s32 $0x11A0;
	v62 =	vsel vm0, v46, v40;
	v0 =	vadd.f32 v0, v56;
	v63 =	vadd.f32 v6, v57  }
0x18d: {  	s24 =	simm.s32 $0x20;
	v53 =	vld [tilespmem:s23+$0x0];
	v57 =	vsel vm1, v28, v23;
	v4 =	vadd.f32 v10, v4;
	v6 =	vmul.f32 v54, v62  }
0x18e: {  	s8 =	sand.u32 $0x60, s24;
	v56 =	vld [tilespmem:s2+$0x9B80];
	v54 =	vsel vm0, v25, v22;
	vm0 =	vmmov vm0;
	v9 =	vadd.f32 v9, v60  }
0x18f: {  	s4 =	sand.u32 $0x3, s10;
	s10 =	sor.u32 $0x10, s8;
	s6 =	sand.u32 $0x780, s24;
	v58 =	vmul.f32 v7, v59;
	v59 =	vld [tilespmem:s2+$0x9C00];
	v11 =	vadd.f32 v11, v57;
	v60 =	vsel vm1, v25, v22;
	[tilespmem:s0+$0x15980] =	vst v2  }
0x190: {  	s6 =	sor.u32 s10, s6;
	s13 =	simm.s32 $0x100;
	[tilespmem:s0+$0x15A80] =	vst v63;
	v63 =	vmul.f32 v49, v61;
	v1 =	vadd.f32 v6, v1;
	v8 =	vmul.f32 v8, v55  }
0x191: {  	s13 =	sand.u32 $0x3C00, s13;
	v57 =	vld [tilespmem:s6+$0x1180];
	[tilespmem:s2+$0x15A00] =	vst v4;
	v4 =	vsel vm0, v21, v19;
	v6 =	vsel vm0, v30, v24;
	vm0 =	vmmov vm0  }
0x192: {  	s4 =	sshll.u32 s4, $0x5;
	s10 =	sor.u32 s13, s10;
	[tilespmem:s0+$0x15A00] =	vst v0;
	v2 =	vadd.f32 v58, v3;
	v58 =	vsel vm2, v21, v19;
	v8 =	vadd.f32 v8, v60  }
0x193: {  	s16 =	sadd.s32 $0x0, s4;
	[tilespmem:s0+$0x15B00] =	vst v9;
	v0 =	vmul.f32 v56, v48;
	v56 =	vsel vm1, v30, v24;
	vm1 =	veq.s32 v53, $0x1;
	v60 =	vld [tilespmem:s10+$0x9A00]  }
0x194: {  	s4 =	sadd.s32 $0x10, s16;
	[tilespmem:s0+$0x15B80] =	vst v11;
	v49 =	vadd.f32 v63, v5;
	v48 =	vld [tilespmem:s10+$0x9A80];
	v3 =	vmul.f32 v59, v50;
	v7 =	vsel vm1, v33, v27  }
0x195: {  	s19 =	sor.u32 $0x300, s4;
	v59 =	vld [tilespmem:s10+$0x9980];
	v9 =	vsel vm1, v34, v29;
	v10 =	vsel vm1, v35, v31;
	v11 =	vsel vm1, v43, v37;
	[tilespmem:s0+$0x15C00] =	vst v8  }
0x196: {  	[tilespmem:s2+$0x15A80] =	vst v49;
	v49 =	vsel vm1, v45, v39;
	vm3 =	veq.s32 v57, $0x1;
	v50 =	vsel vm1, v46, v40;
	v51 =	vld [tilespmem:s19+$0x9980]  }
0x197: {  	v53 =	vld [tilespmem:s10+$0x9B00];
	v0 =	vadd.f32 v0, v52;
	v61 =	vsel vm3, v43, v37;
	v62 =	vsel vm3, v44, v38  }
0x198: {  	[tilespmem:s2+$0x15B00] =	vst v1;
	v57 =	vsel vm3, v33, v27;
	vm4 =	vmmov vm3;
	v55 =	vadd.f32 v3, v54  }
0x199: {  	[tilespmem:s2+$0x15980] =	vst v2;
	v52 =	vld [tilespmem:s10+$0x9C00];
	v3 =	vsel vm1, v32, v26;
	v54 =	vsel vm3, v32, v26;
	v8 =	vmul.f32 v60, v62  }
0x19a: {  	s8 =	sor.u32 s8, s13;
	[tilespmem:s2+$0x15C00] =	vst v55;
	v55 =	vld [tilespmem:s10+$0x9B80];
	v62 =	vsel vm3, v28, v23;
	v5 =	vmul.f32 v61, v59;
	v59 =	vsel vm3, v45, v39  }
0x19b: {  	s0 =	sor.u32 $0x300, s16;
	[tilespmem:s2+$0x15B80] =	vst v0;
	v60 =	vld [tilespmem:s8+$0x9980];
	v61 =	vsel vm3, v46, v40;
	v48 =	vmul.f32 v48, v59;
	v0 =	vmul.f32 v51, v56  }
0x19c: {  	v1 =	vld [tilespmem:s0+$0x9980];
	v8 =	vadd.f32 v8, v57;
	v53 =	vmul.f32 v53, v61;
	v61 =	vsel vm3, v47, v41  }
0x19d: {  	v59 =	vld [tilespmem:s8+$0x9A00];
	v5 =	vadd.f32 v5, v54;
	v54 =	vsel vm3, v35, v31;
	v0 =	vadd.f32 v0, v58  }
0x19e: {  	v57 =	vld [tilespmem:s8+$0x9A80];
	v51 =	vsel vm2, v17, v16;
	v56 =	vsel vm2, v20, v18;
	[tilespmem:s10+$0x15A00] =	vst v8;
	v53 =	vadd.f32 v53, v54  }
0x19f: {  	v8 =	vld [tilespmem:s8+$0x9B80];
	v58 =	vsel vm3, v34, v29;
	v55 =	vmul.f32 v55, v61;
	v61 =	vsel vm3, v42, v36;
	[tilespmem:s19+$0x15980] =	vst v0;
	s19 =	simm.s32 $0x1  }
0x1a0: {  	s23 =	simm.s32 $0x11C0;
	[tilespmem:s10+$0x15980] =	vst v5;
	v63 =	vadd.f32 v48, v58;
	v48 =	vld [tilespmem:s8+$0x9B00];
	v52 =	vmul.f32 v52, v61;
	v58 =	vsel vm3, v25, v22;
	s2 =	sand.u32 $0x3, s19  }
0x1a1: {  	s6 =	sor.u32 $0x380, s4;
	[tilespmem:s10+$0x15B00] =	vst v53;
	v1 =	vmul.f32 v1, v6;
	v61 =	vld [tilespmem:s23+$0x0];
	v0 =	vsel vm1, v44, v38;
	v54 =	vadd.f32 v55, v62;
	s2 =	sshll.u32 s2, $0x5  }
0x1a2: {  	v2 =	vld [tilespmem:s6+$0x9980];
	[tilespmem:s10+$0x15A80] =	vst v63;
	v63 =	vmul.f32 v11, v60;
	v0 =	vmul.f32 v59, v0;
	v52 =	vadd.f32 v52, v58;
	s2 =	sadd.s32 $0x100, s2  }
0x1a3: {  	v11 =	vld [tilespmem:s8+$0x9C00];
	v59 =	vmul.f32 v57, v49;
	v60 =	vsel vm1, v47, v41;
	v1 =	vadd.f32 v1, v4;
	[tilespmem:s10+$0x15B80] =	vst v54;
	s5 =	sadd.s32 $0x10, s2  }
0x1a4: {  	s29 =	simm.s32 $0x40;
	v58 =	vsel vm3, v30, v24;
	v4 =	vsel vm4, v17, v16;
	v3 =	vadd.f32 v63, v3;
	[tilespmem:s10+$0x15C00] =	vst v52;
	s4 =	sor.u32 $0x300, s5  }
0x1a5: {  	v54 =	vsel vm1, v28, v23;
	v0 =	vadd.f32 v0, v7;
	v63 =	vadd.f32 v59, v9;
	s10 =	sand.u32 $0x60, s29;
	v52 =	vld [tilespmem:s4+$0x9980]  }
0x1a6: {  	s19 =	sand.u32 $0x780, s29;
	v62 =	vmul.f32 v48, v50;
	v48 =	vmul.f32 v8, v60;
	s24 =	sor.u32 $0x10, s10;
	vm2 =	veq.s32 v61, $0x1  }
0x1a7: {  	s30 =	simm.s32 $0x200;
	[tilespmem:s0+$0x15980] =	vst v1;
	v50 =	vsel vm1, v42, v36;
	v61 =	vsel vm4, v21, v19;
	s15 =	sor.u32 s24, s19;
	v9 =	vsel vm2, v43, v37  }
0x1a8: {  	s23 =	sand.u32 $0x3C00, s30;
	[tilespmem:s8+$0x15980] =	vst v3;
	v2 =	vmul.f32 v2, v56;
	v53 =	vadd.f32 v62, v10;
	v6 =	vmul.f32 v11, v50;
	v59 =	vld [tilespmem:s15+$0x1180]  }
0x1a9: {  	[tilespmem:s8+$0x15A00] =	vst v0;
	s24 =	sor.u32 s23, s24;
	v55 =	vadd.f32 v48, v54;
	v56 =	vsel vm1, v25, v22;
	vm1 =	vmmov vm1  }
0x1aa: {  	[tilespmem:s8+$0x15A80] =	vst v63;
	v48 =	vsel vm0, v20, v18;
	v62 =	vld [tilespmem:s24+$0x9980];
	v50 =	vsel vm2, v35, v31;
	v60 =	vmul.f32 v52, v58  }
0x1ab: {  	v5 =	vld [tilespmem:s24+$0x9A00];
	v10 =	vsel vm2, v44, v38;
	v11 =	vsel vm2, v45, v39;
	[tilespmem:s8+$0x15B00] =	vst v53;
	v57 =	vadd.f32 v6, v56  }
0x1ac: {  	s19 =	sor.u32 s10, s23;
	v54 =	vld [tilespmem:s24+$0x9A80];
	v49 =	vsel vm1, v21, v19;
	v8 =	vsel vm1, v30, v24;
	[tilespmem:s8+$0x15B80] =	vst v55;
	v0 =	vadd.f32 v60, v61  }
0x1ad: {  	v1 =	vld [tilespmem:s19+$0x9A00];
	v2 =	vadd.f32 v2, v51;
	v6 =	vsel vm2, v32, v26;
	[tilespmem:s8+$0x15C00] =	vst v57;
	vm3 =	veq.s32 v59, $0x1  }
0x1ae: {  	v51 =	vsel vm2, v34, v29;
	v53 =	vsel vm2, v46, v40;
	s8 =	sor.u32 $0x380, s5;
	v57 =	vld [tilespmem:s24+$0x9B00];
	v63 =	vsel vm3, v43, v37;
	[tilespmem:s4+$0x15980] =	vst v0  }
0x1af: {  	v52 =	vsel vm2, v33, v27;
	v59 =	vsel vm3, v44, v38;
	v7 =	vmul.f32 v63, v62;
	v0 =	vld [tilespmem:s8+$0x9980]  }
0x1b0: {  	v55 =	vsel vm3, v32, v26;
	v60 =	vld [tilespmem:s24+$0x9B80];
	v5 =	vmul.f32 v5, v59;
	v61 =	vsel vm3, v45, v39  }
0x1b1: {  	[tilespmem:s6+$0x15980] =	vst v2;
	v56 =	vsel vm3, v33, v27;
	v62 =	vld [tilespmem:s24+$0x9C00];
	v54 =	vmul.f32 v54, v61;
	v2 =	vadd.f32 v7, v55  }
0x1b2: {  	s28 =	sor.u32 $0x300, s2;
	v59 =	vsel vm3, v34, v29;
	v7 =	vld [tilespmem:s19+$0x9980];
	v5 =	vadd.f32 v5, v56;
	v55 =	vsel vm3, v46, v40  }
0x1b3: {  	v3 =	vld [tilespmem:s28+$0x9980];
	v58 =	vsel vm4, v20, v18;
	[tilespmem:s24+$0x15980] =	vst v2;
	v2 =	vadd.f32 v54, v59;
	v54 =	vmul.f32 v57, v55  }
0x1b4: {  	s0 =	simm.s32 $0x2;
	v63 =	vld [tilespmem:s19+$0x9A80];
	v61 =	vsel vm3, v35, v31;
	v59 =	vsel vm3, v47, v41;
	[tilespmem:s24+$0x15A00] =	vst v5;
	v0 =	vmul.f32 v0, v58  }
0x1b5: {  	s13 =	sand.u32 $0x3, s0;
	v56 =	vsel vm3, v42, v36;
	v55 =	vld [tilespmem:s19+$0x9B00];
	v5 =	vmul.f32 v60, v59;
	[tilespmem:s24+$0x15A80] =	vst v2;
	v2 =	vadd.f32 v54, v61  }
0x1b6: {  	s15 =	sshll.u32 s13, $0x5;
	v60 =	vsel vm3, v28, v23;
	v61 =	vmul.f32 v62, v56;
	v56 =	vld [tilespmem:s19+$0x9B80];
	v0 =	vadd.f32 v0, v4  }
0x1b7: {  	s16 =	sor.u32 $0x380, s16;
	s23 =	sor.u32 $0x380, s2;
	s2 =	sadd.s32 $0x200, s15;
	v57 =	vld [tilespmem:s19+$0x9C00];
	v62 =	vsel vm3, v25, v22;
	v7 =	vmul.f32 v9, v7;
	[tilespmem:s24+$0x15B00] =	vst v2;
	v4 =	vadd.f32 v5, v60  }
0x1b8: {  	s31 =	sor.u32 $0x300, s2;
	s15 =	sor.u32 $0x380, s2;
	v59 =	vmul.f32 v1, v10;
	v54 =	vld [tilespmem:s16+$0x9980];
	v58 =	vmul.f32 v3, v8;
	v60 =	vadd.f32 v61, v62;
	[tilespmem:s8+$0x15980] =	vst v0  }
0x1b9: {  	s2 =	sadd.s32 $0x10, s2;
	s6 =	simm.s32 $0x4;
	v61 =	vadd.f32 v7, v6;
	v62 =	vmul.f32 v63, v11;
	v63 =	vsel vm2, v47, v41;
	s8 =	simm.s32 $0x11E0;
	[tilespmem:s24+$0x15B80] =	vst v4  }
.LBB2_7:
0x1ba: {  	v0 =	vld [tilespmem:s8+$0x0];
	v1 =	vadd.f32 v59, v52;
	v2 =	vmul.f32 v55, v53;
	[tilespmem:s24+$0x15C00] =	vst v60;
	s4 =	sor.u32 $0x300, s2;
	v3 =	vadd.f32 v58, v49  }
0x1bb: {  	v6 =	vsel vm2, v42, v36;
	[tilespmem:s19+$0x15980] =	vst v61;
	v4 =	vadd.f32 v62, v51;
	v5 =	vmul.f32 v56, v63;
	v7 =	vld [tilespmem:s4+$0x9980]  }
0x1bc: {  	s29 =	sadd.s32 $0x20, s29;
	[tilespmem:s19+$0x15A00] =	vst v1;
	v1 =	vadd.f32 v2, v50;
	v2 =	vsel vm2, v28, v23;
	v6 =	vmul.f32 v57, v6  }
0x1bd: {  	s5 =	sand.u32 $0x60, s29;
	[tilespmem:s19+$0x15A80] =	vst v4;
	v2 =	vadd.f32 v5, v2;
	v4 =	vsel vm2, v25, v22;
	v5 =	vmul.f32 v54, v48  }
0x1be: {  	s13 =	sand.u32 $0x780, s29;
	s10 =	sor.u32 $0x10, s5;
	[tilespmem:s19+$0x15B00] =	vst v1;
	v1 =	vadd.f32 v6, v4;
	v4 =	vsel vm0, v17, v16;
	vm0 =	vmmov vm1  }
0x1bf: {  	s30 =	sadd.s32 $0x100, s30;
	s13 =	sor.u32 s10, s13;
	vm1 =	vmmov vm2;
	[tilespmem:s19+$0x15B80] =	vst v2;
	v2 =	vsel vm3, v30, v24;
	v4 =	vadd.f32 v5, v4  }
0x1c0: {  	vm4 =	vmmov vm3;
	s24 =	sand.u32 $0x3C00, s30;
	vm2 =	veq.s32 v0, $0x1;
	v0 =	vld [tilespmem:s13+$0x1180];
	[tilespmem:s19+$0x15C00] =	vst v1;
	v1 =	vmul.f32 v7, v2  }
0x1c1: {  	v49 =	vsel vm1, v21, v19;
	v5 =	vsel vm4, v21, v19;
	v48 =	vsel vm0, v20, v18;
	s19 =	sor.u32 s5, s24;
	s24 =	sor.u32 s24, s10;
	v2 =	vld [tilespmem:s31+$0x9980];
	[tilespmem:s28+$0x15980] =	vst v3;
	s28 =	smov.u32 s31  }
0x1c2: {  	v7 =	vsel vm1, v30, v24;
	v3 =	vsel vm2, v32, v26;
	v6 =	vld [tilespmem:s24+$0x9980];
	v1 =	vadd.f32 v1, v5;
	[tilespmem:s16+$0x15980] =	vst v4;
	s16 =	smov.u32 s23;
	s23 =	smov.u32 s15  }
0x1c3: {  	s6 =	sadd.s32 $0x2, s6;
	v52 =	vsel vm2, v33, v27;
	v51 =	vsel vm2, v34, v29;
	v50 =	vsel vm2, v35, v31;
	v4 =	vld [tilespmem:s24+$0x9A00]  }
0x1c4: {  	s2 =	sor.u32 $0x380, s2;
	p0 =	slt.u32 s6, $0x7E;
	v8 =	vsel vm2, v44, v38;
	v9 =	vsel vm2, v45, v39;
	v5 =	vsel vm2, v43, v37;
	v10 =	vld [tilespmem:s24+$0x9A80];
	[tilespmem:s4+$0x15980] =	vst v1  }
0x1c5: {  	v53 =	vsel vm2, v46, v40;
	v1 =	vsel vm4, v17, v16;
	vm3 =	veq.s32 v0, $0x1;
	v0 =	vld [tilespmem:s2+$0x9980]  }
0x1c6: {  	v56 =	vsel vm4, v20, v18;
	v11 =	vsel vm3, v32, v26;
	v54 =	vsel vm3, v43, v37;
	v55 =	vld [tilespmem:s24+$0x9B00]  }
0x1c7: {  	v57 =	vsel vm3, v44, v38;
	v6 =	vmul.f32 v54, v6;
	v54 =	vsel vm3, v33, v27;
	v58 =	vld [tilespmem:s24+$0x9B80]  }
0x1c8: {  	v59 =	vsel vm3, v45, v39;
	v4 =	vmul.f32 v4, v57;
	v57 =	vsel vm3, v34, v29;
	v60 =	vld [tilespmem:s24+$0x9C00]  }
0x1c9: {  	v61 =	vld [tilespmem:s19+$0x9980];
	v6 =	vadd.f32 v6, v11;
	v10 =	vmul.f32 v10, v59;
	v11 =	vsel vm3, v35, v31  }
0x1ca: {  	v59 =	vld [tilespmem:s19+$0x9A00];
	v4 =	vadd.f32 v4, v54;
	v54 =	vsel vm3, v46, v40;
	v0 =	vmul.f32 v0, v56  }
0x1cb: {  	v62 =	vld [tilespmem:s19+$0x9A80];
	[tilespmem:s24+$0x15980] =	vst v6;
	v6 =	vadd.f32 v10, v57;
	v10 =	vmul.f32 v55, v54;
	v54 =	vsel vm3, v47, v41  }
.Ltmp2:
0x1cc: {  	s0 =	sadd.s32 $0x1, s0;
	v55 =	vld [tilespmem:s19+$0x9B00];
	[tilespmem:s24+$0x15A00] =	vst v4;
	v4 =	vmul.f32 v58, v54;
	v54 =	vsel vm3, v42, v36;
	v0 =	vadd.f32 v0, v1;
	(pc) =	sbr.rel @p0 .LBB2_7-.Ltmp2, $4  }
0x1cd: {  	s4 =	sand.u32 $0x3, s0;
	v56 =	vld [tilespmem:s19+$0x9B80];
	[tilespmem:s24+$0x15A80] =	vst v6;
	v1 =	vadd.f32 v10, v11;
	v6 =	vsel vm3, v28, v23;
	v10 =	vmul.f32 v60, v54  }
0x1ce: {  	s4 =	sshll.u32 s4, $0x5;
	v5 =	vmul.f32 v5, v61;
	v57 =	vld [tilespmem:s19+$0x9C00];
	v4 =	vadd.f32 v4, v6;
	v6 =	vsel vm3, v25, v22;
	[tilespmem:s2+$0x15980] =	vst v0  }
0x1cf: {  	s8 =	sadd.s32 $0x20, s8;
	v58 =	vmul.f32 v2, v7;
	s2 =	sadd.s32 s4, s30;
	v59 =	vmul.f32 v59, v8;
	[tilespmem:s24+$0x15B00] =	vst v1;
	v60 =	vadd.f32 v10, v6;
	v54 =	vld [tilespmem:s16+$0x9980]  }
0x1d0: {  	v63 =	vsel vm2, v47, v41;
	s31 =	sor.u32 $0x300, s2;
	s15 =	sor.u32 $0x380, s2;
	s2 =	sadd.s32 $0x10, s2;
	v61 =	vadd.f32 v5, v3;
	v62 =	vmul.f32 v62, v9;
	[tilespmem:s24+$0x15B80] =	vst v4  }
0x1d1: {  	v0 =	vadd.f32 v59, v52;
	v1 =	vmul.f32 v55, v53;
	[tilespmem:s24+$0x15C00] =	vst v60  }
0x1d2: {  	v4 =	vsel vm2, v42, v36;
	[tilespmem:s19+$0x15980] =	vst v61;
	v2 =	vadd.f32 v62, v51;
	v3 =	vmul.f32 v56, v63  }
0x1d3: {  	v63 =	vsel vm2, v28, v23;
	[tilespmem:s19+$0x15A00] =	vst v0;
	v62 =	vadd.f32 v1, v50;
	v4 =	vmul.f32 v57, v4  }
0x1d4: {  	v8 =	vsel vm2, v25, v22;
	[tilespmem:s19+$0x15A80] =	vst v2;
	v1 =	vadd.f32 v3, v63  }
0x1d5: {  	[tilespmem:s19+$0x15B00] =	vst v62;
	v9 =	vadd.f32 v4, v8  }
0x1d6: {  	s0 =	sor.u32 $0x300, s2;
	[tilespmem:s19+$0x15B80] =	vst v1  }
0x1d7: {  	v10 =	vld [tilespmem:s0+$0x9980];
	[tilespmem:s19+$0x15C00] =	vst v9  }
0x1d8: {  	v0 =	vld [tilespmem:s31+$0x9980];
	_ =	sdelay $0x2  }
0x1d9: {  	v11 =	vsel vm3, v30, v24;
	vm12 =	vmmov vm2;
	vm13 =	vmmov vm3  }
0x1da: {  	v52 =	vadd.f32 v58, v49;
	v51 =	vsel vm12, v30, v24;
	v1 =	vmul.f32 v10, v11  }
0x1db: {  	v50 =	vsel vm13, v21, v19;
	v0 =	vmul.f32 v0, v51  }
0x1dc: {  	v53 =	vsel vm12, v21, v19;
	[tilespmem:s28+$0x15980] =	vst v52;
	v1 =	vadd.f32 v1, v50  }
0x1dd: {  	v2 =	vld [tilespmem:s23+$0x9980];
	v0 =	vadd.f32 v0, v53  }
0x1de: {  	s19 =	sor.u32 $0x380, s2;
	[tilespmem:s0+$0x15980] =	vst v1  }
0x1df: {  	v1 =	vld [tilespmem:s19+$0x9980];
	[tilespmem:s31+$0x15980] =	vst v0  }
0x1e0: {  	vm14 =	vmmov vm1;
	v55 =	vld [tilespmem:s15+$0x9980]  }
0x1e1: {  	v5 =	vsel vm14, v20, v18  }
0x1e2: {  	v56 =	vsel vm0, v17, v16;
	vm15 =	vmmov vm12;
	v2 =	vmul.f32 v2, v5  }
0x1e3: {  	v60 =	vsel vm14, v17, v16;
	v57 =	vsel vm13, v20, v18;
	v54 =	vmul.f32 v54, v48  }
0x1e4: {  	v59 =	vsel vm15, v20, v18;
	v61 =	vadd.f32 v2, v60;
	v1 =	vmul.f32 v1, v57  }
0x1e5: {  	v58 =	vsel vm13, v17, v16;
	v0 =	vadd.f32 v54, v56;
	v3 =	vmul.f32 v55, v59  }
0x1e6: {  	v62 =	vsel vm15, v17, v16;
	[tilespmem:s23+$0x15980] =	vst v61;
	v1 =	vadd.f32 v1, v58  }
0x1e7: {  	[tilespmem:s16+$0x15980] =	vst v0;
	v63 =	vadd.f32 v3, v62  }
0x1e8: {  	s24 =	sadd.s32 s26, s18;
	s25 =	sadd.s32 $0x1, s25;
	[tilespmem:s19+$0x15980] =	vst v1  }
0x1e9: {  	s29 =	sadd.s32 s26, s22;
	p0 =	sne.s32 s25, $0x29;
	s28 =	simm.s32 $0x15980;
	[tilespmem:s15+$0x15980] =	vst v63  }
0x1ea: {  	[hbm4b:s24+s3] =	stream.linear.scatter [tilespmem:s28], [sflag:$0x6], $0x4000, $0x38;
	[tilespmem:$0x19980] =	vst v63  }
.Ltmp3:
0x1eb: {  	s30 =	sshrl.u32 s29, $0x3;
	(pc) =	sbr.rel @p0 .LBB2_2-.Ltmp3, $4  }
0x1ec: {  	s4 =	simm.s32 $0x1180;
	s2 =	sadd.s32 s1, s30  }
0x1ed: {  	[tilespmem:s4], [sflag:$0x3] =	stream.linear.gather [hbm4b:s2+s3], $0x800, $0x38;
	[tilespmem:$0x19980] =	vst v63  }
0x1ee: {  	s0 =	sadd.s32 s29, s7;
	s31 =	simm.s32 $0x9980  }
0x1ef: {  	[tilespmem:s31], [sflag:$0x3] =	stream.linear.gather [hbm4b:s0+s3], $0x4000, $0x38;
	[tilespmem:$0x19980] =	vst v63  }
0x1f0: {  	s30 =	simm.s32 $0x4  }
0x1f1: {  	_ =	swait.ge [sflag:s30], $0x4000  }
0x1f2: {  	[sflag:s30] =	ssyncset.done $0x0  }
0x1f3: {  	[sflag:s30] =	ssyncadd.s32 $0xFFFFC000  }
0x1f4: {  	_ =	swait.ge [sflag:s9], $0x800  }
0x1f5: {  	[sflag:s9] =	ssyncset.done $0x0  }
0x1f6: {  	[sflag:s9] =	ssyncadd.s32 $0xFFFFF800  }
0x1f7: {  	s4 =	simm.s32 $0x0;
	_ =	swait.ge [sflag:s9], $0x4000  }
0x1f8: {  	s0 =	simm.s32 $0x180;
	s2 =	sand.u32 $0x60, s4;
	[sflag:s9] =	ssyncset.done $0x0  }
0x1f9: {  	s5 =	sand.u32 $0x780, s4;
	s23 =	sor.u32 $0x10, s2;
	[sflag:s9] =	ssyncadd.s32 $0xFFFFC000  }
0x1fa: {  	s5 =	sor.u32 s23, s5;
	v0 =	vld [tilespmem:s0+$0x0]  }
0x1fb: {  	s6 =	sand.u32 $0x3C00, s4;
	v1 =	vld [tilespmem:s5+$0x180]  }
0x1fc: {  	s2 =	sor.u32 s2, s6  }
0x1fd: {  	s0 =	sor.u32 s6, s23;
	v52 =	vld [tilespmem:s2+$0x1980]  }
0x1fe: {  	v2 =	vld [tilespmem:s0+$0x1980]  }
0x1ff: {  	v58 =	vld [tilespmem:s0+$0x1A00];
	vm0 =	veq.s32 v0, $0x1  }
0x200: {  	v6 =	vld [tilespmem:s0+$0x1A80];
	vm1 =	veq.s32 v1, $0x1;
	v3 =	vsel vm0, v32, v26  }
0x201: {  	v9 =	vld [tilespmem:s0+$0x1B00];
	v4 =	vsel vm0, v33, v27;
	v5 =	vsel vm0, v34, v29;
	v1 =	vsel vm0, v35, v31  }
0x202: {  	v11 =	vld [tilespmem:s0+$0x1B80];
	v7 =	vsel vm0, v43, v37;
	v8 =	vsel vm1, v43, v37;
	v10 =	vsel vm0, v44, v38  }
0x203: {  	v60 =	vld [tilespmem:s0+$0x1C00];
	v59 =	vsel vm1, v44, v38;
	v48 =	vsel vm1, v32, v26;
	v49 =	vsel vm1, v33, v27  }
0x204: {  	v50 =	vsel vm1, v34, v29;
	v51 =	vsel vm1, v45, v39;
	v61 =	vsel vm1, v35, v31  }
0x205: {  	v53 =	vsel vm1, v46, v40;
	v62 =	vsel vm1, v47, v41;
	v2 =	vmul.f32 v8, v2  }
0x206: {  	v55 =	vsel vm1, v42, v36;
	v0 =	vmul.f32 v58, v59;
	v6 =	vmul.f32 v6, v51  }
0x207: {  	v54 =	vld [tilespmem:s2+$0x1B00];
	v57 =	vsel vm1, v28, v23;
	v9 =	vmul.f32 v9, v53;
	v11 =	vmul.f32 v11, v62  }
0x208: {  	v56 =	vld [tilespmem:s2+$0x1B80];
	vm2 =	vmmov vm1;
	v8 =	vmul.f32 v60, v55;
	v58 =	vmul.f32 v7, v52  }
0x209: {  	v51 =	vld [tilespmem:s2+$0x1A00];
	v60 =	vsel vm1, v25, v22;
	v62 =	vsel vm0, v46, v40;
	v2 =	vadd.f32 v2, v48  }
0x20a: {  	s25 =	simm.s32 $0x1A0;
	s26 =	simm.s32 $0x20;
	v59 =	vld [tilespmem:s2+$0x1C00];
	v52 =	vsel vm0, v28, v23;
	v0 =	vadd.f32 v0, v49;
	v63 =	vadd.f32 v6, v50  }
0x20b: {  	s8 =	sand.u32 $0x60, s26;
	v53 =	vld [tilespmem:s25+$0x0];
	v9 =	vadd.f32 v9, v61;
	v11 =	vadd.f32 v11, v57;
	v61 =	vsel vm0, v45, v39  }
0x20c: {  	s31 =	sand.u32 $0x780, s26;
	s10 =	sor.u32 $0x10, s8;
	v8 =	vadd.f32 v8, v60;
	v48 =	vsel vm0, v47, v41;
	v6 =	vmul.f32 v54, v62;
	[tilespmem:s0+$0xD980] =	vst v2  }
0x20d: {  	s4 =	sand.u32 $0x3, s4;
	s6 =	sor.u32 s10, s31;
	v49 =	vld [tilespmem:s2+$0x1A80];
	v50 =	vsel vm0, v42, v36;
	v54 =	vsel vm0, v25, v22;
	vm0 =	vmmov vm0;
	[tilespmem:s0+$0xDA00] =	vst v0  }
0x20e: {  	s13 =	simm.s32 $0x100;
	s4 =	sshll.u32 s4, $0x5;
	v57 =	vld [tilespmem:s6+$0x180];
	[tilespmem:s0+$0xDA80] =	vst v63;
	v2 =	vadd.f32 v58, v3;
	v0 =	vmul.f32 v56, v48;
	v1 =	vadd.f32 v6, v1  }
0x20f: {  	s13 =	sand.u32 $0x3C00, s13;
	s16 =	sadd.s32 $0x0, s4;
	[tilespmem:s0+$0xDB00] =	vst v9;
	v56 =	vsel vm1, v30, v24;
	v58 =	vsel vm2, v21, v19;
	v6 =	vsel vm0, v30, v24  }
0x210: {  	s15 =	sor.u32 s13, s10;
	s4 =	sadd.s32 $0x10, s16;
	[tilespmem:s0+$0xDB80] =	vst v11;
	v10 =	vmul.f32 v51, v10;
	v3 =	vmul.f32 v59, v50;
	vm1 =	veq.s32 v53, $0x1  }
0x211: {  	s24 =	sor.u32 $0x300, s4;
	v60 =	vld [tilespmem:s15+$0x1A00];
	[tilespmem:s0+$0xDC00] =	vst v8;
	v0 =	vadd.f32 v0, v52;
	v7 =	vsel vm1, v33, v27;
	v9 =	vsel vm1, v34, v29  }
0x212: {  	v51 =	vld [tilespmem:s24+$0x1980];
	v11 =	vsel vm1, v43, v37;
	v50 =	vsel vm1, v46, v40;
	v63 =	vmul.f32 v49, v61  }
0x213: {  	v59 =	vld [tilespmem:s15+$0x1980];
	v4 =	vadd.f32 v10, v4;
	v55 =	vadd.f32 v3, v54;
	vm3 =	veq.s32 v57, $0x1  }
0x214: {  	v3 =	vsel vm1, v32, v26;
	v10 =	vsel vm1, v35, v31;
	v61 =	vsel vm3, v43, v37  }
0x215: {  	v48 =	vld [tilespmem:s15+$0x1A80];
	v54 =	vsel vm3, v32, v26;
	v62 =	vsel vm3, v44, v38;
	v57 =	vsel vm3, v33, v27  }
0x216: {  	v53 =	vld [tilespmem:s15+$0x1B00];
	vm4 =	vmmov vm3;
	v49 =	vadd.f32 v63, v5;
	[tilespmem:s2+$0xDA00] =	vst v4;
	v4 =	vsel vm0, v21, v19  }
0x217: {  	v52 =	vld [tilespmem:s15+$0x1C00];
	[tilespmem:s2+$0xDB80] =	vst v0;
	v8 =	vmul.f32 v60, v62;
	v62 =	vsel vm3, v28, v23;
	vm0 =	vmmov vm0  }
0x218: {  	s8 =	sor.u32 s8, s13;
	[tilespmem:s2+$0xDC00] =	vst v55;
	v55 =	vld [tilespmem:s15+$0x1B80];
	v0 =	vmul.f32 v51, v56;
	v51 =	vsel vm2, v17, v16;
	v5 =	vmul.f32 v61, v59  }
0x219: {  	[tilespmem:s2+$0xD980] =	vst v2;
	v60 =	vld [tilespmem:s8+$0x1980];
	v56 =	vsel vm2, v20, v18;
	v59 =	vsel vm3, v45, v39;
	v61 =	vsel vm3, v46, v40  }
0x21a: {  	[tilespmem:s2+$0xDA80] =	vst v49;
	v49 =	vsel vm1, v45, v39;
	v48 =	vmul.f32 v48, v59;
	v59 =	vld [tilespmem:s8+$0x1A00];
	v8 =	vadd.f32 v8, v57  }
0x21b: {  	s0 =	sor.u32 $0x300, s16;
	[tilespmem:s2+$0xDB00] =	vst v1;
	v57 =	vld [tilespmem:s8+$0x1A80];
	v53 =	vmul.f32 v53, v61;
	v61 =	vsel vm3, v47, v41;
	v0 =	vadd.f32 v0, v58  }
0x21c: {  	v1 =	vld [tilespmem:s0+$0x1980];
	v58 =	vsel vm3, v34, v29;
	v5 =	vadd.f32 v5, v54;
	v54 =	vsel vm3, v35, v31;
	[tilespmem:s15+$0xDA00] =	vst v8  }
0x21d: {  	s6 =	sor.u32 $0x380, s4;
	s4 =	simm.s32 $0x1;
	v63 =	vadd.f32 v48, v58;
	v48 =	vld [tilespmem:s8+$0x1B00];
	[tilespmem:s24+$0xD980] =	vst v0;
	v55 =	vmul.f32 v55, v61;
	v61 =	vsel vm3, v42, v36  }
0x21e: {  	s2 =	sand.u32 $0x3, s4;
	v8 =	vld [tilespmem:s8+$0x1B80];
	v53 =	vadd.f32 v53, v54;
	v58 =	vsel vm3, v25, v22;
	[tilespmem:s15+$0xD980] =	vst v5;
	v52 =	vmul.f32 v52, v61  }
0x21f: {  	s2 =	sshll.u32 s2, $0x5;
	v0 =	vsel vm1, v44, v38;
	v2 =	vld [tilespmem:s6+$0x1980];
	[tilespmem:s15+$0xDA80] =	vst v63;
	v63 =	vmul.f32 v11, v60;
	v54 =	vadd.f32 v55, v62  }
0x220: {  	s2 =	sadd.s32 $0x100, s2;
	v11 =	vld [tilespmem:s8+$0x1C00];
	[tilespmem:s15+$0xDB00] =	vst v53;
	v60 =	vsel vm1, v47, v41;
	v0 =	vmul.f32 v59, v0;
	v52 =	vadd.f32 v52, v58  }
0x221: {  	s5 =	simm.s32 $0x1C0;
	s10 =	sadd.s32 $0x10, s2;
	v59 =	vmul.f32 v57, v49;
	v1 =	vmul.f32 v1, v6;
	v3 =	vadd.f32 v63, v3;
	[tilespmem:s15+$0xDB80] =	vst v54  }
0x222: {  	s26 =	simm.s32 $0x40;
	v61 =	vld [tilespmem:s5+$0x0];
	s19 =	sor.u32 $0x300, s10;
	v58 =	vsel vm3, v30, v24;
	v0 =	vadd.f32 v0, v7;
	v62 =	vmul.f32 v48, v50;
	[tilespmem:s15+$0xDC00] =	vst v52  }
0x223: {  	s23 =	sand.u32 $0x60, s26;
	v63 =	vadd.f32 v59, v9;
	v48 =	vmul.f32 v8, v60;
	v50 =	vsel vm1, v42, v36;
	v52 =	vld [tilespmem:s19+$0x1980]  }
0x224: {  	s25 =	sand.u32 $0x780, s26;
	s24 =	sor.u32 $0x10, s23;
	v54 =	vsel vm1, v28, v23;
	v1 =	vadd.f32 v1, v4;
	v4 =	vsel vm4, v17, v16  }
0x225: {  	s28 =	simm.s32 $0x200;
	s15 =	sor.u32 s24, s25;
	v2 =	vmul.f32 v2, v56;
	v53 =	vadd.f32 v62, v10;
	v6 =	vmul.f32 v11, v50  }
0x226: {  	s31 =	sand.u32 $0x3C00, s28;
	[tilespmem:s8+$0xD980] =	vst v3;
	v55 =	vadd.f32 v48, v54;
	v56 =	vsel vm1, v25, v22;
	vm1 =	vmmov vm1;
	v59 =	vld [tilespmem:s15+$0x180]  }
0x227: {  	s24 =	sor.u32 s31, s24;
	[tilespmem:s8+$0xDA00] =	vst v0;
	vm2 =	veq.s32 v61, $0x1;
	v61 =	vsel vm4, v21, v19;
	v48 =	vsel vm0, v20, v18  }
0x228: {  	[tilespmem:s8+$0xDA80] =	vst v63;
	v62 =	vld [tilespmem:s24+$0x1980];
	v49 =	vsel vm1, v21, v19;
	v8 =	vsel vm1, v30, v24;
	v60 =	vmul.f32 v52, v58  }
0x229: {  	v5 =	vld [tilespmem:s24+$0x1A00];
	v50 =	vsel vm2, v35, v31;
	v9 =	vsel vm2, v43, v37;
	[tilespmem:s8+$0xDB00] =	vst v53;
	v57 =	vadd.f32 v6, v56  }
0x22a: {  	v54 =	vld [tilespmem:s24+$0x1A80];
	v10 =	vsel vm2, v44, v38;
	v11 =	vsel vm2, v45, v39;
	[tilespmem:s8+$0xDB80] =	vst v55;
	v0 =	vadd.f32 v60, v61  }
0x22b: {  	s25 =	sor.u32 $0x300, s2;
	v2 =	vadd.f32 v2, v51;
	v6 =	vsel vm2, v32, v26;
	[tilespmem:s8+$0xDC00] =	vst v57;
	v57 =	vld [tilespmem:s24+$0x1B00];
	vm3 =	veq.s32 v59, $0x1  }
0x22c: {  	s13 =	sor.u32 $0x380, s10;
	v51 =	vsel vm2, v34, v29;
	v53 =	vsel vm2, v46, v40;
	v3 =	vld [tilespmem:s25+$0x1980];
	v63 =	vsel vm3, v43, v37;
	[tilespmem:s19+$0xD980] =	vst v0  }
0x22d: {  	v52 =	vsel vm2, v33, v27;
	v59 =	vsel vm3, v44, v38;
	v7 =	vmul.f32 v63, v62;
	v0 =	vld [tilespmem:s13+$0x1980]  }
0x22e: {  	v55 =	vsel vm3, v32, v26;
	v60 =	vld [tilespmem:s24+$0x1B80];
	v5 =	vmul.f32 v5, v59;
	v61 =	vsel vm3, v45, v39  }
0x22f: {  	[tilespmem:s6+$0xD980] =	vst v2;
	v56 =	vsel vm3, v33, v27;
	v62 =	vld [tilespmem:s24+$0x1C00];
	v54 =	vmul.f32 v54, v61;
	s19 =	sor.u32 s23, s31;
	v2 =	vadd.f32 v7, v55  }
0x230: {  	[tilespmem:s0+$0xD980] =	vst v1;
	v59 =	vsel vm3, v34, v29;
	v5 =	vadd.f32 v5, v56;
	v55 =	vsel vm3, v46, v40;
	v7 =	vld [tilespmem:s19+$0x1980]  }
0x231: {  	v58 =	vsel vm4, v20, v18;
	v1 =	vld [tilespmem:s19+$0x1A00];
	[tilespmem:s24+$0xD980] =	vst v2;
	v2 =	vadd.f32 v54, v59;
	v54 =	vmul.f32 v57, v55  }
0x232: {  	v61 =	vsel vm3, v35, v31;
	v63 =	vld [tilespmem:s19+$0x1A80];
	v59 =	vsel vm3, v47, v41;
	[tilespmem:s24+$0xDA00] =	vst v5;
	v0 =	vmul.f32 v0, v58  }
0x233: {  	s0 =	simm.s32 $0x2;
	v56 =	vsel vm3, v42, v36;
	v55 =	vld [tilespmem:s19+$0x1B00];
	v5 =	vmul.f32 v60, v59;
	[tilespmem:s24+$0xDA80] =	vst v2;
	v2 =	vadd.f32 v54, v61  }
0x234: {  	s15 =	sand.u32 $0x3, s0;
	v60 =	vsel vm3, v28, v23;
	v61 =	vmul.f32 v62, v56;
	v56 =	vld [tilespmem:s19+$0x1B80];
	v0 =	vadd.f32 v0, v4  }
0x235: {  	s16 =	sor.u32 $0x380, s16;
	s6 =	simm.s32 $0x4;
	s31 =	sshll.u32 s15, $0x5;
	v57 =	vld [tilespmem:s19+$0x1C00];
	v62 =	vsel vm3, v25, v22;
	v7 =	vmul.f32 v9, v7;
	[tilespmem:s24+$0xDB00] =	vst v2;
	v4 =	vadd.f32 v5, v60  }
0x236: {  	s8 =	simm.s32 $0x1E0;
	s23 =	sor.u32 $0x380, s2;
	s2 =	sadd.s32 $0x200, s31;
	v54 =	vld [tilespmem:s16+$0x1980];
	v59 =	vmul.f32 v1, v10;
	v58 =	vmul.f32 v3, v8;
	v60 =	vadd.f32 v61, v62;
	[tilespmem:s13+$0xD980] =	vst v0  }
0x237: {  	s29 =	sor.u32 $0x300, s2;
	s15 =	sor.u32 $0x380, s2;
	s2 =	sadd.s32 $0x10, s2;
	v61 =	vadd.f32 v7, v6;
	v62 =	vmul.f32 v63, v11;
	v63 =	vsel vm2, v47, v41;
	[tilespmem:s24+$0xDB80] =	vst v4  }
.LBB2_10:
0x238: {  	v0 =	vld [tilespmem:s8+$0x0];
	v1 =	vadd.f32 v59, v52;
	v2 =	vmul.f32 v55, v53;
	[tilespmem:s24+$0xDC00] =	vst v60;
	s4 =	sor.u32 $0x300, s2;
	v3 =	vadd.f32 v58, v49  }
0x239: {  	v6 =	vsel vm2, v42, v36;
	[tilespmem:s19+$0xD980] =	vst v61;
	v4 =	vadd.f32 v62, v51;
	v5 =	vmul.f32 v56, v63;
	v7 =	vld [tilespmem:s4+$0x1980]  }
0x23a: {  	s26 =	sadd.s32 $0x20, s26;
	[tilespmem:s19+$0xDA00] =	vst v1;
	v1 =	vadd.f32 v2, v50;
	v2 =	vsel vm2, v28, v23;
	v6 =	vmul.f32 v57, v6  }
0x23b: {  	s5 =	sand.u32 $0x60, s26;
	[tilespmem:s19+$0xDA80] =	vst v4;
	v2 =	vadd.f32 v5, v2;
	v4 =	vsel vm2, v25, v22;
	v5 =	vmul.f32 v54, v48  }
0x23c: {  	s13 =	sand.u32 $0x780, s26;
	s10 =	sor.u32 $0x10, s5;
	[tilespmem:s19+$0xDB00] =	vst v1;
	v1 =	vadd.f32 v6, v4;
	v4 =	vsel vm0, v17, v16;
	vm0 =	vmmov vm1  }
0x23d: {  	s28 =	sadd.s32 $0x100, s28;
	s13 =	sor.u32 s10, s13;
	vm1 =	vmmov vm2;
	[tilespmem:s19+$0xDB80] =	vst v2;
	v2 =	vsel vm3, v30, v24;
	v4 =	vadd.f32 v5, v4  }
0x23e: {  	vm4 =	vmmov vm3;
	s24 =	sand.u32 $0x3C00, s28;
	vm2 =	veq.s32 v0, $0x1;
	v0 =	vld [tilespmem:s13+$0x180];
	[tilespmem:s19+$0xDC00] =	vst v1;
	v1 =	vmul.f32 v7, v2  }
0x23f: {  	v49 =	vsel vm1, v21, v19;
	v5 =	vsel vm4, v21, v19;
	v48 =	vsel vm0, v20, v18;
	s19 =	sor.u32 s5, s24;
	s24 =	sor.u32 s24, s10;
	v2 =	vld [tilespmem:s29+$0x1980];
	[tilespmem:s25+$0xD980] =	vst v3;
	s25 =	smov.u32 s29  }
0x240: {  	v7 =	vsel vm1, v30, v24;
	v3 =	vsel vm2, v32, v26;
	v6 =	vld [tilespmem:s24+$0x1980];
	v1 =	vadd.f32 v1, v5;
	[tilespmem:s16+$0xD980] =	vst v4;
	s16 =	smov.u32 s23;
	s23 =	smov.u32 s15  }
0x241: {  	s6 =	sadd.s32 $0x2, s6;
	v52 =	vsel vm2, v33, v27;
	v51 =	vsel vm2, v34, v29;
	v50 =	vsel vm2, v35, v31;
	v4 =	vld [tilespmem:s24+$0x1A00]  }
0x242: {  	s2 =	sor.u32 $0x380, s2;
	p0 =	slt.u32 s6, $0x7E;
	v8 =	vsel vm2, v44, v38;
	v9 =	vsel vm2, v45, v39;
	v5 =	vsel vm2, v43, v37;
	v10 =	vld [tilespmem:s24+$0x1A80];
	[tilespmem:s4+$0xD980] =	vst v1  }
0x243: {  	v53 =	vsel vm2, v46, v40;
	v1 =	vsel vm4, v17, v16;
	vm3 =	veq.s32 v0, $0x1;
	v0 =	vld [tilespmem:s2+$0x1980]  }
0x244: {  	v56 =	vsel vm4, v20, v18;
	v11 =	vsel vm3, v32, v26;
	v54 =	vsel vm3, v43, v37;
	v55 =	vld [tilespmem:s24+$0x1B00]  }
0x245: {  	v57 =	vsel vm3, v44, v38;
	v6 =	vmul.f32 v54, v6;
	v54 =	vsel vm3, v33, v27;
	v58 =	vld [tilespmem:s24+$0x1B80]  }
0x246: {  	v59 =	vsel vm3, v45, v39;
	v4 =	vmul.f32 v4, v57;
	v57 =	vsel vm3, v34, v29;
	v60 =	vld [tilespmem:s24+$0x1C00]  }
0x247: {  	v61 =	vld [tilespmem:s19+$0x1980];
	v6 =	vadd.f32 v6, v11;
	v10 =	vmul.f32 v10, v59;
	v11 =	vsel vm3, v35, v31  }
0x248: {  	v59 =	vld [tilespmem:s19+$0x1A00];
	v4 =	vadd.f32 v4, v54;
	v54 =	vsel vm3, v46, v40;
	v0 =	vmul.f32 v0, v56  }
0x249: {  	v62 =	vld [tilespmem:s19+$0x1A80];
	[tilespmem:s24+$0xD980] =	vst v6;
	v6 =	vadd.f32 v10, v57;
	v10 =	vmul.f32 v55, v54;
	v54 =	vsel vm3, v47, v41  }
.Ltmp4:
0x24a: {  	s0 =	sadd.s32 $0x1, s0;
	v55 =	vld [tilespmem:s19+$0x1B00];
	[tilespmem:s24+$0xDA00] =	vst v4;
	v4 =	vmul.f32 v58, v54;
	v54 =	vsel vm3, v42, v36;
	v0 =	vadd.f32 v0, v1;
	(pc) =	sbr.rel @p0 .LBB2_10-.Ltmp4, $4  }
0x24b: {  	s4 =	sand.u32 $0x3, s0;
	v56 =	vld [tilespmem:s19+$0x1B80];
	[tilespmem:s24+$0xDA80] =	vst v6;
	v1 =	vadd.f32 v10, v11;
	v6 =	vsel vm3, v28, v23;
	v10 =	vmul.f32 v60, v54  }
0x24c: {  	s4 =	sshll.u32 s4, $0x5;
	v5 =	vmul.f32 v5, v61;
	v57 =	vld [tilespmem:s19+$0x1C00];
	v4 =	vadd.f32 v4, v6;
	v6 =	vsel vm3, v25, v22;
	[tilespmem:s2+$0xD980] =	vst v0  }
0x24d: {  	s8 =	sadd.s32 $0x20, s8;
	v58 =	vmul.f32 v2, v7;
	s2 =	sadd.s32 s4, s28;
	v59 =	vmul.f32 v59, v8;
	[tilespmem:s24+$0xDB00] =	vst v1;
	v60 =	vadd.f32 v10, v6;
	v54 =	vld [tilespmem:s16+$0x1980]  }
0x24e: {  	v63 =	vsel vm2, v47, v41;
	s29 =	sor.u32 $0x300, s2;
	s15 =	sor.u32 $0x380, s2;
	s2 =	sadd.s32 $0x10, s2;
	v61 =	vadd.f32 v5, v3;
	v62 =	vmul.f32 v62, v9;
	[tilespmem:s24+$0xDB80] =	vst v4  }
0x24f: {  	v0 =	vadd.f32 v59, v52;
	v1 =	vmul.f32 v55, v53;
	[tilespmem:s24+$0xDC00] =	vst v60  }
0x250: {  	v4 =	vsel vm2, v42, v36;
	[tilespmem:s19+$0xD980] =	vst v61;
	v2 =	vadd.f32 v62, v51;
	v3 =	vmul.f32 v56, v63  }
0x251: {  	v62 =	vsel vm2, v28, v23;
	[tilespmem:s19+$0xDA00] =	vst v0;
	v61 =	vadd.f32 v1, v50;
	v4 =	vmul.f32 v57, v4  }
0x252: {  	v63 =	vsel vm2, v25, v22;
	[tilespmem:s19+$0xDA80] =	vst v2;
	v1 =	vadd.f32 v3, v62  }
0x253: {  	[tilespmem:s19+$0xDB00] =	vst v61;
	v5 =	vadd.f32 v4, v63  }
0x254: {  	s0 =	sor.u32 $0x300, s2;
	[tilespmem:s19+$0xDB80] =	vst v1  }
0x255: {  	v6 =	vld [tilespmem:s0+$0x1980];
	[tilespmem:s19+$0xDC00] =	vst v5  }
0x256: {  	v0 =	vld [tilespmem:s29+$0x1980];
	_ =	sdelay $0x2  }
0x257: {  	v7 =	vsel vm3, v30, v24;
	vm3 =	vmmov vm3;
	vm2 =	vmmov vm2  }
0x258: {  	v10 =	vadd.f32 v58, v49;
	v9 =	vsel vm2, v30, v24;
	v1 =	vmul.f32 v6, v7  }
0x259: {  	v8 =	vsel vm3, v21, v19;
	v0 =	vmul.f32 v0, v9  }
0x25a: {  	v11 =	vsel vm2, v21, v19;
	[tilespmem:s25+$0xD980] =	vst v10;
	v1 =	vadd.f32 v1, v8  }
0x25b: {  	v2 =	vld [tilespmem:s23+$0x1980];
	v0 =	vadd.f32 v0, v11  }
0x25c: {  	s5 =	sor.u32 $0x380, s2;
	[tilespmem:s0+$0xD980] =	vst v1  }
0x25d: {  	v1 =	vld [tilespmem:s5+$0x1980];
	[tilespmem:s29+$0xD980] =	vst v0  }
0x25e: {  	v50 =	vsel vm0, v17, v16;
	vm0 =	vmmov vm1;
	v49 =	vld [tilespmem:s15+$0x1980]  }
0x25f: {  	v5 =	vsel vm0, v20, v18  }
0x260: {  	v51 =	vsel vm3, v20, v18;
	v2 =	vmul.f32 v2, v5  }
0x261: {  	vm1 =	vmmov vm2;
	v48 =	vmul.f32 v54, v48;
	v54 =	vsel vm0, v17, v16  }
0x262: {  	v53 =	vsel vm1, v20, v18;
	v55 =	vadd.f32 v2, v54;
	v1 =	vmul.f32 v1, v51  }
0x263: {  	v52 =	vsel vm3, v17, v16;
	v0 =	vadd.f32 v48, v50;
	v3 =	vmul.f32 v49, v53  }
0x264: {  	v56 =	vsel vm1, v17, v16;
	[tilespmem:s23+$0xD980] =	vst v55;
	v1 =	vadd.f32 v1, v52  }
0x265: {  	[tilespmem:s16+$0xD980] =	vst v0;
	v57 =	vadd.f32 v3, v56  }
0x266: {  	[tilespmem:s5+$0xD980] =	vst v1  }
0x267: {  	[tilespmem:s15+$0xD980] =	vst v57  }
0x268: {  	s4 =	simm.s32 $0x0;
	s6 =	simm.s32 $0xD980;
	s0 =	rddreg [dreg:$0x13]  }
0x269: {  	[hbm4b:s0+s4] =	stream.linear.scatter [tilespmem:s6], [sflag:$0x4], $0x4000, $0x38;
	[tilespmem:$0x19980] =	vst v63  }
0x26a: {  	s10 =	simm.s32 $0x180;
	s8 =	rddreg [dreg:$0x11]  }
0x26b: {  	[tilespmem:s10], [sflag:$0x1] =	stream.linear.gather [hbm4b:s8+s4], $0x800, $0x38;
	[tilespmem:$0x19980] =	vst v63  }
0x26c: {  	s31 =	simm.s32 $0x5;
	s15 =	simm.s32 $0x1980;
	s13 =	rddreg [dreg:$0xc]  }
0x26d: {  	[tilespmem:s15], [sflag:$0x1] =	stream.linear.gather [hbm4b:s13+s4], $0x4000, $0x38;
	[tilespmem:$0x19980] =	vst v63  }
0x26e: {  	_ =	swait.ge [sflag:s31], $0x4000  }
0x26f: {  	[sflag:s31] =	ssyncset.done $0x0  }
0x270: {  	[sflag:s31] =	ssyncadd.s32 $0xFFFFC000  }
0x271: {  	_ =	swait.ge [sflag:s11], $0x800  }
0x272: {  	[sflag:s11] =	ssyncset.done $0x0  }
0x273: {  	[sflag:s11] =	ssyncadd.s32 $0xFFFFF800  }
0x274: {  	s19 =	sand.u32 $0x60, s4;
	_ =	swait.ge [sflag:s11], $0x4000  }
0x275: {  	s23 =	sor.u32 $0x10, s19;
	[sflag:s11] =	ssyncset.done $0x0  }
0x276: {  	s16 =	simm.s32 $0x980;
	s5 =	sand.u32 $0x780, s4;
	[sflag:s11] =	ssyncadd.s32 $0xFFFFC000  }
0x277: {  	s5 =	sor.u32 s23, s5;
	v58 =	vld [tilespmem:s16+$0x0]  }
0x278: {  	v59 =	vld [tilespmem:s5+$0x980];
	_ =	sdelay $0x1  }
0x279: {  	s6 =	sand.u32 $0x3C00, s4  }
0x27a: {  	s0 =	sor.u32 s6, s23  }
0x27b: {  	v60 =	vld [tilespmem:s0+$0x5980];
	vm0 =	veq.s32 v58, $0x1  }
0x27c: {  	v61 =	vld [tilespmem:s0+$0x5A00];
	vm1 =	veq.s32 v59, $0x1;
	v3 =	vsel vm0, v32, v26  }
0x27d: {  	v6 =	vld [tilespmem:s0+$0x5A80];
	v4 =	vsel vm0, v33, v27;
	v5 =	vsel vm0, v34, v29;
	v1 =	vsel vm0, v35, v31  }
0x27e: {  	s2 =	sor.u32 s19, s6;
	v9 =	vld [tilespmem:s0+$0x5B00];
	v7 =	vsel vm0, v43, v37;
	v8 =	vsel vm1, v43, v37;
	v10 =	vsel vm0, v44, v38  }
0x27f: {  	v51 =	vld [tilespmem:s2+$0x5A00];
	v62 =	vsel vm1, v44, v38;
	v63 =	vsel vm1, v32, v26;
	v56 =	vsel vm1, v33, v27  }
0x280: {  	v11 =	vld [tilespmem:s0+$0x5B80];
	v57 =	vsel vm1, v34, v29;
	v58 =	vsel vm1, v45, v39;
	v55 =	vsel vm1, v42, v36  }
0x281: {  	v48 =	vsel vm0, v47, v41;
	v50 =	vsel vm0, v42, v36;
	v52 =	vsel vm0, v28, v23  }
0x282: {  	v54 =	vld [tilespmem:s2+$0x5B00];
	vm2 =	vmmov vm1;
	v2 =	vmul.f32 v8, v60;
	v0 =	vmul.f32 v61, v62  }
0x283: {  	v49 =	vld [tilespmem:s2+$0x5A80];
	v6 =	vmul.f32 v6, v58;
	v60 =	vsel vm1, v35, v31;
	v61 =	vsel vm1, v46, v40  }
0x284: {  	v59 =	vld [tilespmem:s2+$0x5980];
	v62 =	vsel vm1, v47, v41;
	v10 =	vmul.f32 v51, v10;
	v9 =	vmul.f32 v9, v61  }
0x285: {  	v8 =	vld [tilespmem:s0+$0x5C00];
	v11 =	vmul.f32 v11, v62;
	v61 =	vsel vm0, v45, v39;
	v2 =	vadd.f32 v2, v63  }
0x286: {  	s25 =	simm.s32 $0x9A0;
	v62 =	vsel vm0, v46, v40;
	v0 =	vadd.f32 v0, v56;
	v63 =	vadd.f32 v6, v57  }
0x287: {  	s26 =	simm.s32 $0x20;
	v53 =	vld [tilespmem:s25+$0x0];
	v57 =	vsel vm1, v28, v23;
	v4 =	vadd.f32 v10, v4;
	v6 =	vmul.f32 v54, v62  }
0x288: {  	s8 =	sand.u32 $0x60, s26;
	v56 =	vld [tilespmem:s2+$0x5B80];
	v54 =	vsel vm0, v25, v22;
	vm0 =	vmmov vm0;
	v9 =	vadd.f32 v9, v60  }
0x289: {  	s6 =	sand.u32 $0x780, s26;
	s10 =	sor.u32 $0x10, s8;
	v58 =	vmul.f32 v7, v59;
	v59 =	vld [tilespmem:s2+$0x5C00];
	v11 =	vadd.f32 v11, v57;
	v60 =	vsel vm1, v25, v22;
	[tilespmem:s0+$0x11980] =	vst v2  }
0x28a: {  	s6 =	sor.u32 s10, s6;
	s13 =	simm.s32 $0x100;
	[tilespmem:s0+$0x11A80] =	vst v63;
	v63 =	vmul.f32 v49, v61;
	v1 =	vadd.f32 v6, v1;
	v8 =	vmul.f32 v8, v55  }
0x28b: {  	s13 =	sand.u32 $0x3C00, s13;
	v57 =	vld [tilespmem:s6+$0x980];
	[tilespmem:s2+$0x11A00] =	vst v4;
	v4 =	vsel vm0, v21, v19;
	v6 =	vsel vm0, v30, v24;
	v2 =	vadd.f32 v58, v3  }
0x28c: {  	s4 =	sand.u32 $0x3, s4;
	s10 =	sor.u32 s13, s10;
	[tilespmem:s0+$0x11A00] =	vst v0;
	vm0 =	vmmov vm0;
	v49 =	vadd.f32 v63, v5;
	v8 =	vadd.f32 v8, v60  }
0x28d: {  	s4 =	sshll.u32 s4, $0x5;
	[tilespmem:s0+$0x11B00] =	vst v9;
	v0 =	vmul.f32 v56, v48;
	v56 =	vsel vm1, v30, v24;
	vm1 =	veq.s32 v53, $0x1;
	v60 =	vld [tilespmem:s10+$0x5A00]  }
0x28e: {  	s16 =	sadd.s32 $0x0, s4;
	[tilespmem:s0+$0x11B80] =	vst v11;
	v58 =	vsel vm2, v21, v19;
	v48 =	vld [tilespmem:s10+$0x5A80];
	v3 =	vmul.f32 v59, v50;
	v7 =	vsel vm1, v33, v27  }
0x28f: {  	s4 =	sadd.s32 $0x10, s16;
	[tilespmem:s2+$0x11A80] =	vst v49;
	v59 =	vld [tilespmem:s10+$0x5980];
	v9 =	vsel vm1, v34, v29;
	v10 =	vsel vm1, v35, v31;
	v11 =	vsel vm1, v43, v37  }
0x290: {  	s24 =	sor.u32 $0x300, s4;
	v53 =	vld [tilespmem:s10+$0x5B00];
	v49 =	vsel vm1, v45, v39;
	vm3 =	veq.s32 v57, $0x1;
	v50 =	vsel vm1, v46, v40;
	[tilespmem:s0+$0x11C00] =	vst v8  }
0x291: {  	v0 =	vadd.f32 v0, v52;
	v61 =	vsel vm3, v43, v37;
	v62 =	vsel vm3, v44, v38;
	v51 =	vld [tilespmem:s24+$0x5980]  }
0x292: {  	[tilespmem:s2+$0x11B00] =	vst v1;
	v57 =	vsel vm3, v33, v27;
	vm4 =	vmmov vm3;
	v55 =	vadd.f32 v3, v54  }
0x293: {  	[tilespmem:s2+$0x11980] =	vst v2;
	v52 =	vld [tilespmem:s10+$0x5C00];
	v3 =	vsel vm1, v32, v26;
	v54 =	vsel vm3, v32, v26;
	v8 =	vmul.f32 v60, v62  }
0x294: {  	s8 =	sor.u32 s8, s13;
	[tilespmem:s2+$0x11C00] =	vst v55;
	v55 =	vld [tilespmem:s10+$0x5B80];
	v62 =	vsel vm3, v28, v23;
	v5 =	vmul.f32 v61, v59;
	v59 =	vsel vm3, v45, v39  }
0x295: {  	s0 =	sor.u32 $0x300, s16;
	[tilespmem:s2+$0x11B80] =	vst v0;
	v60 =	vld [tilespmem:s8+$0x5980];
	v61 =	vsel vm3, v46, v40;
	v48 =	vmul.f32 v48, v59;
	v8 =	vadd.f32 v8, v57  }
0x296: {  	v1 =	vld [tilespmem:s0+$0x5980];
	v53 =	vmul.f32 v53, v61;
	v61 =	vsel vm3, v47, v41;
	v0 =	vmul.f32 v51, v56  }
0x297: {  	v59 =	vld [tilespmem:s8+$0x5A00];
	v51 =	vsel vm2, v17, v16;
	v5 =	vadd.f32 v5, v54;
	v54 =	vsel vm3, v35, v31  }
0x298: {  	v57 =	vld [tilespmem:s8+$0x5A80];
	v56 =	vsel vm2, v20, v18;
	[tilespmem:s10+$0x11A00] =	vst v8;
	v53 =	vadd.f32 v53, v54;
	v0 =	vadd.f32 v0, v58  }
0x299: {  	s19 =	simm.s32 $0x1;
	v8 =	vld [tilespmem:s8+$0x5B80];
	v58 =	vsel vm3, v34, v29;
	[tilespmem:s10+$0x11980] =	vst v5;
	v55 =	vmul.f32 v55, v61;
	v61 =	vsel vm3, v42, v36  }
0x29a: {  	s23 =	simm.s32 $0x9C0;
	s2 =	sand.u32 $0x3, s19;
	v63 =	vadd.f32 v48, v58;
	v48 =	vld [tilespmem:s8+$0x5B00];
	v52 =	vmul.f32 v52, v61;
	v58 =	vsel vm3, v25, v22;
	[tilespmem:s10+$0x11B00] =	vst v53  }
0x29b: {  	s6 =	sor.u32 $0x380, s4;
	s2 =	sshll.u32 s2, $0x5;
	v1 =	vmul.f32 v1, v6;
	v61 =	vld [tilespmem:s23+$0x0];
	[tilespmem:s24+$0x11980] =	vst v0;
	v0 =	vsel vm1, v44, v38;
	v54 =	vadd.f32 v55, v62  }
0x29c: {  	s2 =	sadd.s32 $0x100, s2;
	v2 =	vld [tilespmem:s6+$0x5980];
	[tilespmem:s10+$0x11A80] =	vst v63;
	v63 =	vmul.f32 v11, v60;
	v0 =	vmul.f32 v59, v0;
	v52 =	vadd.f32 v52, v58  }
0x29d: {  	s5 =	sadd.s32 $0x10, s2;
	v11 =	vld [tilespmem:s8+$0x5C00];
	v59 =	vmul.f32 v57, v49;
	v60 =	vsel vm1, v47, v41;
	v1 =	vadd.f32 v1, v4;
	[tilespmem:s10+$0x11B80] =	vst v54  }
0x29e: {  	s26 =	simm.s32 $0x40;
	s4 =	sor.u32 $0x300, s5;
	v58 =	vsel vm3, v30, v24;
	v4 =	vsel vm4, v17, v16;
	v3 =	vadd.f32 v63, v3;
	[tilespmem:s10+$0x11C00] =	vst v52  }
0x29f: {  	v54 =	vsel vm1, v28, v23;
	v0 =	vadd.f32 v0, v7;
	v63 =	vadd.f32 v59, v9;
	s10 =	sand.u32 $0x60, s26;
	v52 =	vld [tilespmem:s4+$0x5980]  }
0x2a0: {  	s19 =	sand.u32 $0x780, s26;
	v62 =	vmul.f32 v48, v50;
	v48 =	vmul.f32 v8, v60;
	s24 =	sor.u32 $0x10, s10;
	vm2 =	veq.s32 v61, $0x1  }
0x2a1: {  	s28 =	simm.s32 $0x200;
	[tilespmem:s0+$0x11980] =	vst v1;
	v50 =	vsel vm1, v42, v36;
	v61 =	vsel vm4, v21, v19;
	s15 =	sor.u32 s24, s19;
	v9 =	vsel vm2, v43, v37  }
0x2a2: {  	s23 =	sand.u32 $0x3C00, s28;
	[tilespmem:s8+$0x11980] =	vst v3;
	v2 =	vmul.f32 v2, v56;
	v53 =	vadd.f32 v62, v10;
	v6 =	vmul.f32 v11, v50;
	v59 =	vld [tilespmem:s15+$0x980]  }
0x2a3: {  	[tilespmem:s8+$0x11A00] =	vst v0;
	s24 =	sor.u32 s23, s24;
	v55 =	vadd.f32 v48, v54;
	v56 =	vsel vm1, v25, v22;
	vm1 =	vmmov vm1  }
0x2a4: {  	[tilespmem:s8+$0x11A80] =	vst v63;
	v48 =	vsel vm0, v20, v18;
	v62 =	vld [tilespmem:s24+$0x5980];
	v50 =	vsel vm2, v35, v31;
	v60 =	vmul.f32 v52, v58  }
0x2a5: {  	v5 =	vld [tilespmem:s24+$0x5A00];
	v10 =	vsel vm2, v44, v38;
	v11 =	vsel vm2, v45, v39;
	[tilespmem:s8+$0x11B00] =	vst v53;
	v57 =	vadd.f32 v6, v56  }
0x2a6: {  	s19 =	sor.u32 s10, s23;
	v54 =	vld [tilespmem:s24+$0x5A80];
	v49 =	vsel vm1, v21, v19;
	v8 =	vsel vm1, v30, v24;
	[tilespmem:s8+$0x11B80] =	vst v55;
	v0 =	vadd.f32 v60, v61  }
0x2a7: {  	v1 =	vld [tilespmem:s19+$0x5A00];
	v2 =	vadd.f32 v2, v51;
	v6 =	vsel vm2, v32, v26;
	[tilespmem:s8+$0x11C00] =	vst v57;
	vm3 =	veq.s32 v59, $0x1  }
0x2a8: {  	v51 =	vsel vm2, v34, v29;
	v53 =	vsel vm2, v46, v40;
	s8 =	sor.u32 $0x380, s5;
	v57 =	vld [tilespmem:s24+$0x5B00];
	v63 =	vsel vm3, v43, v37;
	[tilespmem:s4+$0x11980] =	vst v0  }
0x2a9: {  	v52 =	vsel vm2, v33, v27;
	v59 =	vsel vm3, v44, v38;
	v7 =	vmul.f32 v63, v62;
	v0 =	vld [tilespmem:s8+$0x5980]  }
0x2aa: {  	v60 =	vld [tilespmem:s24+$0x5B80];
	v55 =	vsel vm3, v32, v26;
	v61 =	vsel vm3, v45, v39;
	v5 =	vmul.f32 v5, v59  }
0x2ab: {  	[tilespmem:s6+$0x11980] =	vst v2;
	v56 =	vsel vm3, v33, v27;
	v62 =	vld [tilespmem:s24+$0x5C00];
	v54 =	vmul.f32 v54, v61;
	v2 =	vadd.f32 v7, v55  }
0x2ac: {  	s25 =	sor.u32 $0x300, s2;
	v59 =	vsel vm3, v34, v29;
	v7 =	vld [tilespmem:s19+$0x5980];
	v5 =	vadd.f32 v5, v56;
	v55 =	vsel vm3, v46, v40  }
0x2ad: {  	v58 =	vsel vm4, v20, v18;
	v3 =	vld [tilespmem:s25+$0x5980];
	[tilespmem:s24+$0x11980] =	vst v2;
	v2 =	vadd.f32 v54, v59;
	v54 =	vmul.f32 v57, v55  }
0x2ae: {  	s0 =	simm.s32 $0x2;
	v61 =	vsel vm3, v35, v31;
	v63 =	vld [tilespmem:s19+$0x5A80];
	v59 =	vsel vm3, v47, v41;
	[tilespmem:s24+$0x11A00] =	vst v5;
	v0 =	vmul.f32 v0, v58  }
0x2af: {  	s13 =	sand.u32 $0x3, s0;
	v56 =	vsel vm3, v42, v36;
	v55 =	vld [tilespmem:s19+$0x5B00];
	v5 =	vmul.f32 v60, v59;
	[tilespmem:s24+$0x11A80] =	vst v2;
	v2 =	vadd.f32 v54, v61  }
0x2b0: {  	s15 =	sshll.u32 s13, $0x5;
	v60 =	vsel vm3, v28, v23;
	v61 =	vmul.f32 v62, v56;
	v56 =	vld [tilespmem:s19+$0x5B80];
	v0 =	vadd.f32 v0, v4  }
0x2b1: {  	s16 =	sor.u32 $0x380, s16;
	s23 =	sor.u32 $0x380, s2;
	s2 =	sadd.s32 $0x200, s15;
	v57 =	vld [tilespmem:s19+$0x5C00];
	v62 =	vsel vm3, v25, v22;
	v7 =	vmul.f32 v9, v7;
	v4 =	vadd.f32 v5, v60;
	[tilespmem:s24+$0x11B00] =	vst v2  }
0x2b2: {  	s29 =	sor.u32 $0x300, s2;
	s15 =	sor.u32 $0x380, s2;
	v59 =	vmul.f32 v1, v10;
	v58 =	vmul.f32 v3, v8;
	v54 =	vld [tilespmem:s16+$0x5980];
	v60 =	vadd.f32 v61, v62;
	[tilespmem:s8+$0x11980] =	vst v0  }
0x2b3: {  	s2 =	sadd.s32 $0x10, s2;
	s6 =	simm.s32 $0x4;
	v62 =	vmul.f32 v63, v11;
	v63 =	vsel vm2, v47, v41;
	v61 =	vadd.f32 v7, v6;
	s8 =	simm.s32 $0x9E0;
	[tilespmem:s24+$0x11B80] =	vst v4  }
.LBB2_12:
0x2b4: {  	v0 =	vld [tilespmem:s8+$0x0];
	v1 =	vadd.f32 v59, v52;
	v2 =	vmul.f32 v55, v53;
	[tilespmem:s24+$0x11C00] =	vst v60;
	s4 =	sor.u32 $0x300, s2;
	v3 =	vadd.f32 v58, v49  }
0x2b5: {  	v6 =	vsel vm2, v42, v36;
	[tilespmem:s19+$0x11980] =	vst v61;
	v4 =	vadd.f32 v62, v51;
	v5 =	vmul.f32 v56, v63;
	v7 =	vld [tilespmem:s4+$0x5980]  }
0x2b6: {  	s26 =	sadd.s32 $0x20, s26;
	[tilespmem:s19+$0x11A00] =	vst v1;
	v1 =	vadd.f32 v2, v50;
	v2 =	vsel vm2, v28, v23;
	v6 =	vmul.f32 v57, v6  }
0x2b7: {  	s5 =	sand.u32 $0x60, s26;
	[tilespmem:s19+$0x11A80] =	vst v4;
	v2 =	vadd.f32 v5, v2;
	v4 =	vsel vm2, v25, v22;
	v5 =	vmul.f32 v54, v48  }
0x2b8: {  	s13 =	sand.u32 $0x780, s26;
	s10 =	sor.u32 $0x10, s5;
	[tilespmem:s19+$0x11B00] =	vst v1;
	v1 =	vadd.f32 v6, v4;
	v4 =	vsel vm0, v17, v16;
	vm0 =	vmmov vm1  }
0x2b9: {  	s28 =	sadd.s32 $0x100, s28;
	s13 =	sor.u32 s10, s13;
	vm1 =	vmmov vm2;
	[tilespmem:s19+$0x11B80] =	vst v2;
	v2 =	vsel vm3, v30, v24;
	v4 =	vadd.f32 v5, v4  }
0x2ba: {  	vm4 =	vmmov vm3;
	s24 =	sand.u32 $0x3C00, s28;
	vm2 =	veq.s32 v0, $0x1;
	v0 =	vld [tilespmem:s13+$0x980];
	[tilespmem:s19+$0x11C00] =	vst v1;
	v1 =	vmul.f32 v7, v2  }
0x2bb: {  	v49 =	vsel vm1, v21, v19;
	v5 =	vsel vm4, v21, v19;
	v48 =	vsel vm0, v20, v18;
	s19 =	sor.u32 s5, s24;
	s24 =	sor.u32 s24, s10;
	v2 =	vld [tilespmem:s29+$0x5980];
	[tilespmem:s25+$0x11980] =	vst v3;
	s25 =	smov.u32 s29  }
0x2bc: {  	v7 =	vsel vm1, v30, v24;
	v3 =	vsel vm2, v32, v26;
	v6 =	vld [tilespmem:s24+$0x5980];
	v1 =	vadd.f32 v1, v5;
	[tilespmem:s16+$0x11980] =	vst v4;
	s16 =	smov.u32 s23;
	s23 =	smov.u32 s15  }
0x2bd: {  	s6 =	sadd.s32 $0x2, s6;
	v52 =	vsel vm2, v33, v27;
	v51 =	vsel vm2, v34, v29;
	v50 =	vsel vm2, v35, v31;
	v4 =	vld [tilespmem:s24+$0x5A00]  }
0x2be: {  	s2 =	sor.u32 $0x380, s2;
	p0 =	slt.u32 s6, $0x7E;
	v8 =	vsel vm2, v44, v38;
	v9 =	vsel vm2, v45, v39;
	v5 =	vsel vm2, v43, v37;
	v10 =	vld [tilespmem:s24+$0x5A80];
	[tilespmem:s4+$0x11980] =	vst v1  }
0x2bf: {  	v53 =	vsel vm2, v46, v40;
	v1 =	vsel vm4, v17, v16;
	vm3 =	veq.s32 v0, $0x1;
	v0 =	vld [tilespmem:s2+$0x5980]  }
0x2c0: {  	v56 =	vsel vm4, v20, v18;
	v11 =	vsel vm3, v32, v26;
	v54 =	vsel vm3, v43, v37;
	v55 =	vld [tilespmem:s24+$0x5B00]  }
0x2c1: {  	v57 =	vsel vm3, v44, v38;
	v6 =	vmul.f32 v54, v6;
	v54 =	vsel vm3, v33, v27;
	v58 =	vld [tilespmem:s24+$0x5B80]  }
0x2c2: {  	v59 =	vsel vm3, v45, v39;
	v4 =	vmul.f32 v4, v57;
	v57 =	vsel vm3, v34, v29;
	v60 =	vld [tilespmem:s24+$0x5C00]  }
0x2c3: {  	v61 =	vld [tilespmem:s19+$0x5980];
	v6 =	vadd.f32 v6, v11;
	v10 =	vmul.f32 v10, v59;
	v11 =	vsel vm3, v35, v31  }
0x2c4: {  	v59 =	vld [tilespmem:s19+$0x5A00];
	v4 =	vadd.f32 v4, v54;
	v54 =	vsel vm3, v46, v40;
	v0 =	vmul.f32 v0, v56  }
0x2c5: {  	v62 =	vld [tilespmem:s19+$0x5A80];
	[tilespmem:s24+$0x11980] =	vst v6;
	v6 =	vadd.f32 v10, v57;
	v10 =	vmul.f32 v55, v54;
	v54 =	vsel vm3, v47, v41  }
.Ltmp5:
0x2c6: {  	s0 =	sadd.s32 $0x1, s0;
	v55 =	vld [tilespmem:s19+$0x5B00];
	[tilespmem:s24+$0x11A00] =	vst v4;
	v4 =	vmul.f32 v58, v54;
	v54 =	vsel vm3, v42, v36;
	v0 =	vadd.f32 v0, v1;
	(pc) =	sbr.rel @p0 .LBB2_12-.Ltmp5, $4  }
0x2c7: {  	s4 =	sand.u32 $0x3, s0;
	v56 =	vld [tilespmem:s19+$0x5B80];
	[tilespmem:s24+$0x11A80] =	vst v6;
	v1 =	vadd.f32 v10, v11;
	v6 =	vsel vm3, v28, v23;
	v10 =	vmul.f32 v60, v54  }
0x2c8: {  	s4 =	sshll.u32 s4, $0x5;
	v5 =	vmul.f32 v5, v61;
	v57 =	vld [tilespmem:s19+$0x5C00];
	v4 =	vadd.f32 v4, v6;
	v6 =	vsel vm3, v25, v22;
	[tilespmem:s2+$0x11980] =	vst v0  }
0x2c9: {  	s8 =	sadd.s32 $0x20, s8;
	v58 =	vmul.f32 v2, v7;
	s2 =	sadd.s32 s4, s28;
	v59 =	vmul.f32 v59, v8;
	[tilespmem:s24+$0x11B00] =	vst v1;
	v60 =	vadd.f32 v10, v6;
	v54 =	vld [tilespmem:s16+$0x5980]  }
0x2ca: {  	v63 =	vsel vm2, v47, v41;
	s29 =	sor.u32 $0x300, s2;
	s15 =	sor.u32 $0x380, s2;
	s2 =	sadd.s32 $0x10, s2;
	v61 =	vadd.f32 v5, v3;
	v62 =	vmul.f32 v62, v9;
	[tilespmem:s24+$0x11B80] =	vst v4  }
0x2cb: {  	v0 =	vadd.f32 v59, v52;
	v1 =	vmul.f32 v55, v53;
	[tilespmem:s24+$0x11C00] =	vst v60  }
0x2cc: {  	v4 =	vsel vm2, v42, v36;
	[tilespmem:s19+$0x11980] =	vst v61;
	v2 =	vadd.f32 v62, v51;
	v3 =	vmul.f32 v56, v63  }
0x2cd: {  	v62 =	vsel vm2, v28, v23;
	[tilespmem:s19+$0x11A00] =	vst v0;
	v61 =	vadd.f32 v1, v50;
	v4 =	vmul.f32 v57, v4  }
0x2ce: {  	v63 =	vsel vm2, v25, v22;
	[tilespmem:s19+$0x11A80] =	vst v2;
	v1 =	vadd.f32 v3, v62  }
0x2cf: {  	[tilespmem:s19+$0x11B00] =	vst v61;
	v5 =	vadd.f32 v4, v63  }
0x2d0: {  	s0 =	sor.u32 $0x300, s2;
	[tilespmem:s19+$0x11B80] =	vst v1  }
0x2d1: {  	v6 =	vld [tilespmem:s0+$0x5980];
	[tilespmem:s19+$0x11C00] =	vst v5  }
0x2d2: {  	v0 =	vld [tilespmem:s29+$0x5980];
	_ =	sdelay $0x2  }
0x2d3: {  	v7 =	vsel vm3, v30, v24;
	vm3 =	vmmov vm3;
	vm2 =	vmmov vm2  }
0x2d4: {  	v10 =	vadd.f32 v58, v49;
	v9 =	vsel vm2, v30, v24;
	v1 =	vmul.f32 v6, v7  }
0x2d5: {  	v8 =	vsel vm3, v21, v19;
	v0 =	vmul.f32 v0, v9  }
0x2d6: {  	v11 =	vsel vm2, v21, v19;
	[tilespmem:s25+$0x11980] =	vst v10;
	v1 =	vadd.f32 v1, v8  }
0x2d7: {  	v2 =	vld [tilespmem:s23+$0x5980];
	v0 =	vadd.f32 v0, v11  }
0x2d8: {  	s4 =	sor.u32 $0x380, s2;
	[tilespmem:s0+$0x11980] =	vst v1  }
0x2d9: {  	v1 =	vld [tilespmem:s4+$0x5980];
	[tilespmem:s29+$0x11980] =	vst v0  }
0x2da: {  	v50 =	vsel vm0, v17, v16;
	vm0 =	vmmov vm1;
	v49 =	vld [tilespmem:s15+$0x5980]  }
0x2db: {  	v5 =	vsel vm0, v20, v18  }
0x2dc: {  	v51 =	vsel vm3, v20, v18;
	v2 =	vmul.f32 v2, v5  }
0x2dd: {  	vm1 =	vmmov vm2;
	v48 =	vmul.f32 v54, v48;
	v54 =	vsel vm0, v17, v16  }
0x2de: {  	v53 =	vsel vm1, v20, v18;
	v55 =	vadd.f32 v2, v54;
	v1 =	vmul.f32 v1, v51  }
0x2df: {  	v52 =	vsel vm3, v17, v16;
	v0 =	vadd.f32 v48, v50;
	v3 =	vmul.f32 v49, v53  }
0x2e0: {  	v56 =	vsel vm1, v17, v16;
	[tilespmem:s23+$0x11980] =	vst v55;
	v1 =	vadd.f32 v1, v52  }
0x2e1: {  	[tilespmem:s16+$0x11980] =	vst v0;
	v57 =	vadd.f32 v3, v56  }
0x2e2: {  	[tilespmem:s4+$0x11980] =	vst v1  }
0x2e3: {  	[tilespmem:s15+$0x11980] =	vst v57  }
0x2e4: {  	s5 =	simm.s32 $0x11980;
	s4 =	simm.s32 $0x0;
	s0 =	rddreg [dreg:$0x14]  }
0x2e5: {  	[hbm4b:s0+s4] =	stream.linear.scatter [tilespmem:s5], [sflag:$0x5], $0x4000, $0x38;
	[tilespmem:$0x19980] =	vst v63  }
0x2e6: {  	s8 =	simm.s32 $0x980;
	s6 =	rddreg [dreg:$0x12]  }
0x2e7: {  	[tilespmem:s8], [sflag:$0x2] =	stream.linear.gather [hbm4b:s6+s4], $0x800, $0x38;
	[tilespmem:$0x19980] =	vst v63  }
0x2e8: {  	s13 =	simm.s32 $0x5980;
	s15 =	simm.s32 $0x6;
	s10 =	rddreg [dreg:$0xd]  }
0x2e9: {  	[tilespmem:s13], [sflag:$0x2] =	stream.linear.gather [hbm4b:s10+s4], $0x4000, $0x38;
	[tilespmem:$0x19980] =	vst v63  }
0x2ea: {  	_ =	swait.ge [sflag:s15], $0x4000  }
0x2eb: {  	[sflag:s15] =	ssyncset.done $0x0  }
0x2ec: {  	[sflag:s15] =	ssyncadd.s32 $0xFFFFC000  }
0x2ed: {  	_ =	swait.ge [sflag:s14], $0x800  }
0x2ee: {  	[sflag:s14] =	ssyncset.done $0x0  }
0x2ef: {  	[sflag:s14] =	ssyncadd.s32 $0xFFFFF800  }
0x2f0: {  	_ =	swait.ge [sflag:s14], $0x4000  }
0x2f1: {  	s16 =	simm.s32 $0x1180;
	s19 =	sand.u32 $0x60, s4;
	[sflag:s14] =	ssyncset.done $0x0  }
0x2f2: {  	s23 =	sor.u32 $0x10, s19;
	s5 =	sand.u32 $0x780, s4;
	[sflag:s14] =	ssyncadd.s32 $0xFFFFC000  }
0x2f3: {  	s5 =	sor.u32 s23, s5;
	v58 =	vld [tilespmem:s16+$0x0]  }
0x2f4: {  	v59 =	vld [tilespmem:s5+$0x1180];
	_ =	sdelay $0x1  }
0x2f5: {  	s6 =	sand.u32 $0x3C00, s4  }
0x2f6: {  	s0 =	sor.u32 s6, s23  }
0x2f7: {  	v60 =	vld [tilespmem:s0+$0x9980];
	vm0 =	veq.s32 v58, $0x1  }
0x2f8: {  	v61 =	vld [tilespmem:s0+$0x9A00];
	vm1 =	veq.s32 v59, $0x1;
	v3 =	vsel vm0, v32, v26  }
0x2f9: {  	v6 =	vld [tilespmem:s0+$0x9A80];
	v4 =	vsel vm0, v33, v27;
	v5 =	vsel vm0, v34, v29;
	v1 =	vsel vm0, v35, v31  }
0x2fa: {  	s2 =	sor.u32 s19, s6;
	v9 =	vld [tilespmem:s0+$0x9B00];
	v7 =	vsel vm0, v43, v37;
	v8 =	vsel vm1, v43, v37;
	v10 =	vsel vm0, v44, v38  }
0x2fb: {  	v51 =	vld [tilespmem:s2+$0x9A00];
	v62 =	vsel vm1, v44, v38;
	v63 =	vsel vm1, v32, v26;
	v56 =	vsel vm1, v33, v27  }
0x2fc: {  	v11 =	vld [tilespmem:s0+$0x9B80];
	v57 =	vsel vm1, v34, v29;
	v58 =	vsel vm1, v45, v39;
	v55 =	vsel vm1, v42, v36  }
0x2fd: {  	v48 =	vsel vm0, v47, v41;
	v50 =	vsel vm0, v42, v36;
	v52 =	vsel vm0, v28, v23  }
0x2fe: {  	v54 =	vld [tilespmem:s2+$0x9B00];
	vm2 =	vmmov vm1;
	v2 =	vmul.f32 v8, v60;
	v0 =	vmul.f32 v61, v62  }
0x2ff: {  	v49 =	vld [tilespmem:s2+$0x9A80];
	v6 =	vmul.f32 v6, v58;
	v60 =	vsel vm1, v35, v31;
	v61 =	vsel vm1, v46, v40  }
0x300: {  	v59 =	vld [tilespmem:s2+$0x9980];
	v62 =	vsel vm1, v47, v41;
	v10 =	vmul.f32 v51, v10;
	v9 =	vmul.f32 v9, v61  }
0x301: {  	v8 =	vld [tilespmem:s0+$0x9C00];
	v11 =	vmul.f32 v11, v62;
	v61 =	vsel vm0, v45, v39;
	v2 =	vadd.f32 v2, v63  }
0x302: {  	s25 =	simm.s32 $0x11A0;
	v62 =	vsel vm0, v46, v40;
	v0 =	vadd.f32 v0, v56;
	v63 =	vadd.f32 v6, v57  }
0x303: {  	s26 =	simm.s32 $0x20;
	v53 =	vld [tilespmem:s25+$0x0];
	v57 =	vsel vm1, v28, v23;
	v4 =	vadd.f32 v10, v4;
	v6 =	vmul.f32 v54, v62  }
0x304: {  	s8 =	sand.u32 $0x60, s26;
	v56 =	vld [tilespmem:s2+$0x9B80];
	v54 =	vsel vm0, v25, v22;
	vm0 =	vmmov vm0;
	v9 =	vadd.f32 v9, v60  }
0x305: {  	s6 =	sand.u32 $0x780, s26;
	s10 =	sor.u32 $0x10, s8;
	v58 =	vmul.f32 v7, v59;
	v59 =	vld [tilespmem:s2+$0x9C00];
	v11 =	vadd.f32 v11, v57;
	v60 =	vsel vm1, v25, v22;
	[tilespmem:s0+$0x15980] =	vst v2  }
0x306: {  	s13 =	simm.s32 $0x100;
	s6 =	sor.u32 s10, s6;
	[tilespmem:s0+$0x15A80] =	vst v63;
	v63 =	vmul.f32 v49, v61;
	v1 =	vadd.f32 v6, v1;
	v8 =	vmul.f32 v8, v55  }
0x307: {  	s13 =	sand.u32 $0x3C00, s13;
	v57 =	vld [tilespmem:s6+$0x1180];
	[tilespmem:s2+$0x15A00] =	vst v4;
	v4 =	vsel vm0, v21, v19;
	v6 =	vsel vm0, v30, v24;
	v2 =	vadd.f32 v58, v3  }
0x308: {  	s4 =	sand.u32 $0x3, s4;
	s10 =	sor.u32 s13, s10;
	[tilespmem:s0+$0x15A00] =	vst v0;
	vm0 =	vmmov vm0;
	v49 =	vadd.f32 v63, v5;
	v8 =	vadd.f32 v8, v60  }
0x309: {  	s4 =	sshll.u32 s4, $0x5;
	[tilespmem:s0+$0x15B00] =	vst v9;
	v0 =	vmul.f32 v56, v48;
	v56 =	vsel vm1, v30, v24;
	vm1 =	veq.s32 v53, $0x1;
	v60 =	vld [tilespmem:s10+$0x9A00]  }
0x30a: {  	s16 =	sadd.s32 $0x0, s4;
	[tilespmem:s0+$0x15B80] =	vst v11;
	v58 =	vsel vm2, v21, v19;
	v48 =	vld [tilespmem:s10+$0x9A80];
	v3 =	vmul.f32 v59, v50;
	v7 =	vsel vm1, v33, v27  }
0x30b: {  	s4 =	sadd.s32 $0x10, s16;
	[tilespmem:s2+$0x15A80] =	vst v49;
	v59 =	vld [tilespmem:s10+$0x9980];
	v9 =	vsel vm1, v34, v29;
	v10 =	vsel vm1, v35, v31;
	v11 =	vsel vm1, v43, v37  }
0x30c: {  	s24 =	sor.u32 $0x300, s4;
	v53 =	vld [tilespmem:s10+$0x9B00];
	v49 =	vsel vm1, v45, v39;
	vm3 =	veq.s32 v57, $0x1;
	v50 =	vsel vm1, v46, v40;
	[tilespmem:s0+$0x15C00] =	vst v8  }
0x30d: {  	v0 =	vadd.f32 v0, v52;
	v61 =	vsel vm3, v43, v37;
	v62 =	vsel vm3, v44, v38;
	v51 =	vld [tilespmem:s24+$0x9980]  }
0x30e: {  	[tilespmem:s2+$0x15B00] =	vst v1;
	v57 =	vsel vm3, v33, v27;
	vm4 =	vmmov vm3;
	v55 =	vadd.f32 v3, v54  }
0x30f: {  	[tilespmem:s2+$0x15980] =	vst v2;
	v52 =	vld [tilespmem:s10+$0x9C00];
	v3 =	vsel vm1, v32, v26;
	v54 =	vsel vm3, v32, v26;
	v8 =	vmul.f32 v60, v62  }
0x310: {  	s8 =	sor.u32 s8, s13;
	[tilespmem:s2+$0x15C00] =	vst v55;
	v55 =	vld [tilespmem:s10+$0x9B80];
	v62 =	vsel vm3, v28, v23;
	v5 =	vmul.f32 v61, v59;
	v59 =	vsel vm3, v45, v39  }
0x311: {  	s0 =	sor.u32 $0x300, s16;
	[tilespmem:s2+$0x15B80] =	vst v0;
	v60 =	vld [tilespmem:s8+$0x9980];
	v61 =	vsel vm3, v46, v40;
	v48 =	vmul.f32 v48, v59;
	v8 =	vadd.f32 v8, v57  }
0x312: {  	v1 =	vld [tilespmem:s0+$0x9980];
	v53 =	vmul.f32 v53, v61;
	v61 =	vsel vm3, v47, v41;
	v0 =	vmul.f32 v51, v56  }
0x313: {  	v59 =	vld [tilespmem:s8+$0x9A00];
	v51 =	vsel vm2, v17, v16;
	v5 =	vadd.f32 v5, v54;
	v54 =	vsel vm3, v35, v31  }
0x314: {  	v57 =	vld [tilespmem:s8+$0x9A80];
	v56 =	vsel vm2, v20, v18;
	[tilespmem:s10+$0x15A00] =	vst v8;
	v53 =	vadd.f32 v53, v54;
	v0 =	vadd.f32 v0, v58  }
0x315: {  	s19 =	simm.s32 $0x1;
	v8 =	vld [tilespmem:s8+$0x9B80];
	v58 =	vsel vm3, v34, v29;
	[tilespmem:s10+$0x15980] =	vst v5;
	v55 =	vmul.f32 v55, v61;
	v61 =	vsel vm3, v42, v36  }
0x316: {  	s23 =	simm.s32 $0x11C0;
	s2 =	sand.u32 $0x3, s19;
	v63 =	vadd.f32 v48, v58;
	v48 =	vld [tilespmem:s8+$0x9B00];
	v52 =	vmul.f32 v52, v61;
	v58 =	vsel vm3, v25, v22;
	[tilespmem:s10+$0x15B00] =	vst v53  }
0x317: {  	s6 =	sor.u32 $0x380, s4;
	s2 =	sshll.u32 s2, $0x5;
	v1 =	vmul.f32 v1, v6;
	v61 =	vld [tilespmem:s23+$0x0];
	[tilespmem:s24+$0x15980] =	vst v0;
	v0 =	vsel vm1, v44, v38;
	v54 =	vadd.f32 v55, v62  }
0x318: {  	s2 =	sadd.s32 $0x100, s2;
	v2 =	vld [tilespmem:s6+$0x9980];
	[tilespmem:s10+$0x15A80] =	vst v63;
	v63 =	vmul.f32 v11, v60;
	v0 =	vmul.f32 v59, v0;
	v52 =	vadd.f32 v52, v58  }
0x319: {  	s5 =	sadd.s32 $0x10, s2;
	v11 =	vld [tilespmem:s8+$0x9C00];
	v59 =	vmul.f32 v57, v49;
	v60 =	vsel vm1, v47, v41;
	v1 =	vadd.f32 v1, v4;
	[tilespmem:s10+$0x15B80] =	vst v54  }
0x31a: {  	s26 =	simm.s32 $0x40;
	s4 =	sor.u32 $0x300, s5;
	v58 =	vsel vm3, v30, v24;
	v4 =	vsel vm4, v17, v16;
	v3 =	vadd.f32 v63, v3;
	[tilespmem:s10+$0x15C00] =	vst v52  }
0x31b: {  	v54 =	vsel vm1, v28, v23;
	v0 =	vadd.f32 v0, v7;
	v63 =	vadd.f32 v59, v9;
	s10 =	sand.u32 $0x60, s26;
	v52 =	vld [tilespmem:s4+$0x9980]  }
0x31c: {  	s19 =	sand.u32 $0x780, s26;
	v62 =	vmul.f32 v48, v50;
	v48 =	vmul.f32 v8, v60;
	s24 =	sor.u32 $0x10, s10;
	vm2 =	veq.s32 v61, $0x1  }
0x31d: {  	s28 =	simm.s32 $0x200;
	[tilespmem:s0+$0x15980] =	vst v1;
	v50 =	vsel vm1, v42, v36;
	v61 =	vsel vm4, v21, v19;
	s15 =	sor.u32 s24, s19;
	v9 =	vsel vm2, v43, v37  }
0x31e: {  	s23 =	sand.u32 $0x3C00, s28;
	[tilespmem:s8+$0x15980] =	vst v3;
	v2 =	vmul.f32 v2, v56;
	v53 =	vadd.f32 v62, v10;
	v6 =	vmul.f32 v11, v50;
	v59 =	vld [tilespmem:s15+$0x1180]  }
0x31f: {  	[tilespmem:s8+$0x15A00] =	vst v0;
	s24 =	sor.u32 s23, s24;
	v55 =	vadd.f32 v48, v54;
	v56 =	vsel vm1, v25, v22;
	vm1 =	vmmov vm1  }
0x320: {  	[tilespmem:s8+$0x15A80] =	vst v63;
	v48 =	vsel vm0, v20, v18;
	v62 =	vld [tilespmem:s24+$0x9980];
	v50 =	vsel vm2, v35, v31;
	v60 =	vmul.f32 v52, v58  }
0x321: {  	v5 =	vld [tilespmem:s24+$0x9A00];
	v10 =	vsel vm2, v44, v38;
	v11 =	vsel vm2, v45, v39;
	[tilespmem:s8+$0x15B00] =	vst v53;
	v57 =	vadd.f32 v6, v56  }
0x322: {  	s19 =	sor.u32 s10, s23;
	v54 =	vld [tilespmem:s24+$0x9A80];
	v49 =	vsel vm1, v21, v19;
	v8 =	vsel vm1, v30, v24;
	[tilespmem:s8+$0x15B80] =	vst v55;
	v0 =	vadd.f32 v60, v61  }
0x323: {  	v1 =	vld [tilespmem:s19+$0x9A00];
	v2 =	vadd.f32 v2, v51;
	v6 =	vsel vm2, v32, v26;
	[tilespmem:s8+$0x15C00] =	vst v57;
	vm3 =	veq.s32 v59, $0x1  }
0x324: {  	v51 =	vsel vm2, v34, v29;
	v53 =	vsel vm2, v46, v40;
	s8 =	sor.u32 $0x380, s5;
	v57 =	vld [tilespmem:s24+$0x9B00];
	v63 =	vsel vm3, v43, v37;
	[tilespmem:s4+$0x15980] =	vst v0  }
0x325: {  	v52 =	vsel vm2, v33, v27;
	v59 =	vsel vm3, v44, v38;
	v7 =	vmul.f32 v63, v62;
	v0 =	vld [tilespmem:s8+$0x9980]  }
0x326: {  	v60 =	vld [tilespmem:s24+$0x9B80];
	v55 =	vsel vm3, v32, v26;
	v61 =	vsel vm3, v45, v39;
	v5 =	vmul.f32 v5, v59  }
0x327: {  	[tilespmem:s6+$0x15980] =	vst v2;
	v56 =	vsel vm3, v33, v27;
	v62 =	vld [tilespmem:s24+$0x9C00];
	v54 =	vmul.f32 v54, v61;
	v2 =	vadd.f32 v7, v55  }
0x328: {  	s25 =	sor.u32 $0x300, s2;
	v59 =	vsel vm3, v34, v29;
	v7 =	vld [tilespmem:s19+$0x9980];
	v5 =	vadd.f32 v5, v56;
	v55 =	vsel vm3, v46, v40  }
0x329: {  	v58 =	vsel vm4, v20, v18;
	v3 =	vld [tilespmem:s25+$0x9980];
	[tilespmem:s24+$0x15980] =	vst v2;
	v2 =	vadd.f32 v54, v59;
	v54 =	vmul.f32 v57, v55  }
0x32a: {  	s0 =	simm.s32 $0x2;
	v61 =	vsel vm3, v35, v31;
	v63 =	vld [tilespmem:s19+$0x9A80];
	v59 =	vsel vm3, v47, v41;
	[tilespmem:s24+$0x15A00] =	vst v5;
	v0 =	vmul.f32 v0, v58  }
0x32b: {  	s13 =	sand.u32 $0x3, s0;
	v56 =	vsel vm3, v42, v36;
	v55 =	vld [tilespmem:s19+$0x9B00];
	v5 =	vmul.f32 v60, v59;
	[tilespmem:s24+$0x15A80] =	vst v2;
	v2 =	vadd.f32 v54, v61  }
0x32c: {  	s15 =	sshll.u32 s13, $0x5;
	v60 =	vsel vm3, v28, v23;
	v61 =	vmul.f32 v62, v56;
	v56 =	vld [tilespmem:s19+$0x9B80];
	v0 =	vadd.f32 v0, v4  }
0x32d: {  	s16 =	sor.u32 $0x380, s16;
	s23 =	sor.u32 $0x380, s2;
	s2 =	sadd.s32 $0x200, s15;
	v57 =	vld [tilespmem:s19+$0x9C00];
	v62 =	vsel vm3, v25, v22;
	v7 =	vmul.f32 v9, v7;
	v4 =	vadd.f32 v5, v60;
	[tilespmem:s24+$0x15B00] =	vst v2  }
0x32e: {  	s29 =	sor.u32 $0x300, s2;
	s15 =	sor.u32 $0x380, s2;
	v59 =	vmul.f32 v1, v10;
	v58 =	vmul.f32 v3, v8;
	v54 =	vld [tilespmem:s16+$0x9980];
	v60 =	vadd.f32 v61, v62;
	[tilespmem:s8+$0x15980] =	vst v0  }
0x32f: {  	s2 =	sadd.s32 $0x10, s2;
	s6 =	simm.s32 $0x4;
	v62 =	vmul.f32 v63, v11;
	v63 =	vsel vm2, v47, v41;
	v61 =	vadd.f32 v7, v6;
	s8 =	simm.s32 $0x11E0;
	[tilespmem:s24+$0x15B80] =	vst v4  }
.LBB2_14:
0x330: {  	v0 =	vld [tilespmem:s8+$0x0];
	v1 =	vadd.f32 v59, v52;
	v2 =	vmul.f32 v55, v53;
	[tilespmem:s24+$0x15C00] =	vst v60;
	s4 =	sor.u32 $0x300, s2;
	v3 =	vadd.f32 v58, v49  }
0x331: {  	v6 =	vsel vm2, v42, v36;
	[tilespmem:s19+$0x15980] =	vst v61;
	v4 =	vadd.f32 v62, v51;
	v5 =	vmul.f32 v56, v63;
	v7 =	vld [tilespmem:s4+$0x9980]  }
0x332: {  	s26 =	sadd.s32 $0x20, s26;
	[tilespmem:s19+$0x15A00] =	vst v1;
	v1 =	vadd.f32 v2, v50;
	v2 =	vsel vm2, v28, v23;
	v6 =	vmul.f32 v57, v6  }
0x333: {  	s5 =	sand.u32 $0x60, s26;
	[tilespmem:s19+$0x15A80] =	vst v4;
	v2 =	vadd.f32 v5, v2;
	v4 =	vsel vm2, v25, v22;
	v5 =	vmul.f32 v54, v48  }
0x334: {  	s13 =	sand.u32 $0x780, s26;
	s10 =	sor.u32 $0x10, s5;
	[tilespmem:s19+$0x15B00] =	vst v1;
	v1 =	vadd.f32 v6, v4;
	v4 =	vsel vm0, v17, v16;
	vm0 =	vmmov vm1  }
0x335: {  	s28 =	sadd.s32 $0x100, s28;
	s13 =	sor.u32 s10, s13;
	vm1 =	vmmov vm2;
	[tilespmem:s19+$0x15B80] =	vst v2;
	v2 =	vsel vm3, v30, v24;
	v4 =	vadd.f32 v5, v4  }
0x336: {  	vm4 =	vmmov vm3;
	s24 =	sand.u32 $0x3C00, s28;
	vm2 =	veq.s32 v0, $0x1;
	v0 =	vld [tilespmem:s13+$0x1180];
	[tilespmem:s19+$0x15C00] =	vst v1;
	v1 =	vmul.f32 v7, v2  }
0x337: {  	v49 =	vsel vm1, v21, v19;
	v5 =	vsel vm4, v21, v19;
	v48 =	vsel vm0, v20, v18;
	s19 =	sor.u32 s5, s24;
	s24 =	sor.u32 s24, s10;
	v2 =	vld [tilespmem:s29+$0x9980];
	[tilespmem:s25+$0x15980] =	vst v3;
	s25 =	smov.u32 s29  }
0x338: {  	v7 =	vsel vm1, v30, v24;
	v3 =	vsel vm2, v32, v26;
	v6 =	vld [tilespmem:s24+$0x9980];
	v1 =	vadd.f32 v1, v5;
	[tilespmem:s16+$0x15980] =	vst v4;
	s16 =	smov.u32 s23;
	s23 =	smov.u32 s15  }
0x339: {  	s6 =	sadd.s32 $0x2, s6;
	v52 =	vsel vm2, v33, v27;
	v51 =	vsel vm2, v34, v29;
	v50 =	vsel vm2, v35, v31;
	v4 =	vld [tilespmem:s24+$0x9A00]  }
0x33a: {  	s2 =	sor.u32 $0x380, s2;
	p0 =	slt.u32 s6, $0x7E;
	v8 =	vsel vm2, v44, v38;
	v9 =	vsel vm2, v45, v39;
	v5 =	vsel vm2, v43, v37;
	v10 =	vld [tilespmem:s24+$0x9A80];
	[tilespmem:s4+$0x15980] =	vst v1  }
0x33b: {  	v53 =	vsel vm2, v46, v40;
	v1 =	vsel vm4, v17, v16;
	vm3 =	veq.s32 v0, $0x1;
	v0 =	vld [tilespmem:s2+$0x9980]  }
0x33c: {  	v56 =	vsel vm4, v20, v18;
	v11 =	vsel vm3, v32, v26;
	v54 =	vsel vm3, v43, v37;
	v55 =	vld [tilespmem:s24+$0x9B00]  }
0x33d: {  	v57 =	vsel vm3, v44, v38;
	v6 =	vmul.f32 v54, v6;
	v54 =	vsel vm3, v33, v27;
	v58 =	vld [tilespmem:s24+$0x9B80]  }
0x33e: {  	v59 =	vsel vm3, v45, v39;
	v4 =	vmul.f32 v4, v57;
	v57 =	vsel vm3, v34, v29;
	v60 =	vld [tilespmem:s24+$0x9C00]  }
0x33f: {  	v61 =	vld [tilespmem:s19+$0x9980];
	v6 =	vadd.f32 v6, v11;
	v10 =	vmul.f32 v10, v59;
	v11 =	vsel vm3, v35, v31  }
0x340: {  	v59 =	vld [tilespmem:s19+$0x9A00];
	v4 =	vadd.f32 v4, v54;
	v54 =	vsel vm3, v46, v40;
	v0 =	vmul.f32 v0, v56  }
0x341: {  	v62 =	vld [tilespmem:s19+$0x9A80];
	[tilespmem:s24+$0x15980] =	vst v6;
	v6 =	vadd.f32 v10, v57;
	v10 =	vmul.f32 v55, v54;
	v54 =	vsel vm3, v47, v41  }
.Ltmp6:
0x342: {  	s0 =	sadd.s32 $0x1, s0;
	v55 =	vld [tilespmem:s19+$0x9B00];
	[tilespmem:s24+$0x15A00] =	vst v4;
	v4 =	vmul.f32 v58, v54;
	v54 =	vsel vm3, v42, v36;
	v0 =	vadd.f32 v0, v1;
	(pc) =	sbr.rel @p0 .LBB2_14-.Ltmp6, $4  }
0x343: {  	s4 =	sand.u32 $0x3, s0;
	v56 =	vld [tilespmem:s19+$0x9B80];
	[tilespmem:s24+$0x15A80] =	vst v6;
	v1 =	vadd.f32 v10, v11;
	v6 =	vsel vm3, v28, v23;
	v10 =	vmul.f32 v60, v54  }
0x344: {  	s4 =	sshll.u32 s4, $0x5;
	v5 =	vmul.f32 v5, v61;
	v57 =	vld [tilespmem:s19+$0x9C00];
	v4 =	vadd.f32 v4, v6;
	v6 =	vsel vm3, v25, v22;
	[tilespmem:s2+$0x15980] =	vst v0  }
0x345: {  	s8 =	sadd.s32 $0x20, s8;
	v58 =	vmul.f32 v2, v7;
	s2 =	sadd.s32 s4, s28;
	v59 =	vmul.f32 v59, v8;
	[tilespmem:s24+$0x15B00] =	vst v1;
	v60 =	vadd.f32 v10, v6;
	v54 =	vld [tilespmem:s16+$0x9980]  }
0x346: {  	v63 =	vsel vm2, v47, v41;
	s29 =	sor.u32 $0x300, s2;
	s15 =	sor.u32 $0x380, s2;
	s2 =	sadd.s32 $0x10, s2;
	v61 =	vadd.f32 v5, v3;
	v62 =	vmul.f32 v62, v9;
	[tilespmem:s24+$0x15B80] =	vst v4  }
0x347: {  	v0 =	vadd.f32 v59, v52;
	v1 =	vmul.f32 v55, v53;
	[tilespmem:s24+$0x15C00] =	vst v60  }
0x348: {  	v4 =	vsel vm2, v42, v36;
	[tilespmem:s19+$0x15980] =	vst v61;
	v2 =	vadd.f32 v62, v51;
	v3 =	vmul.f32 v56, v63  }
0x349: {  	v62 =	vsel vm2, v28, v23;
	[tilespmem:s19+$0x15A00] =	vst v0;
	v61 =	vadd.f32 v1, v50;
	v4 =	vmul.f32 v57, v4  }
0x34a: {  	v63 =	vsel vm2, v25, v22;
	[tilespmem:s19+$0x15A80] =	vst v2;
	v1 =	vadd.f32 v3, v62  }
0x34b: {  	[tilespmem:s19+$0x15B00] =	vst v61;
	v5 =	vadd.f32 v4, v63  }
0x34c: {  	s0 =	sor.u32 $0x300, s2;
	[tilespmem:s19+$0x15B80] =	vst v1  }
0x34d: {  	v6 =	vld [tilespmem:s0+$0x9980];
	[tilespmem:s19+$0x15C00] =	vst v5  }
0x34e: {  	v0 =	vld [tilespmem:s29+$0x9980];
	_ =	sdelay $0x2  }
0x34f: {  	v7 =	vsel vm3, v30, v24;
	vm3 =	vmmov vm3;
	vm2 =	vmmov vm2  }
0x350: {  	v10 =	vadd.f32 v58, v49;
	v9 =	vsel vm2, v30, v24;
	v1 =	vmul.f32 v6, v7  }
0x351: {  	v8 =	vsel vm3, v21, v19;
	v0 =	vmul.f32 v0, v9  }
0x352: {  	v11 =	vsel vm2, v21, v19;
	[tilespmem:s25+$0x15980] =	vst v10;
	v1 =	vadd.f32 v1, v8  }
0x353: {  	v2 =	vld [tilespmem:s23+$0x9980];
	v0 =	vadd.f32 v0, v11  }
0x354: {  	s13 =	sor.u32 $0x380, s2;
	[tilespmem:s0+$0x15980] =	vst v1  }
0x355: {  	v1 =	vld [tilespmem:s13+$0x9980];
	[tilespmem:s29+$0x15980] =	vst v0  }
0x356: {  	v50 =	vsel vm0, v17, v16;
	vm0 =	vmmov vm1;
	v49 =	vld [tilespmem:s15+$0x9980]  }
0x357: {  	v5 =	vsel vm0, v20, v18  }
0x358: {  	v51 =	vsel vm3, v20, v18;
	v2 =	vmul.f32 v2, v5  }
0x359: {  	vm1 =	vmmov vm2;
	v48 =	vmul.f32 v54, v48;
	v54 =	vsel vm0, v17, v16  }
0x35a: {  	v53 =	vsel vm1, v20, v18;
	v55 =	vadd.f32 v2, v54;
	v1 =	vmul.f32 v1, v51  }
0x35b: {  	v52 =	vsel vm3, v17, v16;
	v0 =	vadd.f32 v48, v50;
	v3 =	vmul.f32 v49, v53  }
0x35c: {  	v56 =	vsel vm1, v17, v16;
	[tilespmem:s23+$0x15980] =	vst v55;
	v1 =	vadd.f32 v1, v52  }
0x35d: {  	[tilespmem:s16+$0x15980] =	vst v0;
	v57 =	vadd.f32 v3, v56  }
0x35e: {  	[tilespmem:s13+$0x15980] =	vst v1  }
0x35f: {  	[tilespmem:s15+$0x15980] =	vst v57  }
0x360: {  	s4 =	simm.s32 $0x0;
	s15 =	simm.s32 $0x15980;
	s0 =	rddreg [dreg:$0x15]  }
0x361: {  	[hbm4b:s0+s4] =	stream.linear.scatter [tilespmem:s15], [sflag:$0x6], $0x4000, $0x38;
	[tilespmem:$0x19980] =	vst v63  }
0x362: {  	_ =	swait.ge [sflag:s30], $0x4000  }
0x363: {  	[sflag:s30] =	ssyncset.done $0x0  }
0x364: {  	[sflag:s30] =	ssyncadd.s32 $0xFFFFC000  }
0x365: {  	_ =	swait.ge [sflag:s9], $0x800  }
0x366: {  	[sflag:s9] =	ssyncset.done $0x0  }
0x367: {  	[sflag:s9] =	ssyncadd.s32 $0xFFFFF800  }
0x368: {  	_ =	swait.ge [sflag:s9], $0x4000  }
0x369: {  	s5 =	sand.u32 $0x780, s4;
	s19 =	sand.u32 $0x60, s4;
	[sflag:s9] =	ssyncset.done $0x0  }
0x36a: {  	s23 =	sor.u32 $0x10, s19;
	s16 =	simm.s32 $0x180;
	[sflag:s9] =	ssyncadd.s32 $0xFFFFC000  }
0x36b: {  	s5 =	sor.u32 s23, s5;
	v58 =	vld [tilespmem:s16+$0x0]  }
0x36c: {  	v59 =	vld [tilespmem:s5+$0x180];
	_ =	sdelay $0x1  }
0x36d: {  	s6 =	sand.u32 $0x3C00, s4  }
0x36e: {  	s0 =	sor.u32 s6, s23  }
0x36f: {  	v60 =	vld [tilespmem:s0+$0x1980];
	vm0 =	veq.s32 v58, $0x1  }
0x370: {  	v61 =	vld [tilespmem:s0+$0x1A00];
	vm1 =	veq.s32 v59, $0x1;
	v3 =	vsel vm0, v32, v26  }
0x371: {  	v6 =	vld [tilespmem:s0+$0x1A80];
	v4 =	vsel vm0, v33, v27;
	v5 =	vsel vm0, v34, v29;
	v1 =	vsel vm0, v35, v31  }
0x372: {  	s2 =	sor.u32 s19, s6;
	v9 =	vld [tilespmem:s0+$0x1B00];
	v7 =	vsel vm0, v43, v37;
	v8 =	vsel vm1, v43, v37;
	v10 =	vsel vm0, v44, v38  }
0x373: {  	v51 =	vld [tilespmem:s2+$0x1A00];
	v62 =	vsel vm1, v44, v38;
	v63 =	vsel vm1, v32, v26;
	v56 =	vsel vm1, v33, v27  }
0x374: {  	v11 =	vld [tilespmem:s0+$0x1B80];
	v57 =	vsel vm1, v34, v29;
	v58 =	vsel vm1, v45, v39;
	v55 =	vsel vm1, v42, v36  }
0x375: {  	v48 =	vsel vm0, v47, v41;
	v50 =	vsel vm0, v42, v36;
	v52 =	vsel vm0, v28, v23  }
0x376: {  	v54 =	vld [tilespmem:s2+$0x1B00];
	vm2 =	vmmov vm1;
	v2 =	vmul.f32 v8, v60;
	v0 =	vmul.f32 v61, v62  }
0x377: {  	v49 =	vld [tilespmem:s2+$0x1A80];
	v6 =	vmul.f32 v6, v58;
	v60 =	vsel vm1, v35, v31;
	v61 =	vsel vm1, v46, v40  }
0x378: {  	v59 =	vld [tilespmem:s2+$0x1980];
	v62 =	vsel vm1, v47, v41;
	v10 =	vmul.f32 v51, v10;
	v9 =	vmul.f32 v9, v61  }
0x379: {  	v8 =	vld [tilespmem:s0+$0x1C00];
	v11 =	vmul.f32 v11, v62;
	v61 =	vsel vm0, v45, v39;
	v2 =	vadd.f32 v2, v63  }
0x37a: {  	s25 =	simm.s32 $0x1A0;
	v62 =	vsel vm0, v46, v40;
	v0 =	vadd.f32 v0, v56;
	v63 =	vadd.f32 v6, v57  }
0x37b: {  	s26 =	simm.s32 $0x20;
	v53 =	vld [tilespmem:s25+$0x0];
	v57 =	vsel vm1, v28, v23;
	v4 =	vadd.f32 v10, v4;
	v6 =	vmul.f32 v54, v62  }
0x37c: {  	s8 =	sand.u32 $0x60, s26;
	v56 =	vld [tilespmem:s2+$0x1B80];
	v54 =	vsel vm0, v25, v22;
	vm0 =	vmmov vm0;
	v9 =	vadd.f32 v9, v60  }
0x37d: {  	s10 =	sor.u32 $0x10, s8;
	s6 =	sand.u32 $0x780, s26;
	v58 =	vmul.f32 v7, v59;
	v59 =	vld [tilespmem:s2+$0x1C00];
	v11 =	vadd.f32 v11, v57;
	v60 =	vsel vm1, v25, v22;
	[tilespmem:s0+$0xD980] =	vst v2  }
0x37e: {  	s13 =	simm.s32 $0x100;
	s6 =	sor.u32 s10, s6;
	[tilespmem:s0+$0xDA80] =	vst v63;
	v63 =	vmul.f32 v49, v61;
	v1 =	vadd.f32 v6, v1;
	v8 =	vmul.f32 v8, v55  }
0x37f: {  	s13 =	sand.u32 $0x3C00, s13;
	v57 =	vld [tilespmem:s6+$0x180];
	[tilespmem:s2+$0xDA00] =	vst v4;
	v4 =	vsel vm0, v21, v19;
	v6 =	vsel vm0, v30, v24;
	v2 =	vadd.f32 v58, v3  }
0x380: {  	s4 =	sand.u32 $0x3, s4;
	s10 =	sor.u32 s13, s10;
	[tilespmem:s0+$0xDA00] =	vst v0;
	vm0 =	vmmov vm0;
	v49 =	vadd.f32 v63, v5;
	v8 =	vadd.f32 v8, v60  }
0x381: {  	s4 =	sshll.u32 s4, $0x5;
	[tilespmem:s0+$0xDB00] =	vst v9;
	v0 =	vmul.f32 v56, v48;
	v56 =	vsel vm1, v30, v24;
	vm1 =	veq.s32 v53, $0x1;
	v60 =	vld [tilespmem:s10+$0x1A00]  }
0x382: {  	s16 =	sadd.s32 $0x0, s4;
	[tilespmem:s0+$0xDB80] =	vst v11;
	v58 =	vsel vm2, v21, v19;
	v48 =	vld [tilespmem:s10+$0x1A80];
	v3 =	vmul.f32 v59, v50;
	v7 =	vsel vm1, v33, v27  }
0x383: {  	s4 =	sadd.s32 $0x10, s16;
	[tilespmem:s2+$0xDA80] =	vst v49;
	v59 =	vld [tilespmem:s10+$0x1980];
	v9 =	vsel vm1, v34, v29;
	v10 =	vsel vm1, v35, v31;
	v11 =	vsel vm1, v43, v37  }
0x384: {  	s24 =	sor.u32 $0x300, s4;
	v53 =	vld [tilespmem:s10+$0x1B00];
	v49 =	vsel vm1, v45, v39;
	vm3 =	veq.s32 v57, $0x1;
	v50 =	vsel vm1, v46, v40;
	[tilespmem:s0+$0xDC00] =	vst v8  }
0x385: {  	v0 =	vadd.f32 v0, v52;
	v61 =	vsel vm3, v43, v37;
	v62 =	vsel vm3, v44, v38;
	v51 =	vld [tilespmem:s24+$0x1980]  }
0x386: {  	[tilespmem:s2+$0xDB00] =	vst v1;
	v57 =	vsel vm3, v33, v27;
	vm4 =	vmmov vm3;
	v55 =	vadd.f32 v3, v54  }
0x387: {  	[tilespmem:s2+$0xD980] =	vst v2;
	v52 =	vld [tilespmem:s10+$0x1C00];
	v3 =	vsel vm1, v32, v26;
	v54 =	vsel vm3, v32, v26;
	v8 =	vmul.f32 v60, v62  }
0x388: {  	s8 =	sor.u32 s8, s13;
	[tilespmem:s2+$0xDC00] =	vst v55;
	v55 =	vld [tilespmem:s10+$0x1B80];
	v62 =	vsel vm3, v28, v23;
	v5 =	vmul.f32 v61, v59;
	v59 =	vsel vm3, v45, v39  }
0x389: {  	s0 =	sor.u32 $0x300, s16;
	[tilespmem:s2+$0xDB80] =	vst v0;
	v60 =	vld [tilespmem:s8+$0x1980];
	v61 =	vsel vm3, v46, v40;
	v48 =	vmul.f32 v48, v59;
	v8 =	vadd.f32 v8, v57  }
0x38a: {  	v1 =	vld [tilespmem:s0+$0x1980];
	v53 =	vmul.f32 v53, v61;
	v61 =	vsel vm3, v47, v41;
	v0 =	vmul.f32 v51, v56  }
0x38b: {  	v59 =	vld [tilespmem:s8+$0x1A00];
	v51 =	vsel vm2, v17, v16;
	v5 =	vadd.f32 v5, v54;
	v54 =	vsel vm3, v35, v31  }
0x38c: {  	v57 =	vld [tilespmem:s8+$0x1A80];
	v56 =	vsel vm2, v20, v18;
	[tilespmem:s10+$0xDA00] =	vst v8;
	v53 =	vadd.f32 v53, v54;
	v0 =	vadd.f32 v0, v58  }
0x38d: {  	s19 =	simm.s32 $0x1;
	v8 =	vld [tilespmem:s8+$0x1B80];
	v58 =	vsel vm3, v34, v29;
	[tilespmem:s10+$0xD980] =	vst v5;
	v55 =	vmul.f32 v55, v61;
	v61 =	vsel vm3, v42, v36  }
0x38e: {  	s23 =	simm.s32 $0x1C0;
	s2 =	sand.u32 $0x3, s19;
	v63 =	vadd.f32 v48, v58;
	v48 =	vld [tilespmem:s8+$0x1B00];
	v52 =	vmul.f32 v52, v61;
	v58 =	vsel vm3, v25, v22;
	[tilespmem:s10+$0xDB00] =	vst v53  }
0x38f: {  	s6 =	sor.u32 $0x380, s4;
	s2 =	sshll.u32 s2, $0x5;
	v1 =	vmul.f32 v1, v6;
	v61 =	vld [tilespmem:s23+$0x0];
	[tilespmem:s24+$0xD980] =	vst v0;
	v0 =	vsel vm1, v44, v38;
	v54 =	vadd.f32 v55, v62  }
0x390: {  	s2 =	sadd.s32 $0x100, s2;
	v2 =	vld [tilespmem:s6+$0x1980];
	[tilespmem:s10+$0xDA80] =	vst v63;
	v63 =	vmul.f32 v11, v60;
	v0 =	vmul.f32 v59, v0;
	v52 =	vadd.f32 v52, v58  }
0x391: {  	s5 =	sadd.s32 $0x10, s2;
	v11 =	vld [tilespmem:s8+$0x1C00];
	v59 =	vmul.f32 v57, v49;
	v60 =	vsel vm1, v47, v41;
	v1 =	vadd.f32 v1, v4;
	[tilespmem:s10+$0xDB80] =	vst v54  }
0x392: {  	s26 =	simm.s32 $0x40;
	s4 =	sor.u32 $0x300, s5;
	v58 =	vsel vm3, v30, v24;
	v4 =	vsel vm4, v17, v16;
	v3 =	vadd.f32 v63, v3;
	[tilespmem:s10+$0xDC00] =	vst v52  }
0x393: {  	v54 =	vsel vm1, v28, v23;
	v0 =	vadd.f32 v0, v7;
	v63 =	vadd.f32 v59, v9;
	s10 =	sand.u32 $0x60, s26;
	v52 =	vld [tilespmem:s4+$0x1980]  }
0x394: {  	s19 =	sand.u32 $0x780, s26;
	v62 =	vmul.f32 v48, v50;
	v48 =	vmul.f32 v8, v60;
	s24 =	sor.u32 $0x10, s10;
	vm2 =	veq.s32 v61, $0x1  }
0x395: {  	s28 =	simm.s32 $0x200;
	[tilespmem:s0+$0xD980] =	vst v1;
	v50 =	vsel vm1, v42, v36;
	v61 =	vsel vm4, v21, v19;
	s15 =	sor.u32 s24, s19;
	v9 =	vsel vm2, v43, v37  }
0x396: {  	s23 =	sand.u32 $0x3C00, s28;
	[tilespmem:s8+$0xD980] =	vst v3;
	v2 =	vmul.f32 v2, v56;
	v53 =	vadd.f32 v62, v10;
	v6 =	vmul.f32 v11, v50;
	v59 =	vld [tilespmem:s15+$0x180]  }
0x397: {  	[tilespmem:s8+$0xDA00] =	vst v0;
	s24 =	sor.u32 s23, s24;
	v55 =	vadd.f32 v48, v54;
	v56 =	vsel vm1, v25, v22;
	vm1 =	vmmov vm1  }
0x398: {  	[tilespmem:s8+$0xDA80] =	vst v63;
	v48 =	vsel vm0, v20, v18;
	v62 =	vld [tilespmem:s24+$0x1980];
	v50 =	vsel vm2, v35, v31;
	v60 =	vmul.f32 v52, v58  }
0x399: {  	v5 =	vld [tilespmem:s24+$0x1A00];
	v10 =	vsel vm2, v44, v38;
	v11 =	vsel vm2, v45, v39;
	[tilespmem:s8+$0xDB00] =	vst v53;
	v57 =	vadd.f32 v6, v56  }
0x39a: {  	s19 =	sor.u32 s10, s23;
	v54 =	vld [tilespmem:s24+$0x1A80];
	v49 =	vsel vm1, v21, v19;
	v8 =	vsel vm1, v30, v24;
	[tilespmem:s8+$0xDB80] =	vst v55;
	v0 =	vadd.f32 v60, v61  }
0x39b: {  	v1 =	vld [tilespmem:s19+$0x1A00];
	v2 =	vadd.f32 v2, v51;
	v6 =	vsel vm2, v32, v26;
	[tilespmem:s8+$0xDC00] =	vst v57;
	vm3 =	veq.s32 v59, $0x1  }
0x39c: {  	v51 =	vsel vm2, v34, v29;
	v53 =	vsel vm2, v46, v40;
	s8 =	sor.u32 $0x380, s5;
	v57 =	vld [tilespmem:s24+$0x1B00];
	v63 =	vsel vm3, v43, v37;
	[tilespmem:s4+$0xD980] =	vst v0  }
0x39d: {  	v52 =	vsel vm2, v33, v27;
	v59 =	vsel vm3, v44, v38;
	v7 =	vmul.f32 v63, v62;
	v0 =	vld [tilespmem:s8+$0x1980]  }
0x39e: {  	v60 =	vld [tilespmem:s24+$0x1B80];
	v55 =	vsel vm3, v32, v26;
	v61 =	vsel vm3, v45, v39;
	v5 =	vmul.f32 v5, v59  }
0x39f: {  	[tilespmem:s6+$0xD980] =	vst v2;
	v56 =	vsel vm3, v33, v27;
	v62 =	vld [tilespmem:s24+$0x1C00];
	v54 =	vmul.f32 v54, v61;
	v2 =	vadd.f32 v7, v55  }
0x3a0: {  	s25 =	sor.u32 $0x300, s2;
	v59 =	vsel vm3, v34, v29;
	v7 =	vld [tilespmem:s19+$0x1980];
	v5 =	vadd.f32 v5, v56;
	v55 =	vsel vm3, v46, v40  }
0x3a1: {  	v58 =	vsel vm4, v20, v18;
	v3 =	vld [tilespmem:s25+$0x1980];
	[tilespmem:s24+$0xD980] =	vst v2;
	v2 =	vadd.f32 v54, v59;
	v54 =	vmul.f32 v57, v55  }
0x3a2: {  	s0 =	simm.s32 $0x2;
	v61 =	vsel vm3, v35, v31;
	v63 =	vld [tilespmem:s19+$0x1A80];
	v59 =	vsel vm3, v47, v41;
	[tilespmem:s24+$0xDA00] =	vst v5;
	v0 =	vmul.f32 v0, v58  }
0x3a3: {  	s13 =	sand.u32 $0x3, s0;
	v56 =	vsel vm3, v42, v36;
	v55 =	vld [tilespmem:s19+$0x1B00];
	v5 =	vmul.f32 v60, v59;
	[tilespmem:s24+$0xDA80] =	vst v2;
	v2 =	vadd.f32 v54, v61  }
0x3a4: {  	s15 =	sshll.u32 s13, $0x5;
	v60 =	vsel vm3, v28, v23;
	v61 =	vmul.f32 v62, v56;
	v56 =	vld [tilespmem:s19+$0x1B80];
	v0 =	vadd.f32 v0, v4  }
0x3a5: {  	s16 =	sor.u32 $0x380, s16;
	s23 =	sor.u32 $0x380, s2;
	s2 =	sadd.s32 $0x200, s15;
	v57 =	vld [tilespmem:s19+$0x1C00];
	v62 =	vsel vm3, v25, v22;
	v7 =	vmul.f32 v9, v7;
	v4 =	vadd.f32 v5, v60;
	[tilespmem:s24+$0xDB00] =	vst v2  }
0x3a6: {  	s29 =	sor.u32 $0x300, s2;
	s15 =	sor.u32 $0x380, s2;
	v59 =	vmul.f32 v1, v10;
	v58 =	vmul.f32 v3, v8;
	v54 =	vld [tilespmem:s16+$0x1980];
	v60 =	vadd.f32 v61, v62;
	[tilespmem:s8+$0xD980] =	vst v0  }
0x3a7: {  	s2 =	sadd.s32 $0x10, s2;
	s6 =	simm.s32 $0x4;
	v62 =	vmul.f32 v63, v11;
	v63 =	vsel vm2, v47, v41;
	v61 =	vadd.f32 v7, v6;
	s8 =	simm.s32 $0x1E0;
	[tilespmem:s24+$0xDB80] =	vst v4  }
.LBB2_16:
0x3a8: {  	v0 =	vld [tilespmem:s8+$0x0];
	v1 =	vadd.f32 v59, v52;
	v2 =	vmul.f32 v55, v53;
	[tilespmem:s24+$0xDC00] =	vst v60;
	s4 =	sor.u32 $0x300, s2;
	v3 =	vadd.f32 v58, v49  }
0x3a9: {  	v6 =	vsel vm2, v42, v36;
	[tilespmem:s19+$0xD980] =	vst v61;
	v4 =	vadd.f32 v62, v51;
	v5 =	vmul.f32 v56, v63;
	v7 =	vld [tilespmem:s4+$0x1980]  }
0x3aa: {  	s26 =	sadd.s32 $0x20, s26;
	[tilespmem:s19+$0xDA00] =	vst v1;
	v1 =	vadd.f32 v2, v50;
	v2 =	vsel vm2, v28, v23;
	v6 =	vmul.f32 v57, v6  }
0x3ab: {  	s5 =	sand.u32 $0x60, s26;
	[tilespmem:s19+$0xDA80] =	vst v4;
	v2 =	vadd.f32 v5, v2;
	v4 =	vsel vm2, v25, v22;
	v5 =	vmul.f32 v54, v48  }
0x3ac: {  	s13 =	sand.u32 $0x780, s26;
	s10 =	sor.u32 $0x10, s5;
	[tilespmem:s19+$0xDB00] =	vst v1;
	v1 =	vadd.f32 v6, v4;
	v4 =	vsel vm0, v17, v16;
	vm0 =	vmmov vm1  }
0x3ad: {  	s28 =	sadd.s32 $0x100, s28;
	s13 =	sor.u32 s10, s13;
	vm1 =	vmmov vm2;
	[tilespmem:s19+$0xDB80] =	vst v2;
	v2 =	vsel vm3, v30, v24;
	v4 =	vadd.f32 v5, v4  }
0x3ae: {  	vm4 =	vmmov vm3;
	s24 =	sand.u32 $0x3C00, s28;
	vm2 =	veq.s32 v0, $0x1;
	v0 =	vld [tilespmem:s13+$0x180];
	[tilespmem:s19+$0xDC00] =	vst v1;
	v1 =	vmul.f32 v7, v2  }
0x3af: {  	v49 =	vsel vm1, v21, v19;
	v5 =	vsel vm4, v21, v19;
	v48 =	vsel vm0, v20, v18;
	s19 =	sor.u32 s5, s24;
	s24 =	sor.u32 s24, s10;
	v2 =	vld [tilespmem:s29+$0x1980];
	[tilespmem:s25+$0xD980] =	vst v3;
	s25 =	smov.u32 s29  }
0x3b0: {  	v7 =	vsel vm1, v30, v24;
	v3 =	vsel vm2, v32, v26;
	v6 =	vld [tilespmem:s24+$0x1980];
	v1 =	vadd.f32 v1, v5;
	[tilespmem:s16+$0xD980] =	vst v4;
	s16 =	smov.u32 s23;
	s23 =	smov.u32 s15  }
0x3b1: {  	s6 =	sadd.s32 $0x2, s6;
	v52 =	vsel vm2, v33, v27;
	v51 =	vsel vm2, v34, v29;
	v50 =	vsel vm2, v35, v31;
	v4 =	vld [tilespmem:s24+$0x1A00]  }
0x3b2: {  	s2 =	sor.u32 $0x380, s2;
	p0 =	slt.u32 s6, $0x7E;
	v8 =	vsel vm2, v44, v38;
	v9 =	vsel vm2, v45, v39;
	v5 =	vsel vm2, v43, v37;
	v10 =	vld [tilespmem:s24+$0x1A80];
	[tilespmem:s4+$0xD980] =	vst v1  }
0x3b3: {  	v53 =	vsel vm2, v46, v40;
	v1 =	vsel vm4, v17, v16;
	vm3 =	veq.s32 v0, $0x1;
	v0 =	vld [tilespmem:s2+$0x1980]  }
0x3b4: {  	v56 =	vsel vm4, v20, v18;
	v11 =	vsel vm3, v32, v26;
	v54 =	vsel vm3, v43, v37;
	v55 =	vld [tilespmem:s24+$0x1B00]  }
0x3b5: {  	v57 =	vsel vm3, v44, v38;
	v6 =	vmul.f32 v54, v6;
	v54 =	vsel vm3, v33, v27;
	v58 =	vld [tilespmem:s24+$0x1B80]  }
0x3b6: {  	v59 =	vsel vm3, v45, v39;
	v4 =	vmul.f32 v4, v57;
	v57 =	vsel vm3, v34, v29;
	v60 =	vld [tilespmem:s24+$0x1C00]  }
0x3b7: {  	v61 =	vld [tilespmem:s19+$0x1980];
	v6 =	vadd.f32 v6, v11;
	v10 =	vmul.f32 v10, v59;
	v11 =	vsel vm3, v35, v31  }
0x3b8: {  	v59 =	vld [tilespmem:s19+$0x1A00];
	v4 =	vadd.f32 v4, v54;
	v54 =	vsel vm3, v46, v40;
	v0 =	vmul.f32 v0, v56  }
0x3b9: {  	v62 =	vld [tilespmem:s19+$0x1A80];
	[tilespmem:s24+$0xD980] =	vst v6;
	v6 =	vadd.f32 v10, v57;
	v10 =	vmul.f32 v55, v54;
	v54 =	vsel vm3, v47, v41  }
.Ltmp7:
0x3ba: {  	s0 =	sadd.s32 $0x1, s0;
	v55 =	vld [tilespmem:s19+$0x1B00];
	[tilespmem:s24+$0xDA00] =	vst v4;
	v4 =	vmul.f32 v58, v54;
	v54 =	vsel vm3, v42, v36;
	v0 =	vadd.f32 v0, v1;
	(pc) =	sbr.rel @p0 .LBB2_16-.Ltmp7, $4  }
0x3bb: {  	s4 =	sand.u32 $0x3, s0;
	v56 =	vld [tilespmem:s19+$0x1B80];
	[tilespmem:s24+$0xDA80] =	vst v6;
	v1 =	vadd.f32 v10, v11;
	v6 =	vsel vm3, v28, v23;
	v10 =	vmul.f32 v60, v54  }
0x3bc: {  	s4 =	sshll.u32 s4, $0x5;
	v5 =	vmul.f32 v5, v61;
	v57 =	vld [tilespmem:s19+$0x1C00];
	v4 =	vadd.f32 v4, v6;
	v6 =	vsel vm3, v25, v22;
	[tilespmem:s2+$0xD980] =	vst v0  }
0x3bd: {  	s8 =	sadd.s32 $0x20, s8;
	v58 =	vmul.f32 v2, v7;
	s2 =	sadd.s32 s4, s28;
	v59 =	vmul.f32 v59, v8;
	[tilespmem:s24+$0xDB00] =	vst v1;
	v60 =	vadd.f32 v10, v6;
	v54 =	vld [tilespmem:s16+$0x1980]  }
0x3be: {  	v63 =	vsel vm2, v47, v41;
	s29 =	sor.u32 $0x300, s2;
	s15 =	sor.u32 $0x380, s2;
	s2 =	sadd.s32 $0x10, s2;
	v61 =	vadd.f32 v5, v3;
	v62 =	vmul.f32 v62, v9;
	[tilespmem:s24+$0xDB80] =	vst v4  }
0x3bf: {  	v0 =	vadd.f32 v59, v52;
	v1 =	vmul.f32 v55, v53;
	[tilespmem:s24+$0xDC00] =	vst v60  }
0x3c0: {  	v4 =	vsel vm2, v42, v36;
	[tilespmem:s19+$0xD980] =	vst v61;
	v2 =	vadd.f32 v62, v51;
	v3 =	vmul.f32 v56, v63  }
0x3c1: {  	v62 =	vsel vm2, v28, v23;
	[tilespmem:s19+$0xDA00] =	vst v0;
	v61 =	vadd.f32 v1, v50;
	v4 =	vmul.f32 v57, v4  }
0x3c2: {  	v63 =	vsel vm2, v25, v22;
	[tilespmem:s19+$0xDA80] =	vst v2;
	v1 =	vadd.f32 v3, v62  }
0x3c3: {  	[tilespmem:s19+$0xDB00] =	vst v61;
	v5 =	vadd.f32 v4, v63  }
0x3c4: {  	s0 =	sor.u32 $0x300, s2;
	[tilespmem:s19+$0xDB80] =	vst v1  }
0x3c5: {  	v6 =	vld [tilespmem:s0+$0x1980];
	[tilespmem:s19+$0xDC00] =	vst v5  }
0x3c6: {  	v0 =	vld [tilespmem:s29+$0x1980];
	_ =	sdelay $0x2  }
0x3c7: {  	v7 =	vsel vm3, v30, v24;
	vm3 =	vmmov vm3;
	vm2 =	vmmov vm2  }
0x3c8: {  	v10 =	vadd.f32 v58, v49;
	v9 =	vsel vm2, v30, v24;
	v1 =	vmul.f32 v6, v7  }
0x3c9: {  	v8 =	vsel vm3, v21, v19;
	v0 =	vmul.f32 v0, v9  }
0x3ca: {  	v11 =	vsel vm2, v21, v19;
	[tilespmem:s25+$0xD980] =	vst v10;
	v1 =	vadd.f32 v1, v8  }
0x3cb: {  	v2 =	vld [tilespmem:s23+$0x1980];
	v0 =	vadd.f32 v0, v11  }
0x3cc: {  	s13 =	sor.u32 $0x380, s2;
	[tilespmem:s0+$0xD980] =	vst v1  }
0x3cd: {  	v1 =	vld [tilespmem:s13+$0x1980];
	[tilespmem:s29+$0xD980] =	vst v0  }
0x3ce: {  	v50 =	vsel vm0, v17, v16;
	vm0 =	vmmov vm1;
	v49 =	vld [tilespmem:s15+$0x1980]  }
0x3cf: {  	v5 =	vsel vm0, v20, v18  }
0x3d0: {  	v51 =	vsel vm3, v20, v18;
	v2 =	vmul.f32 v2, v5  }
0x3d1: {  	vm1 =	vmmov vm2;
	v48 =	vmul.f32 v54, v48;
	v54 =	vsel vm0, v17, v16  }
0x3d2: {  	v53 =	vsel vm1, v20, v18;
	v55 =	vadd.f32 v2, v54;
	v1 =	vmul.f32 v1, v51  }
0x3d3: {  	v52 =	vsel vm3, v17, v16;
	v0 =	vadd.f32 v48, v50;
	v3 =	vmul.f32 v49, v53  }
0x3d4: {  	v56 =	vsel vm1, v17, v16;
	[tilespmem:s23+$0xD980] =	vst v55;
	v1 =	vadd.f32 v1, v52  }
0x3d5: {  	[tilespmem:s16+$0xD980] =	vst v0;
	v57 =	vadd.f32 v3, v56  }
0x3d6: {  	[tilespmem:s13+$0xD980] =	vst v1  }
0x3d7: {  	[tilespmem:s15+$0xD980] =	vst v57  }
0x3d8: {  	s4 =	simm.s32 $0x0;
	s15 =	simm.s32 $0xD980;
	s0 =	rddreg [dreg:$0xe]  }
0x3d9: {  	[hbm4b:s0+s4] =	stream.linear.scatter [tilespmem:s15], [sflag:$0x4], $0x4000, $0x38;
	[tilespmem:$0x19980] =	vst v63  }
0x3da: {  	_ =	swait.ge [sflag:s31], $0x4000  }
0x3db: {  	[sflag:s31] =	ssyncset.done $0x0  }
0x3dc: {  	[sflag:s31] =	ssyncadd.s32 $0xFFFFC000  }
0x3dd: {  	_ =	swait.ge [sflag:s11], $0x800  }
0x3de: {  	[sflag:s11] =	ssyncset.done $0x0  }
0x3df: {  	[sflag:s11] =	ssyncadd.s32 $0xFFFFF800  }
0x3e0: {  	_ =	swait.ge [sflag:s11], $0x4000  }
0x3e1: {  	s5 =	sand.u32 $0x780, s4;
	s19 =	sand.u32 $0x60, s4;
	[sflag:s11] =	ssyncset.done $0x0  }
0x3e2: {  	s23 =	sor.u32 $0x10, s19;
	s16 =	simm.s32 $0x980;
	[sflag:s11] =	ssyncadd.s32 $0xFFFFC000  }
0x3e3: {  	s5 =	sor.u32 s23, s5;
	v58 =	vld [tilespmem:s16+$0x0]  }
0x3e4: {  	v59 =	vld [tilespmem:s5+$0x980];
	_ =	sdelay $0x1  }
0x3e5: {  	s6 =	sand.u32 $0x3C00, s4  }
0x3e6: {  	s0 =	sor.u32 s6, s23  }
0x3e7: {  	v60 =	vld [tilespmem:s0+$0x5980];
	vm0 =	veq.s32 v58, $0x1  }
0x3e8: {  	v61 =	vld [tilespmem:s0+$0x5A00];
	vm1 =	veq.s32 v59, $0x1;
	v3 =	vsel vm0, v32, v26  }
0x3e9: {  	v6 =	vld [tilespmem:s0+$0x5A80];
	v4 =	vsel vm0, v33, v27;
	v5 =	vsel vm0, v34, v29;
	v1 =	vsel vm0, v35, v31  }
0x3ea: {  	s2 =	sor.u32 s19, s6;
	v9 =	vld [tilespmem:s0+$0x5B00];
	v7 =	vsel vm0, v43, v37;
	v8 =	vsel vm1, v43, v37;
	v10 =	vsel vm0, v44, v38  }
0x3eb: {  	v51 =	vld [tilespmem:s2+$0x5A00];
	v62 =	vsel vm1, v44, v38;
	v63 =	vsel vm1, v32, v26;
	v56 =	vsel vm1, v33, v27  }
0x3ec: {  	v11 =	vld [tilespmem:s0+$0x5B80];
	v57 =	vsel vm1, v34, v29;
	v58 =	vsel vm1, v45, v39;
	v55 =	vsel vm1, v42, v36  }
0x3ed: {  	v48 =	vsel vm0, v47, v41;
	v50 =	vsel vm0, v42, v36;
	v52 =	vsel vm0, v28, v23  }
0x3ee: {  	v54 =	vld [tilespmem:s2+$0x5B00];
	vm2 =	vmmov vm1;
	v2 =	vmul.f32 v8, v60;
	v0 =	vmul.f32 v61, v62  }
0x3ef: {  	v49 =	vld [tilespmem:s2+$0x5A80];
	v6 =	vmul.f32 v6, v58;
	v60 =	vsel vm1, v35, v31;
	v61 =	vsel vm1, v46, v40  }
0x3f0: {  	v59 =	vld [tilespmem:s2+$0x5980];
	v62 =	vsel vm1, v47, v41;
	v10 =	vmul.f32 v51, v10;
	v9 =	vmul.f32 v9, v61  }
0x3f1: {  	v8 =	vld [tilespmem:s0+$0x5C00];
	v11 =	vmul.f32 v11, v62;
	v61 =	vsel vm0, v45, v39;
	v2 =	vadd.f32 v2, v63  }
0x3f2: {  	s25 =	simm.s32 $0x9A0;
	v62 =	vsel vm0, v46, v40;
	v0 =	vadd.f32 v0, v56;
	v63 =	vadd.f32 v6, v57  }
0x3f3: {  	s26 =	simm.s32 $0x20;
	v53 =	vld [tilespmem:s25+$0x0];
	v57 =	vsel vm1, v28, v23;
	v4 =	vadd.f32 v10, v4;
	v6 =	vmul.f32 v54, v62  }
0x3f4: {  	s8 =	sand.u32 $0x60, s26;
	v56 =	vld [tilespmem:s2+$0x5B80];
	v54 =	vsel vm0, v25, v22;
	vm0 =	vmmov vm0;
	v9 =	vadd.f32 v9, v60  }
0x3f5: {  	s10 =	sor.u32 $0x10, s8;
	s6 =	sand.u32 $0x780, s26;
	v58 =	vmul.f32 v7, v59;
	v59 =	vld [tilespmem:s2+$0x5C00];
	v11 =	vadd.f32 v11, v57;
	v60 =	vsel vm1, v25, v22;
	[tilespmem:s0+$0x11980] =	vst v2  }
0x3f6: {  	s13 =	simm.s32 $0x100;
	s6 =	sor.u32 s10, s6;
	[tilespmem:s0+$0x11A80] =	vst v63;
	v63 =	vmul.f32 v49, v61;
	v1 =	vadd.f32 v6, v1;
	v8 =	vmul.f32 v8, v55  }
0x3f7: {  	s13 =	sand.u32 $0x3C00, s13;
	v57 =	vld [tilespmem:s6+$0x980];
	[tilespmem:s2+$0x11A00] =	vst v4;
	v4 =	vsel vm0, v21, v19;
	v6 =	vsel vm0, v30, v24;
	v2 =	vadd.f32 v58, v3  }
0x3f8: {  	s4 =	sand.u32 $0x3, s4;
	s10 =	sor.u32 s13, s10;
	[tilespmem:s0+$0x11A00] =	vst v0;
	vm0 =	vmmov vm0;
	v49 =	vadd.f32 v63, v5;
	v8 =	vadd.f32 v8, v60  }
0x3f9: {  	s4 =	sshll.u32 s4, $0x5;
	[tilespmem:s0+$0x11B00] =	vst v9;
	v0 =	vmul.f32 v56, v48;
	v56 =	vsel vm1, v30, v24;
	vm1 =	veq.s32 v53, $0x1;
	v60 =	vld [tilespmem:s10+$0x5A00]  }
0x3fa: {  	s16 =	sadd.s32 $0x0, s4;
	[tilespmem:s0+$0x11B80] =	vst v11;
	v58 =	vsel vm2, v21, v19;
	v48 =	vld [tilespmem:s10+$0x5A80];
	v3 =	vmul.f32 v59, v50;
	v7 =	vsel vm1, v33, v27  }
0x3fb: {  	s4 =	sadd.s32 $0x10, s16;
	[tilespmem:s2+$0x11A80] =	vst v49;
	v59 =	vld [tilespmem:s10+$0x5980];
	v9 =	vsel vm1, v34, v29;
	v10 =	vsel vm1, v35, v31;
	v11 =	vsel vm1, v43, v37  }
0x3fc: {  	s24 =	sor.u32 $0x300, s4;
	v53 =	vld [tilespmem:s10+$0x5B00];
	v49 =	vsel vm1, v45, v39;
	vm3 =	veq.s32 v57, $0x1;
	v50 =	vsel vm1, v46, v40;
	[tilespmem:s0+$0x11C00] =	vst v8  }
0x3fd: {  	v0 =	vadd.f32 v0, v52;
	v61 =	vsel vm3, v43, v37;
	v62 =	vsel vm3, v44, v38;
	v51 =	vld [tilespmem:s24+$0x5980]  }
0x3fe: {  	[tilespmem:s2+$0x11B00] =	vst v1;
	v57 =	vsel vm3, v33, v27;
	vm4 =	vmmov vm3;
	v55 =	vadd.f32 v3, v54  }
0x3ff: {  	[tilespmem:s2+$0x11980] =	vst v2;
	v52 =	vld [tilespmem:s10+$0x5C00];
	v3 =	vsel vm1, v32, v26;
	v54 =	vsel vm3, v32, v26;
	v8 =	vmul.f32 v60, v62  }
0x400: {  	s8 =	sor.u32 s8, s13;
	[tilespmem:s2+$0x11C00] =	vst v55;
	v55 =	vld [tilespmem:s10+$0x5B80];
	v62 =	vsel vm3, v28, v23;
	v5 =	vmul.f32 v61, v59;
	v59 =	vsel vm3, v45, v39  }
0x401: {  	s0 =	sor.u32 $0x300, s16;
	[tilespmem:s2+$0x11B80] =	vst v0;
	v60 =	vld [tilespmem:s8+$0x5980];
	v61 =	vsel vm3, v46, v40;
	v48 =	vmul.f32 v48, v59;
	v8 =	vadd.f32 v8, v57  }
0x402: {  	v1 =	vld [tilespmem:s0+$0x5980];
	v53 =	vmul.f32 v53, v61;
	v61 =	vsel vm3, v47, v41;
	v0 =	vmul.f32 v51, v56  }
0x403: {  	v59 =	vld [tilespmem:s8+$0x5A00];
	v51 =	vsel vm2, v17, v16;
	v5 =	vadd.f32 v5, v54;
	v54 =	vsel vm3, v35, v31  }
0x404: {  	v57 =	vld [tilespmem:s8+$0x5A80];
	v56 =	vsel vm2, v20, v18;
	[tilespmem:s10+$0x11A00] =	vst v8;
	v53 =	vadd.f32 v53, v54;
	v0 =	vadd.f32 v0, v58  }
0x405: {  	s19 =	simm.s32 $0x1;
	v8 =	vld [tilespmem:s8+$0x5B80];
	v58 =	vsel vm3, v34, v29;
	[tilespmem:s10+$0x11980] =	vst v5;
	v55 =	vmul.f32 v55, v61;
	v61 =	vsel vm3, v42, v36  }
0x406: {  	s23 =	simm.s32 $0x9C0;
	s2 =	sand.u32 $0x3, s19;
	v63 =	vadd.f32 v48, v58;
	v48 =	vld [tilespmem:s8+$0x5B00];
	v52 =	vmul.f32 v52, v61;
	v58 =	vsel vm3, v25, v22;
	[tilespmem:s10+$0x11B00] =	vst v53  }
0x407: {  	s6 =	sor.u32 $0x380, s4;
	s2 =	sshll.u32 s2, $0x5;
	v1 =	vmul.f32 v1, v6;
	v61 =	vld [tilespmem:s23+$0x0];
	[tilespmem:s24+$0x11980] =	vst v0;
	v0 =	vsel vm1, v44, v38;
	v54 =	vadd.f32 v55, v62  }
0x408: {  	s2 =	sadd.s32 $0x100, s2;
	v2 =	vld [tilespmem:s6+$0x5980];
	[tilespmem:s10+$0x11A80] =	vst v63;
	v63 =	vmul.f32 v11, v60;
	v0 =	vmul.f32 v59, v0;
	v52 =	vadd.f32 v52, v58  }
0x409: {  	s5 =	sadd.s32 $0x10, s2;
	v11 =	vld [tilespmem:s8+$0x5C00];
	v59 =	vmul.f32 v57, v49;
	v60 =	vsel vm1, v47, v41;
	v1 =	vadd.f32 v1, v4;
	[tilespmem:s10+$0x11B80] =	vst v54  }
0x40a: {  	s26 =	simm.s32 $0x40;
	s4 =	sor.u32 $0x300, s5;
	v58 =	vsel vm3, v30, v24;
	v4 =	vsel vm4, v17, v16;
	v3 =	vadd.f32 v63, v3;
	[tilespmem:s10+$0x11C00] =	vst v52  }
0x40b: {  	v54 =	vsel vm1, v28, v23;
	v0 =	vadd.f32 v0, v7;
	v63 =	vadd.f32 v59, v9;
	s10 =	sand.u32 $0x60, s26;
	v52 =	vld [tilespmem:s4+$0x5980]  }
0x40c: {  	s19 =	sand.u32 $0x780, s26;
	v62 =	vmul.f32 v48, v50;
	v48 =	vmul.f32 v8, v60;
	s24 =	sor.u32 $0x10, s10;
	vm2 =	veq.s32 v61, $0x1  }
0x40d: {  	s28 =	simm.s32 $0x200;
	[tilespmem:s0+$0x11980] =	vst v1;
	v50 =	vsel vm1, v42, v36;
	v61 =	vsel vm4, v21, v19;
	s15 =	sor.u32 s24, s19;
	v9 =	vsel vm2, v43, v37  }
0x40e: {  	s23 =	sand.u32 $0x3C00, s28;
	[tilespmem:s8+$0x11980] =	vst v3;
	v2 =	vmul.f32 v2, v56;
	v53 =	vadd.f32 v62, v10;
	v6 =	vmul.f32 v11, v50;
	v59 =	vld [tilespmem:s15+$0x980]  }
0x40f: {  	[tilespmem:s8+$0x11A00] =	vst v0;
	s24 =	sor.u32 s23, s24;
	v55 =	vadd.f32 v48, v54;
	v56 =	vsel vm1, v25, v22;
	vm1 =	vmmov vm1  }
0x410: {  	[tilespmem:s8+$0x11A80] =	vst v63;
	v48 =	vsel vm0, v20, v18;
	v62 =	vld [tilespmem:s24+$0x5980];
	v50 =	vsel vm2, v35, v31;
	v60 =	vmul.f32 v52, v58  }
0x411: {  	v5 =	vld [tilespmem:s24+$0x5A00];
	v10 =	vsel vm2, v44, v38;
	v11 =	vsel vm2, v45, v39;
	[tilespmem:s8+$0x11B00] =	vst v53;
	v57 =	vadd.f32 v6, v56  }
0x412: {  	s19 =	sor.u32 s10, s23;
	v54 =	vld [tilespmem:s24+$0x5A80];
	v49 =	vsel vm1, v21, v19;
	v8 =	vsel vm1, v30, v24;
	[tilespmem:s8+$0x11B80] =	vst v55;
	v0 =	vadd.f32 v60, v61  }
0x413: {  	v1 =	vld [tilespmem:s19+$0x5A00];
	v2 =	vadd.f32 v2, v51;
	v6 =	vsel vm2, v32, v26;
	[tilespmem:s8+$0x11C00] =	vst v57;
	vm3 =	veq.s32 v59, $0x1  }
0x414: {  	v51 =	vsel vm2, v34, v29;
	v53 =	vsel vm2, v46, v40;
	s8 =	sor.u32 $0x380, s5;
	v57 =	vld [tilespmem:s24+$0x5B00];
	v63 =	vsel vm3, v43, v37;
	[tilespmem:s4+$0x11980] =	vst v0  }
0x415: {  	v52 =	vsel vm2, v33, v27;
	v59 =	vsel vm3, v44, v38;
	v7 =	vmul.f32 v63, v62;
	v0 =	vld [tilespmem:s8+$0x5980]  }
0x416: {  	v60 =	vld [tilespmem:s24+$0x5B80];
	v55 =	vsel vm3, v32, v26;
	v61 =	vsel vm3, v45, v39;
	v5 =	vmul.f32 v5, v59  }
0x417: {  	[tilespmem:s6+$0x11980] =	vst v2;
	v56 =	vsel vm3, v33, v27;
	v62 =	vld [tilespmem:s24+$0x5C00];
	v54 =	vmul.f32 v54, v61;
	v2 =	vadd.f32 v7, v55  }
0x418: {  	s25 =	sor.u32 $0x300, s2;
	v59 =	vsel vm3, v34, v29;
	v7 =	vld [tilespmem:s19+$0x5980];
	v5 =	vadd.f32 v5, v56;
	v55 =	vsel vm3, v46, v40  }
0x419: {  	v58 =	vsel vm4, v20, v18;
	v3 =	vld [tilespmem:s25+$0x5980];
	[tilespmem:s24+$0x11980] =	vst v2;
	v2 =	vadd.f32 v54, v59;
	v54 =	vmul.f32 v57, v55  }
0x41a: {  	s0 =	simm.s32 $0x2;
	v61 =	vsel vm3, v35, v31;
	v63 =	vld [tilespmem:s19+$0x5A80];
	v59 =	vsel vm3, v47, v41;
	[tilespmem:s24+$0x11A00] =	vst v5;
	v0 =	vmul.f32 v0, v58  }
0x41b: {  	s13 =	sand.u32 $0x3, s0;
	v56 =	vsel vm3, v42, v36;
	v55 =	vld [tilespmem:s19+$0x5B00];
	v5 =	vmul.f32 v60, v59;
	[tilespmem:s24+$0x11A80] =	vst v2;
	v2 =	vadd.f32 v54, v61  }
0x41c: {  	s15 =	sshll.u32 s13, $0x5;
	v60 =	vsel vm3, v28, v23;
	v61 =	vmul.f32 v62, v56;
	v56 =	vld [tilespmem:s19+$0x5B80];
	v0 =	vadd.f32 v0, v4  }
0x41d: {  	s16 =	sor.u32 $0x380, s16;
	s23 =	sor.u32 $0x380, s2;
	s2 =	sadd.s32 $0x200, s15;
	v57 =	vld [tilespmem:s19+$0x5C00];
	v62 =	vsel vm3, v25, v22;
	v7 =	vmul.f32 v9, v7;
	v4 =	vadd.f32 v5, v60;
	[tilespmem:s24+$0x11B00] =	vst v2  }
0x41e: {  	s29 =	sor.u32 $0x300, s2;
	s15 =	sor.u32 $0x380, s2;
	v59 =	vmul.f32 v1, v10;
	v58 =	vmul.f32 v3, v8;
	v54 =	vld [tilespmem:s16+$0x5980];
	v60 =	vadd.f32 v61, v62;
	[tilespmem:s8+$0x11980] =	vst v0  }
0x41f: {  	s2 =	sadd.s32 $0x10, s2;
	s6 =	simm.s32 $0x4;
	v62 =	vmul.f32 v63, v11;
	v63 =	vsel vm2, v47, v41;
	v61 =	vadd.f32 v7, v6;
	s8 =	simm.s32 $0x9E0;
	[tilespmem:s24+$0x11B80] =	vst v4  }
.LBB2_18:
0x420: {  	v0 =	vld [tilespmem:s8+$0x0];
	v1 =	vadd.f32 v59, v52;
	v2 =	vmul.f32 v55, v53;
	[tilespmem:s24+$0x11C00] =	vst v60;
	s4 =	sor.u32 $0x300, s2;
	v3 =	vadd.f32 v58, v49  }
0x421: {  	v6 =	vsel vm2, v42, v36;
	[tilespmem:s19+$0x11980] =	vst v61;
	v4 =	vadd.f32 v62, v51;
	v5 =	vmul.f32 v56, v63;
	v7 =	vld [tilespmem:s4+$0x5980]  }
0x422: {  	s26 =	sadd.s32 $0x20, s26;
	[tilespmem:s19+$0x11A00] =	vst v1;
	v1 =	vadd.f32 v2, v50;
	v2 =	vsel vm2, v28, v23;
	v6 =	vmul.f32 v57, v6  }
0x423: {  	s5 =	sand.u32 $0x60, s26;
	[tilespmem:s19+$0x11A80] =	vst v4;
	v2 =	vadd.f32 v5, v2;
	v4 =	vsel vm2, v25, v22;
	v5 =	vmul.f32 v54, v48  }
0x424: {  	s13 =	sand.u32 $0x780, s26;
	s10 =	sor.u32 $0x10, s5;
	[tilespmem:s19+$0x11B00] =	vst v1;
	v1 =	vadd.f32 v6, v4;
	v4 =	vsel vm0, v17, v16;
	vm0 =	vmmov vm1  }
0x425: {  	s28 =	sadd.s32 $0x100, s28;
	s13 =	sor.u32 s10, s13;
	vm1 =	vmmov vm2;
	[tilespmem:s19+$0x11B80] =	vst v2;
	v2 =	vsel vm3, v30, v24;
	v4 =	vadd.f32 v5, v4  }
0x426: {  	vm4 =	vmmov vm3;
	s24 =	sand.u32 $0x3C00, s28;
	vm2 =	veq.s32 v0, $0x1;
	v0 =	vld [tilespmem:s13+$0x980];
	[tilespmem:s19+$0x11C00] =	vst v1;
	v1 =	vmul.f32 v7, v2  }
0x427: {  	v49 =	vsel vm1, v21, v19;
	v5 =	vsel vm4, v21, v19;
	v48 =	vsel vm0, v20, v18;
	s19 =	sor.u32 s5, s24;
	s24 =	sor.u32 s24, s10;
	v2 =	vld [tilespmem:s29+$0x5980];
	[tilespmem:s25+$0x11980] =	vst v3;
	s25 =	smov.u32 s29  }
0x428: {  	v7 =	vsel vm1, v30, v24;
	v3 =	vsel vm2, v32, v26;
	v6 =	vld [tilespmem:s24+$0x5980];
	v1 =	vadd.f32 v1, v5;
	[tilespmem:s16+$0x11980] =	vst v4;
	s16 =	smov.u32 s23;
	s23 =	smov.u32 s15  }
0x429: {  	s6 =	sadd.s32 $0x2, s6;
	v52 =	vsel vm2, v33, v27;
	v51 =	vsel vm2, v34, v29;
	v50 =	vsel vm2, v35, v31;
	v4 =	vld [tilespmem:s24+$0x5A00]  }
0x42a: {  	s2 =	sor.u32 $0x380, s2;
	p0 =	slt.u32 s6, $0x7E;
	v8 =	vsel vm2, v44, v38;
	v9 =	vsel vm2, v45, v39;
	v5 =	vsel vm2, v43, v37;
	v10 =	vld [tilespmem:s24+$0x5A80];
	[tilespmem:s4+$0x11980] =	vst v1  }
0x42b: {  	v53 =	vsel vm2, v46, v40;
	v1 =	vsel vm4, v17, v16;
	vm3 =	veq.s32 v0, $0x1;
	v0 =	vld [tilespmem:s2+$0x5980]  }
0x42c: {  	v56 =	vsel vm4, v20, v18;
	v11 =	vsel vm3, v32, v26;
	v54 =	vsel vm3, v43, v37;
	v55 =	vld [tilespmem:s24+$0x5B00]  }
0x42d: {  	v57 =	vsel vm3, v44, v38;
	v6 =	vmul.f32 v54, v6;
	v54 =	vsel vm3, v33, v27;
	v58 =	vld [tilespmem:s24+$0x5B80]  }
0x42e: {  	v59 =	vsel vm3, v45, v39;
	v4 =	vmul.f32 v4, v57;
	v57 =	vsel vm3, v34, v29;
	v60 =	vld [tilespmem:s24+$0x5C00]  }
0x42f: {  	v61 =	vld [tilespmem:s19+$0x5980];
	v6 =	vadd.f32 v6, v11;
	v10 =	vmul.f32 v10, v59;
	v11 =	vsel vm3, v35, v31  }
0x430: {  	v59 =	vld [tilespmem:s19+$0x5A00];
	v4 =	vadd.f32 v4, v54;
	v54 =	vsel vm3, v46, v40;
	v0 =	vmul.f32 v0, v56  }
0x431: {  	v62 =	vld [tilespmem:s19+$0x5A80];
	[tilespmem:s24+$0x11980] =	vst v6;
	v6 =	vadd.f32 v10, v57;
	v10 =	vmul.f32 v55, v54;
	v54 =	vsel vm3, v47, v41  }
.Ltmp8:
0x432: {  	s0 =	sadd.s32 $0x1, s0;
	v55 =	vld [tilespmem:s19+$0x5B00];
	[tilespmem:s24+$0x11A00] =	vst v4;
	v4 =	vmul.f32 v58, v54;
	v54 =	vsel vm3, v42, v36;
	v0 =	vadd.f32 v0, v1;
	(pc) =	sbr.rel @p0 .LBB2_18-.Ltmp8, $4  }
0x433: {  	s4 =	sand.u32 $0x3, s0;
	v56 =	vld [tilespmem:s19+$0x5B80];
	[tilespmem:s24+$0x11A80] =	vst v6;
	v1 =	vadd.f32 v10, v11;
	v6 =	vsel vm3, v28, v23;
	v10 =	vmul.f32 v60, v54  }
0x434: {  	s4 =	sshll.u32 s4, $0x5;
	v5 =	vmul.f32 v5, v61;
	v57 =	vld [tilespmem:s19+$0x5C00];
	v4 =	vadd.f32 v4, v6;
	v6 =	vsel vm3, v25, v22;
	[tilespmem:s2+$0x11980] =	vst v0  }
0x435: {  	s8 =	sadd.s32 $0x20, s8;
	v58 =	vmul.f32 v2, v7;
	s2 =	sadd.s32 s4, s28;
	v59 =	vmul.f32 v59, v8;
	[tilespmem:s24+$0x11B00] =	vst v1;
	v60 =	vadd.f32 v10, v6;
	v54 =	vld [tilespmem:s16+$0x5980]  }
0x436: {  	v63 =	vsel vm2, v47, v41;
	s29 =	sor.u32 $0x300, s2;
	s15 =	sor.u32 $0x380, s2;
	s2 =	sadd.s32 $0x10, s2;
	v61 =	vadd.f32 v5, v3;
	v62 =	vmul.f32 v62, v9;
	[tilespmem:s24+$0x11B80] =	vst v4  }
0x437: {  	v0 =	vadd.f32 v59, v52;
	v1 =	vmul.f32 v55, v53;
	[tilespmem:s24+$0x11C00] =	vst v60  }
0x438: {  	v4 =	vsel vm2, v42, v36;
	[tilespmem:s19+$0x11980] =	vst v61;
	v2 =	vadd.f32 v62, v51;
	v3 =	vmul.f32 v56, v63  }
0x439: {  	v43 =	vsel vm2, v28, v23;
	[tilespmem:s19+$0x11A00] =	vst v0;
	v42 =	vadd.f32 v1, v50;
	v4 =	vmul.f32 v57, v4  }
0x43a: {  	v44 =	vsel vm2, v25, v22;
	[tilespmem:s19+$0x11A80] =	vst v2;
	v1 =	vadd.f32 v3, v43  }
0x43b: {  	[tilespmem:s19+$0x11B00] =	vst v42;
	v45 =	vadd.f32 v4, v44  }
0x43c: {  	s0 =	sor.u32 $0x300, s2;
	[tilespmem:s19+$0x11B80] =	vst v1  }
0x43d: {  	v46 =	vld [tilespmem:s0+$0x5980];
	[tilespmem:s19+$0x11C00] =	vst v45  }
0x43e: {  	v0 =	vld [tilespmem:s29+$0x5980];
	_ =	sdelay $0x2  }
0x43f: {  	v47 =	vsel vm3, v30, v24;
	vm12 =	vmmov vm2;
	vm13 =	vmmov vm3  }
0x440: {  	v52 =	vadd.f32 v58, v49;
	v51 =	vsel vm12, v30, v24;
	v1 =	vmul.f32 v46, v47  }
0x441: {  	v50 =	vsel vm13, v21, v19;
	v0 =	vmul.f32 v0, v51  }
0x442: {  	v53 =	vsel vm12, v21, v19;
	[tilespmem:s25+$0x11980] =	vst v52;
	v1 =	vadd.f32 v1, v50  }
0x443: {  	v2 =	vld [tilespmem:s23+$0x5980];
	v0 =	vadd.f32 v0, v53  }
0x444: {  	s28 =	sor.u32 $0x380, s2;
	[tilespmem:s0+$0x11980] =	vst v1  }
0x445: {  	v1 =	vld [tilespmem:s28+$0x5980];
	[tilespmem:s29+$0x11980] =	vst v0  }
0x446: {  	vm14 =	vmmov vm1;
	v55 =	vld [tilespmem:s15+$0x5980]  }
0x447: {  	v5 =	vsel vm14, v20, v18  }
0x448: {  	v56 =	vsel vm0, v17, v16;
	vm15 =	vmmov vm12;
	v2 =	vmul.f32 v2, v5  }
0x449: {  	v60 =	vsel vm14, v17, v16;
	v57 =	vsel vm13, v20, v18;
	v54 =	vmul.f32 v54, v48  }
0x44a: {  	v59 =	vsel vm15, v20, v18;
	v61 =	vadd.f32 v2, v60;
	v1 =	vmul.f32 v1, v57  }
0x44b: {  	v58 =	vsel vm13, v17, v16;
	v0 =	vadd.f32 v54, v56;
	v3 =	vmul.f32 v55, v59  }
0x44c: {  	v62 =	vsel vm15, v17, v16;
	[tilespmem:s23+$0x11980] =	vst v61;
	v1 =	vadd.f32 v1, v58  }
0x44d: {  	[tilespmem:s16+$0x11980] =	vst v0;
	v63 =	vadd.f32 v3, v62  }
0x44e: {  	[tilespmem:s28+$0x11980] =	vst v1  }
0x44f: {  	[tilespmem:s15+$0x11980] =	vst v63  }
0x450: {  	s29 =	simm.s32 $0x11980;
	s0 =	rddreg [dreg:$0xf]  }
0x451: {  	[hbm4b:s0+s3] =	stream.linear.scatter [tilespmem:s29], [sflag:$0x5], $0x4000, $0x38;
	[tilespmem:$0x19980] =	vst v63  }
0x452: {  	_ =	swait.ge [sflag:s30], $0x4000  }
0x453: {  	[sflag:s30] =	ssyncset.done $0x0  }
0x454: {  	[sflag:s30] =	ssyncadd.s32 $0xFFFFC000  }
0x455: {  	_ =	swait.ge [sflag:s31], $0x4000  }
0x456: {  	[sflag:s31] =	ssyncset.done $0x0  }
0x457: {  	s30 =	simm.s32 $0x6;
	[sflag:s31] =	ssyncadd.s32 $0xFFFFC000  }
0x458: {  	_ =	swait.ge [sflag:s30], $0x4000  }
0x459: {  	s4 =	rddreg [dreg:$0x17]  }
0x45a: {  	s31 =	rddreg [dreg:$0x16];
	s4 =	sadd.s32 $0x1, s4  }
0x45b: {  	p0 =	sne.s32 s4, s31  }
.Ltmp9:
0x45c: {  	_ = 	snop;
	(pc) =	sbr.rel @p0 .LBB2_1-.Ltmp9, $3  }
0x45d: {  	_ =	sdelay $0x1  }
0x45e: {  	[sflag:s30] =	ssyncset.done $0x0  }
0x45f: {  	[sflag:s30] =	ssyncadd.s32 $0xFFFFC000  }
0x460: {  	_ =	sfence.sel $0x180000  }
0x461: {  	[bflag:$0x0] =	sbarrier.arrive $0xFFFF  }
0x462: {  	_ =	strace $0x90000047  }
0x463: {  	s0 =	stileid.u32;
	[bflag:$0x2] =	sbarrier.arrive $0xFFFF  }
0x464: {  	p0 =	sne.s32 s0, $0x0;
	s0 =	rddreg [dreg:$0x4]  }
0x465: {  	s0 =	sadd.s32 @!p0 $0x100000, s0  }
0x466: {  	[sflag:s0] =	ssyncadd.tile.s32 @!p0 $0x1;
	_ =	shalt  }
.Lfunc_end2:
_tile_overlayer_lowered:
.L_overlay_start_2:
0x467: {  	(tag) =	ssettag $0x2  }
0x468: {  	s0 =	rddreg [dreg:$0x0];
	s2 =	stileid.u32  }
0x469: {  	s1 =	rddreg [dreg:$0x1];
	p0 =	sne.s32 s2, $0x0  }
0x46a: {  	s3 =	rddreg [dreg:$0x2];
	[bflag:$0x3] =	sbarrier.arrive $0xFFFF;
	s2 =	simm.s32 @!p0 $0x1C07  }
0x46b: {  	[timem:s3], [sflag:s2] =	dma.local @!p0 [hbm:s0], s1  }
0x46c: {  	s0 =	simm.s32 @!p0 $0x7  }
0x46d: {  	_ =	swait.ge @!p0 [sflag:s0], s1  }
0x46e: {  	s1 =	ssub.s32 @!p0 $0x0, s1;
	[sflag:s0] =	ssyncset.done @!p0 $0x0  }
0x46f: {  	[sflag:s0] =	ssyncadd.s32 @!p0 s1  }
0x470: {  	[bflag:$0x3] =	sbarrier.arrive $0xFFFF  }
0x471: {  	_ =	shalt  }

</sc_bundles>
